<compile_context>
chip_gen: v7x
topology: tpu7x:2x2x1
jax: 0.10.2.dev20260603
libtpu: 0.0.44.dev20260713+nightly
codegen_flags: <defaults>
</compile_context>

<pallas_src>
import functools

import jax
import jax.numpy as jnp
from jax import lax
from jax.experimental import pallas as pl
from jax.experimental.pallas import tpu as pltpu
from jax.experimental.pallas import tpu_sc as plsc

NC = 2
NS = 16
NW = NC * NS

B = 16384
C = 26
D = 32
L = 16
BPW = B // NW
GRP = 128
GPS = BPW // GRP
STEPS = C * GPS


def _sc_gather(x_t, table):
    mesh = plsc.VectorSubcoreMesh(core_axis_name="c", subcore_axis_name="s")

    @functools.partial(
        pl.kernel,
        mesh=mesh,
        out_type=jax.ShapeDtypeStruct((C, D // 8, B // GRP, 8, GRP), jnp.float32),
        compiler_params=pltpu.CompilerParams(
            use_tc_tiling_on_sc=False, needs_layout_passes=False
        ),
        scratch_types=[
            pltpu.VMEM((C, BPW), jnp.int32),
            pltpu.VMEM((GRP, D), jnp.float32),
            pltpu.VMEM((GRP, D), jnp.float32),
            pltpu.VMEM((D // 8, 8, GRP + 1), jnp.float32),
            pltpu.VMEM((D // 8, 8, GRP + 1), jnp.float32),
            pltpu.SemaphoreType.DMA,
            pltpu.SemaphoreType.DMA,
            pltpu.SemaphoreType.DMA,
            pltpu.SemaphoreType.DMA,
        ],
    )
    def k(xt_hbm, table_hbm, out_hbm, idx_v, gb0, gb1, tb0, tb1, g0, g1, o0, o1):
        wid = lax.axis_index("s") * NC + lax.axis_index("c")
        base = wid * BPW
        pltpu.sync_copy(xt_hbm.at[:, pl.ds(base, BPW)], idx_v)

        gbufs = (gb0, gb1)
        tbufs = (tb0, tb1)
        gsem = (g0, g1)
        osem = (o0, o1)
        d_lo = lax.broadcasted_iota(jnp.int32, (L,), 0)
        tr_lo, r_lo = d_lo // 8, d_lo % 8
        d_hi = d_lo + L
        tr_hi, r_hi = d_hi // 8, d_hi % 8

        def islice(s):
            c = s // GPS
            blk = s % GPS
            return idx_v.at[c, pl.ds(blk * GRP, GRP)]

        def fire(s, p):
            pltpu.async_copy(table_hbm.at[islice(s)], gbufs[p], gsem[p])

        def drain(s, p):
            pltpu.make_async_copy(table_hbm.at[islice(s)], gbufs[p], gsem[p]).wait()

        def transpose(p):
            gb, tb = gbufs[p], tbufs[p]
            for l in range(GRP):
                lv = jnp.full((L,), l, jnp.int32)
                v0 = gb[l, pl.ds(0, L)]
                v1 = gb[l, pl.ds(L, L)]
                plsc.store_scatter(tb, [tr_lo, r_lo, lv], v0)
                plsc.store_scatter(tb, [tr_hi, r_hi, lv], v1)

        def out_dst(s):
            c = s // GPS
            tc = wid * GPS + s % GPS
            return out_hbm.at[c, :, tc]

        def out_fire(s, p):
            pltpu.async_copy(
                tbufs[p].at[:, :, pl.ds(0, GRP)], out_dst(s), osem[p]
            )

        def out_wait(s, p):
            pltpu.make_async_copy(
                tbufs[p].at[:, :, pl.ds(0, GRP)], out_dst(s), osem[p]
            ).wait()

        fire(0, 0)

        def body(i, carry):
            s = i * 2
            fire(s + 1, 1)
            drain(s, 0)
            pl.when(s >= 2)(lambda: out_wait(s - 2, 0))
            transpose(0)
            out_fire(s, 0)
            pl.when(s + 2 < STEPS)(lambda: fire(s + 2, 0))
            drain(s + 1, 1)
            pl.when(s >= 1)(lambda: out_wait(s - 1, 1))
            transpose(1)
            out_fire(s + 1, 1)
            return carry

        lax.fori_loop(0, STEPS // 2, body, 0)
        out_wait(STEPS - 2, 0)
        out_wait(STEPS - 1, 1)

    return k(x_t, table)


def kernel(x, table):
    out5 = _sc_gather(x.T, table)
    return out5.transpose(2, 4, 0, 1, 3).reshape(B, C, D)

# --- scband reference (transcript-rebuilt; emitter-appended) ---
"""Pipeline reference for scband-embedding-model-71932112273501 (READ-ONLY COPY).

The authoritative reference and input builder live on the scoring server;
editing this copy changes nothing except your own understanding.
"""

import jax, jax.numpy as jnp
import numpy as np

NUM_EMBEDDINGS = 1000000
EMBEDDING_DIM = 32

def setup_inputs(seed: int = 0) -> dict:
    key = jax.random.key(seed)
    k_idx, k_tab = jax.random.split(key)
    x = jax.random.randint(k_idx, (16384, 26), 0, NUM_EMBEDDINGS, dtype=jnp.int64 if jax.config.jax_enable_x64 else jnp.int32)
    table = jax.random.normal(k_tab, (NUM_EMBEDDINGS, EMBEDDING_DIM), dtype=jnp.float32) * 0.05
    return {"x": x, "table": table}

def reference(x, table):
    # tf.keras.layers.Embedding: simple gather of rows
    return jnp.take(table, x, axis=0)

if __name__ == "__main__":
    import jax
    _d = setup_inputs()
    print(jax.jit(kernel)(*tuple(_d.values())))

</pallas_src>

<mosaic_0001>
#map = affine_map<(d0, d1) -> (0, 0)>
#map1 = affine_map<(d0, d1) -> (0, 0, 0, 0, 0)>
module attributes {stable_mosaic.version = 14 : i64} {
  func.func @k(%arg0: i32, %arg1: i32, %arg2: memref<26x16384xi32, #tpu.memory_space<hbm>>, %arg3: memref<1000000x32xf32, #tpu.memory_space<hbm>>, %arg4: memref<26x4x128x8x128xf32, #tpu.memory_space<hbm>>, %arg5: memref<26x512xi32, #tpu.memory_space<vmem>>, %arg6: memref<128x32xf32, #tpu.memory_space<vmem>>, %arg7: memref<128x32xf32, #tpu.memory_space<vmem>>, %arg8: memref<4x8x129xf32, #tpu.memory_space<vmem>>, %arg9: memref<4x8x129xf32, #tpu.memory_space<vmem>>, %arg10: memref<!tpu.dma_semaphore, #tpu.memory_space<semaphore_mem>>, %arg11: memref<!tpu.dma_semaphore, #tpu.memory_space<semaphore_mem>>, %arg12: memref<!tpu.dma_semaphore, #tpu.memory_space<semaphore_mem>>, %arg13: memref<!tpu.dma_semaphore, #tpu.memory_space<semaphore_mem>>) attributes {dimension_semantics = [#tpu.dimension_semantics<core_parallel>, #tpu.dimension_semantics<subcore_parallel>], iteration_bounds = array<i64: 2, 16>, scalar_prefetch = 0 : i64, scratch_operands = 9 : i64, tpu.core_type = #tpu.core_type<sc_vector_subcore>, window_params = [{transform_indices = #map}, {transform_indices = #map}, {transform_indices = #map1}]} {
    %mul3A = arith.constant 2 : i32
    %mul3A_0 = arith.muli %arg1, %mul3A : i32
    %add3A = arith.addi %mul3A_0, %arg0 : i32
    %mul3A_1 = arith.constant 512 : i32
    %mul3A_2 = arith.muli %add3A, %mul3A_1 : i32
    "tpu.region"() ({
      %run_scoped3A = tpu.sem_alloc : memref<!tpu.dma_semaphore, #tpu.memory_space<semaphore_mem>>
      %dma_start3A_158 = arith.constant 0 : i32
      %dma_start3A_159 = tpu.memref_slice %arg2[%dma_start3A_158, %mul3A_2] : memref<26x16384xi32, #tpu.memory_space<hbm>> -> memref<26x512xi32, #tpu.memory_space<hbm>>
      %dma_start3A_160 = arith.constant 0 : i32
      %dma_start3A_161 = tpu.memref_slice %arg2[%dma_start3A_160, %mul3A_2] : memref<26x16384xi32, #tpu.memory_space<hbm>> -> memref<26x512xi32, #tpu.memory_space<hbm>>
      tpu.enqueue_dma source(%dma_start3A_161 : memref<26x512xi32, #tpu.memory_space<hbm>>) target(%arg5 : memref<26x512xi32, #tpu.memory_space<vmem>>) target_semaphore(%run_scoped3A : memref<!tpu.dma_semaphore, #tpu.memory_space<semaphore_mem>>)
      %dma_wait3A_162 = arith.constant 0 : i32
      %dma_wait3A_163 = tpu.memref_slice %arg2[%dma_wait3A_162, %mul3A_2] : memref<26x16384xi32, #tpu.memory_space<hbm>> -> memref<26x512xi32, #tpu.memory_space<hbm>>
      %dma_wait3A_164 = arith.constant 0 : i32
      %dma_wait3A_165 = tpu.memref_slice %arg2[%dma_wait3A_164, %mul3A_2] : memref<26x16384xi32, #tpu.memory_space<hbm>> -> memref<26x512xi32, #tpu.memory_space<hbm>>
      tpu.wait_dma2 semaphore(%run_scoped3A : memref<!tpu.dma_semaphore, #tpu.memory_space<semaphore_mem>>) src(%dma_wait3A_165 : memref<26x512xi32, #tpu.memory_space<hbm>>) dst(%arg5 : memref<26x512xi32, #tpu.memory_space<vmem>>)
      tpu.yield
    }) : () -> ()
    %iota3A = tpu.iota {dimensions = array<i32: 0>} : vector<16xi32>
    %jit3A = arith.constant 8 : i32
    %div3A = vector.broadcast %jit3A : i32 to vector<16xi32>
    %div3A_3 = arith.divsi %iota3A, %div3A : vector<16xi32>
    %sign3A = arith.constant 0 : i32
    %sign3A_4 = vector.broadcast %sign3A : i32 to vector<16xi32>
    %sign3A_5 = arith.cmpi sgt, %iota3A, %sign3A_4 : vector<16xi32>
    %sign3A_6 = arith.extui %sign3A_5 : vector<16xi1> to vector<16xi32>
    %sign3A_7 = arith.constant 0 : i32
    %sign3A_8 = vector.broadcast %sign3A_7 : i32 to vector<16xi32>
    %sign3A_9 = arith.cmpi slt, %iota3A, %sign3A_8 : vector<16xi32>
    %sign3A_10 = arith.extui %sign3A_9 : vector<16xi1> to vector<16xi32>
    %sign3A_11 = arith.subi %sign3A_6, %sign3A_10 : vector<16xi32>
    %sign3A_12 = arith.constant 0 : i32
    %sign3A_13 = arith.cmpi sgt, %jit3A, %sign3A_12 : i32
    %sign3A_14 = arith.extui %sign3A_13 : i1 to i32
    %sign3A_15 = arith.constant 0 : i32
    %sign3A_16 = arith.cmpi slt, %jit3A, %sign3A_15 : i32
    %sign3A_17 = arith.extui %sign3A_16 : i1 to i32
    %sign3A_18 = arith.subi %sign3A_14, %sign3A_17 : i32
    %ne3A = vector.broadcast %sign3A_18 : i32 to vector<16xi32>
    %ne3A_19 = arith.cmpi ne, %sign3A_11, %ne3A : vector<16xi32>
    %rem3A = vector.broadcast %jit3A : i32 to vector<16xi32>
    %rem3A_20 = arith.remsi %iota3A, %rem3A : vector<16xi32>
    %ne3A_21 = arith.constant 0 : i32
    %ne3A_22 = vector.broadcast %ne3A_21 : i32 to vector<16xi32>
    %ne3A_23 = arith.cmpi ne, %rem3A_20, %ne3A_22 : vector<16xi32>
    %and3A = arith.andi %ne3A_19, %ne3A_23 : vector<16xi1>
    %sub3A = arith.constant 1 : i32
    %sub3A_24 = vector.broadcast %sub3A : i32 to vector<16xi32>
    %sub3A_25 = arith.subi %div3A_3, %sub3A_24 : vector<16xi32>
    %select_n3A = arith.select %and3A, %sub3A_25, %div3A_3 : vector<16xi1>, vector<16xi32>
    %jit3A_26 = arith.constant 8 : i32
    %eq3A = arith.constant 0 : i32
    %eq3A_27 = arith.cmpi eq, %jit3A_26, %eq3A : i32
    %jit3A_28 = arith.constant 1 : i32
    %select_n3A_29 = arith.select %eq3A_27, %jit3A_28, %jit3A_26 : i32
    %rem3A_30 = vector.broadcast %select_n3A_29 : i32 to vector<16xi32>
    %rem3A_31 = arith.remsi %iota3A, %rem3A_30 : vector<16xi32>
    %ne3A_32 = arith.constant 0 : i32
    %ne3A_33 = vector.broadcast %ne3A_32 : i32 to vector<16xi32>
    %ne3A_34 = arith.cmpi ne, %rem3A_31, %ne3A_33 : vector<16xi32>
    %lt3A = arith.constant 0 : i32
    %lt3A_35 = vector.broadcast %lt3A : i32 to vector<16xi32>
    %lt3A_36 = arith.cmpi slt, %rem3A_31, %lt3A_35 : vector<16xi32>
    %lt3A_37 = arith.constant 0 : i32
    %lt3A_38 = arith.cmpi slt, %select_n3A_29, %lt3A_37 : i32
    %ne3A_39 = vector.broadcast %lt3A_38 : i1 to vector<16xi1>
    %ne3A_40 = vector.broadcast %ne3A_39 : vector<16xi1> to vector<16xi1>
    %ne3A_41 = arith.xori %lt3A_36, %ne3A_40 : vector<16xi1>
    %and3A_42 = arith.andi %ne3A_41, %ne3A_34 : vector<16xi1>
    %add3A_43 = vector.broadcast %select_n3A_29 : i32 to vector<16xi32>
    %add3A_44 = arith.addi %rem3A_31, %add3A_43 : vector<16xi32>
    %select_n3A_45 = arith.select %and3A_42, %add3A_44, %rem3A_31 : vector<16xi1>, vector<16xi32>
    %add3A_46 = arith.constant 16 : i32
    %add3A_47 = vector.broadcast %add3A_46 : i32 to vector<16xi32>
    %add3A_48 = arith.addi %iota3A, %add3A_47 : vector<16xi32>
    %jit3A_49 = arith.constant 8 : i32
    %div3A_50 = vector.broadcast %jit3A_49 : i32 to vector<16xi32>
    %div3A_51 = arith.divsi %add3A_48, %div3A_50 : vector<16xi32>
    %sign3A_52 = arith.constant 0 : i32
    %sign3A_53 = vector.broadcast %sign3A_52 : i32 to vector<16xi32>
    %sign3A_54 = arith.cmpi sgt, %add3A_48, %sign3A_53 : vector<16xi32>
    %sign3A_55 = arith.extui %sign3A_54 : vector<16xi1> to vector<16xi32>
    %sign3A_56 = arith.constant 0 : i32
    %sign3A_57 = vector.broadcast %sign3A_56 : i32 to vector<16xi32>
    %sign3A_58 = arith.cmpi slt, %add3A_48, %sign3A_57 : vector<16xi32>
    %sign3A_59 = arith.extui %sign3A_58 : vector<16xi1> to vector<16xi32>
    %sign3A_60 = arith.subi %sign3A_55, %sign3A_59 : vector<16xi32>
    %sign3A_61 = arith.constant 0 : i32
    %sign3A_62 = arith.cmpi sgt, %jit3A_49, %sign3A_61 : i32
    %sign3A_63 = arith.extui %sign3A_62 : i1 to i32
    %sign3A_64 = arith.constant 0 : i32
    %sign3A_65 = arith.cmpi slt, %jit3A_49, %sign3A_64 : i32
    %sign3A_66 = arith.extui %sign3A_65 : i1 to i32
    %sign3A_67 = arith.subi %sign3A_63, %sign3A_66 : i32
    %ne3A_68 = vector.broadcast %sign3A_67 : i32 to vector<16xi32>
    %ne3A_69 = arith.cmpi ne, %sign3A_60, %ne3A_68 : vector<16xi32>
    %rem3A_70 = vector.broadcast %jit3A_49 : i32 to vector<16xi32>
    %rem3A_71 = arith.remsi %add3A_48, %rem3A_70 : vector<16xi32>
    %ne3A_72 = arith.constant 0 : i32
    %ne3A_73 = vector.broadcast %ne3A_72 : i32 to vector<16xi32>
    %ne3A_74 = arith.cmpi ne, %rem3A_71, %ne3A_73 : vector<16xi32>
    %and3A_75 = arith.andi %ne3A_69, %ne3A_74 : vector<16xi1>
    %sub3A_76 = arith.constant 1 : i32
    %sub3A_77 = vector.broadcast %sub3A_76 : i32 to vector<16xi32>
    %sub3A_78 = arith.subi %div3A_51, %sub3A_77 : vector<16xi32>
    %select_n3A_79 = arith.select %and3A_75, %sub3A_78, %div3A_51 : vector<16xi1>, vector<16xi32>
    %jit3A_80 = arith.constant 8 : i32
    %eq3A_81 = arith.constant 0 : i32
    %eq3A_82 = arith.cmpi eq, %jit3A_80, %eq3A_81 : i32
    %jit3A_83 = arith.constant 1 : i32
    %select_n3A_84 = arith.select %eq3A_82, %jit3A_83, %jit3A_80 : i32
    %rem3A_85 = vector.broadcast %select_n3A_84 : i32 to vector<16xi32>
    %rem3A_86 = arith.remsi %add3A_48, %rem3A_85 : vector<16xi32>
    %ne3A_87 = arith.constant 0 : i32
    %ne3A_88 = vector.broadcast %ne3A_87 : i32 to vector<16xi32>
    %ne3A_89 = arith.cmpi ne, %rem3A_86, %ne3A_88 : vector<16xi32>
    %lt3A_90 = arith.constant 0 : i32
    %lt3A_91 = vector.broadcast %lt3A_90 : i32 to vector<16xi32>
    %lt3A_92 = arith.cmpi slt, %rem3A_86, %lt3A_91 : vector<16xi32>
    %lt3A_93 = arith.constant 0 : i32
    %lt3A_94 = arith.cmpi slt, %select_n3A_84, %lt3A_93 : i32
    %ne3A_95 = vector.broadcast %lt3A_94 : i1 to vector<16xi1>
    %ne3A_96 = vector.broadcast %ne3A_95 : vector<16xi1> to vector<16xi1>
    %ne3A_97 = arith.xori %lt3A_92, %ne3A_96 : vector<16xi1>
    %and3A_98 = arith.andi %ne3A_97, %ne3A_89 : vector<16xi1>
    %add3A_99 = vector.broadcast %select_n3A_84 : i32 to vector<16xi32>
    %add3A_100 = arith.addi %rem3A_86, %add3A_99 : vector<16xi32>
    %select_n3A_101 = arith.select %and3A_98, %add3A_100, %rem3A_86 : vector<16xi1>, vector<16xi32>
    %dma_start3A = arith.constant 0 : i32
    %dma_start3A_102 = arith.constant 0 : i32
    %dma_start3A_103 = tpu.memref_slice %arg5[%dma_start3A, %dma_start3A_102] : memref<26x512xi32, #tpu.memory_space<vmem>> -> memref<1x128xi32, #tpu.memory_space<vmem>>
    %dma_start3A_104 = tpu.memref_squeeze %dma_start3A_103 : memref<1x128xi32, #tpu.memory_space<vmem>> -> memref<128xi32, #tpu.memory_space<vmem>>
    %dma_start3A_105 = arith.constant 0 : i32
    %dma_start3A_106 = arith.constant 0 : i32
    %dma_start3A_107 = tpu.memref_slice %arg3[%dma_start3A_105, %dma_start3A_106] : memref<1000000x32xf32, #tpu.memory_space<hbm>> -> memref<1000000x32xf32, #tpu.memory_space<hbm>>
    tpu.enqueue_indirect_dma source(%dma_start3A_107 : memref<1000000x32xf32, #tpu.memory_space<hbm>>) target(%arg6 : memref<128x32xf32, #tpu.memory_space<vmem>>) offsets(%dma_start3A_104 : memref<128xi32, #tpu.memory_space<vmem>>) semaphore(%arg10 : memref<!tpu.dma_semaphore, #tpu.memory_space<semaphore_mem>>)
    %scan3A = arith.constant 0 : i32
    %scan3A_108 = arith.constant 0 : i32
    %scan3A_109 = arith.constant 52 : i32
    %scan3A_110 = arith.addi %scan3A_108, %scan3A_109 : i32
    %scan3A_111 = arith.constant 1 : i32
    scf.for %scan3A_158 = %scan3A_108 to %scan3A_110 step %scan3A_111  : i32 {
      %mul3A_159 = arith.constant 2 : i32
      %mul3A_160 = arith.muli %scan3A_158, %mul3A_159 : i32
      %add3A_161 = arith.constant 1 : i32
      %add3A_162 = arith.addi %mul3A_160, %add3A_161 : i32
      %jit3A_163 = arith.constant 4 : i32
      %div3A_164 = arith.divsi %add3A_162, %jit3A_163 : i32
      %sign3A_165 = arith.constant 0 : i32
      %sign3A_166 = arith.cmpi sgt, %add3A_162, %sign3A_165 : i32
      %sign3A_167 = arith.extui %sign3A_166 : i1 to i32
      %sign3A_168 = arith.constant 0 : i32
      %sign3A_169 = arith.cmpi slt, %add3A_162, %sign3A_168 : i32
      %sign3A_170 = arith.extui %sign3A_169 : i1 to i32
      %sign3A_171 = arith.subi %sign3A_167, %sign3A_170 : i32
      %sign3A_172 = arith.constant 0 : i32
      %sign3A_173 = arith.cmpi sgt, %jit3A_163, %sign3A_172 : i32
      %sign3A_174 = arith.extui %sign3A_173 : i1 to i32
      %sign3A_175 = arith.constant 0 : i32
      %sign3A_176 = arith.cmpi slt, %jit3A_163, %sign3A_175 : i32
      %sign3A_177 = arith.extui %sign3A_176 : i1 to i32
      %sign3A_178 = arith.subi %sign3A_174, %sign3A_177 : i32
      %ne3A_179 = arith.cmpi ne, %sign3A_171, %sign3A_178 : i32
      %rem3A_180 = arith.remsi %add3A_162, %jit3A_163 : i32
      %ne3A_181 = arith.constant 0 : i32
      %ne3A_182 = arith.cmpi ne, %rem3A_180, %ne3A_181 : i32
      %and3A_183 = arith.andi %ne3A_179, %ne3A_182 : i1
      %sub3A_184 = arith.constant 1 : i32
      %sub3A_185 = arith.subi %div3A_164, %sub3A_184 : i32
      %select_n3A_186 = arith.select %and3A_183, %sub3A_185, %div3A_164 : i32
      %jit3A_187 = arith.constant 4 : i32
      %eq3A_188 = arith.constant 0 : i32
      %eq3A_189 = arith.cmpi eq, %jit3A_187, %eq3A_188 : i32
      %jit3A_190 = arith.constant 1 : i32
      %select_n3A_191 = arith.select %eq3A_189, %jit3A_190, %jit3A_187 : i32
      %rem3A_192 = arith.remsi %add3A_162, %select_n3A_191 : i32
      %ne3A_193 = arith.constant 0 : i32
      %ne3A_194 = arith.cmpi ne, %rem3A_192, %ne3A_193 : i32
      %lt3A_195 = arith.constant 0 : i32
      %lt3A_196 = arith.cmpi slt, %rem3A_192, %lt3A_195 : i32
      %lt3A_197 = arith.constant 0 : i32
      %lt3A_198 = arith.cmpi slt, %select_n3A_191, %lt3A_197 : i32
      %ne3A_199 = arith.xori %lt3A_196, %lt3A_198 : i1
      %and3A_200 = arith.andi %ne3A_199, %ne3A_194 : i1
      %add3A_201 = arith.addi %rem3A_192, %select_n3A_191 : i32
      %select_n3A_202 = arith.select %and3A_200, %add3A_201, %rem3A_192 : i32
      %mul3A_203 = arith.constant 128 : i32
      %mul3A_204 = arith.muli %select_n3A_202, %mul3A_203 : i32
      %dma_start3A_205 = tpu.memref_slice %arg5[%select_n3A_186, %mul3A_204] : memref<26x512xi32, #tpu.memory_space<vmem>> -> memref<1x128xi32, #tpu.memory_space<vmem>>
      %dma_start3A_206 = tpu.memref_squeeze %dma_start3A_205 : memref<1x128xi32, #tpu.memory_space<vmem>> -> memref<128xi32, #tpu.memory_space<vmem>>
      %dma_start3A_207 = arith.constant 0 : i32
      %dma_start3A_208 = arith.constant 0 : i32
      %dma_start3A_209 = tpu.memref_slice %arg3[%dma_start3A_207, %dma_start3A_208] : memref<1000000x32xf32, #tpu.memory_space<hbm>> -> memref<1000000x32xf32, #tpu.memory_space<hbm>>
      tpu.enqueue_indirect_dma source(%dma_start3A_209 : memref<1000000x32xf32, #tpu.memory_space<hbm>>) target(%arg7 : memref<128x32xf32, #tpu.memory_space<vmem>>) offsets(%dma_start3A_206 : memref<128xi32, #tpu.memory_space<vmem>>) semaphore(%arg11 : memref<!tpu.dma_semaphore, #tpu.memory_space<semaphore_mem>>)
      %jit3A_210 = arith.constant 4 : i32
      %div3A_211 = arith.divsi %mul3A_160, %jit3A_210 : i32
      %sign3A_212 = arith.constant 0 : i32
      %sign3A_213 = arith.cmpi sgt, %mul3A_160, %sign3A_212 : i32
      %sign3A_214 = arith.extui %sign3A_213 : i1 to i32
      %sign3A_215 = arith.constant 0 : i32
      %sign3A_216 = arith.cmpi slt, %mul3A_160, %sign3A_215 : i32
      %sign3A_217 = arith.extui %sign3A_216 : i1 to i32
      %sign3A_218 = arith.subi %sign3A_214, %sign3A_217 : i32
      %sign3A_219 = arith.constant 0 : i32
      %sign3A_220 = arith.cmpi sgt, %jit3A_210, %sign3A_219 : i32
      %sign3A_221 = arith.extui %sign3A_220 : i1 to i32
      %sign3A_222 = arith.constant 0 : i32
      %sign3A_223 = arith.cmpi slt, %jit3A_210, %sign3A_222 : i32
      %sign3A_224 = arith.extui %sign3A_223 : i1 to i32
      %sign3A_225 = arith.subi %sign3A_221, %sign3A_224 : i32
      %ne3A_226 = arith.cmpi ne, %sign3A_218, %sign3A_225 : i32
      %rem3A_227 = arith.remsi %mul3A_160, %jit3A_210 : i32
      %ne3A_228 = arith.constant 0 : i32
      %ne3A_229 = arith.cmpi ne, %rem3A_227, %ne3A_228 : i32
      %and3A_230 = arith.andi %ne3A_226, %ne3A_229 : i1
      %sub3A_231 = arith.constant 1 : i32
      %sub3A_232 = arith.subi %div3A_211, %sub3A_231 : i32
      %select_n3A_233 = arith.select %and3A_230, %sub3A_232, %div3A_211 : i32
      %jit3A_234 = arith.constant 4 : i32
      %eq3A_235 = arith.constant 0 : i32
      %eq3A_236 = arith.cmpi eq, %jit3A_234, %eq3A_235 : i32
      %jit3A_237 = arith.constant 1 : i32
      %select_n3A_238 = arith.select %eq3A_236, %jit3A_237, %jit3A_234 : i32
      %rem3A_239 = arith.remsi %mul3A_160, %select_n3A_238 : i32
      %ne3A_240 = arith.constant 0 : i32
      %ne3A_241 = arith.cmpi ne, %rem3A_239, %ne3A_240 : i32
      %lt3A_242 = arith.constant 0 : i32
      %lt3A_243 = arith.cmpi slt, %rem3A_239, %lt3A_242 : i32
      %lt3A_244 = arith.constant 0 : i32
      %lt3A_245 = arith.cmpi slt, %select_n3A_238, %lt3A_244 : i32
      %ne3A_246 = arith.xori %lt3A_243, %lt3A_245 : i1
      %and3A_247 = arith.andi %ne3A_246, %ne3A_241 : i1
      %add3A_248 = arith.addi %rem3A_239, %select_n3A_238 : i32
      %select_n3A_249 = arith.select %and3A_247, %add3A_248, %rem3A_239 : i32
      %mul3A_250 = arith.constant 128 : i32
      %mul3A_251 = arith.muli %select_n3A_249, %mul3A_250 : i32
      %dma_wait3A_252 = tpu.memref_slice %arg5[%select_n3A_233, %mul3A_251] : memref<26x512xi32, #tpu.memory_space<vmem>> -> memref<1x128xi32, #tpu.memory_space<vmem>>
      %dma_wait3A_253 = tpu.memref_squeeze %dma_wait3A_252 : memref<1x128xi32, #tpu.memory_space<vmem>> -> memref<128xi32, #tpu.memory_space<vmem>>
      %dma_wait3A_254 = arith.constant 0 : i32
      %dma_wait3A_255 = arith.constant 0 : i32
      %dma_wait3A_256 = tpu.memref_slice %arg3[%dma_wait3A_254, %dma_wait3A_255] : memref<1000000x32xf32, #tpu.memory_space<hbm>> -> memref<1000000x32xf32, #tpu.memory_space<hbm>>
      tpu.wait_indirect_dma semaphore(%arg10 : memref<!tpu.dma_semaphore, #tpu.memory_space<semaphore_mem>>) src(%dma_wait3A_256 : memref<1000000x32xf32, #tpu.memory_space<hbm>>) dst(%arg6 : memref<128x32xf32, #tpu.memory_space<vmem>>)
      %ge3A = arith.constant 2 : i32
      %ge3A_257 = arith.cmpi sge, %mul3A_160, %ge3A : i32
      %convert_element_type3A = arith.extui %ge3A_257 : i1 to i32
      %cond3A = arith.constant 0 : i32
      %cond3A_258 = arith.cmpi ne, %convert_element_type3A, %cond3A : i32
      scf.if %cond3A_258 {
        %sub3A_3002 = arith.constant 2 : i32
        %sub3A_3003 = arith.subi %mul3A_160, %sub3A_3002 : i32
        %jit3A_3004 = arith.constant 4 : i32
        %div3A_3005 = arith.divsi %sub3A_3003, %jit3A_3004 : i32
        %sign3A_3006 = arith.constant 0 : i32
        %sign3A_3007 = arith.cmpi sgt, %sub3A_3003, %sign3A_3006 : i32
        %sign3A_3008 = arith.extui %sign3A_3007 : i1 to i32
        %sign3A_3009 = arith.constant 0 : i32
        %sign3A_3010 = arith.cmpi slt, %sub3A_3003, %sign3A_3009 : i32
        %sign3A_3011 = arith.extui %sign3A_3010 : i1 to i32
        %sign3A_3012 = arith.subi %sign3A_3008, %sign3A_3011 : i32
        %sign3A_3013 = arith.constant 0 : i32
        %sign3A_3014 = arith.cmpi sgt, %jit3A_3004, %sign3A_3013 : i32
        %sign3A_3015 = arith.extui %sign3A_3014 : i1 to i32
        %sign3A_3016 = arith.constant 0 : i32
        %sign3A_3017 = arith.cmpi slt, %jit3A_3004, %sign3A_3016 : i32
        %sign3A_3018 = arith.extui %sign3A_3017 : i1 to i32
        %sign3A_3019 = arith.subi %sign3A_3015, %sign3A_3018 : i32
        %ne3A_3020 = arith.cmpi ne, %sign3A_3012, %sign3A_3019 : i32
        %rem3A_3021 = arith.remsi %sub3A_3003, %jit3A_3004 : i32
        %ne3A_3022 = arith.constant 0 : i32
        %ne3A_3023 = arith.cmpi ne, %rem3A_3021, %ne3A_3022 : i32
        %and3A_3024 = arith.andi %ne3A_3020, %ne3A_3023 : i1
        %sub3A_3025 = arith.constant 1 : i32
        %sub3A_3026 = arith.subi %div3A_3005, %sub3A_3025 : i32
        %select_n3A_3027 = arith.select %and3A_3024, %sub3A_3026, %div3A_3005 : i32
        %mul3A_3028 = arith.constant 4 : i32
        %mul3A_3029 = arith.muli %add3A, %mul3A_3028 : i32
        %jit3A_3030 = arith.constant 4 : i32
        %eq3A_3031 = arith.constant 0 : i32
        %eq3A_3032 = arith.cmpi eq, %jit3A_3030, %eq3A_3031 : i32
        %jit3A_3033 = arith.constant 1 : i32
        %select_n3A_3034 = arith.select %eq3A_3032, %jit3A_3033, %jit3A_3030 : i32
        %rem3A_3035 = arith.remsi %sub3A_3003, %select_n3A_3034 : i32
        %ne3A_3036 = arith.constant 0 : i32
        %ne3A_3037 = arith.cmpi ne, %rem3A_3035, %ne3A_3036 : i32
        %lt3A_3038 = arith.constant 0 : i32
        %lt3A_3039 = arith.cmpi slt, %rem3A_3035, %lt3A_3038 : i32
        %lt3A_3040 = arith.constant 0 : i32
        %lt3A_3041 = arith.cmpi slt, %select_n3A_3034, %lt3A_3040 : i32
        %ne3A_3042 = arith.xori %lt3A_3039, %lt3A_3041 : i1
        %and3A_3043 = arith.andi %ne3A_3042, %ne3A_3037 : i1
        %add3A_3044 = arith.addi %rem3A_3035, %select_n3A_3034 : i32
        %select_n3A_3045 = arith.select %and3A_3043, %add3A_3044, %rem3A_3035 : i32
        %add3A_3046 = arith.addi %mul3A_3029, %select_n3A_3045 : i32
        %dma_wait3A_3047 = arith.constant 0 : i32
        %dma_wait3A_3048 = arith.constant 0 : i32
        %dma_wait3A_3049 = arith.constant 0 : i32
        %dma_wait3A_3050 = tpu.memref_slice %arg8[%dma_wait3A_3047, %dma_wait3A_3048, %dma_wait3A_3049] : memref<4x8x129xf32, #tpu.memory_space<vmem>> -> memref<4x8x128xf32, #tpu.memory_space<vmem>>
        %dma_wait3A_3051 = arith.constant 0 : i32
        %dma_wait3A_3052 = arith.constant 0 : i32
        %dma_wait3A_3053 = arith.constant 0 : i32
        %dma_wait3A_3054 = tpu.memref_slice %arg4[%select_n3A_3027, %dma_wait3A_3051, %add3A_3046, %dma_wait3A_3052, %dma_wait3A_3053] : memref<26x4x128x8x128xf32, #tpu.memory_space<hbm>> -> memref<1x4x1x8x128xf32, #tpu.memory_space<hbm>>
        %dma_wait3A_3055 = tpu.memref_squeeze %dma_wait3A_3054 : memref<1x4x1x8x128xf32, #tpu.memory_space<hbm>> -> memref<4x8x128xf32, #tpu.memory_space<hbm>>
        %dma_wait3A_3056 = arith.constant 0 : i32
        %dma_wait3A_3057 = arith.constant 0 : i32
        %dma_wait3A_3058 = arith.constant 0 : i32
        %dma_wait3A_3059 = tpu.memref_slice %arg4[%select_n3A_3027, %dma_wait3A_3056, %add3A_3046, %dma_wait3A_3057, %dma_wait3A_3058] : memref<26x4x128x8x128xf32, #tpu.memory_space<hbm>> -> memref<1x4x1x8x128xf32, #tpu.memory_space<hbm>>
        %dma_wait3A_3060 = tpu.memref_squeeze %dma_wait3A_3059 : memref<1x4x1x8x128xf32, #tpu.memory_space<hbm>> -> memref<4x8x128xf32, #tpu.memory_space<hbm>>
        %dma_wait3A_3061 = arith.constant 0 : i32
        %dma_wait3A_3062 = arith.constant 0 : i32
        %dma_wait3A_3063 = arith.constant 0 : i32
        %dma_wait3A_3064 = tpu.memref_slice %arg8[%dma_wait3A_3061, %dma_wait3A_3062, %dma_wait3A_3063] : memref<4x8x129xf32, #tpu.memory_space<vmem>> -> memref<4x8x128xf32, #tpu.memory_space<vmem>>
        tpu.wait_dma2 semaphore(%arg12 : memref<!tpu.dma_semaphore, #tpu.memory_space<semaphore_mem>>) src(%dma_wait3A_3064 : memref<4x8x128xf32, #tpu.memory_space<vmem>>) dst(%dma_wait3A_3060 : memref<4x8x128xf32, #tpu.memory_space<hbm>>)
      } else {
      }
      %broadcast_in_dim3A = arith.constant 0 : i32
      %broadcast_in_dim3A_259 = vector.broadcast %broadcast_in_dim3A : i32 to vector<16xi32>
      %get3A = arith.constant 0 : i32
      %get3A_260 = arith.index_cast %get3A : i32 to index
      %get3A_261 = arith.constant 0 : index
      %get3A_262 = tpu.vector_load %arg6[%get3A_260, %get3A_261] {strides = array<i32>} : memref<128x32xf32, #tpu.memory_space<vmem>>, vector<16xf32>,
      %get3A_263 = arith.constant 0 : i32
      %get3A_264 = arith.index_cast %get3A_263 : i32 to index
      %get3A_265 = arith.constant 16 : index
      %get3A_266 = tpu.vector_load %arg6[%get3A_264, %get3A_265] {strides = array<i32>} : memref<128x32xf32, #tpu.memory_space<vmem>>, vector<16xf32>,
      tpu.vector_store_idx %arg8[%select_n3A, %select_n3A_45, %broadcast_in_dim3A_259], %get3A_262 : memref<4x8x129xf32, #tpu.memory_space<vmem>>[vector<16xi32>, vector<16xi32>, vector<16xi32>], vector<16xf32>,
      tpu.vector_store_idx %arg8[%select_n3A_79, %select_n3A_101, %broadcast_in_dim3A_259], %get3A_266 : memref<4x8x129xf32, #tpu.memory_space<vmem>>[vector<16xi32>, vector<16xi32>, vector<16xi32>], vector<16xf32>,
      %broadcast_in_dim3A_267 = arith.constant 1 : i32
      %broadcast_in_dim3A_268 = vector.broadcast %broadcast_in_dim3A_267 : i32 to vector<16xi32>
      %get3A_269 = arith.constant 1 : i32
      %get3A_270 = arith.index_cast %get3A_269 : i32 to index
      %get3A_271 = arith.constant 0 : index
      %get3A_272 = tpu.vector_load %arg6[%get3A_270, %get3A_271] {strides = array<i32>} : memref<128x32xf32, #tpu.memory_space<vmem>>, vector<16xf32>,
      %get3A_273 = arith.constant 1 : i32
      %get3A_274 = arith.index_cast %get3A_273 : i32 to index
      %get3A_275 = arith.constant 16 : index
      %get3A_276 = tpu.vector_load %arg6[%get3A_274, %get3A_275] {strides = array<i32>} : memref<128x32xf32, #tpu.memory_space<vmem>>, vector<16xf32>,
      tpu.vector_store_idx %arg8[%select_n3A, %select_n3A_45, %broadcast_in_dim3A_268], %get3A_272 : memref<4x8x129xf32, #tpu.memory_space<vmem>>[vector<16xi32>, vector<16xi32>, vector<16xi32>], vector<16xf32>,
      tpu.vector_store_idx %arg8[%select_n3A_79, %select_n3A_101, %broadcast_in_dim3A_268], %get3A_276 : memref<4x8x129xf32, #tpu.memory_space<vmem>>[vector<16xi32>, vector<16xi32>, vector<16xi32>], vector<16xf32>,
      %broadcast_in_dim3A_277 = arith.constant 2 : i32
      %broadcast_in_dim3A_278 = vector.broadcast %broadcast_in_dim3A_277 : i32 to vector<16xi32>
      %get3A_279 = arith.constant 2 : i32
      %get3A_280 = arith.index_cast %get3A_279 : i32 to index
      %get3A_281 = arith.constant 0 : index
      %get3A_282 = tpu.vector_load %arg6[%get3A_280, %get3A_281] {strides = array<i32>} : memref<128x32xf32, #tpu.memory_space<vmem>>, vector<16xf32>,
      %get3A_283 = arith.constant 2 : i32
      %get3A_284 = arith.index_cast %get3A_283 : i32 to index
      %get3A_285 = arith.constant 16 : index
      %get3A_286 = tpu.vector_load %arg6[%get3A_284, %get3A_285] {strides = array<i32>} : memref<128x32xf32, #tpu.memory_space<vmem>>, vector<16xf32>,
      tpu.vector_store_idx %arg8[%select_n3A, %select_n3A_45, %broadcast_in_dim3A_278], %get3A_282 : memref<4x8x129xf32, #tpu.memory_space<vmem>>[vector<16xi32>, vector<16xi32>, vector<16xi32>], vector<16xf32>,
      tpu.vector_store_idx %arg8[%select_n3A_79, %select_n3A_101, %broadcast_in_dim3A_278], %get3A_286 : memref<4x8x129xf32, #tpu.memory_space<vmem>>[vector<16xi32>, vector<16xi32>, vector<16xi32>], vector<16xf32>,
      %broadcast_in_dim3A_287 = arith.constant 3 : i32
      %broadcast_in_dim3A_288 = vector.broadcast %broadcast_in_dim3A_287 : i32 to vector<16xi32>
      %get3A_289 = arith.constant 3 : i32
      %get3A_290 = arith.index_cast %get3A_289 : i32 to index
      %get3A_291 = arith.constant 0 : index
      %get3A_292 = tpu.vector_load %arg6[%get3A_290, %get3A_291] {strides = array<i32>} : memref<128x32xf32, #tpu.memory_space<vmem>>, vector<16xf32>,
      %get3A_293 = arith.constant 3 : i32
      %get3A_294 = arith.index_cast %get3A_293 : i32 to index
      %get3A_295 = arith.constant 16 : index
      %get3A_296 = tpu.vector_load %arg6[%get3A_294, %get3A_295] {strides = array<i32>} : memref<128x32xf32, #tpu.memory_space<vmem>>, vector<16xf32>,
      tpu.vector_store_idx %arg8[%select_n3A, %select_n3A_45, %broadcast_in_dim3A_288], %get3A_292 : memref<4x8x129xf32, #tpu.memory_space<vmem>>[vector<16xi32>, vector<16xi32>, vector<16xi32>], vector<16xf32>,
      tpu.vector_store_idx %arg8[%select_n3A_79, %select_n3A_101, %broadcast_in_dim3A_288], %get3A_296 : memref<4x8x129xf32, #tpu.memory_space<vmem>>[vector<16xi32>, vector<16xi32>, vector<16xi32>], vector<16xf32>,
      %broadcast_in_dim3A_297 = arith.constant 4 : i32
      %broadcast_in_dim3A_298 = vector.broadcast %broadcast_in_dim3A_297 : i32 to vector<16xi32>
      %get3A_299 = arith.constant 4 : i32
      %get3A_300 = arith.index_cast %get3A_299 : i32 to index
      %get3A_301 = arith.constant 0 : index
      %get3A_302 = tpu.vector_load %arg6[%get3A_300, %get3A_301] {strides = array<i32>} : memref<128x32xf32, #tpu.memory_space<vmem>>, vector<16xf32>,
      %get3A_303 = arith.constant 4 : i32
      %get3A_304 = arith.index_cast %get3A_303 : i32 to index
      %get3A_305 = arith.constant 16 : index
      %get3A_306 = tpu.vector_load %arg6[%get3A_304, %get3A_305] {strides = array<i32>} : memref<128x32xf32, #tpu.memory_space<vmem>>, vector<16xf32>,
      tpu.vector_store_idx %arg8[%select_n3A, %select_n3A_45, %broadcast_in_dim3A_298], %get3A_302 : memref<4x8x129xf32, #tpu.memory_space<vmem>>[vector<16xi32>, vector<16xi32>, vector<16xi32>], vector<16xf32>,
      tpu.vector_store_idx %arg8[%select_n3A_79, %select_n3A_101, %broadcast_in_dim3A_298], %get3A_306 : memref<4x8x129xf32, #tpu.memory_space<vmem>>[vector<16xi32>, vector<16xi32>, vector<16xi32>], vector<16xf32>,
      %broadcast_in_dim3A_307 = arith.constant 5 : i32
      %broadcast_in_dim3A_308 = vector.broadcast %broadcast_in_dim3A_307 : i32 to vector<16xi32>
      %get3A_309 = arith.constant 5 : i32
      %get3A_310 = arith.index_cast %get3A_309 : i32 to index
      %get3A_311 = arith.constant 0 : index
      %get3A_312 = tpu.vector_load %arg6[%get3A_310, %get3A_311] {strides = array<i32>} : memref<128x32xf32, #tpu.memory_space<vmem>>, vector<16xf32>,
      %get3A_313 = arith.constant 5 : i32
      %get3A_314 = arith.index_cast %get3A_313 : i32 to index
      %get3A_315 = arith.constant 16 : index
      %get3A_316 = tpu.vector_load %arg6[%get3A_314, %get3A_315] {strides = array<i32>} : memref<128x32xf32, #tpu.memory_space<vmem>>, vector<16xf32>,
      tpu.vector_store_idx %arg8[%select_n3A, %select_n3A_45, %broadcast_in_dim3A_308], %get3A_312 : memref<4x8x129xf32, #tpu.memory_space<vmem>>[vector<16xi32>, vector<16xi32>, vector<16xi32>], vector<16xf32>,
      tpu.vector_store_idx %arg8[%select_n3A_79, %select_n3A_101, %broadcast_in_dim3A_308], %get3A_316 : memref<4x8x129xf32, #tpu.memory_space<vmem>>[vector<16xi32>, vector<16xi32>, vector<16xi32>], vector<16xf32>,
      %broadcast_in_dim3A_317 = arith.constant 6 : i32
      %broadcast_in_dim3A_318 = vector.broadcast %broadcast_in_dim3A_317 : i32 to vector<16xi32>
      %get3A_319 = arith.constant 6 : i32
      %get3A_320 = arith.index_cast %get3A_319 : i32 to index
      %get3A_321 = arith.constant 0 : index
      %get3A_322 = tpu.vector_load %arg6[%get3A_320, %get3A_321] {strides = array<i32>} : memref<128x32xf32, #tpu.memory_space<vmem>>, vector<16xf32>,
      %get3A_323 = arith.constant 6 : i32
      %get3A_324 = arith.index_cast %get3A_323 : i32 to index
      %get3A_325 = arith.constant 16 : index
      %get3A_326 = tpu.vector_load %arg6[%get3A_324, %get3A_325] {strides = array<i32>} : memref<128x32xf32, #tpu.memory_space<vmem>>, vector<16xf32>,
      tpu.vector_store_idx %arg8[%select_n3A, %select_n3A_45, %broadcast_in_dim3A_318], %get3A_322 : memref<4x8x129xf32, #tpu.memory_space<vmem>>[vector<16xi32>, vector<16xi32>, vector<16xi32>], vector<16xf32>,
      tpu.vector_store_idx %arg8[%select_n3A_79, %select_n3A_101, %broadcast_in_dim3A_318], %get3A_326 : memref<4x8x129xf32, #tpu.memory_space<vmem>>[vector<16xi32>, vector<16xi32>, vector<16xi32>], vector<16xf32>,
      %broadcast_in_dim3A_327 = arith.constant 7 : i32
      %broadcast_in_dim3A_328 = vector.broadcast %broadcast_in_dim3A_327 : i32 to vector<16xi32>
      %get3A_329 = arith.constant 7 : i32
      %get3A_330 = arith.index_cast %get3A_329 : i32 to index
      %get3A_331 = arith.constant 0 : index
      %get3A_332 = tpu.vector_load %arg6[%get3A_330, %get3A_331] {strides = array<i32>} : memref<128x32xf32, #tpu.memory_space<vmem>>, vector<16xf32>,
      %get3A_333 = arith.constant 7 : i32
      %get3A_334 = arith.index_cast %get3A_333 : i32 to index
      %get3A_335 = arith.constant 16 : index
      %get3A_336 = tpu.vector_load %arg6[%get3A_334, %get3A_335] {strides = array<i32>} : memref<128x32xf32, #tpu.memory_space<vmem>>, vector<16xf32>,
      tpu.vector_store_idx %arg8[%select_n3A, %select_n3A_45, %broadcast_in_dim3A_328], %get3A_332 : memref<4x8x129xf32, #tpu.memory_space<vmem>>[vector<16xi32>, vector<16xi32>, vector<16xi32>], vector<16xf32>,
      tpu.vector_store_idx %arg8[%select_n3A_79, %select_n3A_101, %broadcast_in_dim3A_328], %get3A_336 : memref<4x8x129xf32, #tpu.memory_space<vmem>>[vector<16xi32>, vector<16xi32>, vector<16xi32>], vector<16xf32>,
      %broadcast_in_dim3A_337 = arith.constant 8 : i32
      %broadcast_in_dim3A_338 = vector.broadcast %broadcast_in_dim3A_337 : i32 to vector<16xi32>
      %get3A_339 = arith.constant 8 : i32
      %get3A_340 = arith.index_cast %get3A_339 : i32 to index
      %get3A_341 = arith.constant 0 : index
      %get3A_342 = tpu.vector_load %arg6[%get3A_340, %get3A_341] {strides = array<i32>} : memref<128x32xf32, #tpu.memory_space<vmem>>, vector<16xf32>,
      %get3A_343 = arith.constant 8 : i32
      %get3A_344 = arith.index_cast %get3A_343 : i32 to index
      %get3A_345 = arith.constant 16 : index
      %get3A_346 = tpu.vector_load %arg6[%get3A_344, %get3A_345] {strides = array<i32>} : memref<128x32xf32, #tpu.memory_space<vmem>>, vector<16xf32>,
      tpu.vector_store_idx %arg8[%select_n3A, %select_n3A_45, %broadcast_in_dim3A_338], %get3A_342 : memref<4x8x129xf32, #tpu.memory_space<vmem>>[vector<16xi32>, vector<16xi32>, vector<16xi32>], vector<16xf32>,
      tpu.vector_store_idx %arg8[%select_n3A_79, %select_n3A_101, %broadcast_in_dim3A_338], %get3A_346 : memref<4x8x129xf32, #tpu.memory_space<vmem>>[vector<16xi32>, vector<16xi32>, vector<16xi32>], vector<16xf32>,
      %broadcast_in_dim3A_347 = arith.constant 9 : i32
      %broadcast_in_dim3A_348 = vector.broadcast %broadcast_in_dim3A_347 : i32 to vector<16xi32>
      %get3A_349 = arith.constant 9 : i32
      %get3A_350 = arith.index_cast %get3A_349 : i32 to index
      %get3A_351 = arith.constant 0 : index
      %get3A_352 = tpu.vector_load %arg6[%get3A_350, %get3A_351] {strides = array<i32>} : memref<128x32xf32, #tpu.memory_space<vmem>>, vector<16xf32>,
      %get3A_353 = arith.constant 9 : i32
      %get3A_354 = arith.index_cast %get3A_353 : i32 to index
      %get3A_355 = arith.constant 16 : index
      %get3A_356 = tpu.vector_load %arg6[%get3A_354, %get3A_355] {strides = array<i32>} : memref<128x32xf32, #tpu.memory_space<vmem>>, vector<16xf32>,
      tpu.vector_store_idx %arg8[%select_n3A, %select_n3A_45, %broadcast_in_dim3A_348], %get3A_352 : memref<4x8x129xf32, #tpu.memory_space<vmem>>[vector<16xi32>, vector<16xi32>, vector<16xi32>], vector<16xf32>,
      tpu.vector_store_idx %arg8[%select_n3A_79, %select_n3A_101, %broadcast_in_dim3A_348], %get3A_356 : memref<4x8x129xf32, #tpu.memory_space<vmem>>[vector<16xi32>, vector<16xi32>, vector<16xi32>], vector<16xf32>,
      %broadcast_in_dim3A_357 = arith.constant 10 : i32
      %broadcast_in_dim3A_358 = vector.broadcast %broadcast_in_dim3A_357 : i32 to vector<16xi32>
      %get3A_359 = arith.constant 10 : i32
      %get3A_360 = arith.index_cast %get3A_359 : i32 to index
      %get3A_361 = arith.constant 0 : index
      %get3A_362 = tpu.vector_load %arg6[%get3A_360, %get3A_361] {strides = array<i32>} : memref<128x32xf32, #tpu.memory_space<vmem>>, vector<16xf32>,
      %get3A_363 = arith.constant 10 : i32
      %get3A_364 = arith.index_cast %get3A_363 : i32 to index
      %get3A_365 = arith.constant 16 : index
      %get3A_366 = tpu.vector_load %arg6[%get3A_364, %get3A_365] {strides = array<i32>} : memref<128x32xf32, #tpu.memory_space<vmem>>, vector<16xf32>,
      tpu.vector_store_idx %arg8[%select_n3A, %select_n3A_45, %broadcast_in_dim3A_358], %get3A_362 : memref<4x8x129xf32, #tpu.memory_space<vmem>>[vector<16xi32>, vector<16xi32>, vector<16xi32>], vector<16xf32>,
      tpu.vector_store_idx %arg8[%select_n3A_79, %select_n3A_101, %broadcast_in_dim3A_358], %get3A_366 : memref<4x8x129xf32, #tpu.memory_space<vmem>>[vector<16xi32>, vector<16xi32>, vector<16xi32>], vector<16xf32>,
      %broadcast_in_dim3A_367 = arith.constant 11 : i32
      %broadcast_in_dim3A_368 = vector.broadcast %broadcast_in_dim3A_367 : i32 to vector<16xi32>
      %get3A_369 = arith.constant 11 : i32
      %get3A_370 = arith.index_cast %get3A_369 : i32 to index
      %get3A_371 = arith.constant 0 : index
      %get3A_372 = tpu.vector_load %arg6[%get3A_370, %get3A_371] {strides = array<i32>} : memref<128x32xf32, #tpu.memory_space<vmem>>, vector<16xf32>,
      %get3A_373 = arith.constant 11 : i32
      %get3A_374 = arith.index_cast %get3A_373 : i32 to index
      %get3A_375 = arith.constant 16 : index
      %get3A_376 = tpu.vector_load %arg6[%get3A_374, %get3A_375] {strides = array<i32>} : memref<128x32xf32, #tpu.memory_space<vmem>>, vector<16xf32>,
      tpu.vector_store_idx %arg8[%select_n3A, %select_n3A_45, %broadcast_in_dim3A_368], %get3A_372 : memref<4x8x129xf32, #tpu.memory_space<vmem>>[vector<16xi32>, vector<16xi32>, vector<16xi32>], vector<16xf32>,
      tpu.vector_store_idx %arg8[%select_n3A_79, %select_n3A_101, %broadcast_in_dim3A_368], %get3A_376 : memref<4x8x129xf32, #tpu.memory_space<vmem>>[vector<16xi32>, vector<16xi32>, vector<16xi32>], vector<16xf32>,
      %broadcast_in_dim3A_377 = arith.constant 12 : i32
      %broadcast_in_dim3A_378 = vector.broadcast %broadcast_in_dim3A_377 : i32 to vector<16xi32>
      %get3A_379 = arith.constant 12 : i32
      %get3A_380 = arith.index_cast %get3A_379 : i32 to index
      %get3A_381 = arith.constant 0 : index
      %get3A_382 = tpu.vector_load %arg6[%get3A_380, %get3A_381] {strides = array<i32>} : memref<128x32xf32, #tpu.memory_space<vmem>>, vector<16xf32>,
      %get3A_383 = arith.constant 12 : i32
      %get3A_384 = arith.index_cast %get3A_383 : i32 to index
      %get3A_385 = arith.constant 16 : index
      %get3A_386 = tpu.vector_load %arg6[%get3A_384, %get3A_385] {strides = array<i32>} : memref<128x32xf32, #tpu.memory_space<vmem>>, vector<16xf32>,
      tpu.vector_store_idx %arg8[%select_n3A, %select_n3A_45, %broadcast_in_dim3A_378], %get3A_382 : memref<4x8x129xf32, #tpu.memory_space<vmem>>[vector<16xi32>, vector<16xi32>, vector<16xi32>], vector<16xf32>,
      tpu.vector_store_idx %arg8[%select_n3A_79, %select_n3A_101, %broadcast_in_dim3A_378], %get3A_386 : memref<4x8x129xf32, #tpu.memory_space<vmem>>[vector<16xi32>, vector<16xi32>, vector<16xi32>], vector<16xf32>,
      %broadcast_in_dim3A_387 = arith.constant 13 : i32
      %broadcast_in_dim3A_388 = vector.broadcast %broadcast_in_dim3A_387 : i32 to vector<16xi32>
      %get3A_389 = arith.constant 13 : i32
      %get3A_390 = arith.index_cast %get3A_389 : i32 to index
      %get3A_391 = arith.constant 0 : index
      %get3A_392 = tpu.vector_load %arg6[%get3A_390, %get3A_391] {strides = array<i32>} : memref<128x32xf32, #tpu.memory_space<vmem>>, vector<16xf32>,
      %get3A_393 = arith.constant 13 : i32
      %get3A_394 = arith.index_cast %get3A_393 : i32 to index
      %get3A_395 = arith.constant 16 : index
      %get3A_396 = tpu.vector_load %arg6[%get3A_394, %get3A_395] {strides = array<i32>} : memref<128x32xf32, #tpu.memory_space<vmem>>, vector<16xf32>,
      tpu.vector_store_idx %arg8[%select_n3A, %select_n3A_45, %broadcast_in_dim3A_388], %get3A_392 : memref<4x8x129xf32, #tpu.memory_space<vmem>>[vector<16xi32>, vector<16xi32>, vector<16xi32>], vector<16xf32>,
      tpu.vector_store_idx %arg8[%select_n3A_79, %select_n3A_101, %broadcast_in_dim3A_388], %get3A_396 : memref<4x8x129xf32, #tpu.memory_space<vmem>>[vector<16xi32>, vector<16xi32>, vector<16xi32>], vector<16xf32>,
      %broadcast_in_dim3A_397 = arith.constant 14 : i32
      %broadcast_in_dim3A_398 = vector.broadcast %broadcast_in_dim3A_397 : i32 to vector<16xi32>
      %get3A_399 = arith.constant 14 : i32
      %get3A_400 = arith.index_cast %get3A_399 : i32 to index
      %get3A_401 = arith.constant 0 : index
      %get3A_402 = tpu.vector_load %arg6[%get3A_400, %get3A_401] {strides = array<i32>} : memref<128x32xf32, #tpu.memory_space<vmem>>, vector<16xf32>,
      %get3A_403 = arith.constant 14 : i32
      %get3A_404 = arith.index_cast %get3A_403 : i32 to index
      %get3A_405 = arith.constant 16 : index
      %get3A_406 = tpu.vector_load %arg6[%get3A_404, %get3A_405] {strides = array<i32>} : memref<128x32xf32, #tpu.memory_space<vmem>>, vector<16xf32>,
      tpu.vector_store_idx %arg8[%select_n3A, %select_n3A_45, %broadcast_in_dim3A_398], %get3A_402 : memref<4x8x129xf32, #tpu.memory_space<vmem>>[vector<16xi32>, vector<16xi32>, vector<16xi32>], vector<16xf32>,
      tpu.vector_store_idx %arg8[%select_n3A_79, %select_n3A_101, %broadcast_in_dim3A_398], %get3A_406 : memref<4x8x129xf32, #tpu.memory_space<vmem>>[vector<16xi32>, vector<16xi32>, vector<16xi32>], vector<16xf32>,
      %broadcast_in_dim3A_407 = arith.constant 15 : i32
      %broadcast_in_dim3A_408 = vector.broadcast %broadcast_in_dim3A_407 : i32 to vector<16xi32>
      %get3A_409 = arith.constant 15 : i32
      %get3A_410 = arith.index_cast %get3A_409 : i32 to index
      %get3A_411 = arith.constant 0 : index
      %get3A_412 = tpu.vector_load %arg6[%get3A_410, %get3A_411] {strides = array<i32>} : memref<128x32xf32, #tpu.memory_space<vmem>>, vector<16xf32>,
      %get3A_413 = arith.constant 15 : i32
      %get3A_414 = arith.index_cast %get3A_413 : i32 to index
      %get3A_415 = arith.constant 16 : index
      %get3A_416 = tpu.vector_load %arg6[%get3A_414, %get3A_415] {strides = array<i32>} : memref<128x32xf32, #tpu.memory_space<vmem>>, vector<16xf32>,
      tpu.vector_store_idx %arg8[%select_n3A, %select_n3A_45, %broadcast_in_dim3A_408], %get3A_412 : memref<4x8x129xf32, #tpu.memory_space<vmem>>[vector<16xi32>, vector<16xi32>, vector<16xi32>], vector<16xf32>,
      tpu.vector_store_idx %arg8[%select_n3A_79, %select_n3A_101, %broadcast_in_dim3A_408], %get3A_416 : memref<4x8x129xf32, #tpu.memory_space<vmem>>[vector<16xi32>, vector<16xi32>, vector<16xi32>], vector<16xf32>,
      %broadcast_in_dim3A_417 = arith.constant 16 : i32
      %broadcast_in_dim3A_418 = vector.broadcast %broadcast_in_dim3A_417 : i32 to vector<16xi32>
      %get3A_419 = arith.constant 16 : i32
      %get3A_420 = arith.index_cast %get3A_419 : i32 to index
      %get3A_421 = arith.constant 0 : index
      %get3A_422 = tpu.vector_load %arg6[%get3A_420, %get3A_421] {strides = array<i32>} : memref<128x32xf32, #tpu.memory_space<vmem>>, vector<16xf32>,
      %get3A_423 = arith.constant 16 : i32
      %get3A_424 = arith.index_cast %get3A_423 : i32 to index
      %get3A_425 = arith.constant 16 : index
      %get3A_426 = tpu.vector_load %arg6[%get3A_424, %get3A_425] {strides = array<i32>} : memref<128x32xf32, #tpu.memory_space<vmem>>, vector<16xf32>,
      tpu.vector_store_idx %arg8[%select_n3A, %select_n3A_45, %broadcast_in_dim3A_418], %get3A_422 : memref<4x8x129xf32, #tpu.memory_space<vmem>>[vector<16xi32>, vector<16xi32>, vector<16xi32>], vector<16xf32>,
      tpu.vector_store_idx %arg8[%select_n3A_79, %select_n3A_101, %broadcast_in_dim3A_418], %get3A_426 : memref<4x8x129xf32, #tpu.memory_space<vmem>>[vector<16xi32>, vector<16xi32>, vector<16xi32>], vector<16xf32>,
      %broadcast_in_dim3A_427 = arith.constant 17 : i32
      %broadcast_in_dim3A_428 = vector.broadcast %broadcast_in_dim3A_427 : i32 to vector<16xi32>
      %get3A_429 = arith.constant 17 : i32
      %get3A_430 = arith.index_cast %get3A_429 : i32 to index
      %get3A_431 = arith.constant 0 : index
      %get3A_432 = tpu.vector_load %arg6[%get3A_430, %get3A_431] {strides = array<i32>} : memref<128x32xf32, #tpu.memory_space<vmem>>, vector<16xf32>,
      %get3A_433 = arith.constant 17 : i32
      %get3A_434 = arith.index_cast %get3A_433 : i32 to index
      %get3A_435 = arith.constant 16 : index
      %get3A_436 = tpu.vector_load %arg6[%get3A_434, %get3A_435] {strides = array<i32>} : memref<128x32xf32, #tpu.memory_space<vmem>>, vector<16xf32>,
      tpu.vector_store_idx %arg8[%select_n3A, %select_n3A_45, %broadcast_in_dim3A_428], %get3A_432 : memref<4x8x129xf32, #tpu.memory_space<vmem>>[vector<16xi32>, vector<16xi32>, vector<16xi32>], vector<16xf32>,
      tpu.vector_store_idx %arg8[%select_n3A_79, %select_n3A_101, %broadcast_in_dim3A_428], %get3A_436 : memref<4x8x129xf32, #tpu.memory_space<vmem>>[vector<16xi32>, vector<16xi32>, vector<16xi32>], vector<16xf32>,
      %broadcast_in_dim3A_437 = arith.constant 18 : i32
      %broadcast_in_dim3A_438 = vector.broadcast %broadcast_in_dim3A_437 : i32 to vector<16xi32>
      %get3A_439 = arith.constant 18 : i32
      %get3A_440 = arith.index_cast %get3A_439 : i32 to index
      %get3A_441 = arith.constant 0 : index
      %get3A_442 = tpu.vector_load %arg6[%get3A_440, %get3A_441] {strides = array<i32>} : memref<128x32xf32, #tpu.memory_space<vmem>>, vector<16xf32>,
      %get3A_443 = arith.constant 18 : i32
      %get3A_444 = arith.index_cast %get3A_443 : i32 to index
      %get3A_445 = arith.constant 16 : index
      %get3A_446 = tpu.vector_load %arg6[%get3A_444, %get3A_445] {strides = array<i32>} : memref<128x32xf32, #tpu.memory_space<vmem>>, vector<16xf32>,
      tpu.vector_store_idx %arg8[%select_n3A, %select_n3A_45, %broadcast_in_dim3A_438], %get3A_442 : memref<4x8x129xf32, #tpu.memory_space<vmem>>[vector<16xi32>, vector<16xi32>, vector<16xi32>], vector<16xf32>,
      tpu.vector_store_idx %arg8[%select_n3A_79, %select_n3A_101, %broadcast_in_dim3A_438], %get3A_446 : memref<4x8x129xf32, #tpu.memory_space<vmem>>[vector<16xi32>, vector<16xi32>, vector<16xi32>], vector<16xf32>,
      %broadcast_in_dim3A_447 = arith.constant 19 : i32
      %broadcast_in_dim3A_448 = vector.broadcast %broadcast_in_dim3A_447 : i32 to vector<16xi32>
      %get3A_449 = arith.constant 19 : i32
      %get3A_450 = arith.index_cast %get3A_449 : i32 to index
      %get3A_451 = arith.constant 0 : index
      %get3A_452 = tpu.vector_load %arg6[%get3A_450, %get3A_451] {strides = array<i32>} : memref<128x32xf32, #tpu.memory_space<vmem>>, vector<16xf32>,
      %get3A_453 = arith.constant 19 : i32
      %get3A_454 = arith.index_cast %get3A_453 : i32 to index
      %get3A_455 = arith.constant 16 : index
      %get3A_456 = tpu.vector_load %arg6[%get3A_454, %get3A_455] {strides = array<i32>} : memref<128x32xf32, #tpu.memory_space<vmem>>, vector<16xf32>,
      tpu.vector_store_idx %arg8[%select_n3A, %select_n3A_45, %broadcast_in_dim3A_448], %get3A_452 : memref<4x8x129xf32, #tpu.memory_space<vmem>>[vector<16xi32>, vector<16xi32>, vector<16xi32>], vector<16xf32>,
      tpu.vector_store_idx %arg8[%select_n3A_79, %select_n3A_101, %broadcast_in_dim3A_448], %get3A_456 : memref<4x8x129xf32, #tpu.memory_space<vmem>>[vector<16xi32>, vector<16xi32>, vector<16xi32>], vector<16xf32>,
      %broadcast_in_dim3A_457 = arith.constant 20 : i32
      %broadcast_in_dim3A_458 = vector.broadcast %broadcast_in_dim3A_457 : i32 to vector<16xi32>
      %get3A_459 = arith.constant 20 : i32
      %get3A_460 = arith.index_cast %get3A_459 : i32 to index
      %get3A_461 = arith.constant 0 : index
      %get3A_462 = tpu.vector_load %arg6[%get3A_460, %get3A_461] {strides = array<i32>} : memref<128x32xf32, #tpu.memory_space<vmem>>, vector<16xf32>,
      %get3A_463 = arith.constant 20 : i32
      %get3A_464 = arith.index_cast %get3A_463 : i32 to index
      %get3A_465 = arith.constant 16 : index
      %get3A_466 = tpu.vector_load %arg6[%get3A_464, %get3A_465] {strides = array<i32>} : memref<128x32xf32, #tpu.memory_space<vmem>>, vector<16xf32>,
      tpu.vector_store_idx %arg8[%select_n3A, %select_n3A_45, %broadcast_in_dim3A_458], %get3A_462 : memref<4x8x129xf32, #tpu.memory_space<vmem>>[vector<16xi32>, vector<16xi32>, vector<16xi32>], vector<16xf32>,
      tpu.vector_store_idx %arg8[%select_n3A_79, %select_n3A_101, %broadcast_in_dim3A_458], %get3A_466 : memref<4x8x129xf32, #tpu.memory_space<vmem>>[vector<16xi32>, vector<16xi32>, vector<16xi32>], vector<16xf32>,
      %broadcast_in_dim3A_467 = arith.constant 21 : i32
      %broadcast_in_dim3A_468 = vector.broadcast %broadcast_in_dim3A_467 : i32 to vector<16xi32>
      %get3A_469 = arith.constant 21 : i32
      %get3A_470 = arith.index_cast %get3A_469 : i32 to index
      %get3A_471 = arith.constant 0 : index
      %get3A_472 = tpu.vector_load %arg6[%get3A_470, %get3A_471] {strides = array<i32>} : memref<128x32xf32, #tpu.memory_space<vmem>>, vector<16xf32>,
      %get3A_473 = arith.constant 21 : i32
      %get3A_474 = arith.index_cast %get3A_473 : i32 to index
      %get3A_475 = arith.constant 16 : index
      %get3A_476 = tpu.vector_load %arg6[%get3A_474, %get3A_475] {strides = array<i32>} : memref<128x32xf32, #tpu.memory_space<vmem>>, vector<16xf32>,
      tpu.vector_store_idx %arg8[%select_n3A, %select_n3A_45, %broadcast_in_dim3A_468], %get3A_472 : memref<4x8x129xf32, #tpu.memory_space<vmem>>[vector<16xi32>, vector<16xi32>, vector<16xi32>], vector<16xf32>,
      tpu.vector_store_idx %arg8[%select_n3A_79, %select_n3A_101, %broadcast_in_dim3A_468], %get3A_476 : memref<4x8x129xf32, #tpu.memory_space<vmem>>[vector<16xi32>, vector<16xi32>, vector<16xi32>], vector<16xf32>,
      %broadcast_in_dim3A_477 = arith.constant 22 : i32
      %broadcast_in_dim3A_478 = vector.broadcast %broadcast_in_dim3A_477 : i32 to vector<16xi32>
      %get3A_479 = arith.constant 22 : i32
      %get3A_480 = arith.index_cast %get3A_479 : i32 to index
      %get3A_481 = arith.constant 0 : index
      %get3A_482 = tpu.vector_load %arg6[%get3A_480, %get3A_481] {strides = array<i32>} : memref<128x32xf32, #tpu.memory_space<vmem>>, vector<16xf32>,
      %get3A_483 = arith.constant 22 : i32
      %get3A_484 = arith.index_cast %get3A_483 : i32 to index
      %get3A_485 = arith.constant 16 : index
      %get3A_486 = tpu.vector_load %arg6[%get3A_484, %get3A_485] {strides = array<i32>} : memref<128x32xf32, #tpu.memory_space<vmem>>, vector<16xf32>,
      tpu.vector_store_idx %arg8[%select_n3A, %select_n3A_45, %broadcast_in_dim3A_478], %get3A_482 : memref<4x8x129xf32, #tpu.memory_space<vmem>>[vector<16xi32>, vector<16xi32>, vector<16xi32>], vector<16xf32>,
      tpu.vector_store_idx %arg8[%select_n3A_79, %select_n3A_101, %broadcast_in_dim3A_478], %get3A_486 : memref<4x8x129xf32, #tpu.memory_space<vmem>>[vector<16xi32>, vector<16xi32>, vector<16xi32>], vector<16xf32>,
      %broadcast_in_dim3A_487 = arith.constant 23 : i32
      %broadcast_in_dim3A_488 = vector.broadcast %broadcast_in_dim3A_487 : i32 to vector<16xi32>
      %get3A_489 = arith.constant 23 : i32
      %get3A_490 = arith.index_cast %get3A_489 : i32 to index
      %get3A_491 = arith.constant 0 : index
      %get3A_492 = tpu.vector_load %arg6[%get3A_490, %get3A_491] {strides = array<i32>} : memref<128x32xf32, #tpu.memory_space<vmem>>, vector<16xf32>,
      %get3A_493 = arith.constant 23 : i32
      %get3A_494 = arith.index_cast %get3A_493 : i32 to index
      %get3A_495 = arith.constant 16 : index
      %get3A_496 = tpu.vector_load %arg6[%get3A_494, %get3A_495] {strides = array<i32>} : memref<128x32xf32, #tpu.memory_space<vmem>>, vector<16xf32>,
      tpu.vector_store_idx %arg8[%select_n3A, %select_n3A_45, %broadcast_in_dim3A_488], %get3A_492 : memref<4x8x129xf32, #tpu.memory_space<vmem>>[vector<16xi32>, vector<16xi32>, vector<16xi32>], vector<16xf32>,
      tpu.vector_store_idx %arg8[%select_n3A_79, %select_n3A_101, %broadcast_in_dim3A_488], %get3A_496 : memref<4x8x129xf32, #tpu.memory_space<vmem>>[vector<16xi32>, vector<16xi32>, vector<16xi32>], vector<16xf32>,
      %broadcast_in_dim3A_497 = arith.constant 24 : i32
      %broadcast_in_dim3A_498 = vector.broadcast %broadcast_in_dim3A_497 : i32 to vector<16xi32>
      %get3A_499 = arith.constant 24 : i32
      %get3A_500 = arith.index_cast %get3A_499 : i32 to index
      %get3A_501 = arith.constant 0 : index
      %get3A_502 = tpu.vector_load %arg6[%get3A_500, %get3A_501] {strides = array<i32>} : memref<128x32xf32, #tpu.memory_space<vmem>>, vector<16xf32>,
      %get3A_503 = arith.constant 24 : i32
      %get3A_504 = arith.index_cast %get3A_503 : i32 to index
      %get3A_505 = arith.constant 16 : index
      %get3A_506 = tpu.vector_load %arg6[%get3A_504, %get3A_505] {strides = array<i32>} : memref<128x32xf32, #tpu.memory_space<vmem>>, vector<16xf32>,
      tpu.vector_store_idx %arg8[%select_n3A, %select_n3A_45, %broadcast_in_dim3A_498], %get3A_502 : memref<4x8x129xf32, #tpu.memory_space<vmem>>[vector<16xi32>, vector<16xi32>, vector<16xi32>], vector<16xf32>,
      tpu.vector_store_idx %arg8[%select_n3A_79, %select_n3A_101, %broadcast_in_dim3A_498], %get3A_506 : memref<4x8x129xf32, #tpu.memory_space<vmem>>[vector<16xi32>, vector<16xi32>, vector<16xi32>], vector<16xf32>,
      %broadcast_in_dim3A_507 = arith.constant 25 : i32
      %broadcast_in_dim3A_508 = vector.broadcast %broadcast_in_dim3A_507 : i32 to vector<16xi32>
      %get3A_509 = arith.constant 25 : i32
      %get3A_510 = arith.index_cast %get3A_509 : i32 to index
      %get3A_511 = arith.constant 0 : index
      %get3A_512 = tpu.vector_load %arg6[%get3A_510, %get3A_511] {strides = array<i32>} : memref<128x32xf32, #tpu.memory_space<vmem>>, vector<16xf32>,
      %get3A_513 = arith.constant 25 : i32
      %get3A_514 = arith.index_cast %get3A_513 : i32 to index
      %get3A_515 = arith.constant 16 : index
      %get3A_516 = tpu.vector_load %arg6[%get3A_514, %get3A_515] {strides = array<i32>} : memref<128x32xf32, #tpu.memory_space<vmem>>, vector<16xf32>,
      tpu.vector_store_idx %arg8[%select_n3A, %select_n3A_45, %broadcast_in_dim3A_508], %get3A_512 : memref<4x8x129xf32, #tpu.memory_space<vmem>>[vector<16xi32>, vector<16xi32>, vector<16xi32>], vector<16xf32>,
      tpu.vector_store_idx %arg8[%select_n3A_79, %select_n3A_101, %broadcast_in_dim3A_508], %get3A_516 : memref<4x8x129xf32, #tpu.memory_space<vmem>>[vector<16xi32>, vector<16xi32>, vector<16xi32>], vector<16xf32>,
      %broadcast_in_dim3A_517 = arith.constant 26 : i32
      %broadcast_in_dim3A_518 = vector.broadcast %broadcast_in_dim3A_517 : i32 to vector<16xi32>
      %get3A_519 = arith.constant 26 : i32
      %get3A_520 = arith.index_cast %get3A_519 : i32 to index
      %get3A_521 = arith.constant 0 : index
      %get3A_522 = tpu.vector_load %arg6[%get3A_520, %get3A_521] {strides = array<i32>} : memref<128x32xf32, #tpu.memory_space<vmem>>, vector<16xf32>,
      %get3A_523 = arith.constant 26 : i32
      %get3A_524 = arith.index_cast %get3A_523 : i32 to index
      %get3A_525 = arith.constant 16 : index
      %get3A_526 = tpu.vector_load %arg6[%get3A_524, %get3A_525] {strides = array<i32>} : memref<128x32xf32, #tpu.memory_space<vmem>>, vector<16xf32>,
      tpu.vector_store_idx %arg8[%select_n3A, %select_n3A_45, %broadcast_in_dim3A_518], %get3A_522 : memref<4x8x129xf32, #tpu.memory_space<vmem>>[vector<16xi32>, vector<16xi32>, vector<16xi32>], vector<16xf32>,
      tpu.vector_store_idx %arg8[%select_n3A_79, %select_n3A_101, %broadcast_in_dim3A_518], %get3A_526 : memref<4x8x129xf32, #tpu.memory_space<vmem>>[vector<16xi32>, vector<16xi32>, vector<16xi32>], vector<16xf32>,
      %broadcast_in_dim3A_527 = arith.constant 27 : i32
      %broadcast_in_dim3A_528 = vector.broadcast %broadcast_in_dim3A_527 : i32 to vector<16xi32>
      %get3A_529 = arith.constant 27 : i32
      %get3A_530 = arith.index_cast %get3A_529 : i32 to index
      %get3A_531 = arith.constant 0 : index
      %get3A_532 = tpu.vector_load %arg6[%get3A_530, %get3A_531] {strides = array<i32>} : memref<128x32xf32, #tpu.memory_space<vmem>>, vector<16xf32>,
      %get3A_533 = arith.constant 27 : i32
      %get3A_534 = arith.index_cast %get3A_533 : i32 to index
      %get3A_535 = arith.constant 16 : index
      %get3A_536 = tpu.vector_load %arg6[%get3A_534, %get3A_535] {strides = array<i32>} : memref<128x32xf32, #tpu.memory_space<vmem>>, vector<16xf32>,
      tpu.vector_store_idx %arg8[%select_n3A, %select_n3A_45, %broadcast_in_dim3A_528], %get3A_532 : memref<4x8x129xf32, #tpu.memory_space<vmem>>[vector<16xi32>, vector<16xi32>, vector<16xi32>], vector<16xf32>,
      tpu.vector_store_idx %arg8[%select_n3A_79, %select_n3A_101, %broadcast_in_dim3A_528], %get3A_536 : memref<4x8x129xf32, #tpu.memory_space<vmem>>[vector<16xi32>, vector<16xi32>, vector<16xi32>], vector<16xf32>,
      %broadcast_in_dim3A_537 = arith.constant 28 : i32
      %broadcast_in_dim3A_538 = vector.broadcast %broadcast_in_dim3A_537 : i32 to vector<16xi32>
      %get3A_539 = arith.constant 28 : i32
      %get3A_540 = arith.index_cast %get3A_539 : i32 to index
      %get3A_541 = arith.constant 0 : index
      %get3A_542 = tpu.vector_load %arg6[%get3A_540, %get3A_541] {strides = array<i32>} : memref<128x32xf32, #tpu.memory_space<vmem>>, vector<16xf32>,
      %get3A_543 = arith.constant 28 : i32
      %get3A_544 = arith.index_cast %get3A_543 : i32 to index
      %get3A_545 = arith.constant 16 : index
      %get3A_546 = tpu.vector_load %arg6[%get3A_544, %get3A_545] {strides = array<i32>} : memref<128x32xf32, #tpu.memory_space<vmem>>, vector<16xf32>,
      tpu.vector_store_idx %arg8[%select_n3A, %select_n3A_45, %broadcast_in_dim3A_538], %get3A_542 : memref<4x8x129xf32, #tpu.memory_space<vmem>>[vector<16xi32>, vector<16xi32>, vector<16xi32>], vector<16xf32>,
      tpu.vector_store_idx %arg8[%select_n3A_79, %select_n3A_101, %broadcast_in_dim3A_538], %get3A_546 : memref<4x8x129xf32, #tpu.memory_space<vmem>>[vector<16xi32>, vector<16xi32>, vector<16xi32>], vector<16xf32>,
      %broadcast_in_dim3A_547 = arith.constant 29 : i32
      %broadcast_in_dim3A_548 = vector.broadcast %broadcast_in_dim3A_547 : i32 to vector<16xi32>
      %get3A_549 = arith.constant 29 : i32
      %get3A_550 = arith.index_cast %get3A_549 : i32 to index
      %get3A_551 = arith.constant 0 : index
      %get3A_552 = tpu.vector_load %arg6[%get3A_550, %get3A_551] {strides = array<i32>} : memref<128x32xf32, #tpu.memory_space<vmem>>, vector<16xf32>,
      %get3A_553 = arith.constant 29 : i32
      %get3A_554 = arith.index_cast %get3A_553 : i32 to index
      %get3A_555 = arith.constant 16 : index
      %get3A_556 = tpu.vector_load %arg6[%get3A_554, %get3A_555] {strides = array<i32>} : memref<128x32xf32, #tpu.memory_space<vmem>>, vector<16xf32>,
      tpu.vector_store_idx %arg8[%select_n3A, %select_n3A_45, %broadcast_in_dim3A_548], %get3A_552 : memref<4x8x129xf32, #tpu.memory_space<vmem>>[vector<16xi32>, vector<16xi32>, vector<16xi32>], vector<16xf32>,
      tpu.vector_store_idx %arg8[%select_n3A_79, %select_n3A_101, %broadcast_in_dim3A_548], %get3A_556 : memref<4x8x129xf32, #tpu.memory_space<vmem>>[vector<16xi32>, vector<16xi32>, vector<16xi32>], vector<16xf32>,
      %broadcast_in_dim3A_557 = arith.constant 30 : i32
      %broadcast_in_dim3A_558 = vector.broadcast %broadcast_in_dim3A_557 : i32 to vector<16xi32>
      %get3A_559 = arith.constant 30 : i32
      %get3A_560 = arith.index_cast %get3A_559 : i32 to index
      %get3A_561 = arith.constant 0 : index
      %get3A_562 = tpu.vector_load %arg6[%get3A_560, %get3A_561] {strides = array<i32>} : memref<128x32xf32, #tpu.memory_space<vmem>>, vector<16xf32>,
      %get3A_563 = arith.constant 30 : i32
      %get3A_564 = arith.index_cast %get3A_563 : i32 to index
      %get3A_565 = arith.constant 16 : index
      %get3A_566 = tpu.vector_load %arg6[%get3A_564, %get3A_565] {strides = array<i32>} : memref<128x32xf32, #tpu.memory_space<vmem>>, vector<16xf32>,
      tpu.vector_store_idx %arg8[%select_n3A, %select_n3A_45, %broadcast_in_dim3A_558], %get3A_562 : memref<4x8x129xf32, #tpu.memory_space<vmem>>[vector<16xi32>, vector<16xi32>, vector<16xi32>], vector<16xf32>,
      tpu.vector_store_idx %arg8[%select_n3A_79, %select_n3A_101, %broadcast_in_dim3A_558], %get3A_566 : memref<4x8x129xf32, #tpu.memory_space<vmem>>[vector<16xi32>, vector<16xi32>, vector<16xi32>], vector<16xf32>,
      %broadcast_in_dim3A_567 = arith.constant 31 : i32
      %broadcast_in_dim3A_568 = vector.broadcast %broadcast_in_dim3A_567 : i32 to vector<16xi32>
      %get3A_569 = arith.constant 31 : i32
      %get3A_570 = arith.index_cast %get3A_569 : i32 to index
      %get3A_571 = arith.constant 0 : index
      %get3A_572 = tpu.vector_load %arg6[%get3A_570, %get3A_571] {strides = array<i32>} : memref<128x32xf32, #tpu.memory_space<vmem>>, vector<16xf32>,
      %get3A_573 = arith.constant 31 : i32
      %get3A_574 = arith.index_cast %get3A_573 : i32 to index
      %get3A_575 = arith.constant 16 : index
      %get3A_576 = tpu.vector_load %arg6[%get3A_574, %get3A_575] {strides = array<i32>} : memref<128x32xf32, #tpu.memory_space<vmem>>, vector<16xf32>,
      tpu.vector_store_idx %arg8[%select_n3A, %select_n3A_45, %broadcast_in_dim3A_568], %get3A_572 : memref<4x8x129xf32, #tpu.memory_space<vmem>>[vector<16xi32>, vector<16xi32>, vector<16xi32>], vector<16xf32>,
      tpu.vector_store_idx %arg8[%select_n3A_79, %select_n3A_101, %broadcast_in_dim3A_568], %get3A_576 : memref<4x8x129xf32, #tpu.memory_space<vmem>>[vector<16xi32>, vector<16xi32>, vector<16xi32>], vector<16xf32>,
      %broadcast_in_dim3A_577 = arith.constant 32 : i32
      %broadcast_in_dim3A_578 = vector.broadcast %broadcast_in_dim3A_577 : i32 to vector<16xi32>
      %get3A_579 = arith.constant 32 : i32
      %get3A_580 = arith.index_cast %get3A_579 : i32 to index
      %get3A_581 = arith.constant 0 : index
      %get3A_582 = tpu.vector_load %arg6[%get3A_580, %get3A_581] {strides = array<i32>} : memref<128x32xf32, #tpu.memory_space<vmem>>, vector<16xf32>,
      %get3A_583 = arith.constant 32 : i32
      %get3A_584 = arith.index_cast %get3A_583 : i32 to index
      %get3A_585 = arith.constant 16 : index
      %get3A_586 = tpu.vector_load %arg6[%get3A_584, %get3A_585] {strides = array<i32>} : memref<128x32xf32, #tpu.memory_space<vmem>>, vector<16xf32>,
      tpu.vector_store_idx %arg8[%select_n3A, %select_n3A_45, %broadcast_in_dim3A_578], %get3A_582 : memref<4x8x129xf32, #tpu.memory_space<vmem>>[vector<16xi32>, vector<16xi32>, vector<16xi32>], vector<16xf32>,
      tpu.vector_store_idx %arg8[%select_n3A_79, %select_n3A_101, %broadcast_in_dim3A_578], %get3A_586 : memref<4x8x129xf32, #tpu.memory_space<vmem>>[vector<16xi32>, vector<16xi32>, vector<16xi32>], vector<16xf32>,
      %broadcast_in_dim3A_587 = arith.constant 33 : i32
      %broadcast_in_dim3A_588 = vector.broadcast %broadcast_in_dim3A_587 : i32 to vector<16xi32>
      %get3A_589 = arith.constant 33 : i32
      %get3A_590 = arith.index_cast %get3A_589 : i32 to index
      %get3A_591 = arith.constant 0 : index
      %get3A_592 = tpu.vector_load %arg6[%get3A_590, %get3A_591] {strides = array<i32>} : memref<128x32xf32, #tpu.memory_space<vmem>>, vector<16xf32>,
      %get3A_593 = arith.constant 33 : i32
      %get3A_594 = arith.index_cast %get3A_593 : i32 to index
      %get3A_595 = arith.constant 16 : index
      %get3A_596 = tpu.vector_load %arg6[%get3A_594, %get3A_595] {strides = array<i32>} : memref<128x32xf32, #tpu.memory_space<vmem>>, vector<16xf32>,
      tpu.vector_store_idx %arg8[%select_n3A, %select_n3A_45, %broadcast_in_dim3A_588], %get3A_592 : memref<4x8x129xf32, #tpu.memory_space<vmem>>[vector<16xi32>, vector<16xi32>, vector<16xi32>], vector<16xf32>,
      tpu.vector_store_idx %arg8[%select_n3A_79, %select_n3A_101, %broadcast_in_dim3A_588], %get3A_596 : memref<4x8x129xf32, #tpu.memory_space<vmem>>[vector<16xi32>, vector<16xi32>, vector<16xi32>], vector<16xf32>,
      %broadcast_in_dim3A_597 = arith.constant 34 : i32
      %broadcast_in_dim3A_598 = vector.broadcast %broadcast_in_dim3A_597 : i32 to vector<16xi32>
      %get3A_599 = arith.constant 34 : i32
      %get3A_600 = arith.index_cast %get3A_599 : i32 to index
      %get3A_601 = arith.constant 0 : index
      %get3A_602 = tpu.vector_load %arg6[%get3A_600, %get3A_601] {strides = array<i32>} : memref<128x32xf32, #tpu.memory_space<vmem>>, vector<16xf32>,
      %get3A_603 = arith.constant 34 : i32
      %get3A_604 = arith.index_cast %get3A_603 : i32 to index
      %get3A_605 = arith.constant 16 : index
      %get3A_606 = tpu.vector_load %arg6[%get3A_604, %get3A_605] {strides = array<i32>} : memref<128x32xf32, #tpu.memory_space<vmem>>, vector<16xf32>,
      tpu.vector_store_idx %arg8[%select_n3A, %select_n3A_45, %broadcast_in_dim3A_598], %get3A_602 : memref<4x8x129xf32, #tpu.memory_space<vmem>>[vector<16xi32>, vector<16xi32>, vector<16xi32>], vector<16xf32>,
      tpu.vector_store_idx %arg8[%select_n3A_79, %select_n3A_101, %broadcast_in_dim3A_598], %get3A_606 : memref<4x8x129xf32, #tpu.memory_space<vmem>>[vector<16xi32>, vector<16xi32>, vector<16xi32>], vector<16xf32>,
      %broadcast_in_dim3A_607 = arith.constant 35 : i32
      %broadcast_in_dim3A_608 = vector.broadcast %broadcast_in_dim3A_607 : i32 to vector<16xi32>
      %get3A_609 = arith.constant 35 : i32
      %get3A_610 = arith.index_cast %get3A_609 : i32 to index
      %get3A_611 = arith.constant 0 : index
      %get3A_612 = tpu.vector_load %arg6[%get3A_610, %get3A_611] {strides = array<i32>} : memref<128x32xf32, #tpu.memory_space<vmem>>, vector<16xf32>,
      %get3A_613 = arith.constant 35 : i32
      %get3A_614 = arith.index_cast %get3A_613 : i32 to index
      %get3A_615 = arith.constant 16 : index
      %get3A_616 = tpu.vector_load %arg6[%get3A_614, %get3A_615] {strides = array<i32>} : memref<128x32xf32, #tpu.memory_space<vmem>>, vector<16xf32>,
      tpu.vector_store_idx %arg8[%select_n3A, %select_n3A_45, %broadcast_in_dim3A_608], %get3A_612 : memref<4x8x129xf32, #tpu.memory_space<vmem>>[vector<16xi32>, vector<16xi32>, vector<16xi32>], vector<16xf32>,
      tpu.vector_store_idx %arg8[%select_n3A_79, %select_n3A_101, %broadcast_in_dim3A_608], %get3A_616 : memref<4x8x129xf32, #tpu.memory_space<vmem>>[vector<16xi32>, vector<16xi32>, vector<16xi32>], vector<16xf32>,
      %broadcast_in_dim3A_617 = arith.constant 36 : i32
      %broadcast_in_dim3A_618 = vector.broadcast %broadcast_in_dim3A_617 : i32 to vector<16xi32>
      %get3A_619 = arith.constant 36 : i32
      %get3A_620 = arith.index_cast %get3A_619 : i32 to index
      %get3A_621 = arith.constant 0 : index
      %get3A_622 = tpu.vector_load %arg6[%get3A_620, %get3A_621] {strides = array<i32>} : memref<128x32xf32, #tpu.memory_space<vmem>>, vector<16xf32>,
      %get3A_623 = arith.constant 36 : i32
      %get3A_624 = arith.index_cast %get3A_623 : i32 to index
      %get3A_625 = arith.constant 16 : index
      %get3A_626 = tpu.vector_load %arg6[%get3A_624, %get3A_625] {strides = array<i32>} : memref<128x32xf32, #tpu.memory_space<vmem>>, vector<16xf32>,
      tpu.vector_store_idx %arg8[%select_n3A, %select_n3A_45, %broadcast_in_dim3A_618], %get3A_622 : memref<4x8x129xf32, #tpu.memory_space<vmem>>[vector<16xi32>, vector<16xi32>, vector<16xi32>], vector<16xf32>,
      tpu.vector_store_idx %arg8[%select_n3A_79, %select_n3A_101, %broadcast_in_dim3A_618], %get3A_626 : memref<4x8x129xf32, #tpu.memory_space<vmem>>[vector<16xi32>, vector<16xi32>, vector<16xi32>], vector<16xf32>,
      %broadcast_in_dim3A_627 = arith.constant 37 : i32
      %broadcast_in_dim3A_628 = vector.broadcast %broadcast_in_dim3A_627 : i32 to vector<16xi32>
      %get3A_629 = arith.constant 37 : i32
      %get3A_630 = arith.index_cast %get3A_629 : i32 to index
      %get3A_631 = arith.constant 0 : index
      %get3A_632 = tpu.vector_load %arg6[%get3A_630, %get3A_631] {strides = array<i32>} : memref<128x32xf32, #tpu.memory_space<vmem>>, vector<16xf32>,
      %get3A_633 = arith.constant 37 : i32
      %get3A_634 = arith.index_cast %get3A_633 : i32 to index
      %get3A_635 = arith.constant 16 : index
      %get3A_636 = tpu.vector_load %arg6[%get3A_634, %get3A_635] {strides = array<i32>} : memref<128x32xf32, #tpu.memory_space<vmem>>, vector<16xf32>,
      tpu.vector_store_idx %arg8[%select_n3A, %select_n3A_45, %broadcast_in_dim3A_628], %get3A_632 : memref<4x8x129xf32, #tpu.memory_space<vmem>>[vector<16xi32>, vector<16xi32>, vector<16xi32>], vector<16xf32>,
      tpu.vector_store_idx %arg8[%select_n3A_79, %select_n3A_101, %broadcast_in_dim3A_628], %get3A_636 : memref<4x8x129xf32, #tpu.memory_space<vmem>>[vector<16xi32>, vector<16xi32>, vector<16xi32>], vector<16xf32>,
      %broadcast_in_dim3A_637 = arith.constant 38 : i32
      %broadcast_in_dim3A_638 = vector.broadcast %broadcast_in_dim3A_637 : i32 to vector<16xi32>
      %get3A_639 = arith.constant 38 : i32
      %get3A_640 = arith.index_cast %get3A_639 : i32 to index
      %get3A_641 = arith.constant 0 : index
      %get3A_642 = tpu.vector_load %arg6[%get3A_640, %get3A_641] {strides = array<i32>} : memref<128x32xf32, #tpu.memory_space<vmem>>, vector<16xf32>,
      %get3A_643 = arith.constant 38 : i32
      %get3A_644 = arith.index_cast %get3A_643 : i32 to index
      %get3A_645 = arith.constant 16 : index
      %get3A_646 = tpu.vector_load %arg6[%get3A_644, %get3A_645] {strides = array<i32>} : memref<128x32xf32, #tpu.memory_space<vmem>>, vector<16xf32>,
      tpu.vector_store_idx %arg8[%select_n3A, %select_n3A_45, %broadcast_in_dim3A_638], %get3A_642 : memref<4x8x129xf32, #tpu.memory_space<vmem>>[vector<16xi32>, vector<16xi32>, vector<16xi32>], vector<16xf32>,
      tpu.vector_store_idx %arg8[%select_n3A_79, %select_n3A_101, %broadcast_in_dim3A_638], %get3A_646 : memref<4x8x129xf32, #tpu.memory_space<vmem>>[vector<16xi32>, vector<16xi32>, vector<16xi32>], vector<16xf32>,
      %broadcast_in_dim3A_647 = arith.constant 39 : i32
      %broadcast_in_dim3A_648 = vector.broadcast %broadcast_in_dim3A_647 : i32 to vector<16xi32>
      %get3A_649 = arith.constant 39 : i32
      %get3A_650 = arith.index_cast %get3A_649 : i32 to index
      %get3A_651 = arith.constant 0 : index
      %get3A_652 = tpu.vector_load %arg6[%get3A_650, %get3A_651] {strides = array<i32>} : memref<128x32xf32, #tpu.memory_space<vmem>>, vector<16xf32>,
      %get3A_653 = arith.constant 39 : i32
      %get3A_654 = arith.index_cast %get3A_653 : i32 to index
      %get3A_655 = arith.constant 16 : index
      %get3A_656 = tpu.vector_load %arg6[%get3A_654, %get3A_655] {strides = array<i32>} : memref<128x32xf32, #tpu.memory_space<vmem>>, vector<16xf32>,
      tpu.vector_store_idx %arg8[%select_n3A, %select_n3A_45, %broadcast_in_dim3A_648], %get3A_652 : memref<4x8x129xf32, #tpu.memory_space<vmem>>[vector<16xi32>, vector<16xi32>, vector<16xi32>], vector<16xf32>,
      tpu.vector_store_idx %arg8[%select_n3A_79, %select_n3A_101, %broadcast_in_dim3A_648], %get3A_656 : memref<4x8x129xf32, #tpu.memory_space<vmem>>[vector<16xi32>, vector<16xi32>, vector<16xi32>], vector<16xf32>,
      %broadcast_in_dim3A_657 = arith.constant 40 : i32
      %broadcast_in_dim3A_658 = vector.broadcast %broadcast_in_dim3A_657 : i32 to vector<16xi32>
      %get3A_659 = arith.constant 40 : i32
      %get3A_660 = arith.index_cast %get3A_659 : i32 to index
      %get3A_661 = arith.constant 0 : index
      %get3A_662 = tpu.vector_load %arg6[%get3A_660, %get3A_661] {strides = array<i32>} : memref<128x32xf32, #tpu.memory_space<vmem>>, vector<16xf32>,
      %get3A_663 = arith.constant 40 : i32
      %get3A_664 = arith.index_cast %get3A_663 : i32 to index
      %get3A_665 = arith.constant 16 : index
      %get3A_666 = tpu.vector_load %arg6[%get3A_664, %get3A_665] {strides = array<i32>} : memref<128x32xf32, #tpu.memory_space<vmem>>, vector<16xf32>,
      tpu.vector_store_idx %arg8[%select_n3A, %select_n3A_45, %broadcast_in_dim3A_658], %get3A_662 : memref<4x8x129xf32, #tpu.memory_space<vmem>>[vector<16xi32>, vector<16xi32>, vector<16xi32>], vector<16xf32>,
      tpu.vector_store_idx %arg8[%select_n3A_79, %select_n3A_101, %broadcast_in_dim3A_658], %get3A_666 : memref<4x8x129xf32, #tpu.memory_space<vmem>>[vector<16xi32>, vector<16xi32>, vector<16xi32>], vector<16xf32>,
      %broadcast_in_dim3A_667 = arith.constant 41 : i32
      %broadcast_in_dim3A_668 = vector.broadcast %broadcast_in_dim3A_667 : i32 to vector<16xi32>
      %get3A_669 = arith.constant 41 : i32
      %get3A_670 = arith.index_cast %get3A_669 : i32 to index
      %get3A_671 = arith.constant 0 : index
      %get3A_672 = tpu.vector_load %arg6[%get3A_670, %get3A_671] {strides = array<i32>} : memref<128x32xf32, #tpu.memory_space<vmem>>, vector<16xf32>,
      %get3A_673 = arith.constant 41 : i32
      %get3A_674 = arith.index_cast %get3A_673 : i32 to index
      %get3A_675 = arith.constant 16 : index
      %get3A_676 = tpu.vector_load %arg6[%get3A_674, %get3A_675] {strides = array<i32>} : memref<128x32xf32, #tpu.memory_space<vmem>>, vector<16xf32>,
      tpu.vector_store_idx %arg8[%select_n3A, %select_n3A_45, %broadcast_in_dim3A_668], %get3A_672 : memref<4x8x129xf32, #tpu.memory_space<vmem>>[vector<16xi32>, vector<16xi32>, vector<16xi32>], vector<16xf32>,
      tpu.vector_store_idx %arg8[%select_n3A_79, %select_n3A_101, %broadcast_in_dim3A_668], %get3A_676 : memref<4x8x129xf32, #tpu.memory_space<vmem>>[vector<16xi32>, vector<16xi32>, vector<16xi32>], vector<16xf32>,
      %broadcast_in_dim3A_677 = arith.constant 42 : i32
      %broadcast_in_dim3A_678 = vector.broadcast %broadcast_in_dim3A_677 : i32 to vector<16xi32>
      %get3A_679 = arith.constant 42 : i32
      %get3A_680 = arith.index_cast %get3A_679 : i32 to index
      %get3A_681 = arith.constant 0 : index
      %get3A_682 = tpu.vector_load %arg6[%get3A_680, %get3A_681] {strides = array<i32>} : memref<128x32xf32, #tpu.memory_space<vmem>>, vector<16xf32>,
      %get3A_683 = arith.constant 42 : i32
      %get3A_684 = arith.index_cast %get3A_683 : i32 to index
      %get3A_685 = arith.constant 16 : index
      %get3A_686 = tpu.vector_load %arg6[%get3A_684, %get3A_685] {strides = array<i32>} : memref<128x32xf32, #tpu.memory_space<vmem>>, vector<16xf32>,
      tpu.vector_store_idx %arg8[%select_n3A, %select_n3A_45, %broadcast_in_dim3A_678], %get3A_682 : memref<4x8x129xf32, #tpu.memory_space<vmem>>[vector<16xi32>, vector<16xi32>, vector<16xi32>], vector<16xf32>,
      tpu.vector_store_idx %arg8[%select_n3A_79, %select_n3A_101, %broadcast_in_dim3A_678], %get3A_686 : memref<4x8x129xf32, #tpu.memory_space<vmem>>[vector<16xi32>, vector<16xi32>, vector<16xi32>], vector<16xf32>,
      %broadcast_in_dim3A_687 = arith.constant 43 : i32
      %broadcast_in_dim3A_688 = vector.broadcast %broadcast_in_dim3A_687 : i32 to vector<16xi32>
      %get3A_689 = arith.constant 43 : i32
      %get3A_690 = arith.index_cast %get3A_689 : i32 to index
      %get3A_691 = arith.constant 0 : index
      %get3A_692 = tpu.vector_load %arg6[%get3A_690, %get3A_691] {strides = array<i32>} : memref<128x32xf32, #tpu.memory_space<vmem>>, vector<16xf32>,
      %get3A_693 = arith.constant 43 : i32
      %get3A_694 = arith.index_cast %get3A_693 : i32 to index
      %get3A_695 = arith.constant 16 : index
      %get3A_696 = tpu.vector_load %arg6[%get3A_694, %get3A_695] {strides = array<i32>} : memref<128x32xf32, #tpu.memory_space<vmem>>, vector<16xf32>,
      tpu.vector_store_idx %arg8[%select_n3A, %select_n3A_45, %broadcast_in_dim3A_688], %get3A_692 : memref<4x8x129xf32, #tpu.memory_space<vmem>>[vector<16xi32>, vector<16xi32>, vector<16xi32>], vector<16xf32>,
      tpu.vector_store_idx %arg8[%select_n3A_79, %select_n3A_101, %broadcast_in_dim3A_688], %get3A_696 : memref<4x8x129xf32, #tpu.memory_space<vmem>>[vector<16xi32>, vector<16xi32>, vector<16xi32>], vector<16xf32>,
      %broadcast_in_dim3A_697 = arith.constant 44 : i32
      %broadcast_in_dim3A_698 = vector.broadcast %broadcast_in_dim3A_697 : i32 to vector<16xi32>
      %get3A_699 = arith.constant 44 : i32
      %get3A_700 = arith.index_cast %get3A_699 : i32 to index
      %get3A_701 = arith.constant 0 : index
      %get3A_702 = tpu.vector_load %arg6[%get3A_700, %get3A_701] {strides = array<i32>} : memref<128x32xf32, #tpu.memory_space<vmem>>, vector<16xf32>,
      %get3A_703 = arith.constant 44 : i32
      %get3A_704 = arith.index_cast %get3A_703 : i32 to index
      %get3A_705 = arith.constant 16 : index
      %get3A_706 = tpu.vector_load %arg6[%get3A_704, %get3A_705] {strides = array<i32>} : memref<128x32xf32, #tpu.memory_space<vmem>>, vector<16xf32>,
      tpu.vector_store_idx %arg8[%select_n3A, %select_n3A_45, %broadcast_in_dim3A_698], %get3A_702 : memref<4x8x129xf32, #tpu.memory_space<vmem>>[vector<16xi32>, vector<16xi32>, vector<16xi32>], vector<16xf32>,
      tpu.vector_store_idx %arg8[%select_n3A_79, %select_n3A_101, %broadcast_in_dim3A_698], %get3A_706 : memref<4x8x129xf32, #tpu.memory_space<vmem>>[vector<16xi32>, vector<16xi32>, vector<16xi32>], vector<16xf32>,
      %broadcast_in_dim3A_707 = arith.constant 45 : i32
      %broadcast_in_dim3A_708 = vector.broadcast %broadcast_in_dim3A_707 : i32 to vector<16xi32>
      %get3A_709 = arith.constant 45 : i32
      %get3A_710 = arith.index_cast %get3A_709 : i32 to index
      %get3A_711 = arith.constant 0 : index
      %get3A_712 = tpu.vector_load %arg6[%get3A_710, %get3A_711] {strides = array<i32>} : memref<128x32xf32, #tpu.memory_space<vmem>>, vector<16xf32>,
      %get3A_713 = arith.constant 45 : i32
      %get3A_714 = arith.index_cast %get3A_713 : i32 to index
      %get3A_715 = arith.constant 16 : index
      %get3A_716 = tpu.vector_load %arg6[%get3A_714, %get3A_715] {strides = array<i32>} : memref<128x32xf32, #tpu.memory_space<vmem>>, vector<16xf32>,
      tpu.vector_store_idx %arg8[%select_n3A, %select_n3A_45, %broadcast_in_dim3A_708], %get3A_712 : memref<4x8x129xf32, #tpu.memory_space<vmem>>[vector<16xi32>, vector<16xi32>, vector<16xi32>], vector<16xf32>,
      tpu.vector_store_idx %arg8[%select_n3A_79, %select_n3A_101, %broadcast_in_dim3A_708], %get3A_716 : memref<4x8x129xf32, #tpu.memory_space<vmem>>[vector<16xi32>, vector<16xi32>, vector<16xi32>], vector<16xf32>,
      %broadcast_in_dim3A_717 = arith.constant 46 : i32
      %broadcast_in_dim3A_718 = vector.broadcast %broadcast_in_dim3A_717 : i32 to vector<16xi32>
      %get3A_719 = arith.constant 46 : i32
      %get3A_720 = arith.index_cast %get3A_719 : i32 to index
      %get3A_721 = arith.constant 0 : index
      %get3A_722 = tpu.vector_load %arg6[%get3A_720, %get3A_721] {strides = array<i32>} : memref<128x32xf32, #tpu.memory_space<vmem>>, vector<16xf32>,
      %get3A_723 = arith.constant 46 : i32
      %get3A_724 = arith.index_cast %get3A_723 : i32 to index
      %get3A_725 = arith.constant 16 : index
      %get3A_726 = tpu.vector_load %arg6[%get3A_724, %get3A_725] {strides = array<i32>} : memref<128x32xf32, #tpu.memory_space<vmem>>, vector<16xf32>,
      tpu.vector_store_idx %arg8[%select_n3A, %select_n3A_45, %broadcast_in_dim3A_718], %get3A_722 : memref<4x8x129xf32, #tpu.memory_space<vmem>>[vector<16xi32>, vector<16xi32>, vector<16xi32>], vector<16xf32>,
      tpu.vector_store_idx %arg8[%select_n3A_79, %select_n3A_101, %broadcast_in_dim3A_718], %get3A_726 : memref<4x8x129xf32, #tpu.memory_space<vmem>>[vector<16xi32>, vector<16xi32>, vector<16xi32>], vector<16xf32>,
      %broadcast_in_dim3A_727 = arith.constant 47 : i32
      %broadcast_in_dim3A_728 = vector.broadcast %broadcast_in_dim3A_727 : i32 to vector<16xi32>
      %get3A_729 = arith.constant 47 : i32
      %get3A_730 = arith.index_cast %get3A_729 : i32 to index
      %get3A_731 = arith.constant 0 : index
      %get3A_732 = tpu.vector_load %arg6[%get3A_730, %get3A_731] {strides = array<i32>} : memref<128x32xf32, #tpu.memory_space<vmem>>, vector<16xf32>,
      %get3A_733 = arith.constant 47 : i32
      %get3A_734 = arith.index_cast %get3A_733 : i32 to index
      %get3A_735 = arith.constant 16 : index
      %get3A_736 = tpu.vector_load %arg6[%get3A_734, %get3A_735] {strides = array<i32>} : memref<128x32xf32, #tpu.memory_space<vmem>>, vector<16xf32>,
      tpu.vector_store_idx %arg8[%select_n3A, %select_n3A_45, %broadcast_in_dim3A_728], %get3A_732 : memref<4x8x129xf32, #tpu.memory_space<vmem>>[vector<16xi32>, vector<16xi32>, vector<16xi32>], vector<16xf32>,
      tpu.vector_store_idx %arg8[%select_n3A_79, %select_n3A_101, %broadcast_in_dim3A_728], %get3A_736 : memref<4x8x129xf32, #tpu.memory_space<vmem>>[vector<16xi32>, vector<16xi32>, vector<16xi32>], vector<16xf32>,
      %broadcast_in_dim3A_737 = arith.constant 48 : i32
      %broadcast_in_dim3A_738 = vector.broadcast %broadcast_in_dim3A_737 : i32 to vector<16xi32>
      %get3A_739 = arith.constant 48 : i32
      %get3A_740 = arith.index_cast %get3A_739 : i32 to index
      %get3A_741 = arith.constant 0 : index
      %get3A_742 = tpu.vector_load %arg6[%get3A_740, %get3A_741] {strides = array<i32>} : memref<128x32xf32, #tpu.memory_space<vmem>>, vector<16xf32>,
      %get3A_743 = arith.constant 48 : i32
      %get3A_744 = arith.index_cast %get3A_743 : i32 to index
      %get3A_745 = arith.constant 16 : index
      %get3A_746 = tpu.vector_load %arg6[%get3A_744, %get3A_745] {strides = array<i32>} : memref<128x32xf32, #tpu.memory_space<vmem>>, vector<16xf32>,
      tpu.vector_store_idx %arg8[%select_n3A, %select_n3A_45, %broadcast_in_dim3A_738], %get3A_742 : memref<4x8x129xf32, #tpu.memory_space<vmem>>[vector<16xi32>, vector<16xi32>, vector<16xi32>], vector<16xf32>,
      tpu.vector_store_idx %arg8[%select_n3A_79, %select_n3A_101, %broadcast_in_dim3A_738], %get3A_746 : memref<4x8x129xf32, #tpu.memory_space<vmem>>[vector<16xi32>, vector<16xi32>, vector<16xi32>], vector<16xf32>,
      %broadcast_in_dim3A_747 = arith.constant 49 : i32
      %broadcast_in_dim3A_748 = vector.broadcast %broadcast_in_dim3A_747 : i32 to vector<16xi32>
      %get3A_749 = arith.constant 49 : i32
      %get3A_750 = arith.index_cast %get3A_749 : i32 to index
      %get3A_751 = arith.constant 0 : index
      %get3A_752 = tpu.vector_load %arg6[%get3A_750, %get3A_751] {strides = array<i32>} : memref<128x32xf32, #tpu.memory_space<vmem>>, vector<16xf32>,
      %get3A_753 = arith.constant 49 : i32
      %get3A_754 = arith.index_cast %get3A_753 : i32 to index
      %get3A_755 = arith.constant 16 : index
      %get3A_756 = tpu.vector_load %arg6[%get3A_754, %get3A_755] {strides = array<i32>} : memref<128x32xf32, #tpu.memory_space<vmem>>, vector<16xf32>,
      tpu.vector_store_idx %arg8[%select_n3A, %select_n3A_45, %broadcast_in_dim3A_748], %get3A_752 : memref<4x8x129xf32, #tpu.memory_space<vmem>>[vector<16xi32>, vector<16xi32>, vector<16xi32>], vector<16xf32>,
      tpu.vector_store_idx %arg8[%select_n3A_79, %select_n3A_101, %broadcast_in_dim3A_748], %get3A_756 : memref<4x8x129xf32, #tpu.memory_space<vmem>>[vector<16xi32>, vector<16xi32>, vector<16xi32>], vector<16xf32>,
      %broadcast_in_dim3A_757 = arith.constant 50 : i32
      %broadcast_in_dim3A_758 = vector.broadcast %broadcast_in_dim3A_757 : i32 to vector<16xi32>
      %get3A_759 = arith.constant 50 : i32
      %get3A_760 = arith.index_cast %get3A_759 : i32 to index
      %get3A_761 = arith.constant 0 : index
      %get3A_762 = tpu.vector_load %arg6[%get3A_760, %get3A_761] {strides = array<i32>} : memref<128x32xf32, #tpu.memory_space<vmem>>, vector<16xf32>,
      %get3A_763 = arith.constant 50 : i32
      %get3A_764 = arith.index_cast %get3A_763 : i32 to index
      %get3A_765 = arith.constant 16 : index
      %get3A_766 = tpu.vector_load %arg6[%get3A_764, %get3A_765] {strides = array<i32>} : memref<128x32xf32, #tpu.memory_space<vmem>>, vector<16xf32>,
      tpu.vector_store_idx %arg8[%select_n3A, %select_n3A_45, %broadcast_in_dim3A_758], %get3A_762 : memref<4x8x129xf32, #tpu.memory_space<vmem>>[vector<16xi32>, vector<16xi32>, vector<16xi32>], vector<16xf32>,
      tpu.vector_store_idx %arg8[%select_n3A_79, %select_n3A_101, %broadcast_in_dim3A_758], %get3A_766 : memref<4x8x129xf32, #tpu.memory_space<vmem>>[vector<16xi32>, vector<16xi32>, vector<16xi32>], vector<16xf32>,
      %broadcast_in_dim3A_767 = arith.constant 51 : i32
      %broadcast_in_dim3A_768 = vector.broadcast %broadcast_in_dim3A_767 : i32 to vector<16xi32>
      %get3A_769 = arith.constant 51 : i32
      %get3A_770 = arith.index_cast %get3A_769 : i32 to index
      %get3A_771 = arith.constant 0 : index
      %get3A_772 = tpu.vector_load %arg6[%get3A_770, %get3A_771] {strides = array<i32>} : memref<128x32xf32, #tpu.memory_space<vmem>>, vector<16xf32>,
      %get3A_773 = arith.constant 51 : i32
      %get3A_774 = arith.index_cast %get3A_773 : i32 to index
      %get3A_775 = arith.constant 16 : index
      %get3A_776 = tpu.vector_load %arg6[%get3A_774, %get3A_775] {strides = array<i32>} : memref<128x32xf32, #tpu.memory_space<vmem>>, vector<16xf32>,
      tpu.vector_store_idx %arg8[%select_n3A, %select_n3A_45, %broadcast_in_dim3A_768], %get3A_772 : memref<4x8x129xf32, #tpu.memory_space<vmem>>[vector<16xi32>, vector<16xi32>, vector<16xi32>], vector<16xf32>,
      tpu.vector_store_idx %arg8[%select_n3A_79, %select_n3A_101, %broadcast_in_dim3A_768], %get3A_776 : memref<4x8x129xf32, #tpu.memory_space<vmem>>[vector<16xi32>, vector<16xi32>, vector<16xi32>], vector<16xf32>,
      %broadcast_in_dim3A_777 = arith.constant 52 : i32
      %broadcast_in_dim3A_778 = vector.broadcast %broadcast_in_dim3A_777 : i32 to vector<16xi32>
      %get3A_779 = arith.constant 52 : i32
      %get3A_780 = arith.index_cast %get3A_779 : i32 to index
      %get3A_781 = arith.constant 0 : index
      %get3A_782 = tpu.vector_load %arg6[%get3A_780, %get3A_781] {strides = array<i32>} : memref<128x32xf32, #tpu.memory_space<vmem>>, vector<16xf32>,
      %get3A_783 = arith.constant 52 : i32
      %get3A_784 = arith.index_cast %get3A_783 : i32 to index
      %get3A_785 = arith.constant 16 : index
      %get3A_786 = tpu.vector_load %arg6[%get3A_784, %get3A_785] {strides = array<i32>} : memref<128x32xf32, #tpu.memory_space<vmem>>, vector<16xf32>,
      tpu.vector_store_idx %arg8[%select_n3A, %select_n3A_45, %broadcast_in_dim3A_778], %get3A_782 : memref<4x8x129xf32, #tpu.memory_space<vmem>>[vector<16xi32>, vector<16xi32>, vector<16xi32>], vector<16xf32>,
      tpu.vector_store_idx %arg8[%select_n3A_79, %select_n3A_101, %broadcast_in_dim3A_778], %get3A_786 : memref<4x8x129xf32, #tpu.memory_space<vmem>>[vector<16xi32>, vector<16xi32>, vector<16xi32>], vector<16xf32>,
      %broadcast_in_dim3A_787 = arith.constant 53 : i32
      %broadcast_in_dim3A_788 = vector.broadcast %broadcast_in_dim3A_787 : i32 to vector<16xi32>
      %get3A_789 = arith.constant 53 : i32
      %get3A_790 = arith.index_cast %get3A_789 : i32 to index
      %get3A_791 = arith.constant 0 : index
      %get3A_792 = tpu.vector_load %arg6[%get3A_790, %get3A_791] {strides = array<i32>} : memref<128x32xf32, #tpu.memory_space<vmem>>, vector<16xf32>,
      %get3A_793 = arith.constant 53 : i32
      %get3A_794 = arith.index_cast %get3A_793 : i32 to index
      %get3A_795 = arith.constant 16 : index
      %get3A_796 = tpu.vector_load %arg6[%get3A_794, %get3A_795] {strides = array<i32>} : memref<128x32xf32, #tpu.memory_space<vmem>>, vector<16xf32>,
      tpu.vector_store_idx %arg8[%select_n3A, %select_n3A_45, %broadcast_in_dim3A_788], %get3A_792 : memref<4x8x129xf32, #tpu.memory_space<vmem>>[vector<16xi32>, vector<16xi32>, vector<16xi32>], vector<16xf32>,
      tpu.vector_store_idx %arg8[%select_n3A_79, %select_n3A_101, %broadcast_in_dim3A_788], %get3A_796 : memref<4x8x129xf32, #tpu.memory_space<vmem>>[vector<16xi32>, vector<16xi32>, vector<16xi32>], vector<16xf32>,
      %broadcast_in_dim3A_797 = arith.constant 54 : i32
      %broadcast_in_dim3A_798 = vector.broadcast %broadcast_in_dim3A_797 : i32 to vector<16xi32>
      %get3A_799 = arith.constant 54 : i32
      %get3A_800 = arith.index_cast %get3A_799 : i32 to index
      %get3A_801 = arith.constant 0 : index
      %get3A_802 = tpu.vector_load %arg6[%get3A_800, %get3A_801] {strides = array<i32>} : memref<128x32xf32, #tpu.memory_space<vmem>>, vector<16xf32>,
      %get3A_803 = arith.constant 54 : i32
      %get3A_804 = arith.index_cast %get3A_803 : i32 to index
      %get3A_805 = arith.constant 16 : index
      %get3A_806 = tpu.vector_load %arg6[%get3A_804, %get3A_805] {strides = array<i32>} : memref<128x32xf32, #tpu.memory_space<vmem>>, vector<16xf32>,
      tpu.vector_store_idx %arg8[%select_n3A, %select_n3A_45, %broadcast_in_dim3A_798], %get3A_802 : memref<4x8x129xf32, #tpu.memory_space<vmem>>[vector<16xi32>, vector<16xi32>, vector<16xi32>], vector<16xf32>,
      tpu.vector_store_idx %arg8[%select_n3A_79, %select_n3A_101, %broadcast_in_dim3A_798], %get3A_806 : memref<4x8x129xf32, #tpu.memory_space<vmem>>[vector<16xi32>, vector<16xi32>, vector<16xi32>], vector<16xf32>,
      %broadcast_in_dim3A_807 = arith.constant 55 : i32
      %broadcast_in_dim3A_808 = vector.broadcast %broadcast_in_dim3A_807 : i32 to vector<16xi32>
      %get3A_809 = arith.constant 55 : i32
      %get3A_810 = arith.index_cast %get3A_809 : i32 to index
      %get3A_811 = arith.constant 0 : index
      %get3A_812 = tpu.vector_load %arg6[%get3A_810, %get3A_811] {strides = array<i32>} : memref<128x32xf32, #tpu.memory_space<vmem>>, vector<16xf32>,
      %get3A_813 = arith.constant 55 : i32
      %get3A_814 = arith.index_cast %get3A_813 : i32 to index
      %get3A_815 = arith.constant 16 : index
      %get3A_816 = tpu.vector_load %arg6[%get3A_814, %get3A_815] {strides = array<i32>} : memref<128x32xf32, #tpu.memory_space<vmem>>, vector<16xf32>,
      tpu.vector_store_idx %arg8[%select_n3A, %select_n3A_45, %broadcast_in_dim3A_808], %get3A_812 : memref<4x8x129xf32, #tpu.memory_space<vmem>>[vector<16xi32>, vector<16xi32>, vector<16xi32>], vector<16xf32>,
      tpu.vector_store_idx %arg8[%select_n3A_79, %select_n3A_101, %broadcast_in_dim3A_808], %get3A_816 : memref<4x8x129xf32, #tpu.memory_space<vmem>>[vector<16xi32>, vector<16xi32>, vector<16xi32>], vector<16xf32>,
      %broadcast_in_dim3A_817 = arith.constant 56 : i32
      %broadcast_in_dim3A_818 = vector.broadcast %broadcast_in_dim3A_817 : i32 to vector<16xi32>
      %get3A_819 = arith.constant 56 : i32
      %get3A_820 = arith.index_cast %get3A_819 : i32 to index
      %get3A_821 = arith.constant 0 : index
      %get3A_822 = tpu.vector_load %arg6[%get3A_820, %get3A_821] {strides = array<i32>} : memref<128x32xf32, #tpu.memory_space<vmem>>, vector<16xf32>,
      %get3A_823 = arith.constant 56 : i32
      %get3A_824 = arith.index_cast %get3A_823 : i32 to index
      %get3A_825 = arith.constant 16 : index
      %get3A_826 = tpu.vector_load %arg6[%get3A_824, %get3A_825] {strides = array<i32>} : memref<128x32xf32, #tpu.memory_space<vmem>>, vector<16xf32>,
      tpu.vector_store_idx %arg8[%select_n3A, %select_n3A_45, %broadcast_in_dim3A_818], %get3A_822 : memref<4x8x129xf32, #tpu.memory_space<vmem>>[vector<16xi32>, vector<16xi32>, vector<16xi32>], vector<16xf32>,
      tpu.vector_store_idx %arg8[%select_n3A_79, %select_n3A_101, %broadcast_in_dim3A_818], %get3A_826 : memref<4x8x129xf32, #tpu.memory_space<vmem>>[vector<16xi32>, vector<16xi32>, vector<16xi32>], vector<16xf32>,
      %broadcast_in_dim3A_827 = arith.constant 57 : i32
      %broadcast_in_dim3A_828 = vector.broadcast %broadcast_in_dim3A_827 : i32 to vector<16xi32>
      %get3A_829 = arith.constant 57 : i32
      %get3A_830 = arith.index_cast %get3A_829 : i32 to index
      %get3A_831 = arith.constant 0 : index
      %get3A_832 = tpu.vector_load %arg6[%get3A_830, %get3A_831] {strides = array<i32>} : memref<128x32xf32, #tpu.memory_space<vmem>>, vector<16xf32>,
      %get3A_833 = arith.constant 57 : i32
      %get3A_834 = arith.index_cast %get3A_833 : i32 to index
      %get3A_835 = arith.constant 16 : index
      %get3A_836 = tpu.vector_load %arg6[%get3A_834, %get3A_835] {strides = array<i32>} : memref<128x32xf32, #tpu.memory_space<vmem>>, vector<16xf32>,
      tpu.vector_store_idx %arg8[%select_n3A, %select_n3A_45, %broadcast_in_dim3A_828], %get3A_832 : memref<4x8x129xf32, #tpu.memory_space<vmem>>[vector<16xi32>, vector<16xi32>, vector<16xi32>], vector<16xf32>,
      tpu.vector_store_idx %arg8[%select_n3A_79, %select_n3A_101, %broadcast_in_dim3A_828], %get3A_836 : memref<4x8x129xf32, #tpu.memory_space<vmem>>[vector<16xi32>, vector<16xi32>, vector<16xi32>], vector<16xf32>,
      %broadcast_in_dim3A_837 = arith.constant 58 : i32
      %broadcast_in_dim3A_838 = vector.broadcast %broadcast_in_dim3A_837 : i32 to vector<16xi32>
      %get3A_839 = arith.constant 58 : i32
      %get3A_840 = arith.index_cast %get3A_839 : i32 to index
      %get3A_841 = arith.constant 0 : index
      %get3A_842 = tpu.vector_load %arg6[%get3A_840, %get3A_841] {strides = array<i32>} : memref<128x32xf32, #tpu.memory_space<vmem>>, vector<16xf32>,
      %get3A_843 = arith.constant 58 : i32
      %get3A_844 = arith.index_cast %get3A_843 : i32 to index
      %get3A_845 = arith.constant 16 : index
      %get3A_846 = tpu.vector_load %arg6[%get3A_844, %get3A_845] {strides = array<i32>} : memref<128x32xf32, #tpu.memory_space<vmem>>, vector<16xf32>,
      tpu.vector_store_idx %arg8[%select_n3A, %select_n3A_45, %broadcast_in_dim3A_838], %get3A_842 : memref<4x8x129xf32, #tpu.memory_space<vmem>>[vector<16xi32>, vector<16xi32>, vector<16xi32>], vector<16xf32>,
      tpu.vector_store_idx %arg8[%select_n3A_79, %select_n3A_101, %broadcast_in_dim3A_838], %get3A_846 : memref<4x8x129xf32, #tpu.memory_space<vmem>>[vector<16xi32>, vector<16xi32>, vector<16xi32>], vector<16xf32>,
      %broadcast_in_dim3A_847 = arith.constant 59 : i32
      %broadcast_in_dim3A_848 = vector.broadcast %broadcast_in_dim3A_847 : i32 to vector<16xi32>
      %get3A_849 = arith.constant 59 : i32
      %get3A_850 = arith.index_cast %get3A_849 : i32 to index
      %get3A_851 = arith.constant 0 : index
      %get3A_852 = tpu.vector_load %arg6[%get3A_850, %get3A_851] {strides = array<i32>} : memref<128x32xf32, #tpu.memory_space<vmem>>, vector<16xf32>,
      %get3A_853 = arith.constant 59 : i32
      %get3A_854 = arith.index_cast %get3A_853 : i32 to index
      %get3A_855 = arith.constant 16 : index
      %get3A_856 = tpu.vector_load %arg6[%get3A_854, %get3A_855] {strides = array<i32>} : memref<128x32xf32, #tpu.memory_space<vmem>>, vector<16xf32>,
      tpu.vector_store_idx %arg8[%select_n3A, %select_n3A_45, %broadcast_in_dim3A_848], %get3A_852 : memref<4x8x129xf32, #tpu.memory_space<vmem>>[vector<16xi32>, vector<16xi32>, vector<16xi32>], vector<16xf32>,
      tpu.vector_store_idx %arg8[%select_n3A_79, %select_n3A_101, %broadcast_in_dim3A_848], %get3A_856 : memref<4x8x129xf32, #tpu.memory_space<vmem>>[vector<16xi32>, vector<16xi32>, vector<16xi32>], vector<16xf32>,
      %broadcast_in_dim3A_857 = arith.constant 60 : i32
      %broadcast_in_dim3A_858 = vector.broadcast %broadcast_in_dim3A_857 : i32 to vector<16xi32>
      %get3A_859 = arith.constant 60 : i32
      %get3A_860 = arith.index_cast %get3A_859 : i32 to index
      %get3A_861 = arith.constant 0 : index
      %get3A_862 = tpu.vector_load %arg6[%get3A_860, %get3A_861] {strides = array<i32>} : memref<128x32xf32, #tpu.memory_space<vmem>>, vector<16xf32>,
      %get3A_863 = arith.constant 60 : i32
      %get3A_864 = arith.index_cast %get3A_863 : i32 to index
      %get3A_865 = arith.constant 16 : index
      %get3A_866 = tpu.vector_load %arg6[%get3A_864, %get3A_865] {strides = array<i32>} : memref<128x32xf32, #tpu.memory_space<vmem>>, vector<16xf32>,
      tpu.vector_store_idx %arg8[%select_n3A, %select_n3A_45, %broadcast_in_dim3A_858], %get3A_862 : memref<4x8x129xf32, #tpu.memory_space<vmem>>[vector<16xi32>, vector<16xi32>, vector<16xi32>], vector<16xf32>,
      tpu.vector_store_idx %arg8[%select_n3A_79, %select_n3A_101, %broadcast_in_dim3A_858], %get3A_866 : memref<4x8x129xf32, #tpu.memory_space<vmem>>[vector<16xi32>, vector<16xi32>, vector<16xi32>], vector<16xf32>,
      %broadcast_in_dim3A_867 = arith.constant 61 : i32
      %broadcast_in_dim3A_868 = vector.broadcast %broadcast_in_dim3A_867 : i32 to vector<16xi32>
      %get3A_869 = arith.constant 61 : i32
      %get3A_870 = arith.index_cast %get3A_869 : i32 to index
      %get3A_871 = arith.constant 0 : index
      %get3A_872 = tpu.vector_load %arg6[%get3A_870, %get3A_871] {strides = array<i32>} : memref<128x32xf32, #tpu.memory_space<vmem>>, vector<16xf32>,
      %get3A_873 = arith.constant 61 : i32
      %get3A_874 = arith.index_cast %get3A_873 : i32 to index
      %get3A_875 = arith.constant 16 : index
      %get3A_876 = tpu.vector_load %arg6[%get3A_874, %get3A_875] {strides = array<i32>} : memref<128x32xf32, #tpu.memory_space<vmem>>, vector<16xf32>,
      tpu.vector_store_idx %arg8[%select_n3A, %select_n3A_45, %broadcast_in_dim3A_868], %get3A_872 : memref<4x8x129xf32, #tpu.memory_space<vmem>>[vector<16xi32>, vector<16xi32>, vector<16xi32>], vector<16xf32>,
      tpu.vector_store_idx %arg8[%select_n3A_79, %select_n3A_101, %broadcast_in_dim3A_868], %get3A_876 : memref<4x8x129xf32, #tpu.memory_space<vmem>>[vector<16xi32>, vector<16xi32>, vector<16xi32>], vector<16xf32>,
      %broadcast_in_dim3A_877 = arith.constant 62 : i32
      %broadcast_in_dim3A_878 = vector.broadcast %broadcast_in_dim3A_877 : i32 to vector<16xi32>
      %get3A_879 = arith.constant 62 : i32
      %get3A_880 = arith.index_cast %get3A_879 : i32 to index
      %get3A_881 = arith.constant 0 : index
      %get3A_882 = tpu.vector_load %arg6[%get3A_880, %get3A_881] {strides = array<i32>} : memref<128x32xf32, #tpu.memory_space<vmem>>, vector<16xf32>,
      %get3A_883 = arith.constant 62 : i32
      %get3A_884 = arith.index_cast %get3A_883 : i32 to index
      %get3A_885 = arith.constant 16 : index
      %get3A_886 = tpu.vector_load %arg6[%get3A_884, %get3A_885] {strides = array<i32>} : memref<128x32xf32, #tpu.memory_space<vmem>>, vector<16xf32>,
      tpu.vector_store_idx %arg8[%select_n3A, %select_n3A_45, %broadcast_in_dim3A_878], %get3A_882 : memref<4x8x129xf32, #tpu.memory_space<vmem>>[vector<16xi32>, vector<16xi32>, vector<16xi32>], vector<16xf32>,
      tpu.vector_store_idx %arg8[%select_n3A_79, %select_n3A_101, %broadcast_in_dim3A_878], %get3A_886 : memref<4x8x129xf32, #tpu.memory_space<vmem>>[vector<16xi32>, vector<16xi32>, vector<16xi32>], vector<16xf32>,
      %broadcast_in_dim3A_887 = arith.constant 63 : i32
      %broadcast_in_dim3A_888 = vector.broadcast %broadcast_in_dim3A_887 : i32 to vector<16xi32>
      %get3A_889 = arith.constant 63 : i32
      %get3A_890 = arith.index_cast %get3A_889 : i32 to index
      %get3A_891 = arith.constant 0 : index
      %get3A_892 = tpu.vector_load %arg6[%get3A_890, %get3A_891] {strides = array<i32>} : memref<128x32xf32, #tpu.memory_space<vmem>>, vector<16xf32>,
      %get3A_893 = arith.constant 63 : i32
      %get3A_894 = arith.index_cast %get3A_893 : i32 to index
      %get3A_895 = arith.constant 16 : index
      %get3A_896 = tpu.vector_load %arg6[%get3A_894, %get3A_895] {strides = array<i32>} : memref<128x32xf32, #tpu.memory_space<vmem>>, vector<16xf32>,
      tpu.vector_store_idx %arg8[%select_n3A, %select_n3A_45, %broadcast_in_dim3A_888], %get3A_892 : memref<4x8x129xf32, #tpu.memory_space<vmem>>[vector<16xi32>, vector<16xi32>, vector<16xi32>], vector<16xf32>,
      tpu.vector_store_idx %arg8[%select_n3A_79, %select_n3A_101, %broadcast_in_dim3A_888], %get3A_896 : memref<4x8x129xf32, #tpu.memory_space<vmem>>[vector<16xi32>, vector<16xi32>, vector<16xi32>], vector<16xf32>,
      %broadcast_in_dim3A_897 = arith.constant 64 : i32
      %broadcast_in_dim3A_898 = vector.broadcast %broadcast_in_dim3A_897 : i32 to vector<16xi32>
      %get3A_899 = arith.constant 64 : i32
      %get3A_900 = arith.index_cast %get3A_899 : i32 to index
      %get3A_901 = arith.constant 0 : index
      %get3A_902 = tpu.vector_load %arg6[%get3A_900, %get3A_901] {strides = array<i32>} : memref<128x32xf32, #tpu.memory_space<vmem>>, vector<16xf32>,
      %get3A_903 = arith.constant 64 : i32
      %get3A_904 = arith.index_cast %get3A_903 : i32 to index
      %get3A_905 = arith.constant 16 : index
      %get3A_906 = tpu.vector_load %arg6[%get3A_904, %get3A_905] {strides = array<i32>} : memref<128x32xf32, #tpu.memory_space<vmem>>, vector<16xf32>,
      tpu.vector_store_idx %arg8[%select_n3A, %select_n3A_45, %broadcast_in_dim3A_898], %get3A_902 : memref<4x8x129xf32, #tpu.memory_space<vmem>>[vector<16xi32>, vector<16xi32>, vector<16xi32>], vector<16xf32>,
      tpu.vector_store_idx %arg8[%select_n3A_79, %select_n3A_101, %broadcast_in_dim3A_898], %get3A_906 : memref<4x8x129xf32, #tpu.memory_space<vmem>>[vector<16xi32>, vector<16xi32>, vector<16xi32>], vector<16xf32>,
      %broadcast_in_dim3A_907 = arith.constant 65 : i32
      %broadcast_in_dim3A_908 = vector.broadcast %broadcast_in_dim3A_907 : i32 to vector<16xi32>
      %get3A_909 = arith.constant 65 : i32
      %get3A_910 = arith.index_cast %get3A_909 : i32 to index
      %get3A_911 = arith.constant 0 : index
      %get3A_912 = tpu.vector_load %arg6[%get3A_910, %get3A_911] {strides = array<i32>} : memref<128x32xf32, #tpu.memory_space<vmem>>, vector<16xf32>,
      %get3A_913 = arith.constant 65 : i32
      %get3A_914 = arith.index_cast %get3A_913 : i32 to index
      %get3A_915 = arith.constant 16 : index
      %get3A_916 = tpu.vector_load %arg6[%get3A_914, %get3A_915] {strides = array<i32>} : memref<128x32xf32, #tpu.memory_space<vmem>>, vector<16xf32>,
      tpu.vector_store_idx %arg8[%select_n3A, %select_n3A_45, %broadcast_in_dim3A_908], %get3A_912 : memref<4x8x129xf32, #tpu.memory_space<vmem>>[vector<16xi32>, vector<16xi32>, vector<16xi32>], vector<16xf32>,
      tpu.vector_store_idx %arg8[%select_n3A_79, %select_n3A_101, %broadcast_in_dim3A_908], %get3A_916 : memref<4x8x129xf32, #tpu.memory_space<vmem>>[vector<16xi32>, vector<16xi32>, vector<16xi32>], vector<16xf32>,
      %broadcast_in_dim3A_917 = arith.constant 66 : i32
      %broadcast_in_dim3A_918 = vector.broadcast %broadcast_in_dim3A_917 : i32 to vector<16xi32>
      %get3A_919 = arith.constant 66 : i32
      %get3A_920 = arith.index_cast %get3A_919 : i32 to index
      %get3A_921 = arith.constant 0 : index
      %get3A_922 = tpu.vector_load %arg6[%get3A_920, %get3A_921] {strides = array<i32>} : memref<128x32xf32, #tpu.memory_space<vmem>>, vector<16xf32>,
      %get3A_923 = arith.constant 66 : i32
      %get3A_924 = arith.index_cast %get3A_923 : i32 to index
      %get3A_925 = arith.constant 16 : index
      %get3A_926 = tpu.vector_load %arg6[%get3A_924, %get3A_925] {strides = array<i32>} : memref<128x32xf32, #tpu.memory_space<vmem>>, vector<16xf32>,
      tpu.vector_store_idx %arg8[%select_n3A, %select_n3A_45, %broadcast_in_dim3A_918], %get3A_922 : memref<4x8x129xf32, #tpu.memory_space<vmem>>[vector<16xi32>, vector<16xi32>, vector<16xi32>], vector<16xf32>,
      tpu.vector_store_idx %arg8[%select_n3A_79, %select_n3A_101, %broadcast_in_dim3A_918], %get3A_926 : memref<4x8x129xf32, #tpu.memory_space<vmem>>[vector<16xi32>, vector<16xi32>, vector<16xi32>], vector<16xf32>,
      %broadcast_in_dim3A_927 = arith.constant 67 : i32
      %broadcast_in_dim3A_928 = vector.broadcast %broadcast_in_dim3A_927 : i32 to vector<16xi32>
      %get3A_929 = arith.constant 67 : i32
      %get3A_930 = arith.index_cast %get3A_929 : i32 to index
      %get3A_931 = arith.constant 0 : index
      %get3A_932 = tpu.vector_load %arg6[%get3A_930, %get3A_931] {strides = array<i32>} : memref<128x32xf32, #tpu.memory_space<vmem>>, vector<16xf32>,
      %get3A_933 = arith.constant 67 : i32
      %get3A_934 = arith.index_cast %get3A_933 : i32 to index
      %get3A_935 = arith.constant 16 : index
      %get3A_936 = tpu.vector_load %arg6[%get3A_934, %get3A_935] {strides = array<i32>} : memref<128x32xf32, #tpu.memory_space<vmem>>, vector<16xf32>,
      tpu.vector_store_idx %arg8[%select_n3A, %select_n3A_45, %broadcast_in_dim3A_928], %get3A_932 : memref<4x8x129xf32, #tpu.memory_space<vmem>>[vector<16xi32>, vector<16xi32>, vector<16xi32>], vector<16xf32>,
      tpu.vector_store_idx %arg8[%select_n3A_79, %select_n3A_101, %broadcast_in_dim3A_928], %get3A_936 : memref<4x8x129xf32, #tpu.memory_space<vmem>>[vector<16xi32>, vector<16xi32>, vector<16xi32>], vector<16xf32>,
      %broadcast_in_dim3A_937 = arith.constant 68 : i32
      %broadcast_in_dim3A_938 = vector.broadcast %broadcast_in_dim3A_937 : i32 to vector<16xi32>
      %get3A_939 = arith.constant 68 : i32
      %get3A_940 = arith.index_cast %get3A_939 : i32 to index
      %get3A_941 = arith.constant 0 : index
      %get3A_942 = tpu.vector_load %arg6[%get3A_940, %get3A_941] {strides = array<i32>} : memref<128x32xf32, #tpu.memory_space<vmem>>, vector<16xf32>,
      %get3A_943 = arith.constant 68 : i32
      %get3A_944 = arith.index_cast %get3A_943 : i32 to index
      %get3A_945 = arith.constant 16 : index
      %get3A_946 = tpu.vector_load %arg6[%get3A_944, %get3A_945] {strides = array<i32>} : memref<128x32xf32, #tpu.memory_space<vmem>>, vector<16xf32>,
      tpu.vector_store_idx %arg8[%select_n3A, %select_n3A_45, %broadcast_in_dim3A_938], %get3A_942 : memref<4x8x129xf32, #tpu.memory_space<vmem>>[vector<16xi32>, vector<16xi32>, vector<16xi32>], vector<16xf32>,
      tpu.vector_store_idx %arg8[%select_n3A_79, %select_n3A_101, %broadcast_in_dim3A_938], %get3A_946 : memref<4x8x129xf32, #tpu.memory_space<vmem>>[vector<16xi32>, vector<16xi32>, vector<16xi32>], vector<16xf32>,
      %broadcast_in_dim3A_947 = arith.constant 69 : i32
      %broadcast_in_dim3A_948 = vector.broadcast %broadcast_in_dim3A_947 : i32 to vector<16xi32>
      %get3A_949 = arith.constant 69 : i32
      %get3A_950 = arith.index_cast %get3A_949 : i32 to index
      %get3A_951 = arith.constant 0 : index
      %get3A_952 = tpu.vector_load %arg6[%get3A_950, %get3A_951] {strides = array<i32>} : memref<128x32xf32, #tpu.memory_space<vmem>>, vector<16xf32>,
      %get3A_953 = arith.constant 69 : i32
      %get3A_954 = arith.index_cast %get3A_953 : i32 to index
      %get3A_955 = arith.constant 16 : index
      %get3A_956 = tpu.vector_load %arg6[%get3A_954, %get3A_955] {strides = array<i32>} : memref<128x32xf32, #tpu.memory_space<vmem>>, vector<16xf32>,
      tpu.vector_store_idx %arg8[%select_n3A, %select_n3A_45, %broadcast_in_dim3A_948], %get3A_952 : memref<4x8x129xf32, #tpu.memory_space<vmem>>[vector<16xi32>, vector<16xi32>, vector<16xi32>], vector<16xf32>,
      tpu.vector_store_idx %arg8[%select_n3A_79, %select_n3A_101, %broadcast_in_dim3A_948], %get3A_956 : memref<4x8x129xf32, #tpu.memory_space<vmem>>[vector<16xi32>, vector<16xi32>, vector<16xi32>], vector<16xf32>,
      %broadcast_in_dim3A_957 = arith.constant 70 : i32
      %broadcast_in_dim3A_958 = vector.broadcast %broadcast_in_dim3A_957 : i32 to vector<16xi32>
      %get3A_959 = arith.constant 70 : i32
      %get3A_960 = arith.index_cast %get3A_959 : i32 to index
      %get3A_961 = arith.constant 0 : index
      %get3A_962 = tpu.vector_load %arg6[%get3A_960, %get3A_961] {strides = array<i32>} : memref<128x32xf32, #tpu.memory_space<vmem>>, vector<16xf32>,
      %get3A_963 = arith.constant 70 : i32
      %get3A_964 = arith.index_cast %get3A_963 : i32 to index
      %get3A_965 = arith.constant 16 : index
      %get3A_966 = tpu.vector_load %arg6[%get3A_964, %get3A_965] {strides = array<i32>} : memref<128x32xf32, #tpu.memory_space<vmem>>, vector<16xf32>,
      tpu.vector_store_idx %arg8[%select_n3A, %select_n3A_45, %broadcast_in_dim3A_958], %get3A_962 : memref<4x8x129xf32, #tpu.memory_space<vmem>>[vector<16xi32>, vector<16xi32>, vector<16xi32>], vector<16xf32>,
      tpu.vector_store_idx %arg8[%select_n3A_79, %select_n3A_101, %broadcast_in_dim3A_958], %get3A_966 : memref<4x8x129xf32, #tpu.memory_space<vmem>>[vector<16xi32>, vector<16xi32>, vector<16xi32>], vector<16xf32>,
      %broadcast_in_dim3A_967 = arith.constant 71 : i32
      %broadcast_in_dim3A_968 = vector.broadcast %broadcast_in_dim3A_967 : i32 to vector<16xi32>
      %get3A_969 = arith.constant 71 : i32
      %get3A_970 = arith.index_cast %get3A_969 : i32 to index
      %get3A_971 = arith.constant 0 : index
      %get3A_972 = tpu.vector_load %arg6[%get3A_970, %get3A_971] {strides = array<i32>} : memref<128x32xf32, #tpu.memory_space<vmem>>, vector<16xf32>,
      %get3A_973 = arith.constant 71 : i32
      %get3A_974 = arith.index_cast %get3A_973 : i32 to index
      %get3A_975 = arith.constant 16 : index
      %get3A_976 = tpu.vector_load %arg6[%get3A_974, %get3A_975] {strides = array<i32>} : memref<128x32xf32, #tpu.memory_space<vmem>>, vector<16xf32>,
      tpu.vector_store_idx %arg8[%select_n3A, %select_n3A_45, %broadcast_in_dim3A_968], %get3A_972 : memref<4x8x129xf32, #tpu.memory_space<vmem>>[vector<16xi32>, vector<16xi32>, vector<16xi32>], vector<16xf32>,
      tpu.vector_store_idx %arg8[%select_n3A_79, %select_n3A_101, %broadcast_in_dim3A_968], %get3A_976 : memref<4x8x129xf32, #tpu.memory_space<vmem>>[vector<16xi32>, vector<16xi32>, vector<16xi32>], vector<16xf32>,
      %broadcast_in_dim3A_977 = arith.constant 72 : i32
      %broadcast_in_dim3A_978 = vector.broadcast %broadcast_in_dim3A_977 : i32 to vector<16xi32>
      %get3A_979 = arith.constant 72 : i32
      %get3A_980 = arith.index_cast %get3A_979 : i32 to index
      %get3A_981 = arith.constant 0 : index
      %get3A_982 = tpu.vector_load %arg6[%get3A_980, %get3A_981] {strides = array<i32>} : memref<128x32xf32, #tpu.memory_space<vmem>>, vector<16xf32>,
      %get3A_983 = arith.constant 72 : i32
      %get3A_984 = arith.index_cast %get3A_983 : i32 to index
      %get3A_985 = arith.constant 16 : index
      %get3A_986 = tpu.vector_load %arg6[%get3A_984, %get3A_985] {strides = array<i32>} : memref<128x32xf32, #tpu.memory_space<vmem>>, vector<16xf32>,
      tpu.vector_store_idx %arg8[%select_n3A, %select_n3A_45, %broadcast_in_dim3A_978], %get3A_982 : memref<4x8x129xf32, #tpu.memory_space<vmem>>[vector<16xi32>, vector<16xi32>, vector<16xi32>], vector<16xf32>,
      tpu.vector_store_idx %arg8[%select_n3A_79, %select_n3A_101, %broadcast_in_dim3A_978], %get3A_986 : memref<4x8x129xf32, #tpu.memory_space<vmem>>[vector<16xi32>, vector<16xi32>, vector<16xi32>], vector<16xf32>,
      %broadcast_in_dim3A_987 = arith.constant 73 : i32
      %broadcast_in_dim3A_988 = vector.broadcast %broadcast_in_dim3A_987 : i32 to vector<16xi32>
      %get3A_989 = arith.constant 73 : i32
      %get3A_990 = arith.index_cast %get3A_989 : i32 to index
      %get3A_991 = arith.constant 0 : index
      %get3A_992 = tpu.vector_load %arg6[%get3A_990, %get3A_991] {strides = array<i32>} : memref<128x32xf32, #tpu.memory_space<vmem>>, vector<16xf32>,
      %get3A_993 = arith.constant 73 : i32
      %get3A_994 = arith.index_cast %get3A_993 : i32 to index
      %get3A_995 = arith.constant 16 : index
      %get3A_996 = tpu.vector_load %arg6[%get3A_994, %get3A_995] {strides = array<i32>} : memref<128x32xf32, #tpu.memory_space<vmem>>, vector<16xf32>,
      tpu.vector_store_idx %arg8[%select_n3A, %select_n3A_45, %broadcast_in_dim3A_988], %get3A_992 : memref<4x8x129xf32, #tpu.memory_space<vmem>>[vector<16xi32>, vector<16xi32>, vector<16xi32>], vector<16xf32>,
      tpu.vector_store_idx %arg8[%select_n3A_79, %select_n3A_101, %broadcast_in_dim3A_988], %get3A_996 : memref<4x8x129xf32, #tpu.memory_space<vmem>>[vector<16xi32>, vector<16xi32>, vector<16xi32>], vector<16xf32>,
      %broadcast_in_dim3A_997 = arith.constant 74 : i32
      %broadcast_in_dim3A_998 = vector.broadcast %broadcast_in_dim3A_997 : i32 to vector<16xi32>
      %get3A_999 = arith.constant 74 : i32
      %get3A_1000 = arith.index_cast %get3A_999 : i32 to index
      %get3A_1001 = arith.constant 0 : index
      %get3A_1002 = tpu.vector_load %arg6[%get3A_1000, %get3A_1001] {strides = array<i32>} : memref<128x32xf32, #tpu.memory_space<vmem>>, vector<16xf32>,
      %get3A_1003 = arith.constant 74 : i32
      %get3A_1004 = arith.index_cast %get3A_1003 : i32 to index
      %get3A_1005 = arith.constant 16 : index
      %get3A_1006 = tpu.vector_load %arg6[%get3A_1004, %get3A_1005] {strides = array<i32>} : memref<128x32xf32, #tpu.memory_space<vmem>>, vector<16xf32>,
      tpu.vector_store_idx %arg8[%select_n3A, %select_n3A_45, %broadcast_in_dim3A_998], %get3A_1002 : memref<4x8x129xf32, #tpu.memory_space<vmem>>[vector<16xi32>, vector<16xi32>, vector<16xi32>], vector<16xf32>,
      tpu.vector_store_idx %arg8[%select_n3A_79, %select_n3A_101, %broadcast_in_dim3A_998], %get3A_1006 : memref<4x8x129xf32, #tpu.memory_space<vmem>>[vector<16xi32>, vector<16xi32>, vector<16xi32>], vector<16xf32>,
      %broadcast_in_dim3A_1007 = arith.constant 75 : i32
      %broadcast_in_dim3A_1008 = vector.broadcast %broadcast_in_dim3A_1007 : i32 to vector<16xi32>
      %get3A_1009 = arith.constant 75 : i32
      %get3A_1010 = arith.index_cast %get3A_1009 : i32 to index
      %get3A_1011 = arith.constant 0 : index
      %get3A_1012 = tpu.vector_load %arg6[%get3A_1010, %get3A_1011] {strides = array<i32>} : memref<128x32xf32, #tpu.memory_space<vmem>>, vector<16xf32>,
      %get3A_1013 = arith.constant 75 : i32
      %get3A_1014 = arith.index_cast %get3A_1013 : i32 to index
      %get3A_1015 = arith.constant 16 : index
      %get3A_1016 = tpu.vector_load %arg6[%get3A_1014, %get3A_1015] {strides = array<i32>} : memref<128x32xf32, #tpu.memory_space<vmem>>, vector<16xf32>,
      tpu.vector_store_idx %arg8[%select_n3A, %select_n3A_45, %broadcast_in_dim3A_1008], %get3A_1012 : memref<4x8x129xf32, #tpu.memory_space<vmem>>[vector<16xi32>, vector<16xi32>, vector<16xi32>], vector<16xf32>,
      tpu.vector_store_idx %arg8[%select_n3A_79, %select_n3A_101, %broadcast_in_dim3A_1008], %get3A_1016 : memref<4x8x129xf32, #tpu.memory_space<vmem>>[vector<16xi32>, vector<16xi32>, vector<16xi32>], vector<16xf32>,
      %broadcast_in_dim3A_1017 = arith.constant 76 : i32
      %broadcast_in_dim3A_1018 = vector.broadcast %broadcast_in_dim3A_1017 : i32 to vector<16xi32>
      %get3A_1019 = arith.constant 76 : i32
      %get3A_1020 = arith.index_cast %get3A_1019 : i32 to index
      %get3A_1021 = arith.constant 0 : index
      %get3A_1022 = tpu.vector_load %arg6[%get3A_1020, %get3A_1021] {strides = array<i32>} : memref<128x32xf32, #tpu.memory_space<vmem>>, vector<16xf32>,
      %get3A_1023 = arith.constant 76 : i32
      %get3A_1024 = arith.index_cast %get3A_1023 : i32 to index
      %get3A_1025 = arith.constant 16 : index
      %get3A_1026 = tpu.vector_load %arg6[%get3A_1024, %get3A_1025] {strides = array<i32>} : memref<128x32xf32, #tpu.memory_space<vmem>>, vector<16xf32>,
      tpu.vector_store_idx %arg8[%select_n3A, %select_n3A_45, %broadcast_in_dim3A_1018], %get3A_1022 : memref<4x8x129xf32, #tpu.memory_space<vmem>>[vector<16xi32>, vector<16xi32>, vector<16xi32>], vector<16xf32>,
      tpu.vector_store_idx %arg8[%select_n3A_79, %select_n3A_101, %broadcast_in_dim3A_1018], %get3A_1026 : memref<4x8x129xf32, #tpu.memory_space<vmem>>[vector<16xi32>, vector<16xi32>, vector<16xi32>], vector<16xf32>,
      %broadcast_in_dim3A_1027 = arith.constant 77 : i32
      %broadcast_in_dim3A_1028 = vector.broadcast %broadcast_in_dim3A_1027 : i32 to vector<16xi32>
      %get3A_1029 = arith.constant 77 : i32
      %get3A_1030 = arith.index_cast %get3A_1029 : i32 to index
      %get3A_1031 = arith.constant 0 : index
      %get3A_1032 = tpu.vector_load %arg6[%get3A_1030, %get3A_1031] {strides = array<i32>} : memref<128x32xf32, #tpu.memory_space<vmem>>, vector<16xf32>,
      %get3A_1033 = arith.constant 77 : i32
      %get3A_1034 = arith.index_cast %get3A_1033 : i32 to index
      %get3A_1035 = arith.constant 16 : index
      %get3A_1036 = tpu.vector_load %arg6[%get3A_1034, %get3A_1035] {strides = array<i32>} : memref<128x32xf32, #tpu.memory_space<vmem>>, vector<16xf32>,
      tpu.vector_store_idx %arg8[%select_n3A, %select_n3A_45, %broadcast_in_dim3A_1028], %get3A_1032 : memref<4x8x129xf32, #tpu.memory_space<vmem>>[vector<16xi32>, vector<16xi32>, vector<16xi32>], vector<16xf32>,
      tpu.vector_store_idx %arg8[%select_n3A_79, %select_n3A_101, %broadcast_in_dim3A_1028], %get3A_1036 : memref<4x8x129xf32, #tpu.memory_space<vmem>>[vector<16xi32>, vector<16xi32>, vector<16xi32>], vector<16xf32>,
      %broadcast_in_dim3A_1037 = arith.constant 78 : i32
      %broadcast_in_dim3A_1038 = vector.broadcast %broadcast_in_dim3A_1037 : i32 to vector<16xi32>
      %get3A_1039 = arith.constant 78 : i32
      %get3A_1040 = arith.index_cast %get3A_1039 : i32 to index
      %get3A_1041 = arith.constant 0 : index
      %get3A_1042 = tpu.vector_load %arg6[%get3A_1040, %get3A_1041] {strides = array<i32>} : memref<128x32xf32, #tpu.memory_space<vmem>>, vector<16xf32>,
      %get3A_1043 = arith.constant 78 : i32
      %get3A_1044 = arith.index_cast %get3A_1043 : i32 to index
      %get3A_1045 = arith.constant 16 : index
      %get3A_1046 = tpu.vector_load %arg6[%get3A_1044, %get3A_1045] {strides = array<i32>} : memref<128x32xf32, #tpu.memory_space<vmem>>, vector<16xf32>,
      tpu.vector_store_idx %arg8[%select_n3A, %select_n3A_45, %broadcast_in_dim3A_1038], %get3A_1042 : memref<4x8x129xf32, #tpu.memory_space<vmem>>[vector<16xi32>, vector<16xi32>, vector<16xi32>], vector<16xf32>,
      tpu.vector_store_idx %arg8[%select_n3A_79, %select_n3A_101, %broadcast_in_dim3A_1038], %get3A_1046 : memref<4x8x129xf32, #tpu.memory_space<vmem>>[vector<16xi32>, vector<16xi32>, vector<16xi32>], vector<16xf32>,
      %broadcast_in_dim3A_1047 = arith.constant 79 : i32
      %broadcast_in_dim3A_1048 = vector.broadcast %broadcast_in_dim3A_1047 : i32 to vector<16xi32>
      %get3A_1049 = arith.constant 79 : i32
      %get3A_1050 = arith.index_cast %get3A_1049 : i32 to index
      %get3A_1051 = arith.constant 0 : index
      %get3A_1052 = tpu.vector_load %arg6[%get3A_1050, %get3A_1051] {strides = array<i32>} : memref<128x32xf32, #tpu.memory_space<vmem>>, vector<16xf32>,
      %get3A_1053 = arith.constant 79 : i32
      %get3A_1054 = arith.index_cast %get3A_1053 : i32 to index
      %get3A_1055 = arith.constant 16 : index
      %get3A_1056 = tpu.vector_load %arg6[%get3A_1054, %get3A_1055] {strides = array<i32>} : memref<128x32xf32, #tpu.memory_space<vmem>>, vector<16xf32>,
      tpu.vector_store_idx %arg8[%select_n3A, %select_n3A_45, %broadcast_in_dim3A_1048], %get3A_1052 : memref<4x8x129xf32, #tpu.memory_space<vmem>>[vector<16xi32>, vector<16xi32>, vector<16xi32>], vector<16xf32>,
      tpu.vector_store_idx %arg8[%select_n3A_79, %select_n3A_101, %broadcast_in_dim3A_1048], %get3A_1056 : memref<4x8x129xf32, #tpu.memory_space<vmem>>[vector<16xi32>, vector<16xi32>, vector<16xi32>], vector<16xf32>,
      %broadcast_in_dim3A_1057 = arith.constant 80 : i32
      %broadcast_in_dim3A_1058 = vector.broadcast %broadcast_in_dim3A_1057 : i32 to vector<16xi32>
      %get3A_1059 = arith.constant 80 : i32
      %get3A_1060 = arith.index_cast %get3A_1059 : i32 to index
      %get3A_1061 = arith.constant 0 : index
      %get3A_1062 = tpu.vector_load %arg6[%get3A_1060, %get3A_1061] {strides = array<i32>} : memref<128x32xf32, #tpu.memory_space<vmem>>, vector<16xf32>,
      %get3A_1063 = arith.constant 80 : i32
      %get3A_1064 = arith.index_cast %get3A_1063 : i32 to index
      %get3A_1065 = arith.constant 16 : index
      %get3A_1066 = tpu.vector_load %arg6[%get3A_1064, %get3A_1065] {strides = array<i32>} : memref<128x32xf32, #tpu.memory_space<vmem>>, vector<16xf32>,
      tpu.vector_store_idx %arg8[%select_n3A, %select_n3A_45, %broadcast_in_dim3A_1058], %get3A_1062 : memref<4x8x129xf32, #tpu.memory_space<vmem>>[vector<16xi32>, vector<16xi32>, vector<16xi32>], vector<16xf32>,
      tpu.vector_store_idx %arg8[%select_n3A_79, %select_n3A_101, %broadcast_in_dim3A_1058], %get3A_1066 : memref<4x8x129xf32, #tpu.memory_space<vmem>>[vector<16xi32>, vector<16xi32>, vector<16xi32>], vector<16xf32>,
      %broadcast_in_dim3A_1067 = arith.constant 81 : i32
      %broadcast_in_dim3A_1068 = vector.broadcast %broadcast_in_dim3A_1067 : i32 to vector<16xi32>
      %get3A_1069 = arith.constant 81 : i32
      %get3A_1070 = arith.index_cast %get3A_1069 : i32 to index
      %get3A_1071 = arith.constant 0 : index
      %get3A_1072 = tpu.vector_load %arg6[%get3A_1070, %get3A_1071] {strides = array<i32>} : memref<128x32xf32, #tpu.memory_space<vmem>>, vector<16xf32>,
      %get3A_1073 = arith.constant 81 : i32
      %get3A_1074 = arith.index_cast %get3A_1073 : i32 to index
      %get3A_1075 = arith.constant 16 : index
      %get3A_1076 = tpu.vector_load %arg6[%get3A_1074, %get3A_1075] {strides = array<i32>} : memref<128x32xf32, #tpu.memory_space<vmem>>, vector<16xf32>,
      tpu.vector_store_idx %arg8[%select_n3A, %select_n3A_45, %broadcast_in_dim3A_1068], %get3A_1072 : memref<4x8x129xf32, #tpu.memory_space<vmem>>[vector<16xi32>, vector<16xi32>, vector<16xi32>], vector<16xf32>,
      tpu.vector_store_idx %arg8[%select_n3A_79, %select_n3A_101, %broadcast_in_dim3A_1068], %get3A_1076 : memref<4x8x129xf32, #tpu.memory_space<vmem>>[vector<16xi32>, vector<16xi32>, vector<16xi32>], vector<16xf32>,
      %broadcast_in_dim3A_1077 = arith.constant 82 : i32
      %broadcast_in_dim3A_1078 = vector.broadcast %broadcast_in_dim3A_1077 : i32 to vector<16xi32>
      %get3A_1079 = arith.constant 82 : i32
      %get3A_1080 = arith.index_cast %get3A_1079 : i32 to index
      %get3A_1081 = arith.constant 0 : index
      %get3A_1082 = tpu.vector_load %arg6[%get3A_1080, %get3A_1081] {strides = array<i32>} : memref<128x32xf32, #tpu.memory_space<vmem>>, vector<16xf32>,
      %get3A_1083 = arith.constant 82 : i32
      %get3A_1084 = arith.index_cast %get3A_1083 : i32 to index
      %get3A_1085 = arith.constant 16 : index
      %get3A_1086 = tpu.vector_load %arg6[%get3A_1084, %get3A_1085] {strides = array<i32>} : memref<128x32xf32, #tpu.memory_space<vmem>>, vector<16xf32>,
      tpu.vector_store_idx %arg8[%select_n3A, %select_n3A_45, %broadcast_in_dim3A_1078], %get3A_1082 : memref<4x8x129xf32, #tpu.memory_space<vmem>>[vector<16xi32>, vector<16xi32>, vector<16xi32>], vector<16xf32>,
      tpu.vector_store_idx %arg8[%select_n3A_79, %select_n3A_101, %broadcast_in_dim3A_1078], %get3A_1086 : memref<4x8x129xf32, #tpu.memory_space<vmem>>[vector<16xi32>, vector<16xi32>, vector<16xi32>], vector<16xf32>,
      %broadcast_in_dim3A_1087 = arith.constant 83 : i32
      %broadcast_in_dim3A_1088 = vector.broadcast %broadcast_in_dim3A_1087 : i32 to vector<16xi32>
      %get3A_1089 = arith.constant 83 : i32
      %get3A_1090 = arith.index_cast %get3A_1089 : i32 to index
      %get3A_1091 = arith.constant 0 : index
      %get3A_1092 = tpu.vector_load %arg6[%get3A_1090, %get3A_1091] {strides = array<i32>} : memref<128x32xf32, #tpu.memory_space<vmem>>, vector<16xf32>,
      %get3A_1093 = arith.constant 83 : i32
      %get3A_1094 = arith.index_cast %get3A_1093 : i32 to index
      %get3A_1095 = arith.constant 16 : index
      %get3A_1096 = tpu.vector_load %arg6[%get3A_1094, %get3A_1095] {strides = array<i32>} : memref<128x32xf32, #tpu.memory_space<vmem>>, vector<16xf32>,
      tpu.vector_store_idx %arg8[%select_n3A, %select_n3A_45, %broadcast_in_dim3A_1088], %get3A_1092 : memref<4x8x129xf32, #tpu.memory_space<vmem>>[vector<16xi32>, vector<16xi32>, vector<16xi32>], vector<16xf32>,
      tpu.vector_store_idx %arg8[%select_n3A_79, %select_n3A_101, %broadcast_in_dim3A_1088], %get3A_1096 : memref<4x8x129xf32, #tpu.memory_space<vmem>>[vector<16xi32>, vector<16xi32>, vector<16xi32>], vector<16xf32>,
      %broadcast_in_dim3A_1097 = arith.constant 84 : i32
      %broadcast_in_dim3A_1098 = vector.broadcast %broadcast_in_dim3A_1097 : i32 to vector<16xi32>
      %get3A_1099 = arith.constant 84 : i32
      %get3A_1100 = arith.index_cast %get3A_1099 : i32 to index
      %get3A_1101 = arith.constant 0 : index
      %get3A_1102 = tpu.vector_load %arg6[%get3A_1100, %get3A_1101] {strides = array<i32>} : memref<128x32xf32, #tpu.memory_space<vmem>>, vector<16xf32>,
      %get3A_1103 = arith.constant 84 : i32
      %get3A_1104 = arith.index_cast %get3A_1103 : i32 to index
      %get3A_1105 = arith.constant 16 : index
      %get3A_1106 = tpu.vector_load %arg6[%get3A_1104, %get3A_1105] {strides = array<i32>} : memref<128x32xf32, #tpu.memory_space<vmem>>, vector<16xf32>,
      tpu.vector_store_idx %arg8[%select_n3A, %select_n3A_45, %broadcast_in_dim3A_1098], %get3A_1102 : memref<4x8x129xf32, #tpu.memory_space<vmem>>[vector<16xi32>, vector<16xi32>, vector<16xi32>], vector<16xf32>,
      tpu.vector_store_idx %arg8[%select_n3A_79, %select_n3A_101, %broadcast_in_dim3A_1098], %get3A_1106 : memref<4x8x129xf32, #tpu.memory_space<vmem>>[vector<16xi32>, vector<16xi32>, vector<16xi32>], vector<16xf32>,
      %broadcast_in_dim3A_1107 = arith.constant 85 : i32
      %broadcast_in_dim3A_1108 = vector.broadcast %broadcast_in_dim3A_1107 : i32 to vector<16xi32>
      %get3A_1109 = arith.constant 85 : i32
      %get3A_1110 = arith.index_cast %get3A_1109 : i32 to index
      %get3A_1111 = arith.constant 0 : index
      %get3A_1112 = tpu.vector_load %arg6[%get3A_1110, %get3A_1111] {strides = array<i32>} : memref<128x32xf32, #tpu.memory_space<vmem>>, vector<16xf32>,
      %get3A_1113 = arith.constant 85 : i32
      %get3A_1114 = arith.index_cast %get3A_1113 : i32 to index
      %get3A_1115 = arith.constant 16 : index
      %get3A_1116 = tpu.vector_load %arg6[%get3A_1114, %get3A_1115] {strides = array<i32>} : memref<128x32xf32, #tpu.memory_space<vmem>>, vector<16xf32>,
      tpu.vector_store_idx %arg8[%select_n3A, %select_n3A_45, %broadcast_in_dim3A_1108], %get3A_1112 : memref<4x8x129xf32, #tpu.memory_space<vmem>>[vector<16xi32>, vector<16xi32>, vector<16xi32>], vector<16xf32>,
      tpu.vector_store_idx %arg8[%select_n3A_79, %select_n3A_101, %broadcast_in_dim3A_1108], %get3A_1116 : memref<4x8x129xf32, #tpu.memory_space<vmem>>[vector<16xi32>, vector<16xi32>, vector<16xi32>], vector<16xf32>,
      %broadcast_in_dim3A_1117 = arith.constant 86 : i32
      %broadcast_in_dim3A_1118 = vector.broadcast %broadcast_in_dim3A_1117 : i32 to vector<16xi32>
      %get3A_1119 = arith.constant 86 : i32
      %get3A_1120 = arith.index_cast %get3A_1119 : i32 to index
      %get3A_1121 = arith.constant 0 : index
      %get3A_1122 = tpu.vector_load %arg6[%get3A_1120, %get3A_1121] {strides = array<i32>} : memref<128x32xf32, #tpu.memory_space<vmem>>, vector<16xf32>,
      %get3A_1123 = arith.constant 86 : i32
      %get3A_1124 = arith.index_cast %get3A_1123 : i32 to index
      %get3A_1125 = arith.constant 16 : index
      %get3A_1126 = tpu.vector_load %arg6[%get3A_1124, %get3A_1125] {strides = array<i32>} : memref<128x32xf32, #tpu.memory_space<vmem>>, vector<16xf32>,
      tpu.vector_store_idx %arg8[%select_n3A, %select_n3A_45, %broadcast_in_dim3A_1118], %get3A_1122 : memref<4x8x129xf32, #tpu.memory_space<vmem>>[vector<16xi32>, vector<16xi32>, vector<16xi32>], vector<16xf32>,
      tpu.vector_store_idx %arg8[%select_n3A_79, %select_n3A_101, %broadcast_in_dim3A_1118], %get3A_1126 : memref<4x8x129xf32, #tpu.memory_space<vmem>>[vector<16xi32>, vector<16xi32>, vector<16xi32>], vector<16xf32>,
      %broadcast_in_dim3A_1127 = arith.constant 87 : i32
      %broadcast_in_dim3A_1128 = vector.broadcast %broadcast_in_dim3A_1127 : i32 to vector<16xi32>
      %get3A_1129 = arith.constant 87 : i32
      %get3A_1130 = arith.index_cast %get3A_1129 : i32 to index
      %get3A_1131 = arith.constant 0 : index
      %get3A_1132 = tpu.vector_load %arg6[%get3A_1130, %get3A_1131] {strides = array<i32>} : memref<128x32xf32, #tpu.memory_space<vmem>>, vector<16xf32>,
      %get3A_1133 = arith.constant 87 : i32
      %get3A_1134 = arith.index_cast %get3A_1133 : i32 to index
      %get3A_1135 = arith.constant 16 : index
      %get3A_1136 = tpu.vector_load %arg6[%get3A_1134, %get3A_1135] {strides = array<i32>} : memref<128x32xf32, #tpu.memory_space<vmem>>, vector<16xf32>,
      tpu.vector_store_idx %arg8[%select_n3A, %select_n3A_45, %broadcast_in_dim3A_1128], %get3A_1132 : memref<4x8x129xf32, #tpu.memory_space<vmem>>[vector<16xi32>, vector<16xi32>, vector<16xi32>], vector<16xf32>,
      tpu.vector_store_idx %arg8[%select_n3A_79, %select_n3A_101, %broadcast_in_dim3A_1128], %get3A_1136 : memref<4x8x129xf32, #tpu.memory_space<vmem>>[vector<16xi32>, vector<16xi32>, vector<16xi32>], vector<16xf32>,
      %broadcast_in_dim3A_1137 = arith.constant 88 : i32
      %broadcast_in_dim3A_1138 = vector.broadcast %broadcast_in_dim3A_1137 : i32 to vector<16xi32>
      %get3A_1139 = arith.constant 88 : i32
      %get3A_1140 = arith.index_cast %get3A_1139 : i32 to index
      %get3A_1141 = arith.constant 0 : index
      %get3A_1142 = tpu.vector_load %arg6[%get3A_1140, %get3A_1141] {strides = array<i32>} : memref<128x32xf32, #tpu.memory_space<vmem>>, vector<16xf32>,
      %get3A_1143 = arith.constant 88 : i32
      %get3A_1144 = arith.index_cast %get3A_1143 : i32 to index
      %get3A_1145 = arith.constant 16 : index
      %get3A_1146 = tpu.vector_load %arg6[%get3A_1144, %get3A_1145] {strides = array<i32>} : memref<128x32xf32, #tpu.memory_space<vmem>>, vector<16xf32>,
      tpu.vector_store_idx %arg8[%select_n3A, %select_n3A_45, %broadcast_in_dim3A_1138], %get3A_1142 : memref<4x8x129xf32, #tpu.memory_space<vmem>>[vector<16xi32>, vector<16xi32>, vector<16xi32>], vector<16xf32>,
      tpu.vector_store_idx %arg8[%select_n3A_79, %select_n3A_101, %broadcast_in_dim3A_1138], %get3A_1146 : memref<4x8x129xf32, #tpu.memory_space<vmem>>[vector<16xi32>, vector<16xi32>, vector<16xi32>], vector<16xf32>,
      %broadcast_in_dim3A_1147 = arith.constant 89 : i32
      %broadcast_in_dim3A_1148 = vector.broadcast %broadcast_in_dim3A_1147 : i32 to vector<16xi32>
      %get3A_1149 = arith.constant 89 : i32
      %get3A_1150 = arith.index_cast %get3A_1149 : i32 to index
      %get3A_1151 = arith.constant 0 : index
      %get3A_1152 = tpu.vector_load %arg6[%get3A_1150, %get3A_1151] {strides = array<i32>} : memref<128x32xf32, #tpu.memory_space<vmem>>, vector<16xf32>,
      %get3A_1153 = arith.constant 89 : i32
      %get3A_1154 = arith.index_cast %get3A_1153 : i32 to index
      %get3A_1155 = arith.constant 16 : index
      %get3A_1156 = tpu.vector_load %arg6[%get3A_1154, %get3A_1155] {strides = array<i32>} : memref<128x32xf32, #tpu.memory_space<vmem>>, vector<16xf32>,
      tpu.vector_store_idx %arg8[%select_n3A, %select_n3A_45, %broadcast_in_dim3A_1148], %get3A_1152 : memref<4x8x129xf32, #tpu.memory_space<vmem>>[vector<16xi32>, vector<16xi32>, vector<16xi32>], vector<16xf32>,
      tpu.vector_store_idx %arg8[%select_n3A_79, %select_n3A_101, %broadcast_in_dim3A_1148], %get3A_1156 : memref<4x8x129xf32, #tpu.memory_space<vmem>>[vector<16xi32>, vector<16xi32>, vector<16xi32>], vector<16xf32>,
      %broadcast_in_dim3A_1157 = arith.constant 90 : i32
      %broadcast_in_dim3A_1158 = vector.broadcast %broadcast_in_dim3A_1157 : i32 to vector<16xi32>
      %get3A_1159 = arith.constant 90 : i32
      %get3A_1160 = arith.index_cast %get3A_1159 : i32 to index
      %get3A_1161 = arith.constant 0 : index
      %get3A_1162 = tpu.vector_load %arg6[%get3A_1160, %get3A_1161] {strides = array<i32>} : memref<128x32xf32, #tpu.memory_space<vmem>>, vector<16xf32>,
      %get3A_1163 = arith.constant 90 : i32
      %get3A_1164 = arith.index_cast %get3A_1163 : i32 to index
      %get3A_1165 = arith.constant 16 : index
      %get3A_1166 = tpu.vector_load %arg6[%get3A_1164, %get3A_1165] {strides = array<i32>} : memref<128x32xf32, #tpu.memory_space<vmem>>, vector<16xf32>,
      tpu.vector_store_idx %arg8[%select_n3A, %select_n3A_45, %broadcast_in_dim3A_1158], %get3A_1162 : memref<4x8x129xf32, #tpu.memory_space<vmem>>[vector<16xi32>, vector<16xi32>, vector<16xi32>], vector<16xf32>,
      tpu.vector_store_idx %arg8[%select_n3A_79, %select_n3A_101, %broadcast_in_dim3A_1158], %get3A_1166 : memref<4x8x129xf32, #tpu.memory_space<vmem>>[vector<16xi32>, vector<16xi32>, vector<16xi32>], vector<16xf32>,
      %broadcast_in_dim3A_1167 = arith.constant 91 : i32
      %broadcast_in_dim3A_1168 = vector.broadcast %broadcast_in_dim3A_1167 : i32 to vector<16xi32>
      %get3A_1169 = arith.constant 91 : i32
      %get3A_1170 = arith.index_cast %get3A_1169 : i32 to index
      %get3A_1171 = arith.constant 0 : index
      %get3A_1172 = tpu.vector_load %arg6[%get3A_1170, %get3A_1171] {strides = array<i32>} : memref<128x32xf32, #tpu.memory_space<vmem>>, vector<16xf32>,
      %get3A_1173 = arith.constant 91 : i32
      %get3A_1174 = arith.index_cast %get3A_1173 : i32 to index
      %get3A_1175 = arith.constant 16 : index
      %get3A_1176 = tpu.vector_load %arg6[%get3A_1174, %get3A_1175] {strides = array<i32>} : memref<128x32xf32, #tpu.memory_space<vmem>>, vector<16xf32>,
      tpu.vector_store_idx %arg8[%select_n3A, %select_n3A_45, %broadcast_in_dim3A_1168], %get3A_1172 : memref<4x8x129xf32, #tpu.memory_space<vmem>>[vector<16xi32>, vector<16xi32>, vector<16xi32>], vector<16xf32>,
      tpu.vector_store_idx %arg8[%select_n3A_79, %select_n3A_101, %broadcast_in_dim3A_1168], %get3A_1176 : memref<4x8x129xf32, #tpu.memory_space<vmem>>[vector<16xi32>, vector<16xi32>, vector<16xi32>], vector<16xf32>,
      %broadcast_in_dim3A_1177 = arith.constant 92 : i32
      %broadcast_in_dim3A_1178 = vector.broadcast %broadcast_in_dim3A_1177 : i32 to vector<16xi32>
      %get3A_1179 = arith.constant 92 : i32
      %get3A_1180 = arith.index_cast %get3A_1179 : i32 to index
      %get3A_1181 = arith.constant 0 : index
      %get3A_1182 = tpu.vector_load %arg6[%get3A_1180, %get3A_1181] {strides = array<i32>} : memref<128x32xf32, #tpu.memory_space<vmem>>, vector<16xf32>,
      %get3A_1183 = arith.constant 92 : i32
      %get3A_1184 = arith.index_cast %get3A_1183 : i32 to index
      %get3A_1185 = arith.constant 16 : index
      %get3A_1186 = tpu.vector_load %arg6[%get3A_1184, %get3A_1185] {strides = array<i32>} : memref<128x32xf32, #tpu.memory_space<vmem>>, vector<16xf32>,
      tpu.vector_store_idx %arg8[%select_n3A, %select_n3A_45, %broadcast_in_dim3A_1178], %get3A_1182 : memref<4x8x129xf32, #tpu.memory_space<vmem>>[vector<16xi32>, vector<16xi32>, vector<16xi32>], vector<16xf32>,
      tpu.vector_store_idx %arg8[%select_n3A_79, %select_n3A_101, %broadcast_in_dim3A_1178], %get3A_1186 : memref<4x8x129xf32, #tpu.memory_space<vmem>>[vector<16xi32>, vector<16xi32>, vector<16xi32>], vector<16xf32>,
      %broadcast_in_dim3A_1187 = arith.constant 93 : i32
      %broadcast_in_dim3A_1188 = vector.broadcast %broadcast_in_dim3A_1187 : i32 to vector<16xi32>
      %get3A_1189 = arith.constant 93 : i32
      %get3A_1190 = arith.index_cast %get3A_1189 : i32 to index
      %get3A_1191 = arith.constant 0 : index
      %get3A_1192 = tpu.vector_load %arg6[%get3A_1190, %get3A_1191] {strides = array<i32>} : memref<128x32xf32, #tpu.memory_space<vmem>>, vector<16xf32>,
      %get3A_1193 = arith.constant 93 : i32
      %get3A_1194 = arith.index_cast %get3A_1193 : i32 to index
      %get3A_1195 = arith.constant 16 : index
      %get3A_1196 = tpu.vector_load %arg6[%get3A_1194, %get3A_1195] {strides = array<i32>} : memref<128x32xf32, #tpu.memory_space<vmem>>, vector<16xf32>,
      tpu.vector_store_idx %arg8[%select_n3A, %select_n3A_45, %broadcast_in_dim3A_1188], %get3A_1192 : memref<4x8x129xf32, #tpu.memory_space<vmem>>[vector<16xi32>, vector<16xi32>, vector<16xi32>], vector<16xf32>,
      tpu.vector_store_idx %arg8[%select_n3A_79, %select_n3A_101, %broadcast_in_dim3A_1188], %get3A_1196 : memref<4x8x129xf32, #tpu.memory_space<vmem>>[vector<16xi32>, vector<16xi32>, vector<16xi32>], vector<16xf32>,
      %broadcast_in_dim3A_1197 = arith.constant 94 : i32
      %broadcast_in_dim3A_1198 = vector.broadcast %broadcast_in_dim3A_1197 : i32 to vector<16xi32>
      %get3A_1199 = arith.constant 94 : i32
      %get3A_1200 = arith.index_cast %get3A_1199 : i32 to index
      %get3A_1201 = arith.constant 0 : index
      %get3A_1202 = tpu.vector_load %arg6[%get3A_1200, %get3A_1201] {strides = array<i32>} : memref<128x32xf32, #tpu.memory_space<vmem>>, vector<16xf32>,
      %get3A_1203 = arith.constant 94 : i32
      %get3A_1204 = arith.index_cast %get3A_1203 : i32 to index
      %get3A_1205 = arith.constant 16 : index
      %get3A_1206 = tpu.vector_load %arg6[%get3A_1204, %get3A_1205] {strides = array<i32>} : memref<128x32xf32, #tpu.memory_space<vmem>>, vector<16xf32>,
      tpu.vector_store_idx %arg8[%select_n3A, %select_n3A_45, %broadcast_in_dim3A_1198], %get3A_1202 : memref<4x8x129xf32, #tpu.memory_space<vmem>>[vector<16xi32>, vector<16xi32>, vector<16xi32>], vector<16xf32>,
      tpu.vector_store_idx %arg8[%select_n3A_79, %select_n3A_101, %broadcast_in_dim3A_1198], %get3A_1206 : memref<4x8x129xf32, #tpu.memory_space<vmem>>[vector<16xi32>, vector<16xi32>, vector<16xi32>], vector<16xf32>,
      %broadcast_in_dim3A_1207 = arith.constant 95 : i32
      %broadcast_in_dim3A_1208 = vector.broadcast %broadcast_in_dim3A_1207 : i32 to vector<16xi32>
      %get3A_1209 = arith.constant 95 : i32
      %get3A_1210 = arith.index_cast %get3A_1209 : i32 to index
      %get3A_1211 = arith.constant 0 : index
      %get3A_1212 = tpu.vector_load %arg6[%get3A_1210, %get3A_1211] {strides = array<i32>} : memref<128x32xf32, #tpu.memory_space<vmem>>, vector<16xf32>,
      %get3A_1213 = arith.constant 95 : i32
      %get3A_1214 = arith.index_cast %get3A_1213 : i32 to index
      %get3A_1215 = arith.constant 16 : index
      %get3A_1216 = tpu.vector_load %arg6[%get3A_1214, %get3A_1215] {strides = array<i32>} : memref<128x32xf32, #tpu.memory_space<vmem>>, vector<16xf32>,
      tpu.vector_store_idx %arg8[%select_n3A, %select_n3A_45, %broadcast_in_dim3A_1208], %get3A_1212 : memref<4x8x129xf32, #tpu.memory_space<vmem>>[vector<16xi32>, vector<16xi32>, vector<16xi32>], vector<16xf32>,
      tpu.vector_store_idx %arg8[%select_n3A_79, %select_n3A_101, %broadcast_in_dim3A_1208], %get3A_1216 : memref<4x8x129xf32, #tpu.memory_space<vmem>>[vector<16xi32>, vector<16xi32>, vector<16xi32>], vector<16xf32>,
      %broadcast_in_dim3A_1217 = arith.constant 96 : i32
      %broadcast_in_dim3A_1218 = vector.broadcast %broadcast_in_dim3A_1217 : i32 to vector<16xi32>
      %get3A_1219 = arith.constant 96 : i32
      %get3A_1220 = arith.index_cast %get3A_1219 : i32 to index
      %get3A_1221 = arith.constant 0 : index
      %get3A_1222 = tpu.vector_load %arg6[%get3A_1220, %get3A_1221] {strides = array<i32>} : memref<128x32xf32, #tpu.memory_space<vmem>>, vector<16xf32>,
      %get3A_1223 = arith.constant 96 : i32
      %get3A_1224 = arith.index_cast %get3A_1223 : i32 to index
      %get3A_1225 = arith.constant 16 : index
      %get3A_1226 = tpu.vector_load %arg6[%get3A_1224, %get3A_1225] {strides = array<i32>} : memref<128x32xf32, #tpu.memory_space<vmem>>, vector<16xf32>,
      tpu.vector_store_idx %arg8[%select_n3A, %select_n3A_45, %broadcast_in_dim3A_1218], %get3A_1222 : memref<4x8x129xf32, #tpu.memory_space<vmem>>[vector<16xi32>, vector<16xi32>, vector<16xi32>], vector<16xf32>,
      tpu.vector_store_idx %arg8[%select_n3A_79, %select_n3A_101, %broadcast_in_dim3A_1218], %get3A_1226 : memref<4x8x129xf32, #tpu.memory_space<vmem>>[vector<16xi32>, vector<16xi32>, vector<16xi32>], vector<16xf32>,
      %broadcast_in_dim3A_1227 = arith.constant 97 : i32
      %broadcast_in_dim3A_1228 = vector.broadcast %broadcast_in_dim3A_1227 : i32 to vector<16xi32>
      %get3A_1229 = arith.constant 97 : i32
      %get3A_1230 = arith.index_cast %get3A_1229 : i32 to index
      %get3A_1231 = arith.constant 0 : index
      %get3A_1232 = tpu.vector_load %arg6[%get3A_1230, %get3A_1231] {strides = array<i32>} : memref<128x32xf32, #tpu.memory_space<vmem>>, vector<16xf32>,
      %get3A_1233 = arith.constant 97 : i32
      %get3A_1234 = arith.index_cast %get3A_1233 : i32 to index
      %get3A_1235 = arith.constant 16 : index
      %get3A_1236 = tpu.vector_load %arg6[%get3A_1234, %get3A_1235] {strides = array<i32>} : memref<128x32xf32, #tpu.memory_space<vmem>>, vector<16xf32>,
      tpu.vector_store_idx %arg8[%select_n3A, %select_n3A_45, %broadcast_in_dim3A_1228], %get3A_1232 : memref<4x8x129xf32, #tpu.memory_space<vmem>>[vector<16xi32>, vector<16xi32>, vector<16xi32>], vector<16xf32>,
      tpu.vector_store_idx %arg8[%select_n3A_79, %select_n3A_101, %broadcast_in_dim3A_1228], %get3A_1236 : memref<4x8x129xf32, #tpu.memory_space<vmem>>[vector<16xi32>, vector<16xi32>, vector<16xi32>], vector<16xf32>,
      %broadcast_in_dim3A_1237 = arith.constant 98 : i32
      %broadcast_in_dim3A_1238 = vector.broadcast %broadcast_in_dim3A_1237 : i32 to vector<16xi32>
      %get3A_1239 = arith.constant 98 : i32
      %get3A_1240 = arith.index_cast %get3A_1239 : i32 to index
      %get3A_1241 = arith.constant 0 : index
      %get3A_1242 = tpu.vector_load %arg6[%get3A_1240, %get3A_1241] {strides = array<i32>} : memref<128x32xf32, #tpu.memory_space<vmem>>, vector<16xf32>,
      %get3A_1243 = arith.constant 98 : i32
      %get3A_1244 = arith.index_cast %get3A_1243 : i32 to index
      %get3A_1245 = arith.constant 16 : index
      %get3A_1246 = tpu.vector_load %arg6[%get3A_1244, %get3A_1245] {strides = array<i32>} : memref<128x32xf32, #tpu.memory_space<vmem>>, vector<16xf32>,
      tpu.vector_store_idx %arg8[%select_n3A, %select_n3A_45, %broadcast_in_dim3A_1238], %get3A_1242 : memref<4x8x129xf32, #tpu.memory_space<vmem>>[vector<16xi32>, vector<16xi32>, vector<16xi32>], vector<16xf32>,
      tpu.vector_store_idx %arg8[%select_n3A_79, %select_n3A_101, %broadcast_in_dim3A_1238], %get3A_1246 : memref<4x8x129xf32, #tpu.memory_space<vmem>>[vector<16xi32>, vector<16xi32>, vector<16xi32>], vector<16xf32>,
      %broadcast_in_dim3A_1247 = arith.constant 99 : i32
      %broadcast_in_dim3A_1248 = vector.broadcast %broadcast_in_dim3A_1247 : i32 to vector<16xi32>
      %get3A_1249 = arith.constant 99 : i32
      %get3A_1250 = arith.index_cast %get3A_1249 : i32 to index
      %get3A_1251 = arith.constant 0 : index
      %get3A_1252 = tpu.vector_load %arg6[%get3A_1250, %get3A_1251] {strides = array<i32>} : memref<128x32xf32, #tpu.memory_space<vmem>>, vector<16xf32>,
      %get3A_1253 = arith.constant 99 : i32
      %get3A_1254 = arith.index_cast %get3A_1253 : i32 to index
      %get3A_1255 = arith.constant 16 : index
      %get3A_1256 = tpu.vector_load %arg6[%get3A_1254, %get3A_1255] {strides = array<i32>} : memref<128x32xf32, #tpu.memory_space<vmem>>, vector<16xf32>,
      tpu.vector_store_idx %arg8[%select_n3A, %select_n3A_45, %broadcast_in_dim3A_1248], %get3A_1252 : memref<4x8x129xf32, #tpu.memory_space<vmem>>[vector<16xi32>, vector<16xi32>, vector<16xi32>], vector<16xf32>,
      tpu.vector_store_idx %arg8[%select_n3A_79, %select_n3A_101, %broadcast_in_dim3A_1248], %get3A_1256 : memref<4x8x129xf32, #tpu.memory_space<vmem>>[vector<16xi32>, vector<16xi32>, vector<16xi32>], vector<16xf32>,
      %broadcast_in_dim3A_1257 = arith.constant 100 : i32
      %broadcast_in_dim3A_1258 = vector.broadcast %broadcast_in_dim3A_1257 : i32 to vector<16xi32>
      %get3A_1259 = arith.constant 100 : i32
      %get3A_1260 = arith.index_cast %get3A_1259 : i32 to index
      %get3A_1261 = arith.constant 0 : index
      %get3A_1262 = tpu.vector_load %arg6[%get3A_1260, %get3A_1261] {strides = array<i32>} : memref<128x32xf32, #tpu.memory_space<vmem>>, vector<16xf32>,
      %get3A_1263 = arith.constant 100 : i32
      %get3A_1264 = arith.index_cast %get3A_1263 : i32 to index
      %get3A_1265 = arith.constant 16 : index
      %get3A_1266 = tpu.vector_load %arg6[%get3A_1264, %get3A_1265] {strides = array<i32>} : memref<128x32xf32, #tpu.memory_space<vmem>>, vector<16xf32>,
      tpu.vector_store_idx %arg8[%select_n3A, %select_n3A_45, %broadcast_in_dim3A_1258], %get3A_1262 : memref<4x8x129xf32, #tpu.memory_space<vmem>>[vector<16xi32>, vector<16xi32>, vector<16xi32>], vector<16xf32>,
      tpu.vector_store_idx %arg8[%select_n3A_79, %select_n3A_101, %broadcast_in_dim3A_1258], %get3A_1266 : memref<4x8x129xf32, #tpu.memory_space<vmem>>[vector<16xi32>, vector<16xi32>, vector<16xi32>], vector<16xf32>,
      %broadcast_in_dim3A_1267 = arith.constant 101 : i32
      %broadcast_in_dim3A_1268 = vector.broadcast %broadcast_in_dim3A_1267 : i32 to vector<16xi32>
      %get3A_1269 = arith.constant 101 : i32
      %get3A_1270 = arith.index_cast %get3A_1269 : i32 to index
      %get3A_1271 = arith.constant 0 : index
      %get3A_1272 = tpu.vector_load %arg6[%get3A_1270, %get3A_1271] {strides = array<i32>} : memref<128x32xf32, #tpu.memory_space<vmem>>, vector<16xf32>,
      %get3A_1273 = arith.constant 101 : i32
      %get3A_1274 = arith.index_cast %get3A_1273 : i32 to index
      %get3A_1275 = arith.constant 16 : index
      %get3A_1276 = tpu.vector_load %arg6[%get3A_1274, %get3A_1275] {strides = array<i32>} : memref<128x32xf32, #tpu.memory_space<vmem>>, vector<16xf32>,
      tpu.vector_store_idx %arg8[%select_n3A, %select_n3A_45, %broadcast_in_dim3A_1268], %get3A_1272 : memref<4x8x129xf32, #tpu.memory_space<vmem>>[vector<16xi32>, vector<16xi32>, vector<16xi32>], vector<16xf32>,
      tpu.vector_store_idx %arg8[%select_n3A_79, %select_n3A_101, %broadcast_in_dim3A_1268], %get3A_1276 : memref<4x8x129xf32, #tpu.memory_space<vmem>>[vector<16xi32>, vector<16xi32>, vector<16xi32>], vector<16xf32>,
      %broadcast_in_dim3A_1277 = arith.constant 102 : i32
      %broadcast_in_dim3A_1278 = vector.broadcast %broadcast_in_dim3A_1277 : i32 to vector<16xi32>
      %get3A_1279 = arith.constant 102 : i32
      %get3A_1280 = arith.index_cast %get3A_1279 : i32 to index
      %get3A_1281 = arith.constant 0 : index
      %get3A_1282 = tpu.vector_load %arg6[%get3A_1280, %get3A_1281] {strides = array<i32>} : memref<128x32xf32, #tpu.memory_space<vmem>>, vector<16xf32>,
      %get3A_1283 = arith.constant 102 : i32
      %get3A_1284 = arith.index_cast %get3A_1283 : i32 to index
      %get3A_1285 = arith.constant 16 : index
      %get3A_1286 = tpu.vector_load %arg6[%get3A_1284, %get3A_1285] {strides = array<i32>} : memref<128x32xf32, #tpu.memory_space<vmem>>, vector<16xf32>,
      tpu.vector_store_idx %arg8[%select_n3A, %select_n3A_45, %broadcast_in_dim3A_1278], %get3A_1282 : memref<4x8x129xf32, #tpu.memory_space<vmem>>[vector<16xi32>, vector<16xi32>, vector<16xi32>], vector<16xf32>,
      tpu.vector_store_idx %arg8[%select_n3A_79, %select_n3A_101, %broadcast_in_dim3A_1278], %get3A_1286 : memref<4x8x129xf32, #tpu.memory_space<vmem>>[vector<16xi32>, vector<16xi32>, vector<16xi32>], vector<16xf32>,
      %broadcast_in_dim3A_1287 = arith.constant 103 : i32
      %broadcast_in_dim3A_1288 = vector.broadcast %broadcast_in_dim3A_1287 : i32 to vector<16xi32>
      %get3A_1289 = arith.constant 103 : i32
      %get3A_1290 = arith.index_cast %get3A_1289 : i32 to index
      %get3A_1291 = arith.constant 0 : index
      %get3A_1292 = tpu.vector_load %arg6[%get3A_1290, %get3A_1291] {strides = array<i32>} : memref<128x32xf32, #tpu.memory_space<vmem>>, vector<16xf32>,
      %get3A_1293 = arith.constant 103 : i32
      %get3A_1294 = arith.index_cast %get3A_1293 : i32 to index
      %get3A_1295 = arith.constant 16 : index
      %get3A_1296 = tpu.vector_load %arg6[%get3A_1294, %get3A_1295] {strides = array<i32>} : memref<128x32xf32, #tpu.memory_space<vmem>>, vector<16xf32>,
      tpu.vector_store_idx %arg8[%select_n3A, %select_n3A_45, %broadcast_in_dim3A_1288], %get3A_1292 : memref<4x8x129xf32, #tpu.memory_space<vmem>>[vector<16xi32>, vector<16xi32>, vector<16xi32>], vector<16xf32>,
      tpu.vector_store_idx %arg8[%select_n3A_79, %select_n3A_101, %broadcast_in_dim3A_1288], %get3A_1296 : memref<4x8x129xf32, #tpu.memory_space<vmem>>[vector<16xi32>, vector<16xi32>, vector<16xi32>], vector<16xf32>,
      %broadcast_in_dim3A_1297 = arith.constant 104 : i32
      %broadcast_in_dim3A_1298 = vector.broadcast %broadcast_in_dim3A_1297 : i32 to vector<16xi32>
      %get3A_1299 = arith.constant 104 : i32
      %get3A_1300 = arith.index_cast %get3A_1299 : i32 to index
      %get3A_1301 = arith.constant 0 : index
      %get3A_1302 = tpu.vector_load %arg6[%get3A_1300, %get3A_1301] {strides = array<i32>} : memref<128x32xf32, #tpu.memory_space<vmem>>, vector<16xf32>,
      %get3A_1303 = arith.constant 104 : i32
      %get3A_1304 = arith.index_cast %get3A_1303 : i32 to index
      %get3A_1305 = arith.constant 16 : index
      %get3A_1306 = tpu.vector_load %arg6[%get3A_1304, %get3A_1305] {strides = array<i32>} : memref<128x32xf32, #tpu.memory_space<vmem>>, vector<16xf32>,
      tpu.vector_store_idx %arg8[%select_n3A, %select_n3A_45, %broadcast_in_dim3A_1298], %get3A_1302 : memref<4x8x129xf32, #tpu.memory_space<vmem>>[vector<16xi32>, vector<16xi32>, vector<16xi32>], vector<16xf32>,
      tpu.vector_store_idx %arg8[%select_n3A_79, %select_n3A_101, %broadcast_in_dim3A_1298], %get3A_1306 : memref<4x8x129xf32, #tpu.memory_space<vmem>>[vector<16xi32>, vector<16xi32>, vector<16xi32>], vector<16xf32>,
      %broadcast_in_dim3A_1307 = arith.constant 105 : i32
      %broadcast_in_dim3A_1308 = vector.broadcast %broadcast_in_dim3A_1307 : i32 to vector<16xi32>
      %get3A_1309 = arith.constant 105 : i32
      %get3A_1310 = arith.index_cast %get3A_1309 : i32 to index
      %get3A_1311 = arith.constant 0 : index
      %get3A_1312 = tpu.vector_load %arg6[%get3A_1310, %get3A_1311] {strides = array<i32>} : memref<128x32xf32, #tpu.memory_space<vmem>>, vector<16xf32>,
      %get3A_1313 = arith.constant 105 : i32
      %get3A_1314 = arith.index_cast %get3A_1313 : i32 to index
      %get3A_1315 = arith.constant 16 : index
      %get3A_1316 = tpu.vector_load %arg6[%get3A_1314, %get3A_1315] {strides = array<i32>} : memref<128x32xf32, #tpu.memory_space<vmem>>, vector<16xf32>,
      tpu.vector_store_idx %arg8[%select_n3A, %select_n3A_45, %broadcast_in_dim3A_1308], %get3A_1312 : memref<4x8x129xf32, #tpu.memory_space<vmem>>[vector<16xi32>, vector<16xi32>, vector<16xi32>], vector<16xf32>,
      tpu.vector_store_idx %arg8[%select_n3A_79, %select_n3A_101, %broadcast_in_dim3A_1308], %get3A_1316 : memref<4x8x129xf32, #tpu.memory_space<vmem>>[vector<16xi32>, vector<16xi32>, vector<16xi32>], vector<16xf32>,
      %broadcast_in_dim3A_1317 = arith.constant 106 : i32
      %broadcast_in_dim3A_1318 = vector.broadcast %broadcast_in_dim3A_1317 : i32 to vector<16xi32>
      %get3A_1319 = arith.constant 106 : i32
      %get3A_1320 = arith.index_cast %get3A_1319 : i32 to index
      %get3A_1321 = arith.constant 0 : index
      %get3A_1322 = tpu.vector_load %arg6[%get3A_1320, %get3A_1321] {strides = array<i32>} : memref<128x32xf32, #tpu.memory_space<vmem>>, vector<16xf32>,
      %get3A_1323 = arith.constant 106 : i32
      %get3A_1324 = arith.index_cast %get3A_1323 : i32 to index
      %get3A_1325 = arith.constant 16 : index
      %get3A_1326 = tpu.vector_load %arg6[%get3A_1324, %get3A_1325] {strides = array<i32>} : memref<128x32xf32, #tpu.memory_space<vmem>>, vector<16xf32>,
      tpu.vector_store_idx %arg8[%select_n3A, %select_n3A_45, %broadcast_in_dim3A_1318], %get3A_1322 : memref<4x8x129xf32, #tpu.memory_space<vmem>>[vector<16xi32>, vector<16xi32>, vector<16xi32>], vector<16xf32>,
      tpu.vector_store_idx %arg8[%select_n3A_79, %select_n3A_101, %broadcast_in_dim3A_1318], %get3A_1326 : memref<4x8x129xf32, #tpu.memory_space<vmem>>[vector<16xi32>, vector<16xi32>, vector<16xi32>], vector<16xf32>,
      %broadcast_in_dim3A_1327 = arith.constant 107 : i32
      %broadcast_in_dim3A_1328 = vector.broadcast %broadcast_in_dim3A_1327 : i32 to vector<16xi32>
      %get3A_1329 = arith.constant 107 : i32
      %get3A_1330 = arith.index_cast %get3A_1329 : i32 to index
      %get3A_1331 = arith.constant 0 : index
      %get3A_1332 = tpu.vector_load %arg6[%get3A_1330, %get3A_1331] {strides = array<i32>} : memref<128x32xf32, #tpu.memory_space<vmem>>, vector<16xf32>,
      %get3A_1333 = arith.constant 107 : i32
      %get3A_1334 = arith.index_cast %get3A_1333 : i32 to index
      %get3A_1335 = arith.constant 16 : index
      %get3A_1336 = tpu.vector_load %arg6[%get3A_1334, %get3A_1335] {strides = array<i32>} : memref<128x32xf32, #tpu.memory_space<vmem>>, vector<16xf32>,
      tpu.vector_store_idx %arg8[%select_n3A, %select_n3A_45, %broadcast_in_dim3A_1328], %get3A_1332 : memref<4x8x129xf32, #tpu.memory_space<vmem>>[vector<16xi32>, vector<16xi32>, vector<16xi32>], vector<16xf32>,
      tpu.vector_store_idx %arg8[%select_n3A_79, %select_n3A_101, %broadcast_in_dim3A_1328], %get3A_1336 : memref<4x8x129xf32, #tpu.memory_space<vmem>>[vector<16xi32>, vector<16xi32>, vector<16xi32>], vector<16xf32>,
      %broadcast_in_dim3A_1337 = arith.constant 108 : i32
      %broadcast_in_dim3A_1338 = vector.broadcast %broadcast_in_dim3A_1337 : i32 to vector<16xi32>
      %get3A_1339 = arith.constant 108 : i32
      %get3A_1340 = arith.index_cast %get3A_1339 : i32 to index
      %get3A_1341 = arith.constant 0 : index
      %get3A_1342 = tpu.vector_load %arg6[%get3A_1340, %get3A_1341] {strides = array<i32>} : memref<128x32xf32, #tpu.memory_space<vmem>>, vector<16xf32>,
      %get3A_1343 = arith.constant 108 : i32
      %get3A_1344 = arith.index_cast %get3A_1343 : i32 to index
      %get3A_1345 = arith.constant 16 : index
      %get3A_1346 = tpu.vector_load %arg6[%get3A_1344, %get3A_1345] {strides = array<i32>} : memref<128x32xf32, #tpu.memory_space<vmem>>, vector<16xf32>,
      tpu.vector_store_idx %arg8[%select_n3A, %select_n3A_45, %broadcast_in_dim3A_1338], %get3A_1342 : memref<4x8x129xf32, #tpu.memory_space<vmem>>[vector<16xi32>, vector<16xi32>, vector<16xi32>], vector<16xf32>,
      tpu.vector_store_idx %arg8[%select_n3A_79, %select_n3A_101, %broadcast_in_dim3A_1338], %get3A_1346 : memref<4x8x129xf32, #tpu.memory_space<vmem>>[vector<16xi32>, vector<16xi32>, vector<16xi32>], vector<16xf32>,
      %broadcast_in_dim3A_1347 = arith.constant 109 : i32
      %broadcast_in_dim3A_1348 = vector.broadcast %broadcast_in_dim3A_1347 : i32 to vector<16xi32>
      %get3A_1349 = arith.constant 109 : i32
      %get3A_1350 = arith.index_cast %get3A_1349 : i32 to index
      %get3A_1351 = arith.constant 0 : index
      %get3A_1352 = tpu.vector_load %arg6[%get3A_1350, %get3A_1351] {strides = array<i32>} : memref<128x32xf32, #tpu.memory_space<vmem>>, vector<16xf32>,
      %get3A_1353 = arith.constant 109 : i32
      %get3A_1354 = arith.index_cast %get3A_1353 : i32 to index
      %get3A_1355 = arith.constant 16 : index
      %get3A_1356 = tpu.vector_load %arg6[%get3A_1354, %get3A_1355] {strides = array<i32>} : memref<128x32xf32, #tpu.memory_space<vmem>>, vector<16xf32>,
      tpu.vector_store_idx %arg8[%select_n3A, %select_n3A_45, %broadcast_in_dim3A_1348], %get3A_1352 : memref<4x8x129xf32, #tpu.memory_space<vmem>>[vector<16xi32>, vector<16xi32>, vector<16xi32>], vector<16xf32>,
      tpu.vector_store_idx %arg8[%select_n3A_79, %select_n3A_101, %broadcast_in_dim3A_1348], %get3A_1356 : memref<4x8x129xf32, #tpu.memory_space<vmem>>[vector<16xi32>, vector<16xi32>, vector<16xi32>], vector<16xf32>,
      %broadcast_in_dim3A_1357 = arith.constant 110 : i32
      %broadcast_in_dim3A_1358 = vector.broadcast %broadcast_in_dim3A_1357 : i32 to vector<16xi32>
      %get3A_1359 = arith.constant 110 : i32
      %get3A_1360 = arith.index_cast %get3A_1359 : i32 to index
      %get3A_1361 = arith.constant 0 : index
      %get3A_1362 = tpu.vector_load %arg6[%get3A_1360, %get3A_1361] {strides = array<i32>} : memref<128x32xf32, #tpu.memory_space<vmem>>, vector<16xf32>,
      %get3A_1363 = arith.constant 110 : i32
      %get3A_1364 = arith.index_cast %get3A_1363 : i32 to index
      %get3A_1365 = arith.constant 16 : index
      %get3A_1366 = tpu.vector_load %arg6[%get3A_1364, %get3A_1365] {strides = array<i32>} : memref<128x32xf32, #tpu.memory_space<vmem>>, vector<16xf32>,
      tpu.vector_store_idx %arg8[%select_n3A, %select_n3A_45, %broadcast_in_dim3A_1358], %get3A_1362 : memref<4x8x129xf32, #tpu.memory_space<vmem>>[vector<16xi32>, vector<16xi32>, vector<16xi32>], vector<16xf32>,
      tpu.vector_store_idx %arg8[%select_n3A_79, %select_n3A_101, %broadcast_in_dim3A_1358], %get3A_1366 : memref<4x8x129xf32, #tpu.memory_space<vmem>>[vector<16xi32>, vector<16xi32>, vector<16xi32>], vector<16xf32>,
      %broadcast_in_dim3A_1367 = arith.constant 111 : i32
      %broadcast_in_dim3A_1368 = vector.broadcast %broadcast_in_dim3A_1367 : i32 to vector<16xi32>
      %get3A_1369 = arith.constant 111 : i32
      %get3A_1370 = arith.index_cast %get3A_1369 : i32 to index
      %get3A_1371 = arith.constant 0 : index
      %get3A_1372 = tpu.vector_load %arg6[%get3A_1370, %get3A_1371] {strides = array<i32>} : memref<128x32xf32, #tpu.memory_space<vmem>>, vector<16xf32>,
      %get3A_1373 = arith.constant 111 : i32
      %get3A_1374 = arith.index_cast %get3A_1373 : i32 to index
      %get3A_1375 = arith.constant 16 : index
      %get3A_1376 = tpu.vector_load %arg6[%get3A_1374, %get3A_1375] {strides = array<i32>} : memref<128x32xf32, #tpu.memory_space<vmem>>, vector<16xf32>,
      tpu.vector_store_idx %arg8[%select_n3A, %select_n3A_45, %broadcast_in_dim3A_1368], %get3A_1372 : memref<4x8x129xf32, #tpu.memory_space<vmem>>[vector<16xi32>, vector<16xi32>, vector<16xi32>], vector<16xf32>,
      tpu.vector_store_idx %arg8[%select_n3A_79, %select_n3A_101, %broadcast_in_dim3A_1368], %get3A_1376 : memref<4x8x129xf32, #tpu.memory_space<vmem>>[vector<16xi32>, vector<16xi32>, vector<16xi32>], vector<16xf32>,
      %broadcast_in_dim3A_1377 = arith.constant 112 : i32
      %broadcast_in_dim3A_1378 = vector.broadcast %broadcast_in_dim3A_1377 : i32 to vector<16xi32>
      %get3A_1379 = arith.constant 112 : i32
      %get3A_1380 = arith.index_cast %get3A_1379 : i32 to index
      %get3A_1381 = arith.constant 0 : index
      %get3A_1382 = tpu.vector_load %arg6[%get3A_1380, %get3A_1381] {strides = array<i32>} : memref<128x32xf32, #tpu.memory_space<vmem>>, vector<16xf32>,
      %get3A_1383 = arith.constant 112 : i32
      %get3A_1384 = arith.index_cast %get3A_1383 : i32 to index
      %get3A_1385 = arith.constant 16 : index
      %get3A_1386 = tpu.vector_load %arg6[%get3A_1384, %get3A_1385] {strides = array<i32>} : memref<128x32xf32, #tpu.memory_space<vmem>>, vector<16xf32>,
      tpu.vector_store_idx %arg8[%select_n3A, %select_n3A_45, %broadcast_in_dim3A_1378], %get3A_1382 : memref<4x8x129xf32, #tpu.memory_space<vmem>>[vector<16xi32>, vector<16xi32>, vector<16xi32>], vector<16xf32>,
      tpu.vector_store_idx %arg8[%select_n3A_79, %select_n3A_101, %broadcast_in_dim3A_1378], %get3A_1386 : memref<4x8x129xf32, #tpu.memory_space<vmem>>[vector<16xi32>, vector<16xi32>, vector<16xi32>], vector<16xf32>,
      %broadcast_in_dim3A_1387 = arith.constant 113 : i32
      %broadcast_in_dim3A_1388 = vector.broadcast %broadcast_in_dim3A_1387 : i32 to vector<16xi32>
      %get3A_1389 = arith.constant 113 : i32
      %get3A_1390 = arith.index_cast %get3A_1389 : i32 to index
      %get3A_1391 = arith.constant 0 : index
      %get3A_1392 = tpu.vector_load %arg6[%get3A_1390, %get3A_1391] {strides = array<i32>} : memref<128x32xf32, #tpu.memory_space<vmem>>, vector<16xf32>,
      %get3A_1393 = arith.constant 113 : i32
      %get3A_1394 = arith.index_cast %get3A_1393 : i32 to index
      %get3A_1395 = arith.constant 16 : index
      %get3A_1396 = tpu.vector_load %arg6[%get3A_1394, %get3A_1395] {strides = array<i32>} : memref<128x32xf32, #tpu.memory_space<vmem>>, vector<16xf32>,
      tpu.vector_store_idx %arg8[%select_n3A, %select_n3A_45, %broadcast_in_dim3A_1388], %get3A_1392 : memref<4x8x129xf32, #tpu.memory_space<vmem>>[vector<16xi32>, vector<16xi32>, vector<16xi32>], vector<16xf32>,
      tpu.vector_store_idx %arg8[%select_n3A_79, %select_n3A_101, %broadcast_in_dim3A_1388], %get3A_1396 : memref<4x8x129xf32, #tpu.memory_space<vmem>>[vector<16xi32>, vector<16xi32>, vector<16xi32>], vector<16xf32>,
      %broadcast_in_dim3A_1397 = arith.constant 114 : i32
      %broadcast_in_dim3A_1398 = vector.broadcast %broadcast_in_dim3A_1397 : i32 to vector<16xi32>
      %get3A_1399 = arith.constant 114 : i32
      %get3A_1400 = arith.index_cast %get3A_1399 : i32 to index
      %get3A_1401 = arith.constant 0 : index
      %get3A_1402 = tpu.vector_load %arg6[%get3A_1400, %get3A_1401] {strides = array<i32>} : memref<128x32xf32, #tpu.memory_space<vmem>>, vector<16xf32>,
      %get3A_1403 = arith.constant 114 : i32
      %get3A_1404 = arith.index_cast %get3A_1403 : i32 to index
      %get3A_1405 = arith.constant 16 : index
      %get3A_1406 = tpu.vector_load %arg6[%get3A_1404, %get3A_1405] {strides = array<i32>} : memref<128x32xf32, #tpu.memory_space<vmem>>, vector<16xf32>,
      tpu.vector_store_idx %arg8[%select_n3A, %select_n3A_45, %broadcast_in_dim3A_1398], %get3A_1402 : memref<4x8x129xf32, #tpu.memory_space<vmem>>[vector<16xi32>, vector<16xi32>, vector<16xi32>], vector<16xf32>,
      tpu.vector_store_idx %arg8[%select_n3A_79, %select_n3A_101, %broadcast_in_dim3A_1398], %get3A_1406 : memref<4x8x129xf32, #tpu.memory_space<vmem>>[vector<16xi32>, vector<16xi32>, vector<16xi32>], vector<16xf32>,
      %broadcast_in_dim3A_1407 = arith.constant 115 : i32
      %broadcast_in_dim3A_1408 = vector.broadcast %broadcast_in_dim3A_1407 : i32 to vector<16xi32>
      %get3A_1409 = arith.constant 115 : i32
      %get3A_1410 = arith.index_cast %get3A_1409 : i32 to index
      %get3A_1411 = arith.constant 0 : index
      %get3A_1412 = tpu.vector_load %arg6[%get3A_1410, %get3A_1411] {strides = array<i32>} : memref<128x32xf32, #tpu.memory_space<vmem>>, vector<16xf32>,
      %get3A_1413 = arith.constant 115 : i32
      %get3A_1414 = arith.index_cast %get3A_1413 : i32 to index
      %get3A_1415 = arith.constant 16 : index
      %get3A_1416 = tpu.vector_load %arg6[%get3A_1414, %get3A_1415] {strides = array<i32>} : memref<128x32xf32, #tpu.memory_space<vmem>>, vector<16xf32>,
      tpu.vector_store_idx %arg8[%select_n3A, %select_n3A_45, %broadcast_in_dim3A_1408], %get3A_1412 : memref<4x8x129xf32, #tpu.memory_space<vmem>>[vector<16xi32>, vector<16xi32>, vector<16xi32>], vector<16xf32>,
      tpu.vector_store_idx %arg8[%select_n3A_79, %select_n3A_101, %broadcast_in_dim3A_1408], %get3A_1416 : memref<4x8x129xf32, #tpu.memory_space<vmem>>[vector<16xi32>, vector<16xi32>, vector<16xi32>], vector<16xf32>,
      %broadcast_in_dim3A_1417 = arith.constant 116 : i32
      %broadcast_in_dim3A_1418 = vector.broadcast %broadcast_in_dim3A_1417 : i32 to vector<16xi32>
      %get3A_1419 = arith.constant 116 : i32
      %get3A_1420 = arith.index_cast %get3A_1419 : i32 to index
      %get3A_1421 = arith.constant 0 : index
      %get3A_1422 = tpu.vector_load %arg6[%get3A_1420, %get3A_1421] {strides = array<i32>} : memref<128x32xf32, #tpu.memory_space<vmem>>, vector<16xf32>,
      %get3A_1423 = arith.constant 116 : i32
      %get3A_1424 = arith.index_cast %get3A_1423 : i32 to index
      %get3A_1425 = arith.constant 16 : index
      %get3A_1426 = tpu.vector_load %arg6[%get3A_1424, %get3A_1425] {strides = array<i32>} : memref<128x32xf32, #tpu.memory_space<vmem>>, vector<16xf32>,
      tpu.vector_store_idx %arg8[%select_n3A, %select_n3A_45, %broadcast_in_dim3A_1418], %get3A_1422 : memref<4x8x129xf32, #tpu.memory_space<vmem>>[vector<16xi32>, vector<16xi32>, vector<16xi32>], vector<16xf32>,
      tpu.vector_store_idx %arg8[%select_n3A_79, %select_n3A_101, %broadcast_in_dim3A_1418], %get3A_1426 : memref<4x8x129xf32, #tpu.memory_space<vmem>>[vector<16xi32>, vector<16xi32>, vector<16xi32>], vector<16xf32>,
      %broadcast_in_dim3A_1427 = arith.constant 117 : i32
      %broadcast_in_dim3A_1428 = vector.broadcast %broadcast_in_dim3A_1427 : i32 to vector<16xi32>
      %get3A_1429 = arith.constant 117 : i32
      %get3A_1430 = arith.index_cast %get3A_1429 : i32 to index
      %get3A_1431 = arith.constant 0 : index
      %get3A_1432 = tpu.vector_load %arg6[%get3A_1430, %get3A_1431] {strides = array<i32>} : memref<128x32xf32, #tpu.memory_space<vmem>>, vector<16xf32>,
      %get3A_1433 = arith.constant 117 : i32
      %get3A_1434 = arith.index_cast %get3A_1433 : i32 to index
      %get3A_1435 = arith.constant 16 : index
      %get3A_1436 = tpu.vector_load %arg6[%get3A_1434, %get3A_1435] {strides = array<i32>} : memref<128x32xf32, #tpu.memory_space<vmem>>, vector<16xf32>,
      tpu.vector_store_idx %arg8[%select_n3A, %select_n3A_45, %broadcast_in_dim3A_1428], %get3A_1432 : memref<4x8x129xf32, #tpu.memory_space<vmem>>[vector<16xi32>, vector<16xi32>, vector<16xi32>], vector<16xf32>,
      tpu.vector_store_idx %arg8[%select_n3A_79, %select_n3A_101, %broadcast_in_dim3A_1428], %get3A_1436 : memref<4x8x129xf32, #tpu.memory_space<vmem>>[vector<16xi32>, vector<16xi32>, vector<16xi32>], vector<16xf32>,
      %broadcast_in_dim3A_1437 = arith.constant 118 : i32
      %broadcast_in_dim3A_1438 = vector.broadcast %broadcast_in_dim3A_1437 : i32 to vector<16xi32>
      %get3A_1439 = arith.constant 118 : i32
      %get3A_1440 = arith.index_cast %get3A_1439 : i32 to index
      %get3A_1441 = arith.constant 0 : index
      %get3A_1442 = tpu.vector_load %arg6[%get3A_1440, %get3A_1441] {strides = array<i32>} : memref<128x32xf32, #tpu.memory_space<vmem>>, vector<16xf32>,
      %get3A_1443 = arith.constant 118 : i32
      %get3A_1444 = arith.index_cast %get3A_1443 : i32 to index
      %get3A_1445 = arith.constant 16 : index
      %get3A_1446 = tpu.vector_load %arg6[%get3A_1444, %get3A_1445] {strides = array<i32>} : memref<128x32xf32, #tpu.memory_space<vmem>>, vector<16xf32>,
      tpu.vector_store_idx %arg8[%select_n3A, %select_n3A_45, %broadcast_in_dim3A_1438], %get3A_1442 : memref<4x8x129xf32, #tpu.memory_space<vmem>>[vector<16xi32>, vector<16xi32>, vector<16xi32>], vector<16xf32>,
      tpu.vector_store_idx %arg8[%select_n3A_79, %select_n3A_101, %broadcast_in_dim3A_1438], %get3A_1446 : memref<4x8x129xf32, #tpu.memory_space<vmem>>[vector<16xi32>, vector<16xi32>, vector<16xi32>], vector<16xf32>,
      %broadcast_in_dim3A_1447 = arith.constant 119 : i32
      %broadcast_in_dim3A_1448 = vector.broadcast %broadcast_in_dim3A_1447 : i32 to vector<16xi32>
      %get3A_1449 = arith.constant 119 : i32
      %get3A_1450 = arith.index_cast %get3A_1449 : i32 to index
      %get3A_1451 = arith.constant 0 : index
      %get3A_1452 = tpu.vector_load %arg6[%get3A_1450, %get3A_1451] {strides = array<i32>} : memref<128x32xf32, #tpu.memory_space<vmem>>, vector<16xf32>,
      %get3A_1453 = arith.constant 119 : i32
      %get3A_1454 = arith.index_cast %get3A_1453 : i32 to index
      %get3A_1455 = arith.constant 16 : index
      %get3A_1456 = tpu.vector_load %arg6[%get3A_1454, %get3A_1455] {strides = array<i32>} : memref<128x32xf32, #tpu.memory_space<vmem>>, vector<16xf32>,
      tpu.vector_store_idx %arg8[%select_n3A, %select_n3A_45, %broadcast_in_dim3A_1448], %get3A_1452 : memref<4x8x129xf32, #tpu.memory_space<vmem>>[vector<16xi32>, vector<16xi32>, vector<16xi32>], vector<16xf32>,
      tpu.vector_store_idx %arg8[%select_n3A_79, %select_n3A_101, %broadcast_in_dim3A_1448], %get3A_1456 : memref<4x8x129xf32, #tpu.memory_space<vmem>>[vector<16xi32>, vector<16xi32>, vector<16xi32>], vector<16xf32>,
      %broadcast_in_dim3A_1457 = arith.constant 120 : i32
      %broadcast_in_dim3A_1458 = vector.broadcast %broadcast_in_dim3A_1457 : i32 to vector<16xi32>
      %get3A_1459 = arith.constant 120 : i32
      %get3A_1460 = arith.index_cast %get3A_1459 : i32 to index
      %get3A_1461 = arith.constant 0 : index
      %get3A_1462 = tpu.vector_load %arg6[%get3A_1460, %get3A_1461] {strides = array<i32>} : memref<128x32xf32, #tpu.memory_space<vmem>>, vector<16xf32>,
      %get3A_1463 = arith.constant 120 : i32
      %get3A_1464 = arith.index_cast %get3A_1463 : i32 to index
      %get3A_1465 = arith.constant 16 : index
      %get3A_1466 = tpu.vector_load %arg6[%get3A_1464, %get3A_1465] {strides = array<i32>} : memref<128x32xf32, #tpu.memory_space<vmem>>, vector<16xf32>,
      tpu.vector_store_idx %arg8[%select_n3A, %select_n3A_45, %broadcast_in_dim3A_1458], %get3A_1462 : memref<4x8x129xf32, #tpu.memory_space<vmem>>[vector<16xi32>, vector<16xi32>, vector<16xi32>], vector<16xf32>,
      tpu.vector_store_idx %arg8[%select_n3A_79, %select_n3A_101, %broadcast_in_dim3A_1458], %get3A_1466 : memref<4x8x129xf32, #tpu.memory_space<vmem>>[vector<16xi32>, vector<16xi32>, vector<16xi32>], vector<16xf32>,
      %broadcast_in_dim3A_1467 = arith.constant 121 : i32
      %broadcast_in_dim3A_1468 = vector.broadcast %broadcast_in_dim3A_1467 : i32 to vector<16xi32>
      %get3A_1469 = arith.constant 121 : i32
      %get3A_1470 = arith.index_cast %get3A_1469 : i32 to index
      %get3A_1471 = arith.constant 0 : index
      %get3A_1472 = tpu.vector_load %arg6[%get3A_1470, %get3A_1471] {strides = array<i32>} : memref<128x32xf32, #tpu.memory_space<vmem>>, vector<16xf32>,
      %get3A_1473 = arith.constant 121 : i32
      %get3A_1474 = arith.index_cast %get3A_1473 : i32 to index
      %get3A_1475 = arith.constant 16 : index
      %get3A_1476 = tpu.vector_load %arg6[%get3A_1474, %get3A_1475] {strides = array<i32>} : memref<128x32xf32, #tpu.memory_space<vmem>>, vector<16xf32>,
      tpu.vector_store_idx %arg8[%select_n3A, %select_n3A_45, %broadcast_in_dim3A_1468], %get3A_1472 : memref<4x8x129xf32, #tpu.memory_space<vmem>>[vector<16xi32>, vector<16xi32>, vector<16xi32>], vector<16xf32>,
      tpu.vector_store_idx %arg8[%select_n3A_79, %select_n3A_101, %broadcast_in_dim3A_1468], %get3A_1476 : memref<4x8x129xf32, #tpu.memory_space<vmem>>[vector<16xi32>, vector<16xi32>, vector<16xi32>], vector<16xf32>,
      %broadcast_in_dim3A_1477 = arith.constant 122 : i32
      %broadcast_in_dim3A_1478 = vector.broadcast %broadcast_in_dim3A_1477 : i32 to vector<16xi32>
      %get3A_1479 = arith.constant 122 : i32
      %get3A_1480 = arith.index_cast %get3A_1479 : i32 to index
      %get3A_1481 = arith.constant 0 : index
      %get3A_1482 = tpu.vector_load %arg6[%get3A_1480, %get3A_1481] {strides = array<i32>} : memref<128x32xf32, #tpu.memory_space<vmem>>, vector<16xf32>,
      %get3A_1483 = arith.constant 122 : i32
      %get3A_1484 = arith.index_cast %get3A_1483 : i32 to index
      %get3A_1485 = arith.constant 16 : index
      %get3A_1486 = tpu.vector_load %arg6[%get3A_1484, %get3A_1485] {strides = array<i32>} : memref<128x32xf32, #tpu.memory_space<vmem>>, vector<16xf32>,
      tpu.vector_store_idx %arg8[%select_n3A, %select_n3A_45, %broadcast_in_dim3A_1478], %get3A_1482 : memref<4x8x129xf32, #tpu.memory_space<vmem>>[vector<16xi32>, vector<16xi32>, vector<16xi32>], vector<16xf32>,
      tpu.vector_store_idx %arg8[%select_n3A_79, %select_n3A_101, %broadcast_in_dim3A_1478], %get3A_1486 : memref<4x8x129xf32, #tpu.memory_space<vmem>>[vector<16xi32>, vector<16xi32>, vector<16xi32>], vector<16xf32>,
      %broadcast_in_dim3A_1487 = arith.constant 123 : i32
      %broadcast_in_dim3A_1488 = vector.broadcast %broadcast_in_dim3A_1487 : i32 to vector<16xi32>
      %get3A_1489 = arith.constant 123 : i32
      %get3A_1490 = arith.index_cast %get3A_1489 : i32 to index
      %get3A_1491 = arith.constant 0 : index
      %get3A_1492 = tpu.vector_load %arg6[%get3A_1490, %get3A_1491] {strides = array<i32>} : memref<128x32xf32, #tpu.memory_space<vmem>>, vector<16xf32>,
      %get3A_1493 = arith.constant 123 : i32
      %get3A_1494 = arith.index_cast %get3A_1493 : i32 to index
      %get3A_1495 = arith.constant 16 : index
      %get3A_1496 = tpu.vector_load %arg6[%get3A_1494, %get3A_1495] {strides = array<i32>} : memref<128x32xf32, #tpu.memory_space<vmem>>, vector<16xf32>,
      tpu.vector_store_idx %arg8[%select_n3A, %select_n3A_45, %broadcast_in_dim3A_1488], %get3A_1492 : memref<4x8x129xf32, #tpu.memory_space<vmem>>[vector<16xi32>, vector<16xi32>, vector<16xi32>], vector<16xf32>,
      tpu.vector_store_idx %arg8[%select_n3A_79, %select_n3A_101, %broadcast_in_dim3A_1488], %get3A_1496 : memref<4x8x129xf32, #tpu.memory_space<vmem>>[vector<16xi32>, vector<16xi32>, vector<16xi32>], vector<16xf32>,
      %broadcast_in_dim3A_1497 = arith.constant 124 : i32
      %broadcast_in_dim3A_1498 = vector.broadcast %broadcast_in_dim3A_1497 : i32 to vector<16xi32>
      %get3A_1499 = arith.constant 124 : i32
      %get3A_1500 = arith.index_cast %get3A_1499 : i32 to index
      %get3A_1501 = arith.constant 0 : index
      %get3A_1502 = tpu.vector_load %arg6[%get3A_1500, %get3A_1501] {strides = array<i32>} : memref<128x32xf32, #tpu.memory_space<vmem>>, vector<16xf32>,
      %get3A_1503 = arith.constant 124 : i32
      %get3A_1504 = arith.index_cast %get3A_1503 : i32 to index
      %get3A_1505 = arith.constant 16 : index
      %get3A_1506 = tpu.vector_load %arg6[%get3A_1504, %get3A_1505] {strides = array<i32>} : memref<128x32xf32, #tpu.memory_space<vmem>>, vector<16xf32>,
      tpu.vector_store_idx %arg8[%select_n3A, %select_n3A_45, %broadcast_in_dim3A_1498], %get3A_1502 : memref<4x8x129xf32, #tpu.memory_space<vmem>>[vector<16xi32>, vector<16xi32>, vector<16xi32>], vector<16xf32>,
      tpu.vector_store_idx %arg8[%select_n3A_79, %select_n3A_101, %broadcast_in_dim3A_1498], %get3A_1506 : memref<4x8x129xf32, #tpu.memory_space<vmem>>[vector<16xi32>, vector<16xi32>, vector<16xi32>], vector<16xf32>,
      %broadcast_in_dim3A_1507 = arith.constant 125 : i32
      %broadcast_in_dim3A_1508 = vector.broadcast %broadcast_in_dim3A_1507 : i32 to vector<16xi32>
      %get3A_1509 = arith.constant 125 : i32
      %get3A_1510 = arith.index_cast %get3A_1509 : i32 to index
      %get3A_1511 = arith.constant 0 : index
      %get3A_1512 = tpu.vector_load %arg6[%get3A_1510, %get3A_1511] {strides = array<i32>} : memref<128x32xf32, #tpu.memory_space<vmem>>, vector<16xf32>,
      %get3A_1513 = arith.constant 125 : i32
      %get3A_1514 = arith.index_cast %get3A_1513 : i32 to index
      %get3A_1515 = arith.constant 16 : index
      %get3A_1516 = tpu.vector_load %arg6[%get3A_1514, %get3A_1515] {strides = array<i32>} : memref<128x32xf32, #tpu.memory_space<vmem>>, vector<16xf32>,
      tpu.vector_store_idx %arg8[%select_n3A, %select_n3A_45, %broadcast_in_dim3A_1508], %get3A_1512 : memref<4x8x129xf32, #tpu.memory_space<vmem>>[vector<16xi32>, vector<16xi32>, vector<16xi32>], vector<16xf32>,
      tpu.vector_store_idx %arg8[%select_n3A_79, %select_n3A_101, %broadcast_in_dim3A_1508], %get3A_1516 : memref<4x8x129xf32, #tpu.memory_space<vmem>>[vector<16xi32>, vector<16xi32>, vector<16xi32>], vector<16xf32>,
      %broadcast_in_dim3A_1517 = arith.constant 126 : i32
      %broadcast_in_dim3A_1518 = vector.broadcast %broadcast_in_dim3A_1517 : i32 to vector<16xi32>
      %get3A_1519 = arith.constant 126 : i32
      %get3A_1520 = arith.index_cast %get3A_1519 : i32 to index
      %get3A_1521 = arith.constant 0 : index
      %get3A_1522 = tpu.vector_load %arg6[%get3A_1520, %get3A_1521] {strides = array<i32>} : memref<128x32xf32, #tpu.memory_space<vmem>>, vector<16xf32>,
      %get3A_1523 = arith.constant 126 : i32
      %get3A_1524 = arith.index_cast %get3A_1523 : i32 to index
      %get3A_1525 = arith.constant 16 : index
      %get3A_1526 = tpu.vector_load %arg6[%get3A_1524, %get3A_1525] {strides = array<i32>} : memref<128x32xf32, #tpu.memory_space<vmem>>, vector<16xf32>,
      tpu.vector_store_idx %arg8[%select_n3A, %select_n3A_45, %broadcast_in_dim3A_1518], %get3A_1522 : memref<4x8x129xf32, #tpu.memory_space<vmem>>[vector<16xi32>, vector<16xi32>, vector<16xi32>], vector<16xf32>,
      tpu.vector_store_idx %arg8[%select_n3A_79, %select_n3A_101, %broadcast_in_dim3A_1518], %get3A_1526 : memref<4x8x129xf32, #tpu.memory_space<vmem>>[vector<16xi32>, vector<16xi32>, vector<16xi32>], vector<16xf32>,
      %broadcast_in_dim3A_1527 = arith.constant 127 : i32
      %broadcast_in_dim3A_1528 = vector.broadcast %broadcast_in_dim3A_1527 : i32 to vector<16xi32>
      %get3A_1529 = arith.constant 127 : i32
      %get3A_1530 = arith.index_cast %get3A_1529 : i32 to index
      %get3A_1531 = arith.constant 0 : index
      %get3A_1532 = tpu.vector_load %arg6[%get3A_1530, %get3A_1531] {strides = array<i32>} : memref<128x32xf32, #tpu.memory_space<vmem>>, vector<16xf32>,
      %get3A_1533 = arith.constant 127 : i32
      %get3A_1534 = arith.index_cast %get3A_1533 : i32 to index
      %get3A_1535 = arith.constant 16 : index
      %get3A_1536 = tpu.vector_load %arg6[%get3A_1534, %get3A_1535] {strides = array<i32>} : memref<128x32xf32, #tpu.memory_space<vmem>>, vector<16xf32>,
      tpu.vector_store_idx %arg8[%select_n3A, %select_n3A_45, %broadcast_in_dim3A_1528], %get3A_1532 : memref<4x8x129xf32, #tpu.memory_space<vmem>>[vector<16xi32>, vector<16xi32>, vector<16xi32>], vector<16xf32>,
      tpu.vector_store_idx %arg8[%select_n3A_79, %select_n3A_101, %broadcast_in_dim3A_1528], %get3A_1536 : memref<4x8x129xf32, #tpu.memory_space<vmem>>[vector<16xi32>, vector<16xi32>, vector<16xi32>], vector<16xf32>,
      %jit3A_1537 = arith.constant 4 : i32
      %div3A_1538 = arith.divsi %mul3A_160, %jit3A_1537 : i32
      %sign3A_1539 = arith.constant 0 : i32
      %sign3A_1540 = arith.cmpi sgt, %mul3A_160, %sign3A_1539 : i32
      %sign3A_1541 = arith.extui %sign3A_1540 : i1 to i32
      %sign3A_1542 = arith.constant 0 : i32
      %sign3A_1543 = arith.cmpi slt, %mul3A_160, %sign3A_1542 : i32
      %sign3A_1544 = arith.extui %sign3A_1543 : i1 to i32
      %sign3A_1545 = arith.subi %sign3A_1541, %sign3A_1544 : i32
      %sign3A_1546 = arith.constant 0 : i32
      %sign3A_1547 = arith.cmpi sgt, %jit3A_1537, %sign3A_1546 : i32
      %sign3A_1548 = arith.extui %sign3A_1547 : i1 to i32
      %sign3A_1549 = arith.constant 0 : i32
      %sign3A_1550 = arith.cmpi slt, %jit3A_1537, %sign3A_1549 : i32
      %sign3A_1551 = arith.extui %sign3A_1550 : i1 to i32
      %sign3A_1552 = arith.subi %sign3A_1548, %sign3A_1551 : i32
      %ne3A_1553 = arith.cmpi ne, %sign3A_1545, %sign3A_1552 : i32
      %rem3A_1554 = arith.remsi %mul3A_160, %jit3A_1537 : i32
      %ne3A_1555 = arith.constant 0 : i32
      %ne3A_1556 = arith.cmpi ne, %rem3A_1554, %ne3A_1555 : i32
      %and3A_1557 = arith.andi %ne3A_1553, %ne3A_1556 : i1
      %sub3A_1558 = arith.constant 1 : i32
      %sub3A_1559 = arith.subi %div3A_1538, %sub3A_1558 : i32
      %select_n3A_1560 = arith.select %and3A_1557, %sub3A_1559, %div3A_1538 : i32
      %mul3A_1561 = arith.constant 4 : i32
      %mul3A_1562 = arith.muli %add3A, %mul3A_1561 : i32
      %jit3A_1563 = arith.constant 4 : i32
      %eq3A_1564 = arith.constant 0 : i32
      %eq3A_1565 = arith.cmpi eq, %jit3A_1563, %eq3A_1564 : i32
      %jit3A_1566 = arith.constant 1 : i32
      %select_n3A_1567 = arith.select %eq3A_1565, %jit3A_1566, %jit3A_1563 : i32
      %rem3A_1568 = arith.remsi %mul3A_160, %select_n3A_1567 : i32
      %ne3A_1569 = arith.constant 0 : i32
      %ne3A_1570 = arith.cmpi ne, %rem3A_1568, %ne3A_1569 : i32
      %lt3A_1571 = arith.constant 0 : i32
      %lt3A_1572 = arith.cmpi slt, %rem3A_1568, %lt3A_1571 : i32
      %lt3A_1573 = arith.constant 0 : i32
      %lt3A_1574 = arith.cmpi slt, %select_n3A_1567, %lt3A_1573 : i32
      %ne3A_1575 = arith.xori %lt3A_1572, %lt3A_1574 : i1
      %and3A_1576 = arith.andi %ne3A_1575, %ne3A_1570 : i1
      %add3A_1577 = arith.addi %rem3A_1568, %select_n3A_1567 : i32
      %select_n3A_1578 = arith.select %and3A_1576, %add3A_1577, %rem3A_1568 : i32
      %add3A_1579 = arith.addi %mul3A_1562, %select_n3A_1578 : i32
      %dma_start3A_1580 = arith.constant 0 : i32
      %dma_start3A_1581 = arith.constant 0 : i32
      %dma_start3A_1582 = arith.constant 0 : i32
      %dma_start3A_1583 = tpu.memref_slice %arg8[%dma_start3A_1580, %dma_start3A_1581, %dma_start3A_1582] : memref<4x8x129xf32, #tpu.memory_space<vmem>> -> memref<4x8x128xf32, #tpu.memory_space<vmem>>
      %dma_start3A_1584 = arith.constant 0 : i32
      %dma_start3A_1585 = arith.constant 0 : i32
      %dma_start3A_1586 = arith.constant 0 : i32
      %dma_start3A_1587 = tpu.memref_slice %arg4[%select_n3A_1560, %dma_start3A_1584, %add3A_1579, %dma_start3A_1585, %dma_start3A_1586] : memref<26x4x128x8x128xf32, #tpu.memory_space<hbm>> -> memref<1x4x1x8x128xf32, #tpu.memory_space<hbm>>
      %dma_start3A_1588 = tpu.memref_squeeze %dma_start3A_1587 : memref<1x4x1x8x128xf32, #tpu.memory_space<hbm>> -> memref<4x8x128xf32, #tpu.memory_space<hbm>>
      %dma_start3A_1589 = arith.constant 0 : i32
      %dma_start3A_1590 = arith.constant 0 : i32
      %dma_start3A_1591 = arith.constant 0 : i32
      %dma_start3A_1592 = tpu.memref_slice %arg4[%select_n3A_1560, %dma_start3A_1589, %add3A_1579, %dma_start3A_1590, %dma_start3A_1591] : memref<26x4x128x8x128xf32, #tpu.memory_space<hbm>> -> memref<1x4x1x8x128xf32, #tpu.memory_space<hbm>>
      %dma_start3A_1593 = tpu.memref_squeeze %dma_start3A_1592 : memref<1x4x1x8x128xf32, #tpu.memory_space<hbm>> -> memref<4x8x128xf32, #tpu.memory_space<hbm>>
      %dma_start3A_1594 = arith.constant 0 : i32
      %dma_start3A_1595 = arith.constant 0 : i32
      %dma_start3A_1596 = arith.constant 0 : i32
      %dma_start3A_1597 = tpu.memref_slice %arg8[%dma_start3A_1594, %dma_start3A_1595, %dma_start3A_1596] : memref<4x8x129xf32, #tpu.memory_space<vmem>> -> memref<4x8x128xf32, #tpu.memory_space<vmem>>
      tpu.enqueue_dma source(%dma_start3A_1597 : memref<4x8x128xf32, #tpu.memory_space<vmem>>) target(%dma_start3A_1593 : memref<4x8x128xf32, #tpu.memory_space<hbm>>) target_semaphore(%arg12 : memref<!tpu.dma_semaphore, #tpu.memory_space<semaphore_mem>>)
      %add3A_1598 = arith.constant 2 : i32
      %add3A_1599 = arith.addi %mul3A_160, %add3A_1598 : i32
      %lt3A_1600 = arith.constant 104 : i32
      %lt3A_1601 = arith.cmpi slt, %add3A_1599, %lt3A_1600 : i32
      %convert_element_type3A_1602 = arith.extui %lt3A_1601 : i1 to i32
      %cond3A_1603 = arith.constant 0 : i32
      %cond3A_1604 = arith.cmpi ne, %convert_element_type3A_1602, %cond3A_1603 : i32
      scf.if %cond3A_1604 {
        %add3A_3002 = arith.constant 2 : i32
        %add3A_3003 = arith.addi %mul3A_160, %add3A_3002 : i32
        %jit3A_3004 = arith.constant 4 : i32
        %div3A_3005 = arith.divsi %add3A_3003, %jit3A_3004 : i32
        %sign3A_3006 = arith.constant 0 : i32
        %sign3A_3007 = arith.cmpi sgt, %add3A_3003, %sign3A_3006 : i32
        %sign3A_3008 = arith.extui %sign3A_3007 : i1 to i32
        %sign3A_3009 = arith.constant 0 : i32
        %sign3A_3010 = arith.cmpi slt, %add3A_3003, %sign3A_3009 : i32
        %sign3A_3011 = arith.extui %sign3A_3010 : i1 to i32
        %sign3A_3012 = arith.subi %sign3A_3008, %sign3A_3011 : i32
        %sign3A_3013 = arith.constant 0 : i32
        %sign3A_3014 = arith.cmpi sgt, %jit3A_3004, %sign3A_3013 : i32
        %sign3A_3015 = arith.extui %sign3A_3014 : i1 to i32
        %sign3A_3016 = arith.constant 0 : i32
        %sign3A_3017 = arith.cmpi slt, %jit3A_3004, %sign3A_3016 : i32
        %sign3A_3018 = arith.extui %sign3A_3017 : i1 to i32
        %sign3A_3019 = arith.subi %sign3A_3015, %sign3A_3018 : i32
        %ne3A_3020 = arith.cmpi ne, %sign3A_3012, %sign3A_3019 : i32
        %rem3A_3021 = arith.remsi %add3A_3003, %jit3A_3004 : i32
        %ne3A_3022 = arith.constant 0 : i32
        %ne3A_3023 = arith.cmpi ne, %rem3A_3021, %ne3A_3022 : i32
        %and3A_3024 = arith.andi %ne3A_3020, %ne3A_3023 : i1
        %sub3A_3025 = arith.constant 1 : i32
        %sub3A_3026 = arith.subi %div3A_3005, %sub3A_3025 : i32
        %select_n3A_3027 = arith.select %and3A_3024, %sub3A_3026, %div3A_3005 : i32
        %jit3A_3028 = arith.constant 4 : i32
        %eq3A_3029 = arith.constant 0 : i32
        %eq3A_3030 = arith.cmpi eq, %jit3A_3028, %eq3A_3029 : i32
        %jit3A_3031 = arith.constant 1 : i32
        %select_n3A_3032 = arith.select %eq3A_3030, %jit3A_3031, %jit3A_3028 : i32
        %rem3A_3033 = arith.remsi %add3A_3003, %select_n3A_3032 : i32
        %ne3A_3034 = arith.constant 0 : i32
        %ne3A_3035 = arith.cmpi ne, %rem3A_3033, %ne3A_3034 : i32
        %lt3A_3036 = arith.constant 0 : i32
        %lt3A_3037 = arith.cmpi slt, %rem3A_3033, %lt3A_3036 : i32
        %lt3A_3038 = arith.constant 0 : i32
        %lt3A_3039 = arith.cmpi slt, %select_n3A_3032, %lt3A_3038 : i32
        %ne3A_3040 = arith.xori %lt3A_3037, %lt3A_3039 : i1
        %and3A_3041 = arith.andi %ne3A_3040, %ne3A_3035 : i1
        %add3A_3042 = arith.addi %rem3A_3033, %select_n3A_3032 : i32
        %select_n3A_3043 = arith.select %and3A_3041, %add3A_3042, %rem3A_3033 : i32
        %mul3A_3044 = arith.constant 128 : i32
        %mul3A_3045 = arith.muli %select_n3A_3043, %mul3A_3044 : i32
        %dma_start3A_3046 = tpu.memref_slice %arg5[%select_n3A_3027, %mul3A_3045] : memref<26x512xi32, #tpu.memory_space<vmem>> -> memref<1x128xi32, #tpu.memory_space<vmem>>
        %dma_start3A_3047 = tpu.memref_squeeze %dma_start3A_3046 : memref<1x128xi32, #tpu.memory_space<vmem>> -> memref<128xi32, #tpu.memory_space<vmem>>
        %dma_start3A_3048 = arith.constant 0 : i32
        %dma_start3A_3049 = arith.constant 0 : i32
        %dma_start3A_3050 = tpu.memref_slice %arg3[%dma_start3A_3048, %dma_start3A_3049] : memref<1000000x32xf32, #tpu.memory_space<hbm>> -> memref<1000000x32xf32, #tpu.memory_space<hbm>>
        tpu.enqueue_indirect_dma source(%dma_start3A_3050 : memref<1000000x32xf32, #tpu.memory_space<hbm>>) target(%arg6 : memref<128x32xf32, #tpu.memory_space<vmem>>) offsets(%dma_start3A_3047 : memref<128xi32, #tpu.memory_space<vmem>>) semaphore(%arg10 : memref<!tpu.dma_semaphore, #tpu.memory_space<semaphore_mem>>)
      } else {
      }
      %add3A_1605 = arith.constant 1 : i32
      %add3A_1606 = arith.addi %mul3A_160, %add3A_1605 : i32
      %jit3A_1607 = arith.constant 4 : i32
      %div3A_1608 = arith.divsi %add3A_1606, %jit3A_1607 : i32
      %sign3A_1609 = arith.constant 0 : i32
      %sign3A_1610 = arith.cmpi sgt, %add3A_1606, %sign3A_1609 : i32
      %sign3A_1611 = arith.extui %sign3A_1610 : i1 to i32
      %sign3A_1612 = arith.constant 0 : i32
      %sign3A_1613 = arith.cmpi slt, %add3A_1606, %sign3A_1612 : i32
      %sign3A_1614 = arith.extui %sign3A_1613 : i1 to i32
      %sign3A_1615 = arith.subi %sign3A_1611, %sign3A_1614 : i32
      %sign3A_1616 = arith.constant 0 : i32
      %sign3A_1617 = arith.cmpi sgt, %jit3A_1607, %sign3A_1616 : i32
      %sign3A_1618 = arith.extui %sign3A_1617 : i1 to i32
      %sign3A_1619 = arith.constant 0 : i32
      %sign3A_1620 = arith.cmpi slt, %jit3A_1607, %sign3A_1619 : i32
      %sign3A_1621 = arith.extui %sign3A_1620 : i1 to i32
      %sign3A_1622 = arith.subi %sign3A_1618, %sign3A_1621 : i32
      %ne3A_1623 = arith.cmpi ne, %sign3A_1615, %sign3A_1622 : i32
      %rem3A_1624 = arith.remsi %add3A_1606, %jit3A_1607 : i32
      %ne3A_1625 = arith.constant 0 : i32
      %ne3A_1626 = arith.cmpi ne, %rem3A_1624, %ne3A_1625 : i32
      %and3A_1627 = arith.andi %ne3A_1623, %ne3A_1626 : i1
      %sub3A_1628 = arith.constant 1 : i32
      %sub3A_1629 = arith.subi %div3A_1608, %sub3A_1628 : i32
      %select_n3A_1630 = arith.select %and3A_1627, %sub3A_1629, %div3A_1608 : i32
      %jit3A_1631 = arith.constant 4 : i32
      %eq3A_1632 = arith.constant 0 : i32
      %eq3A_1633 = arith.cmpi eq, %jit3A_1631, %eq3A_1632 : i32
      %jit3A_1634 = arith.constant 1 : i32
      %select_n3A_1635 = arith.select %eq3A_1633, %jit3A_1634, %jit3A_1631 : i32
      %rem3A_1636 = arith.remsi %add3A_1606, %select_n3A_1635 : i32
      %ne3A_1637 = arith.constant 0 : i32
      %ne3A_1638 = arith.cmpi ne, %rem3A_1636, %ne3A_1637 : i32
      %lt3A_1639 = arith.constant 0 : i32
      %lt3A_1640 = arith.cmpi slt, %rem3A_1636, %lt3A_1639 : i32
      %lt3A_1641 = arith.constant 0 : i32
      %lt3A_1642 = arith.cmpi slt, %select_n3A_1635, %lt3A_1641 : i32
      %ne3A_1643 = arith.xori %lt3A_1640, %lt3A_1642 : i1
      %and3A_1644 = arith.andi %ne3A_1643, %ne3A_1638 : i1
      %add3A_1645 = arith.addi %rem3A_1636, %select_n3A_1635 : i32
      %select_n3A_1646 = arith.select %and3A_1644, %add3A_1645, %rem3A_1636 : i32
      %mul3A_1647 = arith.constant 128 : i32
      %mul3A_1648 = arith.muli %select_n3A_1646, %mul3A_1647 : i32
      %dma_wait3A_1649 = tpu.memref_slice %arg5[%select_n3A_1630, %mul3A_1648] : memref<26x512xi32, #tpu.memory_space<vmem>> -> memref<1x128xi32, #tpu.memory_space<vmem>>
      %dma_wait3A_1650 = tpu.memref_squeeze %dma_wait3A_1649 : memref<1x128xi32, #tpu.memory_space<vmem>> -> memref<128xi32, #tpu.memory_space<vmem>>
      %dma_wait3A_1651 = arith.constant 0 : i32
      %dma_wait3A_1652 = arith.constant 0 : i32
      %dma_wait3A_1653 = tpu.memref_slice %arg3[%dma_wait3A_1651, %dma_wait3A_1652] : memref<1000000x32xf32, #tpu.memory_space<hbm>> -> memref<1000000x32xf32, #tpu.memory_space<hbm>>
      tpu.wait_indirect_dma semaphore(%arg11 : memref<!tpu.dma_semaphore, #tpu.memory_space<semaphore_mem>>) src(%dma_wait3A_1653 : memref<1000000x32xf32, #tpu.memory_space<hbm>>) dst(%arg7 : memref<128x32xf32, #tpu.memory_space<vmem>>)
      %ge3A_1654 = arith.constant 1 : i32
      %ge3A_1655 = arith.cmpi sge, %mul3A_160, %ge3A_1654 : i32
      %convert_element_type3A_1656 = arith.extui %ge3A_1655 : i1 to i32
      %cond3A_1657 = arith.constant 0 : i32
      %cond3A_1658 = arith.cmpi ne, %convert_element_type3A_1656, %cond3A_1657 : i32
      scf.if %cond3A_1658 {
        %sub3A_3002 = arith.constant 1 : i32
        %sub3A_3003 = arith.subi %mul3A_160, %sub3A_3002 : i32
        %jit3A_3004 = arith.constant 4 : i32
        %div3A_3005 = arith.divsi %sub3A_3003, %jit3A_3004 : i32
        %sign3A_3006 = arith.constant 0 : i32
        %sign3A_3007 = arith.cmpi sgt, %sub3A_3003, %sign3A_3006 : i32
        %sign3A_3008 = arith.extui %sign3A_3007 : i1 to i32
        %sign3A_3009 = arith.constant 0 : i32
        %sign3A_3010 = arith.cmpi slt, %sub3A_3003, %sign3A_3009 : i32
        %sign3A_3011 = arith.extui %sign3A_3010 : i1 to i32
        %sign3A_3012 = arith.subi %sign3A_3008, %sign3A_3011 : i32
        %sign3A_3013 = arith.constant 0 : i32
        %sign3A_3014 = arith.cmpi sgt, %jit3A_3004, %sign3A_3013 : i32
        %sign3A_3015 = arith.extui %sign3A_3014 : i1 to i32
        %sign3A_3016 = arith.constant 0 : i32
        %sign3A_3017 = arith.cmpi slt, %jit3A_3004, %sign3A_3016 : i32
        %sign3A_3018 = arith.extui %sign3A_3017 : i1 to i32
        %sign3A_3019 = arith.subi %sign3A_3015, %sign3A_3018 : i32
        %ne3A_3020 = arith.cmpi ne, %sign3A_3012, %sign3A_3019 : i32
        %rem3A_3021 = arith.remsi %sub3A_3003, %jit3A_3004 : i32
        %ne3A_3022 = arith.constant 0 : i32
        %ne3A_3023 = arith.cmpi ne, %rem3A_3021, %ne3A_3022 : i32
        %and3A_3024 = arith.andi %ne3A_3020, %ne3A_3023 : i1
        %sub3A_3025 = arith.constant 1 : i32
        %sub3A_3026 = arith.subi %div3A_3005, %sub3A_3025 : i32
        %select_n3A_3027 = arith.select %and3A_3024, %sub3A_3026, %div3A_3005 : i32
        %mul3A_3028 = arith.constant 4 : i32
        %mul3A_3029 = arith.muli %add3A, %mul3A_3028 : i32
        %jit3A_3030 = arith.constant 4 : i32
        %eq3A_3031 = arith.constant 0 : i32
        %eq3A_3032 = arith.cmpi eq, %jit3A_3030, %eq3A_3031 : i32
        %jit3A_3033 = arith.constant 1 : i32
        %select_n3A_3034 = arith.select %eq3A_3032, %jit3A_3033, %jit3A_3030 : i32
        %rem3A_3035 = arith.remsi %sub3A_3003, %select_n3A_3034 : i32
        %ne3A_3036 = arith.constant 0 : i32
        %ne3A_3037 = arith.cmpi ne, %rem3A_3035, %ne3A_3036 : i32
        %lt3A_3038 = arith.constant 0 : i32
        %lt3A_3039 = arith.cmpi slt, %rem3A_3035, %lt3A_3038 : i32
        %lt3A_3040 = arith.constant 0 : i32
        %lt3A_3041 = arith.cmpi slt, %select_n3A_3034, %lt3A_3040 : i32
        %ne3A_3042 = arith.xori %lt3A_3039, %lt3A_3041 : i1
        %and3A_3043 = arith.andi %ne3A_3042, %ne3A_3037 : i1
        %add3A_3044 = arith.addi %rem3A_3035, %select_n3A_3034 : i32
        %select_n3A_3045 = arith.select %and3A_3043, %add3A_3044, %rem3A_3035 : i32
        %add3A_3046 = arith.addi %mul3A_3029, %select_n3A_3045 : i32
        %dma_wait3A_3047 = arith.constant 0 : i32
        %dma_wait3A_3048 = arith.constant 0 : i32
        %dma_wait3A_3049 = arith.constant 0 : i32
        %dma_wait3A_3050 = tpu.memref_slice %arg9[%dma_wait3A_3047, %dma_wait3A_3048, %dma_wait3A_3049] : memref<4x8x129xf32, #tpu.memory_space<vmem>> -> memref<4x8x128xf32, #tpu.memory_space<vmem>>
        %dma_wait3A_3051 = arith.constant 0 : i32
        %dma_wait3A_3052 = arith.constant 0 : i32
        %dma_wait3A_3053 = arith.constant 0 : i32
        %dma_wait3A_3054 = tpu.memref_slice %arg4[%select_n3A_3027, %dma_wait3A_3051, %add3A_3046, %dma_wait3A_3052, %dma_wait3A_3053] : memref<26x4x128x8x128xf32, #tpu.memory_space<hbm>> -> memref<1x4x1x8x128xf32, #tpu.memory_space<hbm>>
        %dma_wait3A_3055 = tpu.memref_squeeze %dma_wait3A_3054 : memref<1x4x1x8x128xf32, #tpu.memory_space<hbm>> -> memref<4x8x128xf32, #tpu.memory_space<hbm>>
        %dma_wait3A_3056 = arith.constant 0 : i32
        %dma_wait3A_3057 = arith.constant 0 : i32
        %dma_wait3A_3058 = arith.constant 0 : i32
        %dma_wait3A_3059 = tpu.memref_slice %arg4[%select_n3A_3027, %dma_wait3A_3056, %add3A_3046, %dma_wait3A_3057, %dma_wait3A_3058] : memref<26x4x128x8x128xf32, #tpu.memory_space<hbm>> -> memref<1x4x1x8x128xf32, #tpu.memory_space<hbm>>
        %dma_wait3A_3060 = tpu.memref_squeeze %dma_wait3A_3059 : memref<1x4x1x8x128xf32, #tpu.memory_space<hbm>> -> memref<4x8x128xf32, #tpu.memory_space<hbm>>
        %dma_wait3A_3061 = arith.constant 0 : i32
        %dma_wait3A_3062 = arith.constant 0 : i32
        %dma_wait3A_3063 = arith.constant 0 : i32
        %dma_wait3A_3064 = tpu.memref_slice %arg9[%dma_wait3A_3061, %dma_wait3A_3062, %dma_wait3A_3063] : memref<4x8x129xf32, #tpu.memory_space<vmem>> -> memref<4x8x128xf32, #tpu.memory_space<vmem>>
        tpu.wait_dma2 semaphore(%arg13 : memref<!tpu.dma_semaphore, #tpu.memory_space<semaphore_mem>>) src(%dma_wait3A_3064 : memref<4x8x128xf32, #tpu.memory_space<vmem>>) dst(%dma_wait3A_3060 : memref<4x8x128xf32, #tpu.memory_space<hbm>>)
      } else {
      }
      %broadcast_in_dim3A_1659 = arith.constant 0 : i32
      %broadcast_in_dim3A_1660 = vector.broadcast %broadcast_in_dim3A_1659 : i32 to vector<16xi32>
      %get3A_1661 = arith.constant 0 : i32
      %get3A_1662 = arith.index_cast %get3A_1661 : i32 to index
      %get3A_1663 = arith.constant 0 : index
      %get3A_1664 = tpu.vector_load %arg7[%get3A_1662, %get3A_1663] {strides = array<i32>} : memref<128x32xf32, #tpu.memory_space<vmem>>, vector<16xf32>,
      %get3A_1665 = arith.constant 0 : i32
      %get3A_1666 = arith.index_cast %get3A_1665 : i32 to index
      %get3A_1667 = arith.constant 16 : index
      %get3A_1668 = tpu.vector_load %arg7[%get3A_1666, %get3A_1667] {strides = array<i32>} : memref<128x32xf32, #tpu.memory_space<vmem>>, vector<16xf32>,
      tpu.vector_store_idx %arg9[%select_n3A, %select_n3A_45, %broadcast_in_dim3A_1660], %get3A_1664 : memref<4x8x129xf32, #tpu.memory_space<vmem>>[vector<16xi32>, vector<16xi32>, vector<16xi32>], vector<16xf32>,
      tpu.vector_store_idx %arg9[%select_n3A_79, %select_n3A_101, %broadcast_in_dim3A_1660], %get3A_1668 : memref<4x8x129xf32, #tpu.memory_space<vmem>>[vector<16xi32>, vector<16xi32>, vector<16xi32>], vector<16xf32>,
      %broadcast_in_dim3A_1669 = arith.constant 1 : i32
      %broadcast_in_dim3A_1670 = vector.broadcast %broadcast_in_dim3A_1669 : i32 to vector<16xi32>
      %get3A_1671 = arith.constant 1 : i32
      %get3A_1672 = arith.index_cast %get3A_1671 : i32 to index
      %get3A_1673 = arith.constant 0 : index
      %get3A_1674 = tpu.vector_load %arg7[%get3A_1672, %get3A_1673] {strides = array<i32>} : memref<128x32xf32, #tpu.memory_space<vmem>>, vector<16xf32>,
      %get3A_1675 = arith.constant 1 : i32
      %get3A_1676 = arith.index_cast %get3A_1675 : i32 to index
      %get3A_1677 = arith.constant 16 : index
      %get3A_1678 = tpu.vector_load %arg7[%get3A_1676, %get3A_1677] {strides = array<i32>} : memref<128x32xf32, #tpu.memory_space<vmem>>, vector<16xf32>,
      tpu.vector_store_idx %arg9[%select_n3A, %select_n3A_45, %broadcast_in_dim3A_1670], %get3A_1674 : memref<4x8x129xf32, #tpu.memory_space<vmem>>[vector<16xi32>, vector<16xi32>, vector<16xi32>], vector<16xf32>,
      tpu.vector_store_idx %arg9[%select_n3A_79, %select_n3A_101, %broadcast_in_dim3A_1670], %get3A_1678 : memref<4x8x129xf32, #tpu.memory_space<vmem>>[vector<16xi32>, vector<16xi32>, vector<16xi32>], vector<16xf32>,
      %broadcast_in_dim3A_1679 = arith.constant 2 : i32
      %broadcast_in_dim3A_1680 = vector.broadcast %broadcast_in_dim3A_1679 : i32 to vector<16xi32>
      %get3A_1681 = arith.constant 2 : i32
      %get3A_1682 = arith.index_cast %get3A_1681 : i32 to index
      %get3A_1683 = arith.constant 0 : index
      %get3A_1684 = tpu.vector_load %arg7[%get3A_1682, %get3A_1683] {strides = array<i32>} : memref<128x32xf32, #tpu.memory_space<vmem>>, vector<16xf32>,
      %get3A_1685 = arith.constant 2 : i32
      %get3A_1686 = arith.index_cast %get3A_1685 : i32 to index
      %get3A_1687 = arith.constant 16 : index
      %get3A_1688 = tpu.vector_load %arg7[%get3A_1686, %get3A_1687] {strides = array<i32>} : memref<128x32xf32, #tpu.memory_space<vmem>>, vector<16xf32>,
      tpu.vector_store_idx %arg9[%select_n3A, %select_n3A_45, %broadcast_in_dim3A_1680], %get3A_1684 : memref<4x8x129xf32, #tpu.memory_space<vmem>>[vector<16xi32>, vector<16xi32>, vector<16xi32>], vector<16xf32>,
      tpu.vector_store_idx %arg9[%select_n3A_79, %select_n3A_101, %broadcast_in_dim3A_1680], %get3A_1688 : memref<4x8x129xf32, #tpu.memory_space<vmem>>[vector<16xi32>, vector<16xi32>, vector<16xi32>], vector<16xf32>,
      %broadcast_in_dim3A_1689 = arith.constant 3 : i32
      %broadcast_in_dim3A_1690 = vector.broadcast %broadcast_in_dim3A_1689 : i32 to vector<16xi32>
      %get3A_1691 = arith.constant 3 : i32
      %get3A_1692 = arith.index_cast %get3A_1691 : i32 to index
      %get3A_1693 = arith.constant 0 : index
      %get3A_1694 = tpu.vector_load %arg7[%get3A_1692, %get3A_1693] {strides = array<i32>} : memref<128x32xf32, #tpu.memory_space<vmem>>, vector<16xf32>,
      %get3A_1695 = arith.constant 3 : i32
      %get3A_1696 = arith.index_cast %get3A_1695 : i32 to index
      %get3A_1697 = arith.constant 16 : index
      %get3A_1698 = tpu.vector_load %arg7[%get3A_1696, %get3A_1697] {strides = array<i32>} : memref<128x32xf32, #tpu.memory_space<vmem>>, vector<16xf32>,
      tpu.vector_store_idx %arg9[%select_n3A, %select_n3A_45, %broadcast_in_dim3A_1690], %get3A_1694 : memref<4x8x129xf32, #tpu.memory_space<vmem>>[vector<16xi32>, vector<16xi32>, vector<16xi32>], vector<16xf32>,
      tpu.vector_store_idx %arg9[%select_n3A_79, %select_n3A_101, %broadcast_in_dim3A_1690], %get3A_1698 : memref<4x8x129xf32, #tpu.memory_space<vmem>>[vector<16xi32>, vector<16xi32>, vector<16xi32>], vector<16xf32>,
      %broadcast_in_dim3A_1699 = arith.constant 4 : i32
      %broadcast_in_dim3A_1700 = vector.broadcast %broadcast_in_dim3A_1699 : i32 to vector<16xi32>
      %get3A_1701 = arith.constant 4 : i32
      %get3A_1702 = arith.index_cast %get3A_1701 : i32 to index
      %get3A_1703 = arith.constant 0 : index
      %get3A_1704 = tpu.vector_load %arg7[%get3A_1702, %get3A_1703] {strides = array<i32>} : memref<128x32xf32, #tpu.memory_space<vmem>>, vector<16xf32>,
      %get3A_1705 = arith.constant 4 : i32
      %get3A_1706 = arith.index_cast %get3A_1705 : i32 to index
      %get3A_1707 = arith.constant 16 : index
      %get3A_1708 = tpu.vector_load %arg7[%get3A_1706, %get3A_1707] {strides = array<i32>} : memref<128x32xf32, #tpu.memory_space<vmem>>, vector<16xf32>,
      tpu.vector_store_idx %arg9[%select_n3A, %select_n3A_45, %broadcast_in_dim3A_1700], %get3A_1704 : memref<4x8x129xf32, #tpu.memory_space<vmem>>[vector<16xi32>, vector<16xi32>, vector<16xi32>], vector<16xf32>,
      tpu.vector_store_idx %arg9[%select_n3A_79, %select_n3A_101, %broadcast_in_dim3A_1700], %get3A_1708 : memref<4x8x129xf32, #tpu.memory_space<vmem>>[vector<16xi32>, vector<16xi32>, vector<16xi32>], vector<16xf32>,
      %broadcast_in_dim3A_1709 = arith.constant 5 : i32
      %broadcast_in_dim3A_1710 = vector.broadcast %broadcast_in_dim3A_1709 : i32 to vector<16xi32>
      %get3A_1711 = arith.constant 5 : i32
      %get3A_1712 = arith.index_cast %get3A_1711 : i32 to index
      %get3A_1713 = arith.constant 0 : index
      %get3A_1714 = tpu.vector_load %arg7[%get3A_1712, %get3A_1713] {strides = array<i32>} : memref<128x32xf32, #tpu.memory_space<vmem>>, vector<16xf32>,
      %get3A_1715 = arith.constant 5 : i32
      %get3A_1716 = arith.index_cast %get3A_1715 : i32 to index
      %get3A_1717 = arith.constant 16 : index
      %get3A_1718 = tpu.vector_load %arg7[%get3A_1716, %get3A_1717] {strides = array<i32>} : memref<128x32xf32, #tpu.memory_space<vmem>>, vector<16xf32>,
      tpu.vector_store_idx %arg9[%select_n3A, %select_n3A_45, %broadcast_in_dim3A_1710], %get3A_1714 : memref<4x8x129xf32, #tpu.memory_space<vmem>>[vector<16xi32>, vector<16xi32>, vector<16xi32>], vector<16xf32>,
      tpu.vector_store_idx %arg9[%select_n3A_79, %select_n3A_101, %broadcast_in_dim3A_1710], %get3A_1718 : memref<4x8x129xf32, #tpu.memory_space<vmem>>[vector<16xi32>, vector<16xi32>, vector<16xi32>], vector<16xf32>,
      %broadcast_in_dim3A_1719 = arith.constant 6 : i32
      %broadcast_in_dim3A_1720 = vector.broadcast %broadcast_in_dim3A_1719 : i32 to vector<16xi32>
      %get3A_1721 = arith.constant 6 : i32
      %get3A_1722 = arith.index_cast %get3A_1721 : i32 to index
      %get3A_1723 = arith.constant 0 : index
      %get3A_1724 = tpu.vector_load %arg7[%get3A_1722, %get3A_1723] {strides = array<i32>} : memref<128x32xf32, #tpu.memory_space<vmem>>, vector<16xf32>,
      %get3A_1725 = arith.constant 6 : i32
      %get3A_1726 = arith.index_cast %get3A_1725 : i32 to index
      %get3A_1727 = arith.constant 16 : index
      %get3A_1728 = tpu.vector_load %arg7[%get3A_1726, %get3A_1727] {strides = array<i32>} : memref<128x32xf32, #tpu.memory_space<vmem>>, vector<16xf32>,
      tpu.vector_store_idx %arg9[%select_n3A, %select_n3A_45, %broadcast_in_dim3A_1720], %get3A_1724 : memref<4x8x129xf32, #tpu.memory_space<vmem>>[vector<16xi32>, vector<16xi32>, vector<16xi32>], vector<16xf32>,
      tpu.vector_store_idx %arg9[%select_n3A_79, %select_n3A_101, %broadcast_in_dim3A_1720], %get3A_1728 : memref<4x8x129xf32, #tpu.memory_space<vmem>>[vector<16xi32>, vector<16xi32>, vector<16xi32>], vector<16xf32>,
      %broadcast_in_dim3A_1729 = arith.constant 7 : i32
      %broadcast_in_dim3A_1730 = vector.broadcast %broadcast_in_dim3A_1729 : i32 to vector<16xi32>
      %get3A_1731 = arith.constant 7 : i32
      %get3A_1732 = arith.index_cast %get3A_1731 : i32 to index
      %get3A_1733 = arith.constant 0 : index
      %get3A_1734 = tpu.vector_load %arg7[%get3A_1732, %get3A_1733] {strides = array<i32>} : memref<128x32xf32, #tpu.memory_space<vmem>>, vector<16xf32>,
      %get3A_1735 = arith.constant 7 : i32
      %get3A_1736 = arith.index_cast %get3A_1735 : i32 to index
      %get3A_1737 = arith.constant 16 : index
      %get3A_1738 = tpu.vector_load %arg7[%get3A_1736, %get3A_1737] {strides = array<i32>} : memref<128x32xf32, #tpu.memory_space<vmem>>, vector<16xf32>,
      tpu.vector_store_idx %arg9[%select_n3A, %select_n3A_45, %broadcast_in_dim3A_1730], %get3A_1734 : memref<4x8x129xf32, #tpu.memory_space<vmem>>[vector<16xi32>, vector<16xi32>, vector<16xi32>], vector<16xf32>,
      tpu.vector_store_idx %arg9[%select_n3A_79, %select_n3A_101, %broadcast_in_dim3A_1730], %get3A_1738 : memref<4x8x129xf32, #tpu.memory_space<vmem>>[vector<16xi32>, vector<16xi32>, vector<16xi32>], vector<16xf32>,
      %broadcast_in_dim3A_1739 = arith.constant 8 : i32
      %broadcast_in_dim3A_1740 = vector.broadcast %broadcast_in_dim3A_1739 : i32 to vector<16xi32>
      %get3A_1741 = arith.constant 8 : i32
      %get3A_1742 = arith.index_cast %get3A_1741 : i32 to index
      %get3A_1743 = arith.constant 0 : index
      %get3A_1744 = tpu.vector_load %arg7[%get3A_1742, %get3A_1743] {strides = array<i32>} : memref<128x32xf32, #tpu.memory_space<vmem>>, vector<16xf32>,
      %get3A_1745 = arith.constant 8 : i32
      %get3A_1746 = arith.index_cast %get3A_1745 : i32 to index
      %get3A_1747 = arith.constant 16 : index
      %get3A_1748 = tpu.vector_load %arg7[%get3A_1746, %get3A_1747] {strides = array<i32>} : memref<128x32xf32, #tpu.memory_space<vmem>>, vector<16xf32>,
      tpu.vector_store_idx %arg9[%select_n3A, %select_n3A_45, %broadcast_in_dim3A_1740], %get3A_1744 : memref<4x8x129xf32, #tpu.memory_space<vmem>>[vector<16xi32>, vector<16xi32>, vector<16xi32>], vector<16xf32>,
      tpu.vector_store_idx %arg9[%select_n3A_79, %select_n3A_101, %broadcast_in_dim3A_1740], %get3A_1748 : memref<4x8x129xf32, #tpu.memory_space<vmem>>[vector<16xi32>, vector<16xi32>, vector<16xi32>], vector<16xf32>,
      %broadcast_in_dim3A_1749 = arith.constant 9 : i32
      %broadcast_in_dim3A_1750 = vector.broadcast %broadcast_in_dim3A_1749 : i32 to vector<16xi32>
      %get3A_1751 = arith.constant 9 : i32
      %get3A_1752 = arith.index_cast %get3A_1751 : i32 to index
      %get3A_1753 = arith.constant 0 : index
      %get3A_1754 = tpu.vector_load %arg7[%get3A_1752, %get3A_1753] {strides = array<i32>} : memref<128x32xf32, #tpu.memory_space<vmem>>, vector<16xf32>,
      %get3A_1755 = arith.constant 9 : i32
      %get3A_1756 = arith.index_cast %get3A_1755 : i32 to index
      %get3A_1757 = arith.constant 16 : index
      %get3A_1758 = tpu.vector_load %arg7[%get3A_1756, %get3A_1757] {strides = array<i32>} : memref<128x32xf32, #tpu.memory_space<vmem>>, vector<16xf32>,
      tpu.vector_store_idx %arg9[%select_n3A, %select_n3A_45, %broadcast_in_dim3A_1750], %get3A_1754 : memref<4x8x129xf32, #tpu.memory_space<vmem>>[vector<16xi32>, vector<16xi32>, vector<16xi32>], vector<16xf32>,
      tpu.vector_store_idx %arg9[%select_n3A_79, %select_n3A_101, %broadcast_in_dim3A_1750], %get3A_1758 : memref<4x8x129xf32, #tpu.memory_space<vmem>>[vector<16xi32>, vector<16xi32>, vector<16xi32>], vector<16xf32>,
      %broadcast_in_dim3A_1759 = arith.constant 10 : i32
      %broadcast_in_dim3A_1760 = vector.broadcast %broadcast_in_dim3A_1759 : i32 to vector<16xi32>
      %get3A_1761 = arith.constant 10 : i32
      %get3A_1762 = arith.index_cast %get3A_1761 : i32 to index
      %get3A_1763 = arith.constant 0 : index
      %get3A_1764 = tpu.vector_load %arg7[%get3A_1762, %get3A_1763] {strides = array<i32>} : memref<128x32xf32, #tpu.memory_space<vmem>>, vector<16xf32>,
      %get3A_1765 = arith.constant 10 : i32
      %get3A_1766 = arith.index_cast %get3A_1765 : i32 to index
      %get3A_1767 = arith.constant 16 : index
      %get3A_1768 = tpu.vector_load %arg7[%get3A_1766, %get3A_1767] {strides = array<i32>} : memref<128x32xf32, #tpu.memory_space<vmem>>, vector<16xf32>,
      tpu.vector_store_idx %arg9[%select_n3A, %select_n3A_45, %broadcast_in_dim3A_1760], %get3A_1764 : memref<4x8x129xf32, #tpu.memory_space<vmem>>[vector<16xi32>, vector<16xi32>, vector<16xi32>], vector<16xf32>,
      tpu.vector_store_idx %arg9[%select_n3A_79, %select_n3A_101, %broadcast_in_dim3A_1760], %get3A_1768 : memref<4x8x129xf32, #tpu.memory_space<vmem>>[vector<16xi32>, vector<16xi32>, vector<16xi32>], vector<16xf32>,
      %broadcast_in_dim3A_1769 = arith.constant 11 : i32
      %broadcast_in_dim3A_1770 = vector.broadcast %broadcast_in_dim3A_1769 : i32 to vector<16xi32>
      %get3A_1771 = arith.constant 11 : i32
      %get3A_1772 = arith.index_cast %get3A_1771 : i32 to index
      %get3A_1773 = arith.constant 0 : index
      %get3A_1774 = tpu.vector_load %arg7[%get3A_1772, %get3A_1773] {strides = array<i32>} : memref<128x32xf32, #tpu.memory_space<vmem>>, vector<16xf32>,
      %get3A_1775 = arith.constant 11 : i32
      %get3A_1776 = arith.index_cast %get3A_1775 : i32 to index
      %get3A_1777 = arith.constant 16 : index
      %get3A_1778 = tpu.vector_load %arg7[%get3A_1776, %get3A_1777] {strides = array<i32>} : memref<128x32xf32, #tpu.memory_space<vmem>>, vector<16xf32>,
      tpu.vector_store_idx %arg9[%select_n3A, %select_n3A_45, %broadcast_in_dim3A_1770], %get3A_1774 : memref<4x8x129xf32, #tpu.memory_space<vmem>>[vector<16xi32>, vector<16xi32>, vector<16xi32>], vector<16xf32>,
      tpu.vector_store_idx %arg9[%select_n3A_79, %select_n3A_101, %broadcast_in_dim3A_1770], %get3A_1778 : memref<4x8x129xf32, #tpu.memory_space<vmem>>[vector<16xi32>, vector<16xi32>, vector<16xi32>], vector<16xf32>,
      %broadcast_in_dim3A_1779 = arith.constant 12 : i32
      %broadcast_in_dim3A_1780 = vector.broadcast %broadcast_in_dim3A_1779 : i32 to vector<16xi32>
      %get3A_1781 = arith.constant 12 : i32
      %get3A_1782 = arith.index_cast %get3A_1781 : i32 to index
      %get3A_1783 = arith.constant 0 : index
      %get3A_1784 = tpu.vector_load %arg7[%get3A_1782, %get3A_1783] {strides = array<i32>} : memref<128x32xf32, #tpu.memory_space<vmem>>, vector<16xf32>,
      %get3A_1785 = arith.constant 12 : i32
      %get3A_1786 = arith.index_cast %get3A_1785 : i32 to index
      %get3A_1787 = arith.constant 16 : index
      %get3A_1788 = tpu.vector_load %arg7[%get3A_1786, %get3A_1787] {strides = array<i32>} : memref<128x32xf32, #tpu.memory_space<vmem>>, vector<16xf32>,
      tpu.vector_store_idx %arg9[%select_n3A, %select_n3A_45, %broadcast_in_dim3A_1780], %get3A_1784 : memref<4x8x129xf32, #tpu.memory_space<vmem>>[vector<16xi32>, vector<16xi32>, vector<16xi32>], vector<16xf32>,
      tpu.vector_store_idx %arg9[%select_n3A_79, %select_n3A_101, %broadcast_in_dim3A_1780], %get3A_1788 : memref<4x8x129xf32, #tpu.memory_space<vmem>>[vector<16xi32>, vector<16xi32>, vector<16xi32>], vector<16xf32>,
      %broadcast_in_dim3A_1789 = arith.constant 13 : i32
      %broadcast_in_dim3A_1790 = vector.broadcast %broadcast_in_dim3A_1789 : i32 to vector<16xi32>
      %get3A_1791 = arith.constant 13 : i32
      %get3A_1792 = arith.index_cast %get3A_1791 : i32 to index
      %get3A_1793 = arith.constant 0 : index
      %get3A_1794 = tpu.vector_load %arg7[%get3A_1792, %get3A_1793] {strides = array<i32>} : memref<128x32xf32, #tpu.memory_space<vmem>>, vector<16xf32>,
      %get3A_1795 = arith.constant 13 : i32
      %get3A_1796 = arith.index_cast %get3A_1795 : i32 to index
      %get3A_1797 = arith.constant 16 : index
      %get3A_1798 = tpu.vector_load %arg7[%get3A_1796, %get3A_1797] {strides = array<i32>} : memref<128x32xf32, #tpu.memory_space<vmem>>, vector<16xf32>,
      tpu.vector_store_idx %arg9[%select_n3A, %select_n3A_45, %broadcast_in_dim3A_1790], %get3A_1794 : memref<4x8x129xf32, #tpu.memory_space<vmem>>[vector<16xi32>, vector<16xi32>, vector<16xi32>], vector<16xf32>,
      tpu.vector_store_idx %arg9[%select_n3A_79, %select_n3A_101, %broadcast_in_dim3A_1790], %get3A_1798 : memref<4x8x129xf32, #tpu.memory_space<vmem>>[vector<16xi32>, vector<16xi32>, vector<16xi32>], vector<16xf32>,
      %broadcast_in_dim3A_1799 = arith.constant 14 : i32
      %broadcast_in_dim3A_1800 = vector.broadcast %broadcast_in_dim3A_1799 : i32 to vector<16xi32>
      %get3A_1801 = arith.constant 14 : i32
      %get3A_1802 = arith.index_cast %get3A_1801 : i32 to index
      %get3A_1803 = arith.constant 0 : index
      %get3A_1804 = tpu.vector_load %arg7[%get3A_1802, %get3A_1803] {strides = array<i32>} : memref<128x32xf32, #tpu.memory_space<vmem>>, vector<16xf32>,
      %get3A_1805 = arith.constant 14 : i32
      %get3A_1806 = arith.index_cast %get3A_1805 : i32 to index
      %get3A_1807 = arith.constant 16 : index
      %get3A_1808 = tpu.vector_load %arg7[%get3A_1806, %get3A_1807] {strides = array<i32>} : memref<128x32xf32, #tpu.memory_space<vmem>>, vector<16xf32>,
      tpu.vector_store_idx %arg9[%select_n3A, %select_n3A_45, %broadcast_in_dim3A_1800], %get3A_1804 : memref<4x8x129xf32, #tpu.memory_space<vmem>>[vector<16xi32>, vector<16xi32>, vector<16xi32>], vector<16xf32>,
      tpu.vector_store_idx %arg9[%select_n3A_79, %select_n3A_101, %broadcast_in_dim3A_1800], %get3A_1808 : memref<4x8x129xf32, #tpu.memory_space<vmem>>[vector<16xi32>, vector<16xi32>, vector<16xi32>], vector<16xf32>,
      %broadcast_in_dim3A_1809 = arith.constant 15 : i32
      %broadcast_in_dim3A_1810 = vector.broadcast %broadcast_in_dim3A_1809 : i32 to vector<16xi32>
      %get3A_1811 = arith.constant 15 : i32
      %get3A_1812 = arith.index_cast %get3A_1811 : i32 to index
      %get3A_1813 = arith.constant 0 : index
      %get3A_1814 = tpu.vector_load %arg7[%get3A_1812, %get3A_1813] {strides = array<i32>} : memref<128x32xf32, #tpu.memory_space<vmem>>, vector<16xf32>,
      %get3A_1815 = arith.constant 15 : i32
      %get3A_1816 = arith.index_cast %get3A_1815 : i32 to index
      %get3A_1817 = arith.constant 16 : index
      %get3A_1818 = tpu.vector_load %arg7[%get3A_1816, %get3A_1817] {strides = array<i32>} : memref<128x32xf32, #tpu.memory_space<vmem>>, vector<16xf32>,
      tpu.vector_store_idx %arg9[%select_n3A, %select_n3A_45, %broadcast_in_dim3A_1810], %get3A_1814 : memref<4x8x129xf32, #tpu.memory_space<vmem>>[vector<16xi32>, vector<16xi32>, vector<16xi32>], vector<16xf32>,
      tpu.vector_store_idx %arg9[%select_n3A_79, %select_n3A_101, %broadcast_in_dim3A_1810], %get3A_1818 : memref<4x8x129xf32, #tpu.memory_space<vmem>>[vector<16xi32>, vector<16xi32>, vector<16xi32>], vector<16xf32>,
      %broadcast_in_dim3A_1819 = arith.constant 16 : i32
      %broadcast_in_dim3A_1820 = vector.broadcast %broadcast_in_dim3A_1819 : i32 to vector<16xi32>
      %get3A_1821 = arith.constant 16 : i32
      %get3A_1822 = arith.index_cast %get3A_1821 : i32 to index
      %get3A_1823 = arith.constant 0 : index
      %get3A_1824 = tpu.vector_load %arg7[%get3A_1822, %get3A_1823] {strides = array<i32>} : memref<128x32xf32, #tpu.memory_space<vmem>>, vector<16xf32>,
      %get3A_1825 = arith.constant 16 : i32
      %get3A_1826 = arith.index_cast %get3A_1825 : i32 to index
      %get3A_1827 = arith.constant 16 : index
      %get3A_1828 = tpu.vector_load %arg7[%get3A_1826, %get3A_1827] {strides = array<i32>} : memref<128x32xf32, #tpu.memory_space<vmem>>, vector<16xf32>,
      tpu.vector_store_idx %arg9[%select_n3A, %select_n3A_45, %broadcast_in_dim3A_1820], %get3A_1824 : memref<4x8x129xf32, #tpu.memory_space<vmem>>[vector<16xi32>, vector<16xi32>, vector<16xi32>], vector<16xf32>,
      tpu.vector_store_idx %arg9[%select_n3A_79, %select_n3A_101, %broadcast_in_dim3A_1820], %get3A_1828 : memref<4x8x129xf32, #tpu.memory_space<vmem>>[vector<16xi32>, vector<16xi32>, vector<16xi32>], vector<16xf32>,
      %broadcast_in_dim3A_1829 = arith.constant 17 : i32
      %broadcast_in_dim3A_1830 = vector.broadcast %broadcast_in_dim3A_1829 : i32 to vector<16xi32>
      %get3A_1831 = arith.constant 17 : i32
      %get3A_1832 = arith.index_cast %get3A_1831 : i32 to index
      %get3A_1833 = arith.constant 0 : index
      %get3A_1834 = tpu.vector_load %arg7[%get3A_1832, %get3A_1833] {strides = array<i32>} : memref<128x32xf32, #tpu.memory_space<vmem>>, vector<16xf32>,
      %get3A_1835 = arith.constant 17 : i32
      %get3A_1836 = arith.index_cast %get3A_1835 : i32 to index
      %get3A_1837 = arith.constant 16 : index
      %get3A_1838 = tpu.vector_load %arg7[%get3A_1836, %get3A_1837] {strides = array<i32>} : memref<128x32xf32, #tpu.memory_space<vmem>>, vector<16xf32>,
      tpu.vector_store_idx %arg9[%select_n3A, %select_n3A_45, %broadcast_in_dim3A_1830], %get3A_1834 : memref<4x8x129xf32, #tpu.memory_space<vmem>>[vector<16xi32>, vector<16xi32>, vector<16xi32>], vector<16xf32>,
      tpu.vector_store_idx %arg9[%select_n3A_79, %select_n3A_101, %broadcast_in_dim3A_1830], %get3A_1838 : memref<4x8x129xf32, #tpu.memory_space<vmem>>[vector<16xi32>, vector<16xi32>, vector<16xi32>], vector<16xf32>,
      %broadcast_in_dim3A_1839 = arith.constant 18 : i32
      %broadcast_in_dim3A_1840 = vector.broadcast %broadcast_in_dim3A_1839 : i32 to vector<16xi32>
      %get3A_1841 = arith.constant 18 : i32
      %get3A_1842 = arith.index_cast %get3A_1841 : i32 to index
      %get3A_1843 = arith.constant 0 : index
      %get3A_1844 = tpu.vector_load %arg7[%get3A_1842, %get3A_1843] {strides = array<i32>} : memref<128x32xf32, #tpu.memory_space<vmem>>, vector<16xf32>,
      %get3A_1845 = arith.constant 18 : i32
      %get3A_1846 = arith.index_cast %get3A_1845 : i32 to index
      %get3A_1847 = arith.constant 16 : index
      %get3A_1848 = tpu.vector_load %arg7[%get3A_1846, %get3A_1847] {strides = array<i32>} : memref<128x32xf32, #tpu.memory_space<vmem>>, vector<16xf32>,
      tpu.vector_store_idx %arg9[%select_n3A, %select_n3A_45, %broadcast_in_dim3A_1840], %get3A_1844 : memref<4x8x129xf32, #tpu.memory_space<vmem>>[vector<16xi32>, vector<16xi32>, vector<16xi32>], vector<16xf32>,
      tpu.vector_store_idx %arg9[%select_n3A_79, %select_n3A_101, %broadcast_in_dim3A_1840], %get3A_1848 : memref<4x8x129xf32, #tpu.memory_space<vmem>>[vector<16xi32>, vector<16xi32>, vector<16xi32>], vector<16xf32>,
      %broadcast_in_dim3A_1849 = arith.constant 19 : i32
      %broadcast_in_dim3A_1850 = vector.broadcast %broadcast_in_dim3A_1849 : i32 to vector<16xi32>
      %get3A_1851 = arith.constant 19 : i32
      %get3A_1852 = arith.index_cast %get3A_1851 : i32 to index
      %get3A_1853 = arith.constant 0 : index
      %get3A_1854 = tpu.vector_load %arg7[%get3A_1852, %get3A_1853] {strides = array<i32>} : memref<128x32xf32, #tpu.memory_space<vmem>>, vector<16xf32>,
      %get3A_1855 = arith.constant 19 : i32
      %get3A_1856 = arith.index_cast %get3A_1855 : i32 to index
      %get3A_1857 = arith.constant 16 : index
      %get3A_1858 = tpu.vector_load %arg7[%get3A_1856, %get3A_1857] {strides = array<i32>} : memref<128x32xf32, #tpu.memory_space<vmem>>, vector<16xf32>,
      tpu.vector_store_idx %arg9[%select_n3A, %select_n3A_45, %broadcast_in_dim3A_1850], %get3A_1854 : memref<4x8x129xf32, #tpu.memory_space<vmem>>[vector<16xi32>, vector<16xi32>, vector<16xi32>], vector<16xf32>,
      tpu.vector_store_idx %arg9[%select_n3A_79, %select_n3A_101, %broadcast_in_dim3A_1850], %get3A_1858 : memref<4x8x129xf32, #tpu.memory_space<vmem>>[vector<16xi32>, vector<16xi32>, vector<16xi32>], vector<16xf32>,
      %broadcast_in_dim3A_1859 = arith.constant 20 : i32
      %broadcast_in_dim3A_1860 = vector.broadcast %broadcast_in_dim3A_1859 : i32 to vector<16xi32>
      %get3A_1861 = arith.constant 20 : i32
      %get3A_1862 = arith.index_cast %get3A_1861 : i32 to index
      %get3A_1863 = arith.constant 0 : index
      %get3A_1864 = tpu.vector_load %arg7[%get3A_1862, %get3A_1863] {strides = array<i32>} : memref<128x32xf32, #tpu.memory_space<vmem>>, vector<16xf32>,
      %get3A_1865 = arith.constant 20 : i32
      %get3A_1866 = arith.index_cast %get3A_1865 : i32 to index
      %get3A_1867 = arith.constant 16 : index
      %get3A_1868 = tpu.vector_load %arg7[%get3A_1866, %get3A_1867] {strides = array<i32>} : memref<128x32xf32, #tpu.memory_space<vmem>>, vector<16xf32>,
      tpu.vector_store_idx %arg9[%select_n3A, %select_n3A_45, %broadcast_in_dim3A_1860], %get3A_1864 : memref<4x8x129xf32, #tpu.memory_space<vmem>>[vector<16xi32>, vector<16xi32>, vector<16xi32>], vector<16xf32>,
      tpu.vector_store_idx %arg9[%select_n3A_79, %select_n3A_101, %broadcast_in_dim3A_1860], %get3A_1868 : memref<4x8x129xf32, #tpu.memory_space<vmem>>[vector<16xi32>, vector<16xi32>, vector<16xi32>], vector<16xf32>,
      %broadcast_in_dim3A_1869 = arith.constant 21 : i32
      %broadcast_in_dim3A_1870 = vector.broadcast %broadcast_in_dim3A_1869 : i32 to vector<16xi32>
      %get3A_1871 = arith.constant 21 : i32
      %get3A_1872 = arith.index_cast %get3A_1871 : i32 to index
      %get3A_1873 = arith.constant 0 : index
      %get3A_1874 = tpu.vector_load %arg7[%get3A_1872, %get3A_1873] {strides = array<i32>} : memref<128x32xf32, #tpu.memory_space<vmem>>, vector<16xf32>,
      %get3A_1875 = arith.constant 21 : i32
      %get3A_1876 = arith.index_cast %get3A_1875 : i32 to index
      %get3A_1877 = arith.constant 16 : index
      %get3A_1878 = tpu.vector_load %arg7[%get3A_1876, %get3A_1877] {strides = array<i32>} : memref<128x32xf32, #tpu.memory_space<vmem>>, vector<16xf32>,
      tpu.vector_store_idx %arg9[%select_n3A, %select_n3A_45, %broadcast_in_dim3A_1870], %get3A_1874 : memref<4x8x129xf32, #tpu.memory_space<vmem>>[vector<16xi32>, vector<16xi32>, vector<16xi32>], vector<16xf32>,
      tpu.vector_store_idx %arg9[%select_n3A_79, %select_n3A_101, %broadcast_in_dim3A_1870], %get3A_1878 : memref<4x8x129xf32, #tpu.memory_space<vmem>>[vector<16xi32>, vector<16xi32>, vector<16xi32>], vector<16xf32>,
      %broadcast_in_dim3A_1879 = arith.constant 22 : i32
      %broadcast_in_dim3A_1880 = vector.broadcast %broadcast_in_dim3A_1879 : i32 to vector<16xi32>
      %get3A_1881 = arith.constant 22 : i32
      %get3A_1882 = arith.index_cast %get3A_1881 : i32 to index
      %get3A_1883 = arith.constant 0 : index
      %get3A_1884 = tpu.vector_load %arg7[%get3A_1882, %get3A_1883] {strides = array<i32>} : memref<128x32xf32, #tpu.memory_space<vmem>>, vector<16xf32>,
      %get3A_1885 = arith.constant 22 : i32
      %get3A_1886 = arith.index_cast %get3A_1885 : i32 to index
      %get3A_1887 = arith.constant 16 : index
      %get3A_1888 = tpu.vector_load %arg7[%get3A_1886, %get3A_1887] {strides = array<i32>} : memref<128x32xf32, #tpu.memory_space<vmem>>, vector<16xf32>,
      tpu.vector_store_idx %arg9[%select_n3A, %select_n3A_45, %broadcast_in_dim3A_1880], %get3A_1884 : memref<4x8x129xf32, #tpu.memory_space<vmem>>[vector<16xi32>, vector<16xi32>, vector<16xi32>], vector<16xf32>,
      tpu.vector_store_idx %arg9[%select_n3A_79, %select_n3A_101, %broadcast_in_dim3A_1880], %get3A_1888 : memref<4x8x129xf32, #tpu.memory_space<vmem>>[vector<16xi32>, vector<16xi32>, vector<16xi32>], vector<16xf32>,
      %broadcast_in_dim3A_1889 = arith.constant 23 : i32
      %broadcast_in_dim3A_1890 = vector.broadcast %broadcast_in_dim3A_1889 : i32 to vector<16xi32>
      %get3A_1891 = arith.constant 23 : i32
      %get3A_1892 = arith.index_cast %get3A_1891 : i32 to index
      %get3A_1893 = arith.constant 0 : index
      %get3A_1894 = tpu.vector_load %arg7[%get3A_1892, %get3A_1893] {strides = array<i32>} : memref<128x32xf32, #tpu.memory_space<vmem>>, vector<16xf32>,
      %get3A_1895 = arith.constant 23 : i32
      %get3A_1896 = arith.index_cast %get3A_1895 : i32 to index
      %get3A_1897 = arith.constant 16 : index
      %get3A_1898 = tpu.vector_load %arg7[%get3A_1896, %get3A_1897] {strides = array<i32>} : memref<128x32xf32, #tpu.memory_space<vmem>>, vector<16xf32>,
      tpu.vector_store_idx %arg9[%select_n3A, %select_n3A_45, %broadcast_in_dim3A_1890], %get3A_1894 : memref<4x8x129xf32, #tpu.memory_space<vmem>>[vector<16xi32>, vector<16xi32>, vector<16xi32>], vector<16xf32>,
      tpu.vector_store_idx %arg9[%select_n3A_79, %select_n3A_101, %broadcast_in_dim3A_1890], %get3A_1898 : memref<4x8x129xf32, #tpu.memory_space<vmem>>[vector<16xi32>, vector<16xi32>, vector<16xi32>], vector<16xf32>,
      %broadcast_in_dim3A_1899 = arith.constant 24 : i32
      %broadcast_in_dim3A_1900 = vector.broadcast %broadcast_in_dim3A_1899 : i32 to vector<16xi32>
      %get3A_1901 = arith.constant 24 : i32
      %get3A_1902 = arith.index_cast %get3A_1901 : i32 to index
      %get3A_1903 = arith.constant 0 : index
      %get3A_1904 = tpu.vector_load %arg7[%get3A_1902, %get3A_1903] {strides = array<i32>} : memref<128x32xf32, #tpu.memory_space<vmem>>, vector<16xf32>,
      %get3A_1905 = arith.constant 24 : i32
      %get3A_1906 = arith.index_cast %get3A_1905 : i32 to index
      %get3A_1907 = arith.constant 16 : index
      %get3A_1908 = tpu.vector_load %arg7[%get3A_1906, %get3A_1907] {strides = array<i32>} : memref<128x32xf32, #tpu.memory_space<vmem>>, vector<16xf32>,
      tpu.vector_store_idx %arg9[%select_n3A, %select_n3A_45, %broadcast_in_dim3A_1900], %get3A_1904 : memref<4x8x129xf32, #tpu.memory_space<vmem>>[vector<16xi32>, vector<16xi32>, vector<16xi32>], vector<16xf32>,
      tpu.vector_store_idx %arg9[%select_n3A_79, %select_n3A_101, %broadcast_in_dim3A_1900], %get3A_1908 : memref<4x8x129xf32, #tpu.memory_space<vmem>>[vector<16xi32>, vector<16xi32>, vector<16xi32>], vector<16xf32>,
      %broadcast_in_dim3A_1909 = arith.constant 25 : i32
      %broadcast_in_dim3A_1910 = vector.broadcast %broadcast_in_dim3A_1909 : i32 to vector<16xi32>
      %get3A_1911 = arith.constant 25 : i32
      %get3A_1912 = arith.index_cast %get3A_1911 : i32 to index
      %get3A_1913 = arith.constant 0 : index
      %get3A_1914 = tpu.vector_load %arg7[%get3A_1912, %get3A_1913] {strides = array<i32>} : memref<128x32xf32, #tpu.memory_space<vmem>>, vector<16xf32>,
      %get3A_1915 = arith.constant 25 : i32
      %get3A_1916 = arith.index_cast %get3A_1915 : i32 to index
      %get3A_1917 = arith.constant 16 : index
      %get3A_1918 = tpu.vector_load %arg7[%get3A_1916, %get3A_1917] {strides = array<i32>} : memref<128x32xf32, #tpu.memory_space<vmem>>, vector<16xf32>,
      tpu.vector_store_idx %arg9[%select_n3A, %select_n3A_45, %broadcast_in_dim3A_1910], %get3A_1914 : memref<4x8x129xf32, #tpu.memory_space<vmem>>[vector<16xi32>, vector<16xi32>, vector<16xi32>], vector<16xf32>,
      tpu.vector_store_idx %arg9[%select_n3A_79, %select_n3A_101, %broadcast_in_dim3A_1910], %get3A_1918 : memref<4x8x129xf32, #tpu.memory_space<vmem>>[vector<16xi32>, vector<16xi32>, vector<16xi32>], vector<16xf32>,
      %broadcast_in_dim3A_1919 = arith.constant 26 : i32
      %broadcast_in_dim3A_1920 = vector.broadcast %broadcast_in_dim3A_1919 : i32 to vector<16xi32>
      %get3A_1921 = arith.constant 26 : i32
      %get3A_1922 = arith.index_cast %get3A_1921 : i32 to index
      %get3A_1923 = arith.constant 0 : index
      %get3A_1924 = tpu.vector_load %arg7[%get3A_1922, %get3A_1923] {strides = array<i32>} : memref<128x32xf32, #tpu.memory_space<vmem>>, vector<16xf32>,
      %get3A_1925 = arith.constant 26 : i32
      %get3A_1926 = arith.index_cast %get3A_1925 : i32 to index
      %get3A_1927 = arith.constant 16 : index
      %get3A_1928 = tpu.vector_load %arg7[%get3A_1926, %get3A_1927] {strides = array<i32>} : memref<128x32xf32, #tpu.memory_space<vmem>>, vector<16xf32>,
      tpu.vector_store_idx %arg9[%select_n3A, %select_n3A_45, %broadcast_in_dim3A_1920], %get3A_1924 : memref<4x8x129xf32, #tpu.memory_space<vmem>>[vector<16xi32>, vector<16xi32>, vector<16xi32>], vector<16xf32>,
      tpu.vector_store_idx %arg9[%select_n3A_79, %select_n3A_101, %broadcast_in_dim3A_1920], %get3A_1928 : memref<4x8x129xf32, #tpu.memory_space<vmem>>[vector<16xi32>, vector<16xi32>, vector<16xi32>], vector<16xf32>,
      %broadcast_in_dim3A_1929 = arith.constant 27 : i32
      %broadcast_in_dim3A_1930 = vector.broadcast %broadcast_in_dim3A_1929 : i32 to vector<16xi32>
      %get3A_1931 = arith.constant 27 : i32
      %get3A_1932 = arith.index_cast %get3A_1931 : i32 to index
      %get3A_1933 = arith.constant 0 : index
      %get3A_1934 = tpu.vector_load %arg7[%get3A_1932, %get3A_1933] {strides = array<i32>} : memref<128x32xf32, #tpu.memory_space<vmem>>, vector<16xf32>,
      %get3A_1935 = arith.constant 27 : i32
      %get3A_1936 = arith.index_cast %get3A_1935 : i32 to index
      %get3A_1937 = arith.constant 16 : index
      %get3A_1938 = tpu.vector_load %arg7[%get3A_1936, %get3A_1937] {strides = array<i32>} : memref<128x32xf32, #tpu.memory_space<vmem>>, vector<16xf32>,
      tpu.vector_store_idx %arg9[%select_n3A, %select_n3A_45, %broadcast_in_dim3A_1930], %get3A_1934 : memref<4x8x129xf32, #tpu.memory_space<vmem>>[vector<16xi32>, vector<16xi32>, vector<16xi32>], vector<16xf32>,
      tpu.vector_store_idx %arg9[%select_n3A_79, %select_n3A_101, %broadcast_in_dim3A_1930], %get3A_1938 : memref<4x8x129xf32, #tpu.memory_space<vmem>>[vector<16xi32>, vector<16xi32>, vector<16xi32>], vector<16xf32>,
      %broadcast_in_dim3A_1939 = arith.constant 28 : i32
      %broadcast_in_dim3A_1940 = vector.broadcast %broadcast_in_dim3A_1939 : i32 to vector<16xi32>
      %get3A_1941 = arith.constant 28 : i32
      %get3A_1942 = arith.index_cast %get3A_1941 : i32 to index
      %get3A_1943 = arith.constant 0 : index
      %get3A_1944 = tpu.vector_load %arg7[%get3A_1942, %get3A_1943] {strides = array<i32>} : memref<128x32xf32, #tpu.memory_space<vmem>>, vector<16xf32>,
      %get3A_1945 = arith.constant 28 : i32
      %get3A_1946 = arith.index_cast %get3A_1945 : i32 to index
      %get3A_1947 = arith.constant 16 : index
      %get3A_1948 = tpu.vector_load %arg7[%get3A_1946, %get3A_1947] {strides = array<i32>} : memref<128x32xf32, #tpu.memory_space<vmem>>, vector<16xf32>,
      tpu.vector_store_idx %arg9[%select_n3A, %select_n3A_45, %broadcast_in_dim3A_1940], %get3A_1944 : memref<4x8x129xf32, #tpu.memory_space<vmem>>[vector<16xi32>, vector<16xi32>, vector<16xi32>], vector<16xf32>,
      tpu.vector_store_idx %arg9[%select_n3A_79, %select_n3A_101, %broadcast_in_dim3A_1940], %get3A_1948 : memref<4x8x129xf32, #tpu.memory_space<vmem>>[vector<16xi32>, vector<16xi32>, vector<16xi32>], vector<16xf32>,
      %broadcast_in_dim3A_1949 = arith.constant 29 : i32
      %broadcast_in_dim3A_1950 = vector.broadcast %broadcast_in_dim3A_1949 : i32 to vector<16xi32>
      %get3A_1951 = arith.constant 29 : i32
      %get3A_1952 = arith.index_cast %get3A_1951 : i32 to index
      %get3A_1953 = arith.constant 0 : index
      %get3A_1954 = tpu.vector_load %arg7[%get3A_1952, %get3A_1953] {strides = array<i32>} : memref<128x32xf32, #tpu.memory_space<vmem>>, vector<16xf32>,
      %get3A_1955 = arith.constant 29 : i32
      %get3A_1956 = arith.index_cast %get3A_1955 : i32 to index
      %get3A_1957 = arith.constant 16 : index
      %get3A_1958 = tpu.vector_load %arg7[%get3A_1956, %get3A_1957] {strides = array<i32>} : memref<128x32xf32, #tpu.memory_space<vmem>>, vector<16xf32>,
      tpu.vector_store_idx %arg9[%select_n3A, %select_n3A_45, %broadcast_in_dim3A_1950], %get3A_1954 : memref<4x8x129xf32, #tpu.memory_space<vmem>>[vector<16xi32>, vector<16xi32>, vector<16xi32>], vector<16xf32>,
      tpu.vector_store_idx %arg9[%select_n3A_79, %select_n3A_101, %broadcast_in_dim3A_1950], %get3A_1958 : memref<4x8x129xf32, #tpu.memory_space<vmem>>[vector<16xi32>, vector<16xi32>, vector<16xi32>], vector<16xf32>,
      %broadcast_in_dim3A_1959 = arith.constant 30 : i32
      %broadcast_in_dim3A_1960 = vector.broadcast %broadcast_in_dim3A_1959 : i32 to vector<16xi32>
      %get3A_1961 = arith.constant 30 : i32
      %get3A_1962 = arith.index_cast %get3A_1961 : i32 to index
      %get3A_1963 = arith.constant 0 : index
      %get3A_1964 = tpu.vector_load %arg7[%get3A_1962, %get3A_1963] {strides = array<i32>} : memref<128x32xf32, #tpu.memory_space<vmem>>, vector<16xf32>,
      %get3A_1965 = arith.constant 30 : i32
      %get3A_1966 = arith.index_cast %get3A_1965 : i32 to index
      %get3A_1967 = arith.constant 16 : index
      %get3A_1968 = tpu.vector_load %arg7[%get3A_1966, %get3A_1967] {strides = array<i32>} : memref<128x32xf32, #tpu.memory_space<vmem>>, vector<16xf32>,
      tpu.vector_store_idx %arg9[%select_n3A, %select_n3A_45, %broadcast_in_dim3A_1960], %get3A_1964 : memref<4x8x129xf32, #tpu.memory_space<vmem>>[vector<16xi32>, vector<16xi32>, vector<16xi32>], vector<16xf32>,
      tpu.vector_store_idx %arg9[%select_n3A_79, %select_n3A_101, %broadcast_in_dim3A_1960], %get3A_1968 : memref<4x8x129xf32, #tpu.memory_space<vmem>>[vector<16xi32>, vector<16xi32>, vector<16xi32>], vector<16xf32>,
      %broadcast_in_dim3A_1969 = arith.constant 31 : i32
      %broadcast_in_dim3A_1970 = vector.broadcast %broadcast_in_dim3A_1969 : i32 to vector<16xi32>
      %get3A_1971 = arith.constant 31 : i32
      %get3A_1972 = arith.index_cast %get3A_1971 : i32 to index
      %get3A_1973 = arith.constant 0 : index
      %get3A_1974 = tpu.vector_load %arg7[%get3A_1972, %get3A_1973] {strides = array<i32>} : memref<128x32xf32, #tpu.memory_space<vmem>>, vector<16xf32>,
      %get3A_1975 = arith.constant 31 : i32
      %get3A_1976 = arith.index_cast %get3A_1975 : i32 to index
      %get3A_1977 = arith.constant 16 : index
      %get3A_1978 = tpu.vector_load %arg7[%get3A_1976, %get3A_1977] {strides = array<i32>} : memref<128x32xf32, #tpu.memory_space<vmem>>, vector<16xf32>,
      tpu.vector_store_idx %arg9[%select_n3A, %select_n3A_45, %broadcast_in_dim3A_1970], %get3A_1974 : memref<4x8x129xf32, #tpu.memory_space<vmem>>[vector<16xi32>, vector<16xi32>, vector<16xi32>], vector<16xf32>,
      tpu.vector_store_idx %arg9[%select_n3A_79, %select_n3A_101, %broadcast_in_dim3A_1970], %get3A_1978 : memref<4x8x129xf32, #tpu.memory_space<vmem>>[vector<16xi32>, vector<16xi32>, vector<16xi32>], vector<16xf32>,
      %broadcast_in_dim3A_1979 = arith.constant 32 : i32
      %broadcast_in_dim3A_1980 = vector.broadcast %broadcast_in_dim3A_1979 : i32 to vector<16xi32>
      %get3A_1981 = arith.constant 32 : i32
      %get3A_1982 = arith.index_cast %get3A_1981 : i32 to index
      %get3A_1983 = arith.constant 0 : index
      %get3A_1984 = tpu.vector_load %arg7[%get3A_1982, %get3A_1983] {strides = array<i32>} : memref<128x32xf32, #tpu.memory_space<vmem>>, vector<16xf32>,
      %get3A_1985 = arith.constant 32 : i32
      %get3A_1986 = arith.index_cast %get3A_1985 : i32 to index
      %get3A_1987 = arith.constant 16 : index
      %get3A_1988 = tpu.vector_load %arg7[%get3A_1986, %get3A_1987] {strides = array<i32>} : memref<128x32xf32, #tpu.memory_space<vmem>>, vector<16xf32>,
      tpu.vector_store_idx %arg9[%select_n3A, %select_n3A_45, %broadcast_in_dim3A_1980], %get3A_1984 : memref<4x8x129xf32, #tpu.memory_space<vmem>>[vector<16xi32>, vector<16xi32>, vector<16xi32>], vector<16xf32>,
      tpu.vector_store_idx %arg9[%select_n3A_79, %select_n3A_101, %broadcast_in_dim3A_1980], %get3A_1988 : memref<4x8x129xf32, #tpu.memory_space<vmem>>[vector<16xi32>, vector<16xi32>, vector<16xi32>], vector<16xf32>,
      %broadcast_in_dim3A_1989 = arith.constant 33 : i32
      %broadcast_in_dim3A_1990 = vector.broadcast %broadcast_in_dim3A_1989 : i32 to vector<16xi32>
      %get3A_1991 = arith.constant 33 : i32
      %get3A_1992 = arith.index_cast %get3A_1991 : i32 to index
      %get3A_1993 = arith.constant 0 : index
      %get3A_1994 = tpu.vector_load %arg7[%get3A_1992, %get3A_1993] {strides = array<i32>} : memref<128x32xf32, #tpu.memory_space<vmem>>, vector<16xf32>,
      %get3A_1995 = arith.constant 33 : i32
      %get3A_1996 = arith.index_cast %get3A_1995 : i32 to index
      %get3A_1997 = arith.constant 16 : index
      %get3A_1998 = tpu.vector_load %arg7[%get3A_1996, %get3A_1997] {strides = array<i32>} : memref<128x32xf32, #tpu.memory_space<vmem>>, vector<16xf32>,
      tpu.vector_store_idx %arg9[%select_n3A, %select_n3A_45, %broadcast_in_dim3A_1990], %get3A_1994 : memref<4x8x129xf32, #tpu.memory_space<vmem>>[vector<16xi32>, vector<16xi32>, vector<16xi32>], vector<16xf32>,
      tpu.vector_store_idx %arg9[%select_n3A_79, %select_n3A_101, %broadcast_in_dim3A_1990], %get3A_1998 : memref<4x8x129xf32, #tpu.memory_space<vmem>>[vector<16xi32>, vector<16xi32>, vector<16xi32>], vector<16xf32>,
      %broadcast_in_dim3A_1999 = arith.constant 34 : i32
      %broadcast_in_dim3A_2000 = vector.broadcast %broadcast_in_dim3A_1999 : i32 to vector<16xi32>
      %get3A_2001 = arith.constant 34 : i32
      %get3A_2002 = arith.index_cast %get3A_2001 : i32 to index
      %get3A_2003 = arith.constant 0 : index
      %get3A_2004 = tpu.vector_load %arg7[%get3A_2002, %get3A_2003] {strides = array<i32>} : memref<128x32xf32, #tpu.memory_space<vmem>>, vector<16xf32>,
      %get3A_2005 = arith.constant 34 : i32
      %get3A_2006 = arith.index_cast %get3A_2005 : i32 to index
      %get3A_2007 = arith.constant 16 : index
      %get3A_2008 = tpu.vector_load %arg7[%get3A_2006, %get3A_2007] {strides = array<i32>} : memref<128x32xf32, #tpu.memory_space<vmem>>, vector<16xf32>,
      tpu.vector_store_idx %arg9[%select_n3A, %select_n3A_45, %broadcast_in_dim3A_2000], %get3A_2004 : memref<4x8x129xf32, #tpu.memory_space<vmem>>[vector<16xi32>, vector<16xi32>, vector<16xi32>], vector<16xf32>,
      tpu.vector_store_idx %arg9[%select_n3A_79, %select_n3A_101, %broadcast_in_dim3A_2000], %get3A_2008 : memref<4x8x129xf32, #tpu.memory_space<vmem>>[vector<16xi32>, vector<16xi32>, vector<16xi32>], vector<16xf32>,
      %broadcast_in_dim3A_2009 = arith.constant 35 : i32
      %broadcast_in_dim3A_2010 = vector.broadcast %broadcast_in_dim3A_2009 : i32 to vector<16xi32>
      %get3A_2011 = arith.constant 35 : i32
      %get3A_2012 = arith.index_cast %get3A_2011 : i32 to index
      %get3A_2013 = arith.constant 0 : index
      %get3A_2014 = tpu.vector_load %arg7[%get3A_2012, %get3A_2013] {strides = array<i32>} : memref<128x32xf32, #tpu.memory_space<vmem>>, vector<16xf32>,
      %get3A_2015 = arith.constant 35 : i32
      %get3A_2016 = arith.index_cast %get3A_2015 : i32 to index
      %get3A_2017 = arith.constant 16 : index
      %get3A_2018 = tpu.vector_load %arg7[%get3A_2016, %get3A_2017] {strides = array<i32>} : memref<128x32xf32, #tpu.memory_space<vmem>>, vector<16xf32>,
      tpu.vector_store_idx %arg9[%select_n3A, %select_n3A_45, %broadcast_in_dim3A_2010], %get3A_2014 : memref<4x8x129xf32, #tpu.memory_space<vmem>>[vector<16xi32>, vector<16xi32>, vector<16xi32>], vector<16xf32>,
      tpu.vector_store_idx %arg9[%select_n3A_79, %select_n3A_101, %broadcast_in_dim3A_2010], %get3A_2018 : memref<4x8x129xf32, #tpu.memory_space<vmem>>[vector<16xi32>, vector<16xi32>, vector<16xi32>], vector<16xf32>,
      %broadcast_in_dim3A_2019 = arith.constant 36 : i32
      %broadcast_in_dim3A_2020 = vector.broadcast %broadcast_in_dim3A_2019 : i32 to vector<16xi32>
      %get3A_2021 = arith.constant 36 : i32
      %get3A_2022 = arith.index_cast %get3A_2021 : i32 to index
      %get3A_2023 = arith.constant 0 : index
      %get3A_2024 = tpu.vector_load %arg7[%get3A_2022, %get3A_2023] {strides = array<i32>} : memref<128x32xf32, #tpu.memory_space<vmem>>, vector<16xf32>,
      %get3A_2025 = arith.constant 36 : i32
      %get3A_2026 = arith.index_cast %get3A_2025 : i32 to index
      %get3A_2027 = arith.constant 16 : index
      %get3A_2028 = tpu.vector_load %arg7[%get3A_2026, %get3A_2027] {strides = array<i32>} : memref<128x32xf32, #tpu.memory_space<vmem>>, vector<16xf32>,
      tpu.vector_store_idx %arg9[%select_n3A, %select_n3A_45, %broadcast_in_dim3A_2020], %get3A_2024 : memref<4x8x129xf32, #tpu.memory_space<vmem>>[vector<16xi32>, vector<16xi32>, vector<16xi32>], vector<16xf32>,
      tpu.vector_store_idx %arg9[%select_n3A_79, %select_n3A_101, %broadcast_in_dim3A_2020], %get3A_2028 : memref<4x8x129xf32, #tpu.memory_space<vmem>>[vector<16xi32>, vector<16xi32>, vector<16xi32>], vector<16xf32>,
      %broadcast_in_dim3A_2029 = arith.constant 37 : i32
      %broadcast_in_dim3A_2030 = vector.broadcast %broadcast_in_dim3A_2029 : i32 to vector<16xi32>
      %get3A_2031 = arith.constant 37 : i32
      %get3A_2032 = arith.index_cast %get3A_2031 : i32 to index
      %get3A_2033 = arith.constant 0 : index
      %get3A_2034 = tpu.vector_load %arg7[%get3A_2032, %get3A_2033] {strides = array<i32>} : memref<128x32xf32, #tpu.memory_space<vmem>>, vector<16xf32>,
      %get3A_2035 = arith.constant 37 : i32
      %get3A_2036 = arith.index_cast %get3A_2035 : i32 to index
      %get3A_2037 = arith.constant 16 : index
      %get3A_2038 = tpu.vector_load %arg7[%get3A_2036, %get3A_2037] {strides = array<i32>} : memref<128x32xf32, #tpu.memory_space<vmem>>, vector<16xf32>,
      tpu.vector_store_idx %arg9[%select_n3A, %select_n3A_45, %broadcast_in_dim3A_2030], %get3A_2034 : memref<4x8x129xf32, #tpu.memory_space<vmem>>[vector<16xi32>, vector<16xi32>, vector<16xi32>], vector<16xf32>,
      tpu.vector_store_idx %arg9[%select_n3A_79, %select_n3A_101, %broadcast_in_dim3A_2030], %get3A_2038 : memref<4x8x129xf32, #tpu.memory_space<vmem>>[vector<16xi32>, vector<16xi32>, vector<16xi32>], vector<16xf32>,
      %broadcast_in_dim3A_2039 = arith.constant 38 : i32
      %broadcast_in_dim3A_2040 = vector.broadcast %broadcast_in_dim3A_2039 : i32 to vector<16xi32>
      %get3A_2041 = arith.constant 38 : i32
      %get3A_2042 = arith.index_cast %get3A_2041 : i32 to index
      %get3A_2043 = arith.constant 0 : index
      %get3A_2044 = tpu.vector_load %arg7[%get3A_2042, %get3A_2043] {strides = array<i32>} : memref<128x32xf32, #tpu.memory_space<vmem>>, vector<16xf32>,
      %get3A_2045 = arith.constant 38 : i32
      %get3A_2046 = arith.index_cast %get3A_2045 : i32 to index
      %get3A_2047 = arith.constant 16 : index
      %get3A_2048 = tpu.vector_load %arg7[%get3A_2046, %get3A_2047] {strides = array<i32>} : memref<128x32xf32, #tpu.memory_space<vmem>>, vector<16xf32>,
      tpu.vector_store_idx %arg9[%select_n3A, %select_n3A_45, %broadcast_in_dim3A_2040], %get3A_2044 : memref<4x8x129xf32, #tpu.memory_space<vmem>>[vector<16xi32>, vector<16xi32>, vector<16xi32>], vector<16xf32>,
      tpu.vector_store_idx %arg9[%select_n3A_79, %select_n3A_101, %broadcast_in_dim3A_2040], %get3A_2048 : memref<4x8x129xf32, #tpu.memory_space<vmem>>[vector<16xi32>, vector<16xi32>, vector<16xi32>], vector<16xf32>,
      %broadcast_in_dim3A_2049 = arith.constant 39 : i32
      %broadcast_in_dim3A_2050 = vector.broadcast %broadcast_in_dim3A_2049 : i32 to vector<16xi32>
      %get3A_2051 = arith.constant 39 : i32
      %get3A_2052 = arith.index_cast %get3A_2051 : i32 to index
      %get3A_2053 = arith.constant 0 : index
      %get3A_2054 = tpu.vector_load %arg7[%get3A_2052, %get3A_2053] {strides = array<i32>} : memref<128x32xf32, #tpu.memory_space<vmem>>, vector<16xf32>,
      %get3A_2055 = arith.constant 39 : i32
      %get3A_2056 = arith.index_cast %get3A_2055 : i32 to index
      %get3A_2057 = arith.constant 16 : index
      %get3A_2058 = tpu.vector_load %arg7[%get3A_2056, %get3A_2057] {strides = array<i32>} : memref<128x32xf32, #tpu.memory_space<vmem>>, vector<16xf32>,
      tpu.vector_store_idx %arg9[%select_n3A, %select_n3A_45, %broadcast_in_dim3A_2050], %get3A_2054 : memref<4x8x129xf32, #tpu.memory_space<vmem>>[vector<16xi32>, vector<16xi32>, vector<16xi32>], vector<16xf32>,
      tpu.vector_store_idx %arg9[%select_n3A_79, %select_n3A_101, %broadcast_in_dim3A_2050], %get3A_2058 : memref<4x8x129xf32, #tpu.memory_space<vmem>>[vector<16xi32>, vector<16xi32>, vector<16xi32>], vector<16xf32>,
      %broadcast_in_dim3A_2059 = arith.constant 40 : i32
      %broadcast_in_dim3A_2060 = vector.broadcast %broadcast_in_dim3A_2059 : i32 to vector<16xi32>
      %get3A_2061 = arith.constant 40 : i32
      %get3A_2062 = arith.index_cast %get3A_2061 : i32 to index
      %get3A_2063 = arith.constant 0 : index
      %get3A_2064 = tpu.vector_load %arg7[%get3A_2062, %get3A_2063] {strides = array<i32>} : memref<128x32xf32, #tpu.memory_space<vmem>>, vector<16xf32>,
      %get3A_2065 = arith.constant 40 : i32
      %get3A_2066 = arith.index_cast %get3A_2065 : i32 to index
      %get3A_2067 = arith.constant 16 : index
      %get3A_2068 = tpu.vector_load %arg7[%get3A_2066, %get3A_2067] {strides = array<i32>} : memref<128x32xf32, #tpu.memory_space<vmem>>, vector<16xf32>,
      tpu.vector_store_idx %arg9[%select_n3A, %select_n3A_45, %broadcast_in_dim3A_2060], %get3A_2064 : memref<4x8x129xf32, #tpu.memory_space<vmem>>[vector<16xi32>, vector<16xi32>, vector<16xi32>], vector<16xf32>,
      tpu.vector_store_idx %arg9[%select_n3A_79, %select_n3A_101, %broadcast_in_dim3A_2060], %get3A_2068 : memref<4x8x129xf32, #tpu.memory_space<vmem>>[vector<16xi32>, vector<16xi32>, vector<16xi32>], vector<16xf32>,
      %broadcast_in_dim3A_2069 = arith.constant 41 : i32
      %broadcast_in_dim3A_2070 = vector.broadcast %broadcast_in_dim3A_2069 : i32 to vector<16xi32>
      %get3A_2071 = arith.constant 41 : i32
      %get3A_2072 = arith.index_cast %get3A_2071 : i32 to index
      %get3A_2073 = arith.constant 0 : index
      %get3A_2074 = tpu.vector_load %arg7[%get3A_2072, %get3A_2073] {strides = array<i32>} : memref<128x32xf32, #tpu.memory_space<vmem>>, vector<16xf32>,
      %get3A_2075 = arith.constant 41 : i32
      %get3A_2076 = arith.index_cast %get3A_2075 : i32 to index
      %get3A_2077 = arith.constant 16 : index
      %get3A_2078 = tpu.vector_load %arg7[%get3A_2076, %get3A_2077] {strides = array<i32>} : memref<128x32xf32, #tpu.memory_space<vmem>>, vector<16xf32>,
      tpu.vector_store_idx %arg9[%select_n3A, %select_n3A_45, %broadcast_in_dim3A_2070], %get3A_2074 : memref<4x8x129xf32, #tpu.memory_space<vmem>>[vector<16xi32>, vector<16xi32>, vector<16xi32>], vector<16xf32>,
      tpu.vector_store_idx %arg9[%select_n3A_79, %select_n3A_101, %broadcast_in_dim3A_2070], %get3A_2078 : memref<4x8x129xf32, #tpu.memory_space<vmem>>[vector<16xi32>, vector<16xi32>, vector<16xi32>], vector<16xf32>,
      %broadcast_in_dim3A_2079 = arith.constant 42 : i32
      %broadcast_in_dim3A_2080 = vector.broadcast %broadcast_in_dim3A_2079 : i32 to vector<16xi32>
      %get3A_2081 = arith.constant 42 : i32
      %get3A_2082 = arith.index_cast %get3A_2081 : i32 to index
      %get3A_2083 = arith.constant 0 : index
      %get3A_2084 = tpu.vector_load %arg7[%get3A_2082, %get3A_2083] {strides = array<i32>} : memref<128x32xf32, #tpu.memory_space<vmem>>, vector<16xf32>,
      %get3A_2085 = arith.constant 42 : i32
      %get3A_2086 = arith.index_cast %get3A_2085 : i32 to index
      %get3A_2087 = arith.constant 16 : index
      %get3A_2088 = tpu.vector_load %arg7[%get3A_2086, %get3A_2087] {strides = array<i32>} : memref<128x32xf32, #tpu.memory_space<vmem>>, vector<16xf32>,
      tpu.vector_store_idx %arg9[%select_n3A, %select_n3A_45, %broadcast_in_dim3A_2080], %get3A_2084 : memref<4x8x129xf32, #tpu.memory_space<vmem>>[vector<16xi32>, vector<16xi32>, vector<16xi32>], vector<16xf32>,
      tpu.vector_store_idx %arg9[%select_n3A_79, %select_n3A_101, %broadcast_in_dim3A_2080], %get3A_2088 : memref<4x8x129xf32, #tpu.memory_space<vmem>>[vector<16xi32>, vector<16xi32>, vector<16xi32>], vector<16xf32>,
      %broadcast_in_dim3A_2089 = arith.constant 43 : i32
      %broadcast_in_dim3A_2090 = vector.broadcast %broadcast_in_dim3A_2089 : i32 to vector<16xi32>
      %get3A_2091 = arith.constant 43 : i32
      %get3A_2092 = arith.index_cast %get3A_2091 : i32 to index
      %get3A_2093 = arith.constant 0 : index
      %get3A_2094 = tpu.vector_load %arg7[%get3A_2092, %get3A_2093] {strides = array<i32>} : memref<128x32xf32, #tpu.memory_space<vmem>>, vector<16xf32>,
      %get3A_2095 = arith.constant 43 : i32
      %get3A_2096 = arith.index_cast %get3A_2095 : i32 to index
      %get3A_2097 = arith.constant 16 : index
      %get3A_2098 = tpu.vector_load %arg7[%get3A_2096, %get3A_2097] {strides = array<i32>} : memref<128x32xf32, #tpu.memory_space<vmem>>, vector<16xf32>,
      tpu.vector_store_idx %arg9[%select_n3A, %select_n3A_45, %broadcast_in_dim3A_2090], %get3A_2094 : memref<4x8x129xf32, #tpu.memory_space<vmem>>[vector<16xi32>, vector<16xi32>, vector<16xi32>], vector<16xf32>,
      tpu.vector_store_idx %arg9[%select_n3A_79, %select_n3A_101, %broadcast_in_dim3A_2090], %get3A_2098 : memref<4x8x129xf32, #tpu.memory_space<vmem>>[vector<16xi32>, vector<16xi32>, vector<16xi32>], vector<16xf32>,
      %broadcast_in_dim3A_2099 = arith.constant 44 : i32
      %broadcast_in_dim3A_2100 = vector.broadcast %broadcast_in_dim3A_2099 : i32 to vector<16xi32>
      %get3A_2101 = arith.constant 44 : i32
      %get3A_2102 = arith.index_cast %get3A_2101 : i32 to index
      %get3A_2103 = arith.constant 0 : index
      %get3A_2104 = tpu.vector_load %arg7[%get3A_2102, %get3A_2103] {strides = array<i32>} : memref<128x32xf32, #tpu.memory_space<vmem>>, vector<16xf32>,
      %get3A_2105 = arith.constant 44 : i32
      %get3A_2106 = arith.index_cast %get3A_2105 : i32 to index
      %get3A_2107 = arith.constant 16 : index
      %get3A_2108 = tpu.vector_load %arg7[%get3A_2106, %get3A_2107] {strides = array<i32>} : memref<128x32xf32, #tpu.memory_space<vmem>>, vector<16xf32>,
      tpu.vector_store_idx %arg9[%select_n3A, %select_n3A_45, %broadcast_in_dim3A_2100], %get3A_2104 : memref<4x8x129xf32, #tpu.memory_space<vmem>>[vector<16xi32>, vector<16xi32>, vector<16xi32>], vector<16xf32>,
      tpu.vector_store_idx %arg9[%select_n3A_79, %select_n3A_101, %broadcast_in_dim3A_2100], %get3A_2108 : memref<4x8x129xf32, #tpu.memory_space<vmem>>[vector<16xi32>, vector<16xi32>, vector<16xi32>], vector<16xf32>,
      %broadcast_in_dim3A_2109 = arith.constant 45 : i32
      %broadcast_in_dim3A_2110 = vector.broadcast %broadcast_in_dim3A_2109 : i32 to vector<16xi32>
      %get3A_2111 = arith.constant 45 : i32
      %get3A_2112 = arith.index_cast %get3A_2111 : i32 to index
      %get3A_2113 = arith.constant 0 : index
      %get3A_2114 = tpu.vector_load %arg7[%get3A_2112, %get3A_2113] {strides = array<i32>} : memref<128x32xf32, #tpu.memory_space<vmem>>, vector<16xf32>,
      %get3A_2115 = arith.constant 45 : i32
      %get3A_2116 = arith.index_cast %get3A_2115 : i32 to index
      %get3A_2117 = arith.constant 16 : index
      %get3A_2118 = tpu.vector_load %arg7[%get3A_2116, %get3A_2117] {strides = array<i32>} : memref<128x32xf32, #tpu.memory_space<vmem>>, vector<16xf32>,
      tpu.vector_store_idx %arg9[%select_n3A, %select_n3A_45, %broadcast_in_dim3A_2110], %get3A_2114 : memref<4x8x129xf32, #tpu.memory_space<vmem>>[vector<16xi32>, vector<16xi32>, vector<16xi32>], vector<16xf32>,
      tpu.vector_store_idx %arg9[%select_n3A_79, %select_n3A_101, %broadcast_in_dim3A_2110], %get3A_2118 : memref<4x8x129xf32, #tpu.memory_space<vmem>>[vector<16xi32>, vector<16xi32>, vector<16xi32>], vector<16xf32>,
      %broadcast_in_dim3A_2119 = arith.constant 46 : i32
      %broadcast_in_dim3A_2120 = vector.broadcast %broadcast_in_dim3A_2119 : i32 to vector<16xi32>
      %get3A_2121 = arith.constant 46 : i32
      %get3A_2122 = arith.index_cast %get3A_2121 : i32 to index
      %get3A_2123 = arith.constant 0 : index
      %get3A_2124 = tpu.vector_load %arg7[%get3A_2122, %get3A_2123] {strides = array<i32>} : memref<128x32xf32, #tpu.memory_space<vmem>>, vector<16xf32>,
      %get3A_2125 = arith.constant 46 : i32
      %get3A_2126 = arith.index_cast %get3A_2125 : i32 to index
      %get3A_2127 = arith.constant 16 : index
      %get3A_2128 = tpu.vector_load %arg7[%get3A_2126, %get3A_2127] {strides = array<i32>} : memref<128x32xf32, #tpu.memory_space<vmem>>, vector<16xf32>,
      tpu.vector_store_idx %arg9[%select_n3A, %select_n3A_45, %broadcast_in_dim3A_2120], %get3A_2124 : memref<4x8x129xf32, #tpu.memory_space<vmem>>[vector<16xi32>, vector<16xi32>, vector<16xi32>], vector<16xf32>,
      tpu.vector_store_idx %arg9[%select_n3A_79, %select_n3A_101, %broadcast_in_dim3A_2120], %get3A_2128 : memref<4x8x129xf32, #tpu.memory_space<vmem>>[vector<16xi32>, vector<16xi32>, vector<16xi32>], vector<16xf32>,
      %broadcast_in_dim3A_2129 = arith.constant 47 : i32
      %broadcast_in_dim3A_2130 = vector.broadcast %broadcast_in_dim3A_2129 : i32 to vector<16xi32>
      %get3A_2131 = arith.constant 47 : i32
      %get3A_2132 = arith.index_cast %get3A_2131 : i32 to index
      %get3A_2133 = arith.constant 0 : index
      %get3A_2134 = tpu.vector_load %arg7[%get3A_2132, %get3A_2133] {strides = array<i32>} : memref<128x32xf32, #tpu.memory_space<vmem>>, vector<16xf32>,
      %get3A_2135 = arith.constant 47 : i32
      %get3A_2136 = arith.index_cast %get3A_2135 : i32 to index
      %get3A_2137 = arith.constant 16 : index
      %get3A_2138 = tpu.vector_load %arg7[%get3A_2136, %get3A_2137] {strides = array<i32>} : memref<128x32xf32, #tpu.memory_space<vmem>>, vector<16xf32>,
      tpu.vector_store_idx %arg9[%select_n3A, %select_n3A_45, %broadcast_in_dim3A_2130], %get3A_2134 : memref<4x8x129xf32, #tpu.memory_space<vmem>>[vector<16xi32>, vector<16xi32>, vector<16xi32>], vector<16xf32>,
      tpu.vector_store_idx %arg9[%select_n3A_79, %select_n3A_101, %broadcast_in_dim3A_2130], %get3A_2138 : memref<4x8x129xf32, #tpu.memory_space<vmem>>[vector<16xi32>, vector<16xi32>, vector<16xi32>], vector<16xf32>,
      %broadcast_in_dim3A_2139 = arith.constant 48 : i32
      %broadcast_in_dim3A_2140 = vector.broadcast %broadcast_in_dim3A_2139 : i32 to vector<16xi32>
      %get3A_2141 = arith.constant 48 : i32
      %get3A_2142 = arith.index_cast %get3A_2141 : i32 to index
      %get3A_2143 = arith.constant 0 : index
      %get3A_2144 = tpu.vector_load %arg7[%get3A_2142, %get3A_2143] {strides = array<i32>} : memref<128x32xf32, #tpu.memory_space<vmem>>, vector<16xf32>,
      %get3A_2145 = arith.constant 48 : i32
      %get3A_2146 = arith.index_cast %get3A_2145 : i32 to index
      %get3A_2147 = arith.constant 16 : index
      %get3A_2148 = tpu.vector_load %arg7[%get3A_2146, %get3A_2147] {strides = array<i32>} : memref<128x32xf32, #tpu.memory_space<vmem>>, vector<16xf32>,
      tpu.vector_store_idx %arg9[%select_n3A, %select_n3A_45, %broadcast_in_dim3A_2140], %get3A_2144 : memref<4x8x129xf32, #tpu.memory_space<vmem>>[vector<16xi32>, vector<16xi32>, vector<16xi32>], vector<16xf32>,
      tpu.vector_store_idx %arg9[%select_n3A_79, %select_n3A_101, %broadcast_in_dim3A_2140], %get3A_2148 : memref<4x8x129xf32, #tpu.memory_space<vmem>>[vector<16xi32>, vector<16xi32>, vector<16xi32>], vector<16xf32>,
      %broadcast_in_dim3A_2149 = arith.constant 49 : i32
      %broadcast_in_dim3A_2150 = vector.broadcast %broadcast_in_dim3A_2149 : i32 to vector<16xi32>
      %get3A_2151 = arith.constant 49 : i32
      %get3A_2152 = arith.index_cast %get3A_2151 : i32 to index
      %get3A_2153 = arith.constant 0 : index
      %get3A_2154 = tpu.vector_load %arg7[%get3A_2152, %get3A_2153] {strides = array<i32>} : memref<128x32xf32, #tpu.memory_space<vmem>>, vector<16xf32>,
      %get3A_2155 = arith.constant 49 : i32
      %get3A_2156 = arith.index_cast %get3A_2155 : i32 to index
      %get3A_2157 = arith.constant 16 : index
      %get3A_2158 = tpu.vector_load %arg7[%get3A_2156, %get3A_2157] {strides = array<i32>} : memref<128x32xf32, #tpu.memory_space<vmem>>, vector<16xf32>,
      tpu.vector_store_idx %arg9[%select_n3A, %select_n3A_45, %broadcast_in_dim3A_2150], %get3A_2154 : memref<4x8x129xf32, #tpu.memory_space<vmem>>[vector<16xi32>, vector<16xi32>, vector<16xi32>], vector<16xf32>,
      tpu.vector_store_idx %arg9[%select_n3A_79, %select_n3A_101, %broadcast_in_dim3A_2150], %get3A_2158 : memref<4x8x129xf32, #tpu.memory_space<vmem>>[vector<16xi32>, vector<16xi32>, vector<16xi32>], vector<16xf32>,
      %broadcast_in_dim3A_2159 = arith.constant 50 : i32
      %broadcast_in_dim3A_2160 = vector.broadcast %broadcast_in_dim3A_2159 : i32 to vector<16xi32>
      %get3A_2161 = arith.constant 50 : i32
      %get3A_2162 = arith.index_cast %get3A_2161 : i32 to index
      %get3A_2163 = arith.constant 0 : index
      %get3A_2164 = tpu.vector_load %arg7[%get3A_2162, %get3A_2163] {strides = array<i32>} : memref<128x32xf32, #tpu.memory_space<vmem>>, vector<16xf32>,
      %get3A_2165 = arith.constant 50 : i32
      %get3A_2166 = arith.index_cast %get3A_2165 : i32 to index
      %get3A_2167 = arith.constant 16 : index
      %get3A_2168 = tpu.vector_load %arg7[%get3A_2166, %get3A_2167] {strides = array<i32>} : memref<128x32xf32, #tpu.memory_space<vmem>>, vector<16xf32>,
      tpu.vector_store_idx %arg9[%select_n3A, %select_n3A_45, %broadcast_in_dim3A_2160], %get3A_2164 : memref<4x8x129xf32, #tpu.memory_space<vmem>>[vector<16xi32>, vector<16xi32>, vector<16xi32>], vector<16xf32>,
      tpu.vector_store_idx %arg9[%select_n3A_79, %select_n3A_101, %broadcast_in_dim3A_2160], %get3A_2168 : memref<4x8x129xf32, #tpu.memory_space<vmem>>[vector<16xi32>, vector<16xi32>, vector<16xi32>], vector<16xf32>,
      %broadcast_in_dim3A_2169 = arith.constant 51 : i32
      %broadcast_in_dim3A_2170 = vector.broadcast %broadcast_in_dim3A_2169 : i32 to vector<16xi32>
      %get3A_2171 = arith.constant 51 : i32
      %get3A_2172 = arith.index_cast %get3A_2171 : i32 to index
      %get3A_2173 = arith.constant 0 : index
      %get3A_2174 = tpu.vector_load %arg7[%get3A_2172, %get3A_2173] {strides = array<i32>} : memref<128x32xf32, #tpu.memory_space<vmem>>, vector<16xf32>,
      %get3A_2175 = arith.constant 51 : i32
      %get3A_2176 = arith.index_cast %get3A_2175 : i32 to index
      %get3A_2177 = arith.constant 16 : index
      %get3A_2178 = tpu.vector_load %arg7[%get3A_2176, %get3A_2177] {strides = array<i32>} : memref<128x32xf32, #tpu.memory_space<vmem>>, vector<16xf32>,
      tpu.vector_store_idx %arg9[%select_n3A, %select_n3A_45, %broadcast_in_dim3A_2170], %get3A_2174 : memref<4x8x129xf32, #tpu.memory_space<vmem>>[vector<16xi32>, vector<16xi32>, vector<16xi32>], vector<16xf32>,
      tpu.vector_store_idx %arg9[%select_n3A_79, %select_n3A_101, %broadcast_in_dim3A_2170], %get3A_2178 : memref<4x8x129xf32, #tpu.memory_space<vmem>>[vector<16xi32>, vector<16xi32>, vector<16xi32>], vector<16xf32>,
      %broadcast_in_dim3A_2179 = arith.constant 52 : i32
      %broadcast_in_dim3A_2180 = vector.broadcast %broadcast_in_dim3A_2179 : i32 to vector<16xi32>
      %get3A_2181 = arith.constant 52 : i32
      %get3A_2182 = arith.index_cast %get3A_2181 : i32 to index
      %get3A_2183 = arith.constant 0 : index
      %get3A_2184 = tpu.vector_load %arg7[%get3A_2182, %get3A_2183] {strides = array<i32>} : memref<128x32xf32, #tpu.memory_space<vmem>>, vector<16xf32>,
      %get3A_2185 = arith.constant 52 : i32
      %get3A_2186 = arith.index_cast %get3A_2185 : i32 to index
      %get3A_2187 = arith.constant 16 : index
      %get3A_2188 = tpu.vector_load %arg7[%get3A_2186, %get3A_2187] {strides = array<i32>} : memref<128x32xf32, #tpu.memory_space<vmem>>, vector<16xf32>,
      tpu.vector_store_idx %arg9[%select_n3A, %select_n3A_45, %broadcast_in_dim3A_2180], %get3A_2184 : memref<4x8x129xf32, #tpu.memory_space<vmem>>[vector<16xi32>, vector<16xi32>, vector<16xi32>], vector<16xf32>,
      tpu.vector_store_idx %arg9[%select_n3A_79, %select_n3A_101, %broadcast_in_dim3A_2180], %get3A_2188 : memref<4x8x129xf32, #tpu.memory_space<vmem>>[vector<16xi32>, vector<16xi32>, vector<16xi32>], vector<16xf32>,
      %broadcast_in_dim3A_2189 = arith.constant 53 : i32
      %broadcast_in_dim3A_2190 = vector.broadcast %broadcast_in_dim3A_2189 : i32 to vector<16xi32>
      %get3A_2191 = arith.constant 53 : i32
      %get3A_2192 = arith.index_cast %get3A_2191 : i32 to index
      %get3A_2193 = arith.constant 0 : index
      %get3A_2194 = tpu.vector_load %arg7[%get3A_2192, %get3A_2193] {strides = array<i32>} : memref<128x32xf32, #tpu.memory_space<vmem>>, vector<16xf32>,
      %get3A_2195 = arith.constant 53 : i32
      %get3A_2196 = arith.index_cast %get3A_2195 : i32 to index
      %get3A_2197 = arith.constant 16 : index
      %get3A_2198 = tpu.vector_load %arg7[%get3A_2196, %get3A_2197] {strides = array<i32>} : memref<128x32xf32, #tpu.memory_space<vmem>>, vector<16xf32>,
      tpu.vector_store_idx %arg9[%select_n3A, %select_n3A_45, %broadcast_in_dim3A_2190], %get3A_2194 : memref<4x8x129xf32, #tpu.memory_space<vmem>>[vector<16xi32>, vector<16xi32>, vector<16xi32>], vector<16xf32>,
      tpu.vector_store_idx %arg9[%select_n3A_79, %select_n3A_101, %broadcast_in_dim3A_2190], %get3A_2198 : memref<4x8x129xf32, #tpu.memory_space<vmem>>[vector<16xi32>, vector<16xi32>, vector<16xi32>], vector<16xf32>,
      %broadcast_in_dim3A_2199 = arith.constant 54 : i32
      %broadcast_in_dim3A_2200 = vector.broadcast %broadcast_in_dim3A_2199 : i32 to vector<16xi32>
      %get3A_2201 = arith.constant 54 : i32
      %get3A_2202 = arith.index_cast %get3A_2201 : i32 to index
      %get3A_2203 = arith.constant 0 : index
      %get3A_2204 = tpu.vector_load %arg7[%get3A_2202, %get3A_2203] {strides = array<i32>} : memref<128x32xf32, #tpu.memory_space<vmem>>, vector<16xf32>,
      %get3A_2205 = arith.constant 54 : i32
      %get3A_2206 = arith.index_cast %get3A_2205 : i32 to index
      %get3A_2207 = arith.constant 16 : index
      %get3A_2208 = tpu.vector_load %arg7[%get3A_2206, %get3A_2207] {strides = array<i32>} : memref<128x32xf32, #tpu.memory_space<vmem>>, vector<16xf32>,
      tpu.vector_store_idx %arg9[%select_n3A, %select_n3A_45, %broadcast_in_dim3A_2200], %get3A_2204 : memref<4x8x129xf32, #tpu.memory_space<vmem>>[vector<16xi32>, vector<16xi32>, vector<16xi32>], vector<16xf32>,
      tpu.vector_store_idx %arg9[%select_n3A_79, %select_n3A_101, %broadcast_in_dim3A_2200], %get3A_2208 : memref<4x8x129xf32, #tpu.memory_space<vmem>>[vector<16xi32>, vector<16xi32>, vector<16xi32>], vector<16xf32>,
      %broadcast_in_dim3A_2209 = arith.constant 55 : i32
      %broadcast_in_dim3A_2210 = vector.broadcast %broadcast_in_dim3A_2209 : i32 to vector<16xi32>
      %get3A_2211 = arith.constant 55 : i32
      %get3A_2212 = arith.index_cast %get3A_2211 : i32 to index
      %get3A_2213 = arith.constant 0 : index
      %get3A_2214 = tpu.vector_load %arg7[%get3A_2212, %get3A_2213] {strides = array<i32>} : memref<128x32xf32, #tpu.memory_space<vmem>>, vector<16xf32>,
      %get3A_2215 = arith.constant 55 : i32
      %get3A_2216 = arith.index_cast %get3A_2215 : i32 to index
      %get3A_2217 = arith.constant 16 : index
      %get3A_2218 = tpu.vector_load %arg7[%get3A_2216, %get3A_2217] {strides = array<i32>} : memref<128x32xf32, #tpu.memory_space<vmem>>, vector<16xf32>,
      tpu.vector_store_idx %arg9[%select_n3A, %select_n3A_45, %broadcast_in_dim3A_2210], %get3A_2214 : memref<4x8x129xf32, #tpu.memory_space<vmem>>[vector<16xi32>, vector<16xi32>, vector<16xi32>], vector<16xf32>,
      tpu.vector_store_idx %arg9[%select_n3A_79, %select_n3A_101, %broadcast_in_dim3A_2210], %get3A_2218 : memref<4x8x129xf32, #tpu.memory_space<vmem>>[vector<16xi32>, vector<16xi32>, vector<16xi32>], vector<16xf32>,
      %broadcast_in_dim3A_2219 = arith.constant 56 : i32
      %broadcast_in_dim3A_2220 = vector.broadcast %broadcast_in_dim3A_2219 : i32 to vector<16xi32>
      %get3A_2221 = arith.constant 56 : i32
      %get3A_2222 = arith.index_cast %get3A_2221 : i32 to index
      %get3A_2223 = arith.constant 0 : index
      %get3A_2224 = tpu.vector_load %arg7[%get3A_2222, %get3A_2223] {strides = array<i32>} : memref<128x32xf32, #tpu.memory_space<vmem>>, vector<16xf32>,
      %get3A_2225 = arith.constant 56 : i32
      %get3A_2226 = arith.index_cast %get3A_2225 : i32 to index
      %get3A_2227 = arith.constant 16 : index
      %get3A_2228 = tpu.vector_load %arg7[%get3A_2226, %get3A_2227] {strides = array<i32>} : memref<128x32xf32, #tpu.memory_space<vmem>>, vector<16xf32>,
      tpu.vector_store_idx %arg9[%select_n3A, %select_n3A_45, %broadcast_in_dim3A_2220], %get3A_2224 : memref<4x8x129xf32, #tpu.memory_space<vmem>>[vector<16xi32>, vector<16xi32>, vector<16xi32>], vector<16xf32>,
      tpu.vector_store_idx %arg9[%select_n3A_79, %select_n3A_101, %broadcast_in_dim3A_2220], %get3A_2228 : memref<4x8x129xf32, #tpu.memory_space<vmem>>[vector<16xi32>, vector<16xi32>, vector<16xi32>], vector<16xf32>,
      %broadcast_in_dim3A_2229 = arith.constant 57 : i32
      %broadcast_in_dim3A_2230 = vector.broadcast %broadcast_in_dim3A_2229 : i32 to vector<16xi32>
      %get3A_2231 = arith.constant 57 : i32
      %get3A_2232 = arith.index_cast %get3A_2231 : i32 to index
      %get3A_2233 = arith.constant 0 : index
      %get3A_2234 = tpu.vector_load %arg7[%get3A_2232, %get3A_2233] {strides = array<i32>} : memref<128x32xf32, #tpu.memory_space<vmem>>, vector<16xf32>,
      %get3A_2235 = arith.constant 57 : i32
      %get3A_2236 = arith.index_cast %get3A_2235 : i32 to index
      %get3A_2237 = arith.constant 16 : index
      %get3A_2238 = tpu.vector_load %arg7[%get3A_2236, %get3A_2237] {strides = array<i32>} : memref<128x32xf32, #tpu.memory_space<vmem>>, vector<16xf32>,
      tpu.vector_store_idx %arg9[%select_n3A, %select_n3A_45, %broadcast_in_dim3A_2230], %get3A_2234 : memref<4x8x129xf32, #tpu.memory_space<vmem>>[vector<16xi32>, vector<16xi32>, vector<16xi32>], vector<16xf32>,
      tpu.vector_store_idx %arg9[%select_n3A_79, %select_n3A_101, %broadcast_in_dim3A_2230], %get3A_2238 : memref<4x8x129xf32, #tpu.memory_space<vmem>>[vector<16xi32>, vector<16xi32>, vector<16xi32>], vector<16xf32>,
      %broadcast_in_dim3A_2239 = arith.constant 58 : i32
      %broadcast_in_dim3A_2240 = vector.broadcast %broadcast_in_dim3A_2239 : i32 to vector<16xi32>
      %get3A_2241 = arith.constant 58 : i32
      %get3A_2242 = arith.index_cast %get3A_2241 : i32 to index
      %get3A_2243 = arith.constant 0 : index
      %get3A_2244 = tpu.vector_load %arg7[%get3A_2242, %get3A_2243] {strides = array<i32>} : memref<128x32xf32, #tpu.memory_space<vmem>>, vector<16xf32>,
      %get3A_2245 = arith.constant 58 : i32
      %get3A_2246 = arith.index_cast %get3A_2245 : i32 to index
      %get3A_2247 = arith.constant 16 : index
      %get3A_2248 = tpu.vector_load %arg7[%get3A_2246, %get3A_2247] {strides = array<i32>} : memref<128x32xf32, #tpu.memory_space<vmem>>, vector<16xf32>,
      tpu.vector_store_idx %arg9[%select_n3A, %select_n3A_45, %broadcast_in_dim3A_2240], %get3A_2244 : memref<4x8x129xf32, #tpu.memory_space<vmem>>[vector<16xi32>, vector<16xi32>, vector<16xi32>], vector<16xf32>,
      tpu.vector_store_idx %arg9[%select_n3A_79, %select_n3A_101, %broadcast_in_dim3A_2240], %get3A_2248 : memref<4x8x129xf32, #tpu.memory_space<vmem>>[vector<16xi32>, vector<16xi32>, vector<16xi32>], vector<16xf32>,
      %broadcast_in_dim3A_2249 = arith.constant 59 : i32
      %broadcast_in_dim3A_2250 = vector.broadcast %broadcast_in_dim3A_2249 : i32 to vector<16xi32>
      %get3A_2251 = arith.constant 59 : i32
      %get3A_2252 = arith.index_cast %get3A_2251 : i32 to index
      %get3A_2253 = arith.constant 0 : index
      %get3A_2254 = tpu.vector_load %arg7[%get3A_2252, %get3A_2253] {strides = array<i32>} : memref<128x32xf32, #tpu.memory_space<vmem>>, vector<16xf32>,
      %get3A_2255 = arith.constant 59 : i32
      %get3A_2256 = arith.index_cast %get3A_2255 : i32 to index
      %get3A_2257 = arith.constant 16 : index
      %get3A_2258 = tpu.vector_load %arg7[%get3A_2256, %get3A_2257] {strides = array<i32>} : memref<128x32xf32, #tpu.memory_space<vmem>>, vector<16xf32>,
      tpu.vector_store_idx %arg9[%select_n3A, %select_n3A_45, %broadcast_in_dim3A_2250], %get3A_2254 : memref<4x8x129xf32, #tpu.memory_space<vmem>>[vector<16xi32>, vector<16xi32>, vector<16xi32>], vector<16xf32>,
      tpu.vector_store_idx %arg9[%select_n3A_79, %select_n3A_101, %broadcast_in_dim3A_2250], %get3A_2258 : memref<4x8x129xf32, #tpu.memory_space<vmem>>[vector<16xi32>, vector<16xi32>, vector<16xi32>], vector<16xf32>,
      %broadcast_in_dim3A_2259 = arith.constant 60 : i32
      %broadcast_in_dim3A_2260 = vector.broadcast %broadcast_in_dim3A_2259 : i32 to vector<16xi32>
      %get3A_2261 = arith.constant 60 : i32
      %get3A_2262 = arith.index_cast %get3A_2261 : i32 to index
      %get3A_2263 = arith.constant 0 : index
      %get3A_2264 = tpu.vector_load %arg7[%get3A_2262, %get3A_2263] {strides = array<i32>} : memref<128x32xf32, #tpu.memory_space<vmem>>, vector<16xf32>,
      %get3A_2265 = arith.constant 60 : i32
      %get3A_2266 = arith.index_cast %get3A_2265 : i32 to index
      %get3A_2267 = arith.constant 16 : index
      %get3A_2268 = tpu.vector_load %arg7[%get3A_2266, %get3A_2267] {strides = array<i32>} : memref<128x32xf32, #tpu.memory_space<vmem>>, vector<16xf32>,
      tpu.vector_store_idx %arg9[%select_n3A, %select_n3A_45, %broadcast_in_dim3A_2260], %get3A_2264 : memref<4x8x129xf32, #tpu.memory_space<vmem>>[vector<16xi32>, vector<16xi32>, vector<16xi32>], vector<16xf32>,
      tpu.vector_store_idx %arg9[%select_n3A_79, %select_n3A_101, %broadcast_in_dim3A_2260], %get3A_2268 : memref<4x8x129xf32, #tpu.memory_space<vmem>>[vector<16xi32>, vector<16xi32>, vector<16xi32>], vector<16xf32>,
      %broadcast_in_dim3A_2269 = arith.constant 61 : i32
      %broadcast_in_dim3A_2270 = vector.broadcast %broadcast_in_dim3A_2269 : i32 to vector<16xi32>
      %get3A_2271 = arith.constant 61 : i32
      %get3A_2272 = arith.index_cast %get3A_2271 : i32 to index
      %get3A_2273 = arith.constant 0 : index
      %get3A_2274 = tpu.vector_load %arg7[%get3A_2272, %get3A_2273] {strides = array<i32>} : memref<128x32xf32, #tpu.memory_space<vmem>>, vector<16xf32>,
      %get3A_2275 = arith.constant 61 : i32
      %get3A_2276 = arith.index_cast %get3A_2275 : i32 to index
      %get3A_2277 = arith.constant 16 : index
      %get3A_2278 = tpu.vector_load %arg7[%get3A_2276, %get3A_2277] {strides = array<i32>} : memref<128x32xf32, #tpu.memory_space<vmem>>, vector<16xf32>,
      tpu.vector_store_idx %arg9[%select_n3A, %select_n3A_45, %broadcast_in_dim3A_2270], %get3A_2274 : memref<4x8x129xf32, #tpu.memory_space<vmem>>[vector<16xi32>, vector<16xi32>, vector<16xi32>], vector<16xf32>,
      tpu.vector_store_idx %arg9[%select_n3A_79, %select_n3A_101, %broadcast_in_dim3A_2270], %get3A_2278 : memref<4x8x129xf32, #tpu.memory_space<vmem>>[vector<16xi32>, vector<16xi32>, vector<16xi32>], vector<16xf32>,
      %broadcast_in_dim3A_2279 = arith.constant 62 : i32
      %broadcast_in_dim3A_2280 = vector.broadcast %broadcast_in_dim3A_2279 : i32 to vector<16xi32>
      %get3A_2281 = arith.constant 62 : i32
      %get3A_2282 = arith.index_cast %get3A_2281 : i32 to index
      %get3A_2283 = arith.constant 0 : index
      %get3A_2284 = tpu.vector_load %arg7[%get3A_2282, %get3A_2283] {strides = array<i32>} : memref<128x32xf32, #tpu.memory_space<vmem>>, vector<16xf32>,
      %get3A_2285 = arith.constant 62 : i32
      %get3A_2286 = arith.index_cast %get3A_2285 : i32 to index
      %get3A_2287 = arith.constant 16 : index
      %get3A_2288 = tpu.vector_load %arg7[%get3A_2286, %get3A_2287] {strides = array<i32>} : memref<128x32xf32, #tpu.memory_space<vmem>>, vector<16xf32>,
      tpu.vector_store_idx %arg9[%select_n3A, %select_n3A_45, %broadcast_in_dim3A_2280], %get3A_2284 : memref<4x8x129xf32, #tpu.memory_space<vmem>>[vector<16xi32>, vector<16xi32>, vector<16xi32>], vector<16xf32>,
      tpu.vector_store_idx %arg9[%select_n3A_79, %select_n3A_101, %broadcast_in_dim3A_2280], %get3A_2288 : memref<4x8x129xf32, #tpu.memory_space<vmem>>[vector<16xi32>, vector<16xi32>, vector<16xi32>], vector<16xf32>,
      %broadcast_in_dim3A_2289 = arith.constant 63 : i32
      %broadcast_in_dim3A_2290 = vector.broadcast %broadcast_in_dim3A_2289 : i32 to vector<16xi32>
      %get3A_2291 = arith.constant 63 : i32
      %get3A_2292 = arith.index_cast %get3A_2291 : i32 to index
      %get3A_2293 = arith.constant 0 : index
      %get3A_2294 = tpu.vector_load %arg7[%get3A_2292, %get3A_2293] {strides = array<i32>} : memref<128x32xf32, #tpu.memory_space<vmem>>, vector<16xf32>,
      %get3A_2295 = arith.constant 63 : i32
      %get3A_2296 = arith.index_cast %get3A_2295 : i32 to index
      %get3A_2297 = arith.constant 16 : index
      %get3A_2298 = tpu.vector_load %arg7[%get3A_2296, %get3A_2297] {strides = array<i32>} : memref<128x32xf32, #tpu.memory_space<vmem>>, vector<16xf32>,
      tpu.vector_store_idx %arg9[%select_n3A, %select_n3A_45, %broadcast_in_dim3A_2290], %get3A_2294 : memref<4x8x129xf32, #tpu.memory_space<vmem>>[vector<16xi32>, vector<16xi32>, vector<16xi32>], vector<16xf32>,
      tpu.vector_store_idx %arg9[%select_n3A_79, %select_n3A_101, %broadcast_in_dim3A_2290], %get3A_2298 : memref<4x8x129xf32, #tpu.memory_space<vmem>>[vector<16xi32>, vector<16xi32>, vector<16xi32>], vector<16xf32>,
      %broadcast_in_dim3A_2299 = arith.constant 64 : i32
      %broadcast_in_dim3A_2300 = vector.broadcast %broadcast_in_dim3A_2299 : i32 to vector<16xi32>
      %get3A_2301 = arith.constant 64 : i32
      %get3A_2302 = arith.index_cast %get3A_2301 : i32 to index
      %get3A_2303 = arith.constant 0 : index
      %get3A_2304 = tpu.vector_load %arg7[%get3A_2302, %get3A_2303] {strides = array<i32>} : memref<128x32xf32, #tpu.memory_space<vmem>>, vector<16xf32>,
      %get3A_2305 = arith.constant 64 : i32
      %get3A_2306 = arith.index_cast %get3A_2305 : i32 to index
      %get3A_2307 = arith.constant 16 : index
      %get3A_2308 = tpu.vector_load %arg7[%get3A_2306, %get3A_2307] {strides = array<i32>} : memref<128x32xf32, #tpu.memory_space<vmem>>, vector<16xf32>,
      tpu.vector_store_idx %arg9[%select_n3A, %select_n3A_45, %broadcast_in_dim3A_2300], %get3A_2304 : memref<4x8x129xf32, #tpu.memory_space<vmem>>[vector<16xi32>, vector<16xi32>, vector<16xi32>], vector<16xf32>,
      tpu.vector_store_idx %arg9[%select_n3A_79, %select_n3A_101, %broadcast_in_dim3A_2300], %get3A_2308 : memref<4x8x129xf32, #tpu.memory_space<vmem>>[vector<16xi32>, vector<16xi32>, vector<16xi32>], vector<16xf32>,
      %broadcast_in_dim3A_2309 = arith.constant 65 : i32
      %broadcast_in_dim3A_2310 = vector.broadcast %broadcast_in_dim3A_2309 : i32 to vector<16xi32>
      %get3A_2311 = arith.constant 65 : i32
      %get3A_2312 = arith.index_cast %get3A_2311 : i32 to index
      %get3A_2313 = arith.constant 0 : index
      %get3A_2314 = tpu.vector_load %arg7[%get3A_2312, %get3A_2313] {strides = array<i32>} : memref<128x32xf32, #tpu.memory_space<vmem>>, vector<16xf32>,
      %get3A_2315 = arith.constant 65 : i32
      %get3A_2316 = arith.index_cast %get3A_2315 : i32 to index
      %get3A_2317 = arith.constant 16 : index
      %get3A_2318 = tpu.vector_load %arg7[%get3A_2316, %get3A_2317] {strides = array<i32>} : memref<128x32xf32, #tpu.memory_space<vmem>>, vector<16xf32>,
      tpu.vector_store_idx %arg9[%select_n3A, %select_n3A_45, %broadcast_in_dim3A_2310], %get3A_2314 : memref<4x8x129xf32, #tpu.memory_space<vmem>>[vector<16xi32>, vector<16xi32>, vector<16xi32>], vector<16xf32>,
      tpu.vector_store_idx %arg9[%select_n3A_79, %select_n3A_101, %broadcast_in_dim3A_2310], %get3A_2318 : memref<4x8x129xf32, #tpu.memory_space<vmem>>[vector<16xi32>, vector<16xi32>, vector<16xi32>], vector<16xf32>,
      %broadcast_in_dim3A_2319 = arith.constant 66 : i32
      %broadcast_in_dim3A_2320 = vector.broadcast %broadcast_in_dim3A_2319 : i32 to vector<16xi32>
      %get3A_2321 = arith.constant 66 : i32
      %get3A_2322 = arith.index_cast %get3A_2321 : i32 to index
      %get3A_2323 = arith.constant 0 : index
      %get3A_2324 = tpu.vector_load %arg7[%get3A_2322, %get3A_2323] {strides = array<i32>} : memref<128x32xf32, #tpu.memory_space<vmem>>, vector<16xf32>,
      %get3A_2325 = arith.constant 66 : i32
      %get3A_2326 = arith.index_cast %get3A_2325 : i32 to index
      %get3A_2327 = arith.constant 16 : index
      %get3A_2328 = tpu.vector_load %arg7[%get3A_2326, %get3A_2327] {strides = array<i32>} : memref<128x32xf32, #tpu.memory_space<vmem>>, vector<16xf32>,
      tpu.vector_store_idx %arg9[%select_n3A, %select_n3A_45, %broadcast_in_dim3A_2320], %get3A_2324 : memref<4x8x129xf32, #tpu.memory_space<vmem>>[vector<16xi32>, vector<16xi32>, vector<16xi32>], vector<16xf32>,
      tpu.vector_store_idx %arg9[%select_n3A_79, %select_n3A_101, %broadcast_in_dim3A_2320], %get3A_2328 : memref<4x8x129xf32, #tpu.memory_space<vmem>>[vector<16xi32>, vector<16xi32>, vector<16xi32>], vector<16xf32>,
      %broadcast_in_dim3A_2329 = arith.constant 67 : i32
      %broadcast_in_dim3A_2330 = vector.broadcast %broadcast_in_dim3A_2329 : i32 to vector<16xi32>
      %get3A_2331 = arith.constant 67 : i32
      %get3A_2332 = arith.index_cast %get3A_2331 : i32 to index
      %get3A_2333 = arith.constant 0 : index
      %get3A_2334 = tpu.vector_load %arg7[%get3A_2332, %get3A_2333] {strides = array<i32>} : memref<128x32xf32, #tpu.memory_space<vmem>>, vector<16xf32>,
      %get3A_2335 = arith.constant 67 : i32
      %get3A_2336 = arith.index_cast %get3A_2335 : i32 to index
      %get3A_2337 = arith.constant 16 : index
      %get3A_2338 = tpu.vector_load %arg7[%get3A_2336, %get3A_2337] {strides = array<i32>} : memref<128x32xf32, #tpu.memory_space<vmem>>, vector<16xf32>,
      tpu.vector_store_idx %arg9[%select_n3A, %select_n3A_45, %broadcast_in_dim3A_2330], %get3A_2334 : memref<4x8x129xf32, #tpu.memory_space<vmem>>[vector<16xi32>, vector<16xi32>, vector<16xi32>], vector<16xf32>,
      tpu.vector_store_idx %arg9[%select_n3A_79, %select_n3A_101, %broadcast_in_dim3A_2330], %get3A_2338 : memref<4x8x129xf32, #tpu.memory_space<vmem>>[vector<16xi32>, vector<16xi32>, vector<16xi32>], vector<16xf32>,
      %broadcast_in_dim3A_2339 = arith.constant 68 : i32
      %broadcast_in_dim3A_2340 = vector.broadcast %broadcast_in_dim3A_2339 : i32 to vector<16xi32>
      %get3A_2341 = arith.constant 68 : i32
      %get3A_2342 = arith.index_cast %get3A_2341 : i32 to index
      %get3A_2343 = arith.constant 0 : index
      %get3A_2344 = tpu.vector_load %arg7[%get3A_2342, %get3A_2343] {strides = array<i32>} : memref<128x32xf32, #tpu.memory_space<vmem>>, vector<16xf32>,
      %get3A_2345 = arith.constant 68 : i32
      %get3A_2346 = arith.index_cast %get3A_2345 : i32 to index
      %get3A_2347 = arith.constant 16 : index
      %get3A_2348 = tpu.vector_load %arg7[%get3A_2346, %get3A_2347] {strides = array<i32>} : memref<128x32xf32, #tpu.memory_space<vmem>>, vector<16xf32>,
      tpu.vector_store_idx %arg9[%select_n3A, %select_n3A_45, %broadcast_in_dim3A_2340], %get3A_2344 : memref<4x8x129xf32, #tpu.memory_space<vmem>>[vector<16xi32>, vector<16xi32>, vector<16xi32>], vector<16xf32>,
      tpu.vector_store_idx %arg9[%select_n3A_79, %select_n3A_101, %broadcast_in_dim3A_2340], %get3A_2348 : memref<4x8x129xf32, #tpu.memory_space<vmem>>[vector<16xi32>, vector<16xi32>, vector<16xi32>], vector<16xf32>,
      %broadcast_in_dim3A_2349 = arith.constant 69 : i32
      %broadcast_in_dim3A_2350 = vector.broadcast %broadcast_in_dim3A_2349 : i32 to vector<16xi32>
      %get3A_2351 = arith.constant 69 : i32
      %get3A_2352 = arith.index_cast %get3A_2351 : i32 to index
      %get3A_2353 = arith.constant 0 : index
      %get3A_2354 = tpu.vector_load %arg7[%get3A_2352, %get3A_2353] {strides = array<i32>} : memref<128x32xf32, #tpu.memory_space<vmem>>, vector<16xf32>,
      %get3A_2355 = arith.constant 69 : i32
      %get3A_2356 = arith.index_cast %get3A_2355 : i32 to index
      %get3A_2357 = arith.constant 16 : index
      %get3A_2358 = tpu.vector_load %arg7[%get3A_2356, %get3A_2357] {strides = array<i32>} : memref<128x32xf32, #tpu.memory_space<vmem>>, vector<16xf32>,
      tpu.vector_store_idx %arg9[%select_n3A, %select_n3A_45, %broadcast_in_dim3A_2350], %get3A_2354 : memref<4x8x129xf32, #tpu.memory_space<vmem>>[vector<16xi32>, vector<16xi32>, vector<16xi32>], vector<16xf32>,
      tpu.vector_store_idx %arg9[%select_n3A_79, %select_n3A_101, %broadcast_in_dim3A_2350], %get3A_2358 : memref<4x8x129xf32, #tpu.memory_space<vmem>>[vector<16xi32>, vector<16xi32>, vector<16xi32>], vector<16xf32>,
      %broadcast_in_dim3A_2359 = arith.constant 70 : i32
      %broadcast_in_dim3A_2360 = vector.broadcast %broadcast_in_dim3A_2359 : i32 to vector<16xi32>
      %get3A_2361 = arith.constant 70 : i32
      %get3A_2362 = arith.index_cast %get3A_2361 : i32 to index
      %get3A_2363 = arith.constant 0 : index
      %get3A_2364 = tpu.vector_load %arg7[%get3A_2362, %get3A_2363] {strides = array<i32>} : memref<128x32xf32, #tpu.memory_space<vmem>>, vector<16xf32>,
      %get3A_2365 = arith.constant 70 : i32
      %get3A_2366 = arith.index_cast %get3A_2365 : i32 to index
      %get3A_2367 = arith.constant 16 : index
      %get3A_2368 = tpu.vector_load %arg7[%get3A_2366, %get3A_2367] {strides = array<i32>} : memref<128x32xf32, #tpu.memory_space<vmem>>, vector<16xf32>,
      tpu.vector_store_idx %arg9[%select_n3A, %select_n3A_45, %broadcast_in_dim3A_2360], %get3A_2364 : memref<4x8x129xf32, #tpu.memory_space<vmem>>[vector<16xi32>, vector<16xi32>, vector<16xi32>], vector<16xf32>,
      tpu.vector_store_idx %arg9[%select_n3A_79, %select_n3A_101, %broadcast_in_dim3A_2360], %get3A_2368 : memref<4x8x129xf32, #tpu.memory_space<vmem>>[vector<16xi32>, vector<16xi32>, vector<16xi32>], vector<16xf32>,
      %broadcast_in_dim3A_2369 = arith.constant 71 : i32
      %broadcast_in_dim3A_2370 = vector.broadcast %broadcast_in_dim3A_2369 : i32 to vector<16xi32>
      %get3A_2371 = arith.constant 71 : i32
      %get3A_2372 = arith.index_cast %get3A_2371 : i32 to index
      %get3A_2373 = arith.constant 0 : index
      %get3A_2374 = tpu.vector_load %arg7[%get3A_2372, %get3A_2373] {strides = array<i32>} : memref<128x32xf32, #tpu.memory_space<vmem>>, vector<16xf32>,
      %get3A_2375 = arith.constant 71 : i32
      %get3A_2376 = arith.index_cast %get3A_2375 : i32 to index
      %get3A_2377 = arith.constant 16 : index
      %get3A_2378 = tpu.vector_load %arg7[%get3A_2376, %get3A_2377] {strides = array<i32>} : memref<128x32xf32, #tpu.memory_space<vmem>>, vector<16xf32>,
      tpu.vector_store_idx %arg9[%select_n3A, %select_n3A_45, %broadcast_in_dim3A_2370], %get3A_2374 : memref<4x8x129xf32, #tpu.memory_space<vmem>>[vector<16xi32>, vector<16xi32>, vector<16xi32>], vector<16xf32>,
      tpu.vector_store_idx %arg9[%select_n3A_79, %select_n3A_101, %broadcast_in_dim3A_2370], %get3A_2378 : memref<4x8x129xf32, #tpu.memory_space<vmem>>[vector<16xi32>, vector<16xi32>, vector<16xi32>], vector<16xf32>,
      %broadcast_in_dim3A_2379 = arith.constant 72 : i32
      %broadcast_in_dim3A_2380 = vector.broadcast %broadcast_in_dim3A_2379 : i32 to vector<16xi32>
      %get3A_2381 = arith.constant 72 : i32
      %get3A_2382 = arith.index_cast %get3A_2381 : i32 to index
      %get3A_2383 = arith.constant 0 : index
      %get3A_2384 = tpu.vector_load %arg7[%get3A_2382, %get3A_2383] {strides = array<i32>} : memref<128x32xf32, #tpu.memory_space<vmem>>, vector<16xf32>,
      %get3A_2385 = arith.constant 72 : i32
      %get3A_2386 = arith.index_cast %get3A_2385 : i32 to index
      %get3A_2387 = arith.constant 16 : index
      %get3A_2388 = tpu.vector_load %arg7[%get3A_2386, %get3A_2387] {strides = array<i32>} : memref<128x32xf32, #tpu.memory_space<vmem>>, vector<16xf32>,
      tpu.vector_store_idx %arg9[%select_n3A, %select_n3A_45, %broadcast_in_dim3A_2380], %get3A_2384 : memref<4x8x129xf32, #tpu.memory_space<vmem>>[vector<16xi32>, vector<16xi32>, vector<16xi32>], vector<16xf32>,
      tpu.vector_store_idx %arg9[%select_n3A_79, %select_n3A_101, %broadcast_in_dim3A_2380], %get3A_2388 : memref<4x8x129xf32, #tpu.memory_space<vmem>>[vector<16xi32>, vector<16xi32>, vector<16xi32>], vector<16xf32>,
      %broadcast_in_dim3A_2389 = arith.constant 73 : i32
      %broadcast_in_dim3A_2390 = vector.broadcast %broadcast_in_dim3A_2389 : i32 to vector<16xi32>
      %get3A_2391 = arith.constant 73 : i32
      %get3A_2392 = arith.index_cast %get3A_2391 : i32 to index
      %get3A_2393 = arith.constant 0 : index
      %get3A_2394 = tpu.vector_load %arg7[%get3A_2392, %get3A_2393] {strides = array<i32>} : memref<128x32xf32, #tpu.memory_space<vmem>>, vector<16xf32>,
      %get3A_2395 = arith.constant 73 : i32
      %get3A_2396 = arith.index_cast %get3A_2395 : i32 to index
      %get3A_2397 = arith.constant 16 : index
      %get3A_2398 = tpu.vector_load %arg7[%get3A_2396, %get3A_2397] {strides = array<i32>} : memref<128x32xf32, #tpu.memory_space<vmem>>, vector<16xf32>,
      tpu.vector_store_idx %arg9[%select_n3A, %select_n3A_45, %broadcast_in_dim3A_2390], %get3A_2394 : memref<4x8x129xf32, #tpu.memory_space<vmem>>[vector<16xi32>, vector<16xi32>, vector<16xi32>], vector<16xf32>,
      tpu.vector_store_idx %arg9[%select_n3A_79, %select_n3A_101, %broadcast_in_dim3A_2390], %get3A_2398 : memref<4x8x129xf32, #tpu.memory_space<vmem>>[vector<16xi32>, vector<16xi32>, vector<16xi32>], vector<16xf32>,
      %broadcast_in_dim3A_2399 = arith.constant 74 : i32
      %broadcast_in_dim3A_2400 = vector.broadcast %broadcast_in_dim3A_2399 : i32 to vector<16xi32>
      %get3A_2401 = arith.constant 74 : i32
      %get3A_2402 = arith.index_cast %get3A_2401 : i32 to index
      %get3A_2403 = arith.constant 0 : index
      %get3A_2404 = tpu.vector_load %arg7[%get3A_2402, %get3A_2403] {strides = array<i32>} : memref<128x32xf32, #tpu.memory_space<vmem>>, vector<16xf32>,
      %get3A_2405 = arith.constant 74 : i32
      %get3A_2406 = arith.index_cast %get3A_2405 : i32 to index
      %get3A_2407 = arith.constant 16 : index
      %get3A_2408 = tpu.vector_load %arg7[%get3A_2406, %get3A_2407] {strides = array<i32>} : memref<128x32xf32, #tpu.memory_space<vmem>>, vector<16xf32>,
      tpu.vector_store_idx %arg9[%select_n3A, %select_n3A_45, %broadcast_in_dim3A_2400], %get3A_2404 : memref<4x8x129xf32, #tpu.memory_space<vmem>>[vector<16xi32>, vector<16xi32>, vector<16xi32>], vector<16xf32>,
      tpu.vector_store_idx %arg9[%select_n3A_79, %select_n3A_101, %broadcast_in_dim3A_2400], %get3A_2408 : memref<4x8x129xf32, #tpu.memory_space<vmem>>[vector<16xi32>, vector<16xi32>, vector<16xi32>], vector<16xf32>,
      %broadcast_in_dim3A_2409 = arith.constant 75 : i32
      %broadcast_in_dim3A_2410 = vector.broadcast %broadcast_in_dim3A_2409 : i32 to vector<16xi32>
      %get3A_2411 = arith.constant 75 : i32
      %get3A_2412 = arith.index_cast %get3A_2411 : i32 to index
      %get3A_2413 = arith.constant 0 : index
      %get3A_2414 = tpu.vector_load %arg7[%get3A_2412, %get3A_2413] {strides = array<i32>} : memref<128x32xf32, #tpu.memory_space<vmem>>, vector<16xf32>,
      %get3A_2415 = arith.constant 75 : i32
      %get3A_2416 = arith.index_cast %get3A_2415 : i32 to index
      %get3A_2417 = arith.constant 16 : index
      %get3A_2418 = tpu.vector_load %arg7[%get3A_2416, %get3A_2417] {strides = array<i32>} : memref<128x32xf32, #tpu.memory_space<vmem>>, vector<16xf32>,
      tpu.vector_store_idx %arg9[%select_n3A, %select_n3A_45, %broadcast_in_dim3A_2410], %get3A_2414 : memref<4x8x129xf32, #tpu.memory_space<vmem>>[vector<16xi32>, vector<16xi32>, vector<16xi32>], vector<16xf32>,
      tpu.vector_store_idx %arg9[%select_n3A_79, %select_n3A_101, %broadcast_in_dim3A_2410], %get3A_2418 : memref<4x8x129xf32, #tpu.memory_space<vmem>>[vector<16xi32>, vector<16xi32>, vector<16xi32>], vector<16xf32>,
      %broadcast_in_dim3A_2419 = arith.constant 76 : i32
      %broadcast_in_dim3A_2420 = vector.broadcast %broadcast_in_dim3A_2419 : i32 to vector<16xi32>
      %get3A_2421 = arith.constant 76 : i32
      %get3A_2422 = arith.index_cast %get3A_2421 : i32 to index
      %get3A_2423 = arith.constant 0 : index
      %get3A_2424 = tpu.vector_load %arg7[%get3A_2422, %get3A_2423] {strides = array<i32>} : memref<128x32xf32, #tpu.memory_space<vmem>>, vector<16xf32>,
      %get3A_2425 = arith.constant 76 : i32
      %get3A_2426 = arith.index_cast %get3A_2425 : i32 to index
      %get3A_2427 = arith.constant 16 : index
      %get3A_2428 = tpu.vector_load %arg7[%get3A_2426, %get3A_2427] {strides = array<i32>} : memref<128x32xf32, #tpu.memory_space<vmem>>, vector<16xf32>,
      tpu.vector_store_idx %arg9[%select_n3A, %select_n3A_45, %broadcast_in_dim3A_2420], %get3A_2424 : memref<4x8x129xf32, #tpu.memory_space<vmem>>[vector<16xi32>, vector<16xi32>, vector<16xi32>], vector<16xf32>,
      tpu.vector_store_idx %arg9[%select_n3A_79, %select_n3A_101, %broadcast_in_dim3A_2420], %get3A_2428 : memref<4x8x129xf32, #tpu.memory_space<vmem>>[vector<16xi32>, vector<16xi32>, vector<16xi32>], vector<16xf32>,
      %broadcast_in_dim3A_2429 = arith.constant 77 : i32
      %broadcast_in_dim3A_2430 = vector.broadcast %broadcast_in_dim3A_2429 : i32 to vector<16xi32>
      %get3A_2431 = arith.constant 77 : i32
      %get3A_2432 = arith.index_cast %get3A_2431 : i32 to index
      %get3A_2433 = arith.constant 0 : index
      %get3A_2434 = tpu.vector_load %arg7[%get3A_2432, %get3A_2433] {strides = array<i32>} : memref<128x32xf32, #tpu.memory_space<vmem>>, vector<16xf32>,
      %get3A_2435 = arith.constant 77 : i32
      %get3A_2436 = arith.index_cast %get3A_2435 : i32 to index
      %get3A_2437 = arith.constant 16 : index
      %get3A_2438 = tpu.vector_load %arg7[%get3A_2436, %get3A_2437] {strides = array<i32>} : memref<128x32xf32, #tpu.memory_space<vmem>>, vector<16xf32>,
      tpu.vector_store_idx %arg9[%select_n3A, %select_n3A_45, %broadcast_in_dim3A_2430], %get3A_2434 : memref<4x8x129xf32, #tpu.memory_space<vmem>>[vector<16xi32>, vector<16xi32>, vector<16xi32>], vector<16xf32>,
      tpu.vector_store_idx %arg9[%select_n3A_79, %select_n3A_101, %broadcast_in_dim3A_2430], %get3A_2438 : memref<4x8x129xf32, #tpu.memory_space<vmem>>[vector<16xi32>, vector<16xi32>, vector<16xi32>], vector<16xf32>,
      %broadcast_in_dim3A_2439 = arith.constant 78 : i32
      %broadcast_in_dim3A_2440 = vector.broadcast %broadcast_in_dim3A_2439 : i32 to vector<16xi32>
      %get3A_2441 = arith.constant 78 : i32
      %get3A_2442 = arith.index_cast %get3A_2441 : i32 to index
      %get3A_2443 = arith.constant 0 : index
      %get3A_2444 = tpu.vector_load %arg7[%get3A_2442, %get3A_2443] {strides = array<i32>} : memref<128x32xf32, #tpu.memory_space<vmem>>, vector<16xf32>,
      %get3A_2445 = arith.constant 78 : i32
      %get3A_2446 = arith.index_cast %get3A_2445 : i32 to index
      %get3A_2447 = arith.constant 16 : index
      %get3A_2448 = tpu.vector_load %arg7[%get3A_2446, %get3A_2447] {strides = array<i32>} : memref<128x32xf32, #tpu.memory_space<vmem>>, vector<16xf32>,
      tpu.vector_store_idx %arg9[%select_n3A, %select_n3A_45, %broadcast_in_dim3A_2440], %get3A_2444 : memref<4x8x129xf32, #tpu.memory_space<vmem>>[vector<16xi32>, vector<16xi32>, vector<16xi32>], vector<16xf32>,
      tpu.vector_store_idx %arg9[%select_n3A_79, %select_n3A_101, %broadcast_in_dim3A_2440], %get3A_2448 : memref<4x8x129xf32, #tpu.memory_space<vmem>>[vector<16xi32>, vector<16xi32>, vector<16xi32>], vector<16xf32>,
      %broadcast_in_dim3A_2449 = arith.constant 79 : i32
      %broadcast_in_dim3A_2450 = vector.broadcast %broadcast_in_dim3A_2449 : i32 to vector<16xi32>
      %get3A_2451 = arith.constant 79 : i32
      %get3A_2452 = arith.index_cast %get3A_2451 : i32 to index
      %get3A_2453 = arith.constant 0 : index
      %get3A_2454 = tpu.vector_load %arg7[%get3A_2452, %get3A_2453] {strides = array<i32>} : memref<128x32xf32, #tpu.memory_space<vmem>>, vector<16xf32>,
      %get3A_2455 = arith.constant 79 : i32
      %get3A_2456 = arith.index_cast %get3A_2455 : i32 to index
      %get3A_2457 = arith.constant 16 : index
      %get3A_2458 = tpu.vector_load %arg7[%get3A_2456, %get3A_2457] {strides = array<i32>} : memref<128x32xf32, #tpu.memory_space<vmem>>, vector<16xf32>,
      tpu.vector_store_idx %arg9[%select_n3A, %select_n3A_45, %broadcast_in_dim3A_2450], %get3A_2454 : memref<4x8x129xf32, #tpu.memory_space<vmem>>[vector<16xi32>, vector<16xi32>, vector<16xi32>], vector<16xf32>,
      tpu.vector_store_idx %arg9[%select_n3A_79, %select_n3A_101, %broadcast_in_dim3A_2450], %get3A_2458 : memref<4x8x129xf32, #tpu.memory_space<vmem>>[vector<16xi32>, vector<16xi32>, vector<16xi32>], vector<16xf32>,
      %broadcast_in_dim3A_2459 = arith.constant 80 : i32
      %broadcast_in_dim3A_2460 = vector.broadcast %broadcast_in_dim3A_2459 : i32 to vector<16xi32>
      %get3A_2461 = arith.constant 80 : i32
      %get3A_2462 = arith.index_cast %get3A_2461 : i32 to index
      %get3A_2463 = arith.constant 0 : index
      %get3A_2464 = tpu.vector_load %arg7[%get3A_2462, %get3A_2463] {strides = array<i32>} : memref<128x32xf32, #tpu.memory_space<vmem>>, vector<16xf32>,
      %get3A_2465 = arith.constant 80 : i32
      %get3A_2466 = arith.index_cast %get3A_2465 : i32 to index
      %get3A_2467 = arith.constant 16 : index
      %get3A_2468 = tpu.vector_load %arg7[%get3A_2466, %get3A_2467] {strides = array<i32>} : memref<128x32xf32, #tpu.memory_space<vmem>>, vector<16xf32>,
      tpu.vector_store_idx %arg9[%select_n3A, %select_n3A_45, %broadcast_in_dim3A_2460], %get3A_2464 : memref<4x8x129xf32, #tpu.memory_space<vmem>>[vector<16xi32>, vector<16xi32>, vector<16xi32>], vector<16xf32>,
      tpu.vector_store_idx %arg9[%select_n3A_79, %select_n3A_101, %broadcast_in_dim3A_2460], %get3A_2468 : memref<4x8x129xf32, #tpu.memory_space<vmem>>[vector<16xi32>, vector<16xi32>, vector<16xi32>], vector<16xf32>,
      %broadcast_in_dim3A_2469 = arith.constant 81 : i32
      %broadcast_in_dim3A_2470 = vector.broadcast %broadcast_in_dim3A_2469 : i32 to vector<16xi32>
      %get3A_2471 = arith.constant 81 : i32
      %get3A_2472 = arith.index_cast %get3A_2471 : i32 to index
      %get3A_2473 = arith.constant 0 : index
      %get3A_2474 = tpu.vector_load %arg7[%get3A_2472, %get3A_2473] {strides = array<i32>} : memref<128x32xf32, #tpu.memory_space<vmem>>, vector<16xf32>,
      %get3A_2475 = arith.constant 81 : i32
      %get3A_2476 = arith.index_cast %get3A_2475 : i32 to index
      %get3A_2477 = arith.constant 16 : index
      %get3A_2478 = tpu.vector_load %arg7[%get3A_2476, %get3A_2477] {strides = array<i32>} : memref<128x32xf32, #tpu.memory_space<vmem>>, vector<16xf32>,
      tpu.vector_store_idx %arg9[%select_n3A, %select_n3A_45, %broadcast_in_dim3A_2470], %get3A_2474 : memref<4x8x129xf32, #tpu.memory_space<vmem>>[vector<16xi32>, vector<16xi32>, vector<16xi32>], vector<16xf32>,
      tpu.vector_store_idx %arg9[%select_n3A_79, %select_n3A_101, %broadcast_in_dim3A_2470], %get3A_2478 : memref<4x8x129xf32, #tpu.memory_space<vmem>>[vector<16xi32>, vector<16xi32>, vector<16xi32>], vector<16xf32>,
      %broadcast_in_dim3A_2479 = arith.constant 82 : i32
      %broadcast_in_dim3A_2480 = vector.broadcast %broadcast_in_dim3A_2479 : i32 to vector<16xi32>
      %get3A_2481 = arith.constant 82 : i32
      %get3A_2482 = arith.index_cast %get3A_2481 : i32 to index
      %get3A_2483 = arith.constant 0 : index
      %get3A_2484 = tpu.vector_load %arg7[%get3A_2482, %get3A_2483] {strides = array<i32>} : memref<128x32xf32, #tpu.memory_space<vmem>>, vector<16xf32>,
      %get3A_2485 = arith.constant 82 : i32
      %get3A_2486 = arith.index_cast %get3A_2485 : i32 to index
      %get3A_2487 = arith.constant 16 : index
      %get3A_2488 = tpu.vector_load %arg7[%get3A_2486, %get3A_2487] {strides = array<i32>} : memref<128x32xf32, #tpu.memory_space<vmem>>, vector<16xf32>,
      tpu.vector_store_idx %arg9[%select_n3A, %select_n3A_45, %broadcast_in_dim3A_2480], %get3A_2484 : memref<4x8x129xf32, #tpu.memory_space<vmem>>[vector<16xi32>, vector<16xi32>, vector<16xi32>], vector<16xf32>,
      tpu.vector_store_idx %arg9[%select_n3A_79, %select_n3A_101, %broadcast_in_dim3A_2480], %get3A_2488 : memref<4x8x129xf32, #tpu.memory_space<vmem>>[vector<16xi32>, vector<16xi32>, vector<16xi32>], vector<16xf32>,
      %broadcast_in_dim3A_2489 = arith.constant 83 : i32
      %broadcast_in_dim3A_2490 = vector.broadcast %broadcast_in_dim3A_2489 : i32 to vector<16xi32>
      %get3A_2491 = arith.constant 83 : i32
      %get3A_2492 = arith.index_cast %get3A_2491 : i32 to index
      %get3A_2493 = arith.constant 0 : index
      %get3A_2494 = tpu.vector_load %arg7[%get3A_2492, %get3A_2493] {strides = array<i32>} : memref<128x32xf32, #tpu.memory_space<vmem>>, vector<16xf32>,
      %get3A_2495 = arith.constant 83 : i32
      %get3A_2496 = arith.index_cast %get3A_2495 : i32 to index
      %get3A_2497 = arith.constant 16 : index
      %get3A_2498 = tpu.vector_load %arg7[%get3A_2496, %get3A_2497] {strides = array<i32>} : memref<128x32xf32, #tpu.memory_space<vmem>>, vector<16xf32>,
      tpu.vector_store_idx %arg9[%select_n3A, %select_n3A_45, %broadcast_in_dim3A_2490], %get3A_2494 : memref<4x8x129xf32, #tpu.memory_space<vmem>>[vector<16xi32>, vector<16xi32>, vector<16xi32>], vector<16xf32>,
      tpu.vector_store_idx %arg9[%select_n3A_79, %select_n3A_101, %broadcast_in_dim3A_2490], %get3A_2498 : memref<4x8x129xf32, #tpu.memory_space<vmem>>[vector<16xi32>, vector<16xi32>, vector<16xi32>], vector<16xf32>,
      %broadcast_in_dim3A_2499 = arith.constant 84 : i32
      %broadcast_in_dim3A_2500 = vector.broadcast %broadcast_in_dim3A_2499 : i32 to vector<16xi32>
      %get3A_2501 = arith.constant 84 : i32
      %get3A_2502 = arith.index_cast %get3A_2501 : i32 to index
      %get3A_2503 = arith.constant 0 : index
      %get3A_2504 = tpu.vector_load %arg7[%get3A_2502, %get3A_2503] {strides = array<i32>} : memref<128x32xf32, #tpu.memory_space<vmem>>, vector<16xf32>,
      %get3A_2505 = arith.constant 84 : i32
      %get3A_2506 = arith.index_cast %get3A_2505 : i32 to index
      %get3A_2507 = arith.constant 16 : index
      %get3A_2508 = tpu.vector_load %arg7[%get3A_2506, %get3A_2507] {strides = array<i32>} : memref<128x32xf32, #tpu.memory_space<vmem>>, vector<16xf32>,
      tpu.vector_store_idx %arg9[%select_n3A, %select_n3A_45, %broadcast_in_dim3A_2500], %get3A_2504 : memref<4x8x129xf32, #tpu.memory_space<vmem>>[vector<16xi32>, vector<16xi32>, vector<16xi32>], vector<16xf32>,
      tpu.vector_store_idx %arg9[%select_n3A_79, %select_n3A_101, %broadcast_in_dim3A_2500], %get3A_2508 : memref<4x8x129xf32, #tpu.memory_space<vmem>>[vector<16xi32>, vector<16xi32>, vector<16xi32>], vector<16xf32>,
      %broadcast_in_dim3A_2509 = arith.constant 85 : i32
      %broadcast_in_dim3A_2510 = vector.broadcast %broadcast_in_dim3A_2509 : i32 to vector<16xi32>
      %get3A_2511 = arith.constant 85 : i32
      %get3A_2512 = arith.index_cast %get3A_2511 : i32 to index
      %get3A_2513 = arith.constant 0 : index
      %get3A_2514 = tpu.vector_load %arg7[%get3A_2512, %get3A_2513] {strides = array<i32>} : memref<128x32xf32, #tpu.memory_space<vmem>>, vector<16xf32>,
      %get3A_2515 = arith.constant 85 : i32
      %get3A_2516 = arith.index_cast %get3A_2515 : i32 to index
      %get3A_2517 = arith.constant 16 : index
      %get3A_2518 = tpu.vector_load %arg7[%get3A_2516, %get3A_2517] {strides = array<i32>} : memref<128x32xf32, #tpu.memory_space<vmem>>, vector<16xf32>,
      tpu.vector_store_idx %arg9[%select_n3A, %select_n3A_45, %broadcast_in_dim3A_2510], %get3A_2514 : memref<4x8x129xf32, #tpu.memory_space<vmem>>[vector<16xi32>, vector<16xi32>, vector<16xi32>], vector<16xf32>,
      tpu.vector_store_idx %arg9[%select_n3A_79, %select_n3A_101, %broadcast_in_dim3A_2510], %get3A_2518 : memref<4x8x129xf32, #tpu.memory_space<vmem>>[vector<16xi32>, vector<16xi32>, vector<16xi32>], vector<16xf32>,
      %broadcast_in_dim3A_2519 = arith.constant 86 : i32
      %broadcast_in_dim3A_2520 = vector.broadcast %broadcast_in_dim3A_2519 : i32 to vector<16xi32>
      %get3A_2521 = arith.constant 86 : i32
      %get3A_2522 = arith.index_cast %get3A_2521 : i32 to index
      %get3A_2523 = arith.constant 0 : index
      %get3A_2524 = tpu.vector_load %arg7[%get3A_2522, %get3A_2523] {strides = array<i32>} : memref<128x32xf32, #tpu.memory_space<vmem>>, vector<16xf32>,
      %get3A_2525 = arith.constant 86 : i32
      %get3A_2526 = arith.index_cast %get3A_2525 : i32 to index
      %get3A_2527 = arith.constant 16 : index
      %get3A_2528 = tpu.vector_load %arg7[%get3A_2526, %get3A_2527] {strides = array<i32>} : memref<128x32xf32, #tpu.memory_space<vmem>>, vector<16xf32>,
      tpu.vector_store_idx %arg9[%select_n3A, %select_n3A_45, %broadcast_in_dim3A_2520], %get3A_2524 : memref<4x8x129xf32, #tpu.memory_space<vmem>>[vector<16xi32>, vector<16xi32>, vector<16xi32>], vector<16xf32>,
      tpu.vector_store_idx %arg9[%select_n3A_79, %select_n3A_101, %broadcast_in_dim3A_2520], %get3A_2528 : memref<4x8x129xf32, #tpu.memory_space<vmem>>[vector<16xi32>, vector<16xi32>, vector<16xi32>], vector<16xf32>,
      %broadcast_in_dim3A_2529 = arith.constant 87 : i32
      %broadcast_in_dim3A_2530 = vector.broadcast %broadcast_in_dim3A_2529 : i32 to vector<16xi32>
      %get3A_2531 = arith.constant 87 : i32
      %get3A_2532 = arith.index_cast %get3A_2531 : i32 to index
      %get3A_2533 = arith.constant 0 : index
      %get3A_2534 = tpu.vector_load %arg7[%get3A_2532, %get3A_2533] {strides = array<i32>} : memref<128x32xf32, #tpu.memory_space<vmem>>, vector<16xf32>,
      %get3A_2535 = arith.constant 87 : i32
      %get3A_2536 = arith.index_cast %get3A_2535 : i32 to index
      %get3A_2537 = arith.constant 16 : index
      %get3A_2538 = tpu.vector_load %arg7[%get3A_2536, %get3A_2537] {strides = array<i32>} : memref<128x32xf32, #tpu.memory_space<vmem>>, vector<16xf32>,
      tpu.vector_store_idx %arg9[%select_n3A, %select_n3A_45, %broadcast_in_dim3A_2530], %get3A_2534 : memref<4x8x129xf32, #tpu.memory_space<vmem>>[vector<16xi32>, vector<16xi32>, vector<16xi32>], vector<16xf32>,
      tpu.vector_store_idx %arg9[%select_n3A_79, %select_n3A_101, %broadcast_in_dim3A_2530], %get3A_2538 : memref<4x8x129xf32, #tpu.memory_space<vmem>>[vector<16xi32>, vector<16xi32>, vector<16xi32>], vector<16xf32>,
      %broadcast_in_dim3A_2539 = arith.constant 88 : i32
      %broadcast_in_dim3A_2540 = vector.broadcast %broadcast_in_dim3A_2539 : i32 to vector<16xi32>
      %get3A_2541 = arith.constant 88 : i32
      %get3A_2542 = arith.index_cast %get3A_2541 : i32 to index
      %get3A_2543 = arith.constant 0 : index
      %get3A_2544 = tpu.vector_load %arg7[%get3A_2542, %get3A_2543] {strides = array<i32>} : memref<128x32xf32, #tpu.memory_space<vmem>>, vector<16xf32>,
      %get3A_2545 = arith.constant 88 : i32
      %get3A_2546 = arith.index_cast %get3A_2545 : i32 to index
      %get3A_2547 = arith.constant 16 : index
      %get3A_2548 = tpu.vector_load %arg7[%get3A_2546, %get3A_2547] {strides = array<i32>} : memref<128x32xf32, #tpu.memory_space<vmem>>, vector<16xf32>,
      tpu.vector_store_idx %arg9[%select_n3A, %select_n3A_45, %broadcast_in_dim3A_2540], %get3A_2544 : memref<4x8x129xf32, #tpu.memory_space<vmem>>[vector<16xi32>, vector<16xi32>, vector<16xi32>], vector<16xf32>,
      tpu.vector_store_idx %arg9[%select_n3A_79, %select_n3A_101, %broadcast_in_dim3A_2540], %get3A_2548 : memref<4x8x129xf32, #tpu.memory_space<vmem>>[vector<16xi32>, vector<16xi32>, vector<16xi32>], vector<16xf32>,
      %broadcast_in_dim3A_2549 = arith.constant 89 : i32
      %broadcast_in_dim3A_2550 = vector.broadcast %broadcast_in_dim3A_2549 : i32 to vector<16xi32>
      %get3A_2551 = arith.constant 89 : i32
      %get3A_2552 = arith.index_cast %get3A_2551 : i32 to index
      %get3A_2553 = arith.constant 0 : index
      %get3A_2554 = tpu.vector_load %arg7[%get3A_2552, %get3A_2553] {strides = array<i32>} : memref<128x32xf32, #tpu.memory_space<vmem>>, vector<16xf32>,
      %get3A_2555 = arith.constant 89 : i32
      %get3A_2556 = arith.index_cast %get3A_2555 : i32 to index
      %get3A_2557 = arith.constant 16 : index
      %get3A_2558 = tpu.vector_load %arg7[%get3A_2556, %get3A_2557] {strides = array<i32>} : memref<128x32xf32, #tpu.memory_space<vmem>>, vector<16xf32>,
      tpu.vector_store_idx %arg9[%select_n3A, %select_n3A_45, %broadcast_in_dim3A_2550], %get3A_2554 : memref<4x8x129xf32, #tpu.memory_space<vmem>>[vector<16xi32>, vector<16xi32>, vector<16xi32>], vector<16xf32>,
      tpu.vector_store_idx %arg9[%select_n3A_79, %select_n3A_101, %broadcast_in_dim3A_2550], %get3A_2558 : memref<4x8x129xf32, #tpu.memory_space<vmem>>[vector<16xi32>, vector<16xi32>, vector<16xi32>], vector<16xf32>,
      %broadcast_in_dim3A_2559 = arith.constant 90 : i32
      %broadcast_in_dim3A_2560 = vector.broadcast %broadcast_in_dim3A_2559 : i32 to vector<16xi32>
      %get3A_2561 = arith.constant 90 : i32
      %get3A_2562 = arith.index_cast %get3A_2561 : i32 to index
      %get3A_2563 = arith.constant 0 : index
      %get3A_2564 = tpu.vector_load %arg7[%get3A_2562, %get3A_2563] {strides = array<i32>} : memref<128x32xf32, #tpu.memory_space<vmem>>, vector<16xf32>,
      %get3A_2565 = arith.constant 90 : i32
      %get3A_2566 = arith.index_cast %get3A_2565 : i32 to index
      %get3A_2567 = arith.constant 16 : index
      %get3A_2568 = tpu.vector_load %arg7[%get3A_2566, %get3A_2567] {strides = array<i32>} : memref<128x32xf32, #tpu.memory_space<vmem>>, vector<16xf32>,
      tpu.vector_store_idx %arg9[%select_n3A, %select_n3A_45, %broadcast_in_dim3A_2560], %get3A_2564 : memref<4x8x129xf32, #tpu.memory_space<vmem>>[vector<16xi32>, vector<16xi32>, vector<16xi32>], vector<16xf32>,
      tpu.vector_store_idx %arg9[%select_n3A_79, %select_n3A_101, %broadcast_in_dim3A_2560], %get3A_2568 : memref<4x8x129xf32, #tpu.memory_space<vmem>>[vector<16xi32>, vector<16xi32>, vector<16xi32>], vector<16xf32>,
      %broadcast_in_dim3A_2569 = arith.constant 91 : i32
      %broadcast_in_dim3A_2570 = vector.broadcast %broadcast_in_dim3A_2569 : i32 to vector<16xi32>
      %get3A_2571 = arith.constant 91 : i32
      %get3A_2572 = arith.index_cast %get3A_2571 : i32 to index
      %get3A_2573 = arith.constant 0 : index
      %get3A_2574 = tpu.vector_load %arg7[%get3A_2572, %get3A_2573] {strides = array<i32>} : memref<128x32xf32, #tpu.memory_space<vmem>>, vector<16xf32>,
      %get3A_2575 = arith.constant 91 : i32
      %get3A_2576 = arith.index_cast %get3A_2575 : i32 to index
      %get3A_2577 = arith.constant 16 : index
      %get3A_2578 = tpu.vector_load %arg7[%get3A_2576, %get3A_2577] {strides = array<i32>} : memref<128x32xf32, #tpu.memory_space<vmem>>, vector<16xf32>,
      tpu.vector_store_idx %arg9[%select_n3A, %select_n3A_45, %broadcast_in_dim3A_2570], %get3A_2574 : memref<4x8x129xf32, #tpu.memory_space<vmem>>[vector<16xi32>, vector<16xi32>, vector<16xi32>], vector<16xf32>,
      tpu.vector_store_idx %arg9[%select_n3A_79, %select_n3A_101, %broadcast_in_dim3A_2570], %get3A_2578 : memref<4x8x129xf32, #tpu.memory_space<vmem>>[vector<16xi32>, vector<16xi32>, vector<16xi32>], vector<16xf32>,
      %broadcast_in_dim3A_2579 = arith.constant 92 : i32
      %broadcast_in_dim3A_2580 = vector.broadcast %broadcast_in_dim3A_2579 : i32 to vector<16xi32>
      %get3A_2581 = arith.constant 92 : i32
      %get3A_2582 = arith.index_cast %get3A_2581 : i32 to index
      %get3A_2583 = arith.constant 0 : index
      %get3A_2584 = tpu.vector_load %arg7[%get3A_2582, %get3A_2583] {strides = array<i32>} : memref<128x32xf32, #tpu.memory_space<vmem>>, vector<16xf32>,
      %get3A_2585 = arith.constant 92 : i32
      %get3A_2586 = arith.index_cast %get3A_2585 : i32 to index
      %get3A_2587 = arith.constant 16 : index
      %get3A_2588 = tpu.vector_load %arg7[%get3A_2586, %get3A_2587] {strides = array<i32>} : memref<128x32xf32, #tpu.memory_space<vmem>>, vector<16xf32>,
      tpu.vector_store_idx %arg9[%select_n3A, %select_n3A_45, %broadcast_in_dim3A_2580], %get3A_2584 : memref<4x8x129xf32, #tpu.memory_space<vmem>>[vector<16xi32>, vector<16xi32>, vector<16xi32>], vector<16xf32>,
      tpu.vector_store_idx %arg9[%select_n3A_79, %select_n3A_101, %broadcast_in_dim3A_2580], %get3A_2588 : memref<4x8x129xf32, #tpu.memory_space<vmem>>[vector<16xi32>, vector<16xi32>, vector<16xi32>], vector<16xf32>,
      %broadcast_in_dim3A_2589 = arith.constant 93 : i32
      %broadcast_in_dim3A_2590 = vector.broadcast %broadcast_in_dim3A_2589 : i32 to vector<16xi32>
      %get3A_2591 = arith.constant 93 : i32
      %get3A_2592 = arith.index_cast %get3A_2591 : i32 to index
      %get3A_2593 = arith.constant 0 : index
      %get3A_2594 = tpu.vector_load %arg7[%get3A_2592, %get3A_2593] {strides = array<i32>} : memref<128x32xf32, #tpu.memory_space<vmem>>, vector<16xf32>,
      %get3A_2595 = arith.constant 93 : i32
      %get3A_2596 = arith.index_cast %get3A_2595 : i32 to index
      %get3A_2597 = arith.constant 16 : index
      %get3A_2598 = tpu.vector_load %arg7[%get3A_2596, %get3A_2597] {strides = array<i32>} : memref<128x32xf32, #tpu.memory_space<vmem>>, vector<16xf32>,
      tpu.vector_store_idx %arg9[%select_n3A, %select_n3A_45, %broadcast_in_dim3A_2590], %get3A_2594 : memref<4x8x129xf32, #tpu.memory_space<vmem>>[vector<16xi32>, vector<16xi32>, vector<16xi32>], vector<16xf32>,
      tpu.vector_store_idx %arg9[%select_n3A_79, %select_n3A_101, %broadcast_in_dim3A_2590], %get3A_2598 : memref<4x8x129xf32, #tpu.memory_space<vmem>>[vector<16xi32>, vector<16xi32>, vector<16xi32>], vector<16xf32>,
      %broadcast_in_dim3A_2599 = arith.constant 94 : i32
      %broadcast_in_dim3A_2600 = vector.broadcast %broadcast_in_dim3A_2599 : i32 to vector<16xi32>
      %get3A_2601 = arith.constant 94 : i32
      %get3A_2602 = arith.index_cast %get3A_2601 : i32 to index
      %get3A_2603 = arith.constant 0 : index
      %get3A_2604 = tpu.vector_load %arg7[%get3A_2602, %get3A_2603] {strides = array<i32>} : memref<128x32xf32, #tpu.memory_space<vmem>>, vector<16xf32>,
      %get3A_2605 = arith.constant 94 : i32
      %get3A_2606 = arith.index_cast %get3A_2605 : i32 to index
      %get3A_2607 = arith.constant 16 : index
      %get3A_2608 = tpu.vector_load %arg7[%get3A_2606, %get3A_2607] {strides = array<i32>} : memref<128x32xf32, #tpu.memory_space<vmem>>, vector<16xf32>,
      tpu.vector_store_idx %arg9[%select_n3A, %select_n3A_45, %broadcast_in_dim3A_2600], %get3A_2604 : memref<4x8x129xf32, #tpu.memory_space<vmem>>[vector<16xi32>, vector<16xi32>, vector<16xi32>], vector<16xf32>,
      tpu.vector_store_idx %arg9[%select_n3A_79, %select_n3A_101, %broadcast_in_dim3A_2600], %get3A_2608 : memref<4x8x129xf32, #tpu.memory_space<vmem>>[vector<16xi32>, vector<16xi32>, vector<16xi32>], vector<16xf32>,
      %broadcast_in_dim3A_2609 = arith.constant 95 : i32
      %broadcast_in_dim3A_2610 = vector.broadcast %broadcast_in_dim3A_2609 : i32 to vector<16xi32>
      %get3A_2611 = arith.constant 95 : i32
      %get3A_2612 = arith.index_cast %get3A_2611 : i32 to index
      %get3A_2613 = arith.constant 0 : index
      %get3A_2614 = tpu.vector_load %arg7[%get3A_2612, %get3A_2613] {strides = array<i32>} : memref<128x32xf32, #tpu.memory_space<vmem>>, vector<16xf32>,
      %get3A_2615 = arith.constant 95 : i32
      %get3A_2616 = arith.index_cast %get3A_2615 : i32 to index
      %get3A_2617 = arith.constant 16 : index
      %get3A_2618 = tpu.vector_load %arg7[%get3A_2616, %get3A_2617] {strides = array<i32>} : memref<128x32xf32, #tpu.memory_space<vmem>>, vector<16xf32>,
      tpu.vector_store_idx %arg9[%select_n3A, %select_n3A_45, %broadcast_in_dim3A_2610], %get3A_2614 : memref<4x8x129xf32, #tpu.memory_space<vmem>>[vector<16xi32>, vector<16xi32>, vector<16xi32>], vector<16xf32>,
      tpu.vector_store_idx %arg9[%select_n3A_79, %select_n3A_101, %broadcast_in_dim3A_2610], %get3A_2618 : memref<4x8x129xf32, #tpu.memory_space<vmem>>[vector<16xi32>, vector<16xi32>, vector<16xi32>], vector<16xf32>,
      %broadcast_in_dim3A_2619 = arith.constant 96 : i32
      %broadcast_in_dim3A_2620 = vector.broadcast %broadcast_in_dim3A_2619 : i32 to vector<16xi32>
      %get3A_2621 = arith.constant 96 : i32
      %get3A_2622 = arith.index_cast %get3A_2621 : i32 to index
      %get3A_2623 = arith.constant 0 : index
      %get3A_2624 = tpu.vector_load %arg7[%get3A_2622, %get3A_2623] {strides = array<i32>} : memref<128x32xf32, #tpu.memory_space<vmem>>, vector<16xf32>,
      %get3A_2625 = arith.constant 96 : i32
      %get3A_2626 = arith.index_cast %get3A_2625 : i32 to index
      %get3A_2627 = arith.constant 16 : index
      %get3A_2628 = tpu.vector_load %arg7[%get3A_2626, %get3A_2627] {strides = array<i32>} : memref<128x32xf32, #tpu.memory_space<vmem>>, vector<16xf32>,
      tpu.vector_store_idx %arg9[%select_n3A, %select_n3A_45, %broadcast_in_dim3A_2620], %get3A_2624 : memref<4x8x129xf32, #tpu.memory_space<vmem>>[vector<16xi32>, vector<16xi32>, vector<16xi32>], vector<16xf32>,
      tpu.vector_store_idx %arg9[%select_n3A_79, %select_n3A_101, %broadcast_in_dim3A_2620], %get3A_2628 : memref<4x8x129xf32, #tpu.memory_space<vmem>>[vector<16xi32>, vector<16xi32>, vector<16xi32>], vector<16xf32>,
      %broadcast_in_dim3A_2629 = arith.constant 97 : i32
      %broadcast_in_dim3A_2630 = vector.broadcast %broadcast_in_dim3A_2629 : i32 to vector<16xi32>
      %get3A_2631 = arith.constant 97 : i32
      %get3A_2632 = arith.index_cast %get3A_2631 : i32 to index
      %get3A_2633 = arith.constant 0 : index
      %get3A_2634 = tpu.vector_load %arg7[%get3A_2632, %get3A_2633] {strides = array<i32>} : memref<128x32xf32, #tpu.memory_space<vmem>>, vector<16xf32>,
      %get3A_2635 = arith.constant 97 : i32
      %get3A_2636 = arith.index_cast %get3A_2635 : i32 to index
      %get3A_2637 = arith.constant 16 : index
      %get3A_2638 = tpu.vector_load %arg7[%get3A_2636, %get3A_2637] {strides = array<i32>} : memref<128x32xf32, #tpu.memory_space<vmem>>, vector<16xf32>,
      tpu.vector_store_idx %arg9[%select_n3A, %select_n3A_45, %broadcast_in_dim3A_2630], %get3A_2634 : memref<4x8x129xf32, #tpu.memory_space<vmem>>[vector<16xi32>, vector<16xi32>, vector<16xi32>], vector<16xf32>,
      tpu.vector_store_idx %arg9[%select_n3A_79, %select_n3A_101, %broadcast_in_dim3A_2630], %get3A_2638 : memref<4x8x129xf32, #tpu.memory_space<vmem>>[vector<16xi32>, vector<16xi32>, vector<16xi32>], vector<16xf32>,
      %broadcast_in_dim3A_2639 = arith.constant 98 : i32
      %broadcast_in_dim3A_2640 = vector.broadcast %broadcast_in_dim3A_2639 : i32 to vector<16xi32>
      %get3A_2641 = arith.constant 98 : i32
      %get3A_2642 = arith.index_cast %get3A_2641 : i32 to index
      %get3A_2643 = arith.constant 0 : index
      %get3A_2644 = tpu.vector_load %arg7[%get3A_2642, %get3A_2643] {strides = array<i32>} : memref<128x32xf32, #tpu.memory_space<vmem>>, vector<16xf32>,
      %get3A_2645 = arith.constant 98 : i32
      %get3A_2646 = arith.index_cast %get3A_2645 : i32 to index
      %get3A_2647 = arith.constant 16 : index
      %get3A_2648 = tpu.vector_load %arg7[%get3A_2646, %get3A_2647] {strides = array<i32>} : memref<128x32xf32, #tpu.memory_space<vmem>>, vector<16xf32>,
      tpu.vector_store_idx %arg9[%select_n3A, %select_n3A_45, %broadcast_in_dim3A_2640], %get3A_2644 : memref<4x8x129xf32, #tpu.memory_space<vmem>>[vector<16xi32>, vector<16xi32>, vector<16xi32>], vector<16xf32>,
      tpu.vector_store_idx %arg9[%select_n3A_79, %select_n3A_101, %broadcast_in_dim3A_2640], %get3A_2648 : memref<4x8x129xf32, #tpu.memory_space<vmem>>[vector<16xi32>, vector<16xi32>, vector<16xi32>], vector<16xf32>,
      %broadcast_in_dim3A_2649 = arith.constant 99 : i32
      %broadcast_in_dim3A_2650 = vector.broadcast %broadcast_in_dim3A_2649 : i32 to vector<16xi32>
      %get3A_2651 = arith.constant 99 : i32
      %get3A_2652 = arith.index_cast %get3A_2651 : i32 to index
      %get3A_2653 = arith.constant 0 : index
      %get3A_2654 = tpu.vector_load %arg7[%get3A_2652, %get3A_2653] {strides = array<i32>} : memref<128x32xf32, #tpu.memory_space<vmem>>, vector<16xf32>,
      %get3A_2655 = arith.constant 99 : i32
      %get3A_2656 = arith.index_cast %get3A_2655 : i32 to index
      %get3A_2657 = arith.constant 16 : index
      %get3A_2658 = tpu.vector_load %arg7[%get3A_2656, %get3A_2657] {strides = array<i32>} : memref<128x32xf32, #tpu.memory_space<vmem>>, vector<16xf32>,
      tpu.vector_store_idx %arg9[%select_n3A, %select_n3A_45, %broadcast_in_dim3A_2650], %get3A_2654 : memref<4x8x129xf32, #tpu.memory_space<vmem>>[vector<16xi32>, vector<16xi32>, vector<16xi32>], vector<16xf32>,
      tpu.vector_store_idx %arg9[%select_n3A_79, %select_n3A_101, %broadcast_in_dim3A_2650], %get3A_2658 : memref<4x8x129xf32, #tpu.memory_space<vmem>>[vector<16xi32>, vector<16xi32>, vector<16xi32>], vector<16xf32>,
      %broadcast_in_dim3A_2659 = arith.constant 100 : i32
      %broadcast_in_dim3A_2660 = vector.broadcast %broadcast_in_dim3A_2659 : i32 to vector<16xi32>
      %get3A_2661 = arith.constant 100 : i32
      %get3A_2662 = arith.index_cast %get3A_2661 : i32 to index
      %get3A_2663 = arith.constant 0 : index
      %get3A_2664 = tpu.vector_load %arg7[%get3A_2662, %get3A_2663] {strides = array<i32>} : memref<128x32xf32, #tpu.memory_space<vmem>>, vector<16xf32>,
      %get3A_2665 = arith.constant 100 : i32
      %get3A_2666 = arith.index_cast %get3A_2665 : i32 to index
      %get3A_2667 = arith.constant 16 : index
      %get3A_2668 = tpu.vector_load %arg7[%get3A_2666, %get3A_2667] {strides = array<i32>} : memref<128x32xf32, #tpu.memory_space<vmem>>, vector<16xf32>,
      tpu.vector_store_idx %arg9[%select_n3A, %select_n3A_45, %broadcast_in_dim3A_2660], %get3A_2664 : memref<4x8x129xf32, #tpu.memory_space<vmem>>[vector<16xi32>, vector<16xi32>, vector<16xi32>], vector<16xf32>,
      tpu.vector_store_idx %arg9[%select_n3A_79, %select_n3A_101, %broadcast_in_dim3A_2660], %get3A_2668 : memref<4x8x129xf32, #tpu.memory_space<vmem>>[vector<16xi32>, vector<16xi32>, vector<16xi32>], vector<16xf32>,
      %broadcast_in_dim3A_2669 = arith.constant 101 : i32
      %broadcast_in_dim3A_2670 = vector.broadcast %broadcast_in_dim3A_2669 : i32 to vector<16xi32>
      %get3A_2671 = arith.constant 101 : i32
      %get3A_2672 = arith.index_cast %get3A_2671 : i32 to index
      %get3A_2673 = arith.constant 0 : index
      %get3A_2674 = tpu.vector_load %arg7[%get3A_2672, %get3A_2673] {strides = array<i32>} : memref<128x32xf32, #tpu.memory_space<vmem>>, vector<16xf32>,
      %get3A_2675 = arith.constant 101 : i32
      %get3A_2676 = arith.index_cast %get3A_2675 : i32 to index
      %get3A_2677 = arith.constant 16 : index
      %get3A_2678 = tpu.vector_load %arg7[%get3A_2676, %get3A_2677] {strides = array<i32>} : memref<128x32xf32, #tpu.memory_space<vmem>>, vector<16xf32>,
      tpu.vector_store_idx %arg9[%select_n3A, %select_n3A_45, %broadcast_in_dim3A_2670], %get3A_2674 : memref<4x8x129xf32, #tpu.memory_space<vmem>>[vector<16xi32>, vector<16xi32>, vector<16xi32>], vector<16xf32>,
      tpu.vector_store_idx %arg9[%select_n3A_79, %select_n3A_101, %broadcast_in_dim3A_2670], %get3A_2678 : memref<4x8x129xf32, #tpu.memory_space<vmem>>[vector<16xi32>, vector<16xi32>, vector<16xi32>], vector<16xf32>,
      %broadcast_in_dim3A_2679 = arith.constant 102 : i32
      %broadcast_in_dim3A_2680 = vector.broadcast %broadcast_in_dim3A_2679 : i32 to vector<16xi32>
      %get3A_2681 = arith.constant 102 : i32
      %get3A_2682 = arith.index_cast %get3A_2681 : i32 to index
      %get3A_2683 = arith.constant 0 : index
      %get3A_2684 = tpu.vector_load %arg7[%get3A_2682, %get3A_2683] {strides = array<i32>} : memref<128x32xf32, #tpu.memory_space<vmem>>, vector<16xf32>,
      %get3A_2685 = arith.constant 102 : i32
      %get3A_2686 = arith.index_cast %get3A_2685 : i32 to index
      %get3A_2687 = arith.constant 16 : index
      %get3A_2688 = tpu.vector_load %arg7[%get3A_2686, %get3A_2687] {strides = array<i32>} : memref<128x32xf32, #tpu.memory_space<vmem>>, vector<16xf32>,
      tpu.vector_store_idx %arg9[%select_n3A, %select_n3A_45, %broadcast_in_dim3A_2680], %get3A_2684 : memref<4x8x129xf32, #tpu.memory_space<vmem>>[vector<16xi32>, vector<16xi32>, vector<16xi32>], vector<16xf32>,
      tpu.vector_store_idx %arg9[%select_n3A_79, %select_n3A_101, %broadcast_in_dim3A_2680], %get3A_2688 : memref<4x8x129xf32, #tpu.memory_space<vmem>>[vector<16xi32>, vector<16xi32>, vector<16xi32>], vector<16xf32>,
      %broadcast_in_dim3A_2689 = arith.constant 103 : i32
      %broadcast_in_dim3A_2690 = vector.broadcast %broadcast_in_dim3A_2689 : i32 to vector<16xi32>
      %get3A_2691 = arith.constant 103 : i32
      %get3A_2692 = arith.index_cast %get3A_2691 : i32 to index
      %get3A_2693 = arith.constant 0 : index
      %get3A_2694 = tpu.vector_load %arg7[%get3A_2692, %get3A_2693] {strides = array<i32>} : memref<128x32xf32, #tpu.memory_space<vmem>>, vector<16xf32>,
      %get3A_2695 = arith.constant 103 : i32
      %get3A_2696 = arith.index_cast %get3A_2695 : i32 to index
      %get3A_2697 = arith.constant 16 : index
      %get3A_2698 = tpu.vector_load %arg7[%get3A_2696, %get3A_2697] {strides = array<i32>} : memref<128x32xf32, #tpu.memory_space<vmem>>, vector<16xf32>,
      tpu.vector_store_idx %arg9[%select_n3A, %select_n3A_45, %broadcast_in_dim3A_2690], %get3A_2694 : memref<4x8x129xf32, #tpu.memory_space<vmem>>[vector<16xi32>, vector<16xi32>, vector<16xi32>], vector<16xf32>,
      tpu.vector_store_idx %arg9[%select_n3A_79, %select_n3A_101, %broadcast_in_dim3A_2690], %get3A_2698 : memref<4x8x129xf32, #tpu.memory_space<vmem>>[vector<16xi32>, vector<16xi32>, vector<16xi32>], vector<16xf32>,
      %broadcast_in_dim3A_2699 = arith.constant 104 : i32
      %broadcast_in_dim3A_2700 = vector.broadcast %broadcast_in_dim3A_2699 : i32 to vector<16xi32>
      %get3A_2701 = arith.constant 104 : i32
      %get3A_2702 = arith.index_cast %get3A_2701 : i32 to index
      %get3A_2703 = arith.constant 0 : index
      %get3A_2704 = tpu.vector_load %arg7[%get3A_2702, %get3A_2703] {strides = array<i32>} : memref<128x32xf32, #tpu.memory_space<vmem>>, vector<16xf32>,
      %get3A_2705 = arith.constant 104 : i32
      %get3A_2706 = arith.index_cast %get3A_2705 : i32 to index
      %get3A_2707 = arith.constant 16 : index
      %get3A_2708 = tpu.vector_load %arg7[%get3A_2706, %get3A_2707] {strides = array<i32>} : memref<128x32xf32, #tpu.memory_space<vmem>>, vector<16xf32>,
      tpu.vector_store_idx %arg9[%select_n3A, %select_n3A_45, %broadcast_in_dim3A_2700], %get3A_2704 : memref<4x8x129xf32, #tpu.memory_space<vmem>>[vector<16xi32>, vector<16xi32>, vector<16xi32>], vector<16xf32>,
      tpu.vector_store_idx %arg9[%select_n3A_79, %select_n3A_101, %broadcast_in_dim3A_2700], %get3A_2708 : memref<4x8x129xf32, #tpu.memory_space<vmem>>[vector<16xi32>, vector<16xi32>, vector<16xi32>], vector<16xf32>,
      %broadcast_in_dim3A_2709 = arith.constant 105 : i32
      %broadcast_in_dim3A_2710 = vector.broadcast %broadcast_in_dim3A_2709 : i32 to vector<16xi32>
      %get3A_2711 = arith.constant 105 : i32
      %get3A_2712 = arith.index_cast %get3A_2711 : i32 to index
      %get3A_2713 = arith.constant 0 : index
      %get3A_2714 = tpu.vector_load %arg7[%get3A_2712, %get3A_2713] {strides = array<i32>} : memref<128x32xf32, #tpu.memory_space<vmem>>, vector<16xf32>,
      %get3A_2715 = arith.constant 105 : i32
      %get3A_2716 = arith.index_cast %get3A_2715 : i32 to index
      %get3A_2717 = arith.constant 16 : index
      %get3A_2718 = tpu.vector_load %arg7[%get3A_2716, %get3A_2717] {strides = array<i32>} : memref<128x32xf32, #tpu.memory_space<vmem>>, vector<16xf32>,
      tpu.vector_store_idx %arg9[%select_n3A, %select_n3A_45, %broadcast_in_dim3A_2710], %get3A_2714 : memref<4x8x129xf32, #tpu.memory_space<vmem>>[vector<16xi32>, vector<16xi32>, vector<16xi32>], vector<16xf32>,
      tpu.vector_store_idx %arg9[%select_n3A_79, %select_n3A_101, %broadcast_in_dim3A_2710], %get3A_2718 : memref<4x8x129xf32, #tpu.memory_space<vmem>>[vector<16xi32>, vector<16xi32>, vector<16xi32>], vector<16xf32>,
      %broadcast_in_dim3A_2719 = arith.constant 106 : i32
      %broadcast_in_dim3A_2720 = vector.broadcast %broadcast_in_dim3A_2719 : i32 to vector<16xi32>
      %get3A_2721 = arith.constant 106 : i32
      %get3A_2722 = arith.index_cast %get3A_2721 : i32 to index
      %get3A_2723 = arith.constant 0 : index
      %get3A_2724 = tpu.vector_load %arg7[%get3A_2722, %get3A_2723] {strides = array<i32>} : memref<128x32xf32, #tpu.memory_space<vmem>>, vector<16xf32>,
      %get3A_2725 = arith.constant 106 : i32
      %get3A_2726 = arith.index_cast %get3A_2725 : i32 to index
      %get3A_2727 = arith.constant 16 : index
      %get3A_2728 = tpu.vector_load %arg7[%get3A_2726, %get3A_2727] {strides = array<i32>} : memref<128x32xf32, #tpu.memory_space<vmem>>, vector<16xf32>,
      tpu.vector_store_idx %arg9[%select_n3A, %select_n3A_45, %broadcast_in_dim3A_2720], %get3A_2724 : memref<4x8x129xf32, #tpu.memory_space<vmem>>[vector<16xi32>, vector<16xi32>, vector<16xi32>], vector<16xf32>,
      tpu.vector_store_idx %arg9[%select_n3A_79, %select_n3A_101, %broadcast_in_dim3A_2720], %get3A_2728 : memref<4x8x129xf32, #tpu.memory_space<vmem>>[vector<16xi32>, vector<16xi32>, vector<16xi32>], vector<16xf32>,
      %broadcast_in_dim3A_2729 = arith.constant 107 : i32
      %broadcast_in_dim3A_2730 = vector.broadcast %broadcast_in_dim3A_2729 : i32 to vector<16xi32>
      %get3A_2731 = arith.constant 107 : i32
      %get3A_2732 = arith.index_cast %get3A_2731 : i32 to index
      %get3A_2733 = arith.constant 0 : index
      %get3A_2734 = tpu.vector_load %arg7[%get3A_2732, %get3A_2733] {strides = array<i32>} : memref<128x32xf32, #tpu.memory_space<vmem>>, vector<16xf32>,
      %get3A_2735 = arith.constant 107 : i32
      %get3A_2736 = arith.index_cast %get3A_2735 : i32 to index
      %get3A_2737 = arith.constant 16 : index
      %get3A_2738 = tpu.vector_load %arg7[%get3A_2736, %get3A_2737] {strides = array<i32>} : memref<128x32xf32, #tpu.memory_space<vmem>>, vector<16xf32>,
      tpu.vector_store_idx %arg9[%select_n3A, %select_n3A_45, %broadcast_in_dim3A_2730], %get3A_2734 : memref<4x8x129xf32, #tpu.memory_space<vmem>>[vector<16xi32>, vector<16xi32>, vector<16xi32>], vector<16xf32>,
      tpu.vector_store_idx %arg9[%select_n3A_79, %select_n3A_101, %broadcast_in_dim3A_2730], %get3A_2738 : memref<4x8x129xf32, #tpu.memory_space<vmem>>[vector<16xi32>, vector<16xi32>, vector<16xi32>], vector<16xf32>,
      %broadcast_in_dim3A_2739 = arith.constant 108 : i32
      %broadcast_in_dim3A_2740 = vector.broadcast %broadcast_in_dim3A_2739 : i32 to vector<16xi32>
      %get3A_2741 = arith.constant 108 : i32
      %get3A_2742 = arith.index_cast %get3A_2741 : i32 to index
      %get3A_2743 = arith.constant 0 : index
      %get3A_2744 = tpu.vector_load %arg7[%get3A_2742, %get3A_2743] {strides = array<i32>} : memref<128x32xf32, #tpu.memory_space<vmem>>, vector<16xf32>,
      %get3A_2745 = arith.constant 108 : i32
      %get3A_2746 = arith.index_cast %get3A_2745 : i32 to index
      %get3A_2747 = arith.constant 16 : index
      %get3A_2748 = tpu.vector_load %arg7[%get3A_2746, %get3A_2747] {strides = array<i32>} : memref<128x32xf32, #tpu.memory_space<vmem>>, vector<16xf32>,
      tpu.vector_store_idx %arg9[%select_n3A, %select_n3A_45, %broadcast_in_dim3A_2740], %get3A_2744 : memref<4x8x129xf32, #tpu.memory_space<vmem>>[vector<16xi32>, vector<16xi32>, vector<16xi32>], vector<16xf32>,
      tpu.vector_store_idx %arg9[%select_n3A_79, %select_n3A_101, %broadcast_in_dim3A_2740], %get3A_2748 : memref<4x8x129xf32, #tpu.memory_space<vmem>>[vector<16xi32>, vector<16xi32>, vector<16xi32>], vector<16xf32>,
      %broadcast_in_dim3A_2749 = arith.constant 109 : i32
      %broadcast_in_dim3A_2750 = vector.broadcast %broadcast_in_dim3A_2749 : i32 to vector<16xi32>
      %get3A_2751 = arith.constant 109 : i32
      %get3A_2752 = arith.index_cast %get3A_2751 : i32 to index
      %get3A_2753 = arith.constant 0 : index
      %get3A_2754 = tpu.vector_load %arg7[%get3A_2752, %get3A_2753] {strides = array<i32>} : memref<128x32xf32, #tpu.memory_space<vmem>>, vector<16xf32>,
      %get3A_2755 = arith.constant 109 : i32
      %get3A_2756 = arith.index_cast %get3A_2755 : i32 to index
      %get3A_2757 = arith.constant 16 : index
      %get3A_2758 = tpu.vector_load %arg7[%get3A_2756, %get3A_2757] {strides = array<i32>} : memref<128x32xf32, #tpu.memory_space<vmem>>, vector<16xf32>,
      tpu.vector_store_idx %arg9[%select_n3A, %select_n3A_45, %broadcast_in_dim3A_2750], %get3A_2754 : memref<4x8x129xf32, #tpu.memory_space<vmem>>[vector<16xi32>, vector<16xi32>, vector<16xi32>], vector<16xf32>,
      tpu.vector_store_idx %arg9[%select_n3A_79, %select_n3A_101, %broadcast_in_dim3A_2750], %get3A_2758 : memref<4x8x129xf32, #tpu.memory_space<vmem>>[vector<16xi32>, vector<16xi32>, vector<16xi32>], vector<16xf32>,
      %broadcast_in_dim3A_2759 = arith.constant 110 : i32
      %broadcast_in_dim3A_2760 = vector.broadcast %broadcast_in_dim3A_2759 : i32 to vector<16xi32>
      %get3A_2761 = arith.constant 110 : i32
      %get3A_2762 = arith.index_cast %get3A_2761 : i32 to index
      %get3A_2763 = arith.constant 0 : index
      %get3A_2764 = tpu.vector_load %arg7[%get3A_2762, %get3A_2763] {strides = array<i32>} : memref<128x32xf32, #tpu.memory_space<vmem>>, vector<16xf32>,
      %get3A_2765 = arith.constant 110 : i32
      %get3A_2766 = arith.index_cast %get3A_2765 : i32 to index
      %get3A_2767 = arith.constant 16 : index
      %get3A_2768 = tpu.vector_load %arg7[%get3A_2766, %get3A_2767] {strides = array<i32>} : memref<128x32xf32, #tpu.memory_space<vmem>>, vector<16xf32>,
      tpu.vector_store_idx %arg9[%select_n3A, %select_n3A_45, %broadcast_in_dim3A_2760], %get3A_2764 : memref<4x8x129xf32, #tpu.memory_space<vmem>>[vector<16xi32>, vector<16xi32>, vector<16xi32>], vector<16xf32>,
      tpu.vector_store_idx %arg9[%select_n3A_79, %select_n3A_101, %broadcast_in_dim3A_2760], %get3A_2768 : memref<4x8x129xf32, #tpu.memory_space<vmem>>[vector<16xi32>, vector<16xi32>, vector<16xi32>], vector<16xf32>,
      %broadcast_in_dim3A_2769 = arith.constant 111 : i32
      %broadcast_in_dim3A_2770 = vector.broadcast %broadcast_in_dim3A_2769 : i32 to vector<16xi32>
      %get3A_2771 = arith.constant 111 : i32
      %get3A_2772 = arith.index_cast %get3A_2771 : i32 to index
      %get3A_2773 = arith.constant 0 : index
      %get3A_2774 = tpu.vector_load %arg7[%get3A_2772, %get3A_2773] {strides = array<i32>} : memref<128x32xf32, #tpu.memory_space<vmem>>, vector<16xf32>,
      %get3A_2775 = arith.constant 111 : i32
      %get3A_2776 = arith.index_cast %get3A_2775 : i32 to index
      %get3A_2777 = arith.constant 16 : index
      %get3A_2778 = tpu.vector_load %arg7[%get3A_2776, %get3A_2777] {strides = array<i32>} : memref<128x32xf32, #tpu.memory_space<vmem>>, vector<16xf32>,
      tpu.vector_store_idx %arg9[%select_n3A, %select_n3A_45, %broadcast_in_dim3A_2770], %get3A_2774 : memref<4x8x129xf32, #tpu.memory_space<vmem>>[vector<16xi32>, vector<16xi32>, vector<16xi32>], vector<16xf32>,
      tpu.vector_store_idx %arg9[%select_n3A_79, %select_n3A_101, %broadcast_in_dim3A_2770], %get3A_2778 : memref<4x8x129xf32, #tpu.memory_space<vmem>>[vector<16xi32>, vector<16xi32>, vector<16xi32>], vector<16xf32>,
      %broadcast_in_dim3A_2779 = arith.constant 112 : i32
      %broadcast_in_dim3A_2780 = vector.broadcast %broadcast_in_dim3A_2779 : i32 to vector<16xi32>
      %get3A_2781 = arith.constant 112 : i32
      %get3A_2782 = arith.index_cast %get3A_2781 : i32 to index
      %get3A_2783 = arith.constant 0 : index
      %get3A_2784 = tpu.vector_load %arg7[%get3A_2782, %get3A_2783] {strides = array<i32>} : memref<128x32xf32, #tpu.memory_space<vmem>>, vector<16xf32>,
      %get3A_2785 = arith.constant 112 : i32
      %get3A_2786 = arith.index_cast %get3A_2785 : i32 to index
      %get3A_2787 = arith.constant 16 : index
      %get3A_2788 = tpu.vector_load %arg7[%get3A_2786, %get3A_2787] {strides = array<i32>} : memref<128x32xf32, #tpu.memory_space<vmem>>, vector<16xf32>,
      tpu.vector_store_idx %arg9[%select_n3A, %select_n3A_45, %broadcast_in_dim3A_2780], %get3A_2784 : memref<4x8x129xf32, #tpu.memory_space<vmem>>[vector<16xi32>, vector<16xi32>, vector<16xi32>], vector<16xf32>,
      tpu.vector_store_idx %arg9[%select_n3A_79, %select_n3A_101, %broadcast_in_dim3A_2780], %get3A_2788 : memref<4x8x129xf32, #tpu.memory_space<vmem>>[vector<16xi32>, vector<16xi32>, vector<16xi32>], vector<16xf32>,
      %broadcast_in_dim3A_2789 = arith.constant 113 : i32
      %broadcast_in_dim3A_2790 = vector.broadcast %broadcast_in_dim3A_2789 : i32 to vector<16xi32>
      %get3A_2791 = arith.constant 113 : i32
      %get3A_2792 = arith.index_cast %get3A_2791 : i32 to index
      %get3A_2793 = arith.constant 0 : index
      %get3A_2794 = tpu.vector_load %arg7[%get3A_2792, %get3A_2793] {strides = array<i32>} : memref<128x32xf32, #tpu.memory_space<vmem>>, vector<16xf32>,
      %get3A_2795 = arith.constant 113 : i32
      %get3A_2796 = arith.index_cast %get3A_2795 : i32 to index
      %get3A_2797 = arith.constant 16 : index
      %get3A_2798 = tpu.vector_load %arg7[%get3A_2796, %get3A_2797] {strides = array<i32>} : memref<128x32xf32, #tpu.memory_space<vmem>>, vector<16xf32>,
      tpu.vector_store_idx %arg9[%select_n3A, %select_n3A_45, %broadcast_in_dim3A_2790], %get3A_2794 : memref<4x8x129xf32, #tpu.memory_space<vmem>>[vector<16xi32>, vector<16xi32>, vector<16xi32>], vector<16xf32>,
      tpu.vector_store_idx %arg9[%select_n3A_79, %select_n3A_101, %broadcast_in_dim3A_2790], %get3A_2798 : memref<4x8x129xf32, #tpu.memory_space<vmem>>[vector<16xi32>, vector<16xi32>, vector<16xi32>], vector<16xf32>,
      %broadcast_in_dim3A_2799 = arith.constant 114 : i32
      %broadcast_in_dim3A_2800 = vector.broadcast %broadcast_in_dim3A_2799 : i32 to vector<16xi32>
      %get3A_2801 = arith.constant 114 : i32
      %get3A_2802 = arith.index_cast %get3A_2801 : i32 to index
      %get3A_2803 = arith.constant 0 : index
      %get3A_2804 = tpu.vector_load %arg7[%get3A_2802, %get3A_2803] {strides = array<i32>} : memref<128x32xf32, #tpu.memory_space<vmem>>, vector<16xf32>,
      %get3A_2805 = arith.constant 114 : i32
      %get3A_2806 = arith.index_cast %get3A_2805 : i32 to index
      %get3A_2807 = arith.constant 16 : index
      %get3A_2808 = tpu.vector_load %arg7[%get3A_2806, %get3A_2807] {strides = array<i32>} : memref<128x32xf32, #tpu.memory_space<vmem>>, vector<16xf32>,
      tpu.vector_store_idx %arg9[%select_n3A, %select_n3A_45, %broadcast_in_dim3A_2800], %get3A_2804 : memref<4x8x129xf32, #tpu.memory_space<vmem>>[vector<16xi32>, vector<16xi32>, vector<16xi32>], vector<16xf32>,
      tpu.vector_store_idx %arg9[%select_n3A_79, %select_n3A_101, %broadcast_in_dim3A_2800], %get3A_2808 : memref<4x8x129xf32, #tpu.memory_space<vmem>>[vector<16xi32>, vector<16xi32>, vector<16xi32>], vector<16xf32>,
      %broadcast_in_dim3A_2809 = arith.constant 115 : i32
      %broadcast_in_dim3A_2810 = vector.broadcast %broadcast_in_dim3A_2809 : i32 to vector<16xi32>
      %get3A_2811 = arith.constant 115 : i32
      %get3A_2812 = arith.index_cast %get3A_2811 : i32 to index
      %get3A_2813 = arith.constant 0 : index
      %get3A_2814 = tpu.vector_load %arg7[%get3A_2812, %get3A_2813] {strides = array<i32>} : memref<128x32xf32, #tpu.memory_space<vmem>>, vector<16xf32>,
      %get3A_2815 = arith.constant 115 : i32
      %get3A_2816 = arith.index_cast %get3A_2815 : i32 to index
      %get3A_2817 = arith.constant 16 : index
      %get3A_2818 = tpu.vector_load %arg7[%get3A_2816, %get3A_2817] {strides = array<i32>} : memref<128x32xf32, #tpu.memory_space<vmem>>, vector<16xf32>,
      tpu.vector_store_idx %arg9[%select_n3A, %select_n3A_45, %broadcast_in_dim3A_2810], %get3A_2814 : memref<4x8x129xf32, #tpu.memory_space<vmem>>[vector<16xi32>, vector<16xi32>, vector<16xi32>], vector<16xf32>,
      tpu.vector_store_idx %arg9[%select_n3A_79, %select_n3A_101, %broadcast_in_dim3A_2810], %get3A_2818 : memref<4x8x129xf32, #tpu.memory_space<vmem>>[vector<16xi32>, vector<16xi32>, vector<16xi32>], vector<16xf32>,
      %broadcast_in_dim3A_2819 = arith.constant 116 : i32
      %broadcast_in_dim3A_2820 = vector.broadcast %broadcast_in_dim3A_2819 : i32 to vector<16xi32>
      %get3A_2821 = arith.constant 116 : i32
      %get3A_2822 = arith.index_cast %get3A_2821 : i32 to index
      %get3A_2823 = arith.constant 0 : index
      %get3A_2824 = tpu.vector_load %arg7[%get3A_2822, %get3A_2823] {strides = array<i32>} : memref<128x32xf32, #tpu.memory_space<vmem>>, vector<16xf32>,
      %get3A_2825 = arith.constant 116 : i32
      %get3A_2826 = arith.index_cast %get3A_2825 : i32 to index
      %get3A_2827 = arith.constant 16 : index
      %get3A_2828 = tpu.vector_load %arg7[%get3A_2826, %get3A_2827] {strides = array<i32>} : memref<128x32xf32, #tpu.memory_space<vmem>>, vector<16xf32>,
      tpu.vector_store_idx %arg9[%select_n3A, %select_n3A_45, %broadcast_in_dim3A_2820], %get3A_2824 : memref<4x8x129xf32, #tpu.memory_space<vmem>>[vector<16xi32>, vector<16xi32>, vector<16xi32>], vector<16xf32>,
      tpu.vector_store_idx %arg9[%select_n3A_79, %select_n3A_101, %broadcast_in_dim3A_2820], %get3A_2828 : memref<4x8x129xf32, #tpu.memory_space<vmem>>[vector<16xi32>, vector<16xi32>, vector<16xi32>], vector<16xf32>,
      %broadcast_in_dim3A_2829 = arith.constant 117 : i32
      %broadcast_in_dim3A_2830 = vector.broadcast %broadcast_in_dim3A_2829 : i32 to vector<16xi32>
      %get3A_2831 = arith.constant 117 : i32
      %get3A_2832 = arith.index_cast %get3A_2831 : i32 to index
      %get3A_2833 = arith.constant 0 : index
      %get3A_2834 = tpu.vector_load %arg7[%get3A_2832, %get3A_2833] {strides = array<i32>} : memref<128x32xf32, #tpu.memory_space<vmem>>, vector<16xf32>,
      %get3A_2835 = arith.constant 117 : i32
      %get3A_2836 = arith.index_cast %get3A_2835 : i32 to index
      %get3A_2837 = arith.constant 16 : index
      %get3A_2838 = tpu.vector_load %arg7[%get3A_2836, %get3A_2837] {strides = array<i32>} : memref<128x32xf32, #tpu.memory_space<vmem>>, vector<16xf32>,
      tpu.vector_store_idx %arg9[%select_n3A, %select_n3A_45, %broadcast_in_dim3A_2830], %get3A_2834 : memref<4x8x129xf32, #tpu.memory_space<vmem>>[vector<16xi32>, vector<16xi32>, vector<16xi32>], vector<16xf32>,
      tpu.vector_store_idx %arg9[%select_n3A_79, %select_n3A_101, %broadcast_in_dim3A_2830], %get3A_2838 : memref<4x8x129xf32, #tpu.memory_space<vmem>>[vector<16xi32>, vector<16xi32>, vector<16xi32>], vector<16xf32>,
      %broadcast_in_dim3A_2839 = arith.constant 118 : i32
      %broadcast_in_dim3A_2840 = vector.broadcast %broadcast_in_dim3A_2839 : i32 to vector<16xi32>
      %get3A_2841 = arith.constant 118 : i32
      %get3A_2842 = arith.index_cast %get3A_2841 : i32 to index
      %get3A_2843 = arith.constant 0 : index
      %get3A_2844 = tpu.vector_load %arg7[%get3A_2842, %get3A_2843] {strides = array<i32>} : memref<128x32xf32, #tpu.memory_space<vmem>>, vector<16xf32>,
      %get3A_2845 = arith.constant 118 : i32
      %get3A_2846 = arith.index_cast %get3A_2845 : i32 to index
      %get3A_2847 = arith.constant 16 : index
      %get3A_2848 = tpu.vector_load %arg7[%get3A_2846, %get3A_2847] {strides = array<i32>} : memref<128x32xf32, #tpu.memory_space<vmem>>, vector<16xf32>,
      tpu.vector_store_idx %arg9[%select_n3A, %select_n3A_45, %broadcast_in_dim3A_2840], %get3A_2844 : memref<4x8x129xf32, #tpu.memory_space<vmem>>[vector<16xi32>, vector<16xi32>, vector<16xi32>], vector<16xf32>,
      tpu.vector_store_idx %arg9[%select_n3A_79, %select_n3A_101, %broadcast_in_dim3A_2840], %get3A_2848 : memref<4x8x129xf32, #tpu.memory_space<vmem>>[vector<16xi32>, vector<16xi32>, vector<16xi32>], vector<16xf32>,
      %broadcast_in_dim3A_2849 = arith.constant 119 : i32
      %broadcast_in_dim3A_2850 = vector.broadcast %broadcast_in_dim3A_2849 : i32 to vector<16xi32>
      %get3A_2851 = arith.constant 119 : i32
      %get3A_2852 = arith.index_cast %get3A_2851 : i32 to index
      %get3A_2853 = arith.constant 0 : index
      %get3A_2854 = tpu.vector_load %arg7[%get3A_2852, %get3A_2853] {strides = array<i32>} : memref<128x32xf32, #tpu.memory_space<vmem>>, vector<16xf32>,
      %get3A_2855 = arith.constant 119 : i32
      %get3A_2856 = arith.index_cast %get3A_2855 : i32 to index
      %get3A_2857 = arith.constant 16 : index
      %get3A_2858 = tpu.vector_load %arg7[%get3A_2856, %get3A_2857] {strides = array<i32>} : memref<128x32xf32, #tpu.memory_space<vmem>>, vector<16xf32>,
      tpu.vector_store_idx %arg9[%select_n3A, %select_n3A_45, %broadcast_in_dim3A_2850], %get3A_2854 : memref<4x8x129xf32, #tpu.memory_space<vmem>>[vector<16xi32>, vector<16xi32>, vector<16xi32>], vector<16xf32>,
      tpu.vector_store_idx %arg9[%select_n3A_79, %select_n3A_101, %broadcast_in_dim3A_2850], %get3A_2858 : memref<4x8x129xf32, #tpu.memory_space<vmem>>[vector<16xi32>, vector<16xi32>, vector<16xi32>], vector<16xf32>,
      %broadcast_in_dim3A_2859 = arith.constant 120 : i32
      %broadcast_in_dim3A_2860 = vector.broadcast %broadcast_in_dim3A_2859 : i32 to vector<16xi32>
      %get3A_2861 = arith.constant 120 : i32
      %get3A_2862 = arith.index_cast %get3A_2861 : i32 to index
      %get3A_2863 = arith.constant 0 : index
      %get3A_2864 = tpu.vector_load %arg7[%get3A_2862, %get3A_2863] {strides = array<i32>} : memref<128x32xf32, #tpu.memory_space<vmem>>, vector<16xf32>,
      %get3A_2865 = arith.constant 120 : i32
      %get3A_2866 = arith.index_cast %get3A_2865 : i32 to index
      %get3A_2867 = arith.constant 16 : index
      %get3A_2868 = tpu.vector_load %arg7[%get3A_2866, %get3A_2867] {strides = array<i32>} : memref<128x32xf32, #tpu.memory_space<vmem>>, vector<16xf32>,
      tpu.vector_store_idx %arg9[%select_n3A, %select_n3A_45, %broadcast_in_dim3A_2860], %get3A_2864 : memref<4x8x129xf32, #tpu.memory_space<vmem>>[vector<16xi32>, vector<16xi32>, vector<16xi32>], vector<16xf32>,
      tpu.vector_store_idx %arg9[%select_n3A_79, %select_n3A_101, %broadcast_in_dim3A_2860], %get3A_2868 : memref<4x8x129xf32, #tpu.memory_space<vmem>>[vector<16xi32>, vector<16xi32>, vector<16xi32>], vector<16xf32>,
      %broadcast_in_dim3A_2869 = arith.constant 121 : i32
      %broadcast_in_dim3A_2870 = vector.broadcast %broadcast_in_dim3A_2869 : i32 to vector<16xi32>
      %get3A_2871 = arith.constant 121 : i32
      %get3A_2872 = arith.index_cast %get3A_2871 : i32 to index
      %get3A_2873 = arith.constant 0 : index
      %get3A_2874 = tpu.vector_load %arg7[%get3A_2872, %get3A_2873] {strides = array<i32>} : memref<128x32xf32, #tpu.memory_space<vmem>>, vector<16xf32>,
      %get3A_2875 = arith.constant 121 : i32
      %get3A_2876 = arith.index_cast %get3A_2875 : i32 to index
      %get3A_2877 = arith.constant 16 : index
      %get3A_2878 = tpu.vector_load %arg7[%get3A_2876, %get3A_2877] {strides = array<i32>} : memref<128x32xf32, #tpu.memory_space<vmem>>, vector<16xf32>,
      tpu.vector_store_idx %arg9[%select_n3A, %select_n3A_45, %broadcast_in_dim3A_2870], %get3A_2874 : memref<4x8x129xf32, #tpu.memory_space<vmem>>[vector<16xi32>, vector<16xi32>, vector<16xi32>], vector<16xf32>,
      tpu.vector_store_idx %arg9[%select_n3A_79, %select_n3A_101, %broadcast_in_dim3A_2870], %get3A_2878 : memref<4x8x129xf32, #tpu.memory_space<vmem>>[vector<16xi32>, vector<16xi32>, vector<16xi32>], vector<16xf32>,
      %broadcast_in_dim3A_2879 = arith.constant 122 : i32
      %broadcast_in_dim3A_2880 = vector.broadcast %broadcast_in_dim3A_2879 : i32 to vector<16xi32>
      %get3A_2881 = arith.constant 122 : i32
      %get3A_2882 = arith.index_cast %get3A_2881 : i32 to index
      %get3A_2883 = arith.constant 0 : index
      %get3A_2884 = tpu.vector_load %arg7[%get3A_2882, %get3A_2883] {strides = array<i32>} : memref<128x32xf32, #tpu.memory_space<vmem>>, vector<16xf32>,
      %get3A_2885 = arith.constant 122 : i32
      %get3A_2886 = arith.index_cast %get3A_2885 : i32 to index
      %get3A_2887 = arith.constant 16 : index
      %get3A_2888 = tpu.vector_load %arg7[%get3A_2886, %get3A_2887] {strides = array<i32>} : memref<128x32xf32, #tpu.memory_space<vmem>>, vector<16xf32>,
      tpu.vector_store_idx %arg9[%select_n3A, %select_n3A_45, %broadcast_in_dim3A_2880], %get3A_2884 : memref<4x8x129xf32, #tpu.memory_space<vmem>>[vector<16xi32>, vector<16xi32>, vector<16xi32>], vector<16xf32>,
      tpu.vector_store_idx %arg9[%select_n3A_79, %select_n3A_101, %broadcast_in_dim3A_2880], %get3A_2888 : memref<4x8x129xf32, #tpu.memory_space<vmem>>[vector<16xi32>, vector<16xi32>, vector<16xi32>], vector<16xf32>,
      %broadcast_in_dim3A_2889 = arith.constant 123 : i32
      %broadcast_in_dim3A_2890 = vector.broadcast %broadcast_in_dim3A_2889 : i32 to vector<16xi32>
      %get3A_2891 = arith.constant 123 : i32
      %get3A_2892 = arith.index_cast %get3A_2891 : i32 to index
      %get3A_2893 = arith.constant 0 : index
      %get3A_2894 = tpu.vector_load %arg7[%get3A_2892, %get3A_2893] {strides = array<i32>} : memref<128x32xf32, #tpu.memory_space<vmem>>, vector<16xf32>,
      %get3A_2895 = arith.constant 123 : i32
      %get3A_2896 = arith.index_cast %get3A_2895 : i32 to index
      %get3A_2897 = arith.constant 16 : index
      %get3A_2898 = tpu.vector_load %arg7[%get3A_2896, %get3A_2897] {strides = array<i32>} : memref<128x32xf32, #tpu.memory_space<vmem>>, vector<16xf32>,
      tpu.vector_store_idx %arg9[%select_n3A, %select_n3A_45, %broadcast_in_dim3A_2890], %get3A_2894 : memref<4x8x129xf32, #tpu.memory_space<vmem>>[vector<16xi32>, vector<16xi32>, vector<16xi32>], vector<16xf32>,
      tpu.vector_store_idx %arg9[%select_n3A_79, %select_n3A_101, %broadcast_in_dim3A_2890], %get3A_2898 : memref<4x8x129xf32, #tpu.memory_space<vmem>>[vector<16xi32>, vector<16xi32>, vector<16xi32>], vector<16xf32>,
      %broadcast_in_dim3A_2899 = arith.constant 124 : i32
      %broadcast_in_dim3A_2900 = vector.broadcast %broadcast_in_dim3A_2899 : i32 to vector<16xi32>
      %get3A_2901 = arith.constant 124 : i32
      %get3A_2902 = arith.index_cast %get3A_2901 : i32 to index
      %get3A_2903 = arith.constant 0 : index
      %get3A_2904 = tpu.vector_load %arg7[%get3A_2902, %get3A_2903] {strides = array<i32>} : memref<128x32xf32, #tpu.memory_space<vmem>>, vector<16xf32>,
      %get3A_2905 = arith.constant 124 : i32
      %get3A_2906 = arith.index_cast %get3A_2905 : i32 to index
      %get3A_2907 = arith.constant 16 : index
      %get3A_2908 = tpu.vector_load %arg7[%get3A_2906, %get3A_2907] {strides = array<i32>} : memref<128x32xf32, #tpu.memory_space<vmem>>, vector<16xf32>,
      tpu.vector_store_idx %arg9[%select_n3A, %select_n3A_45, %broadcast_in_dim3A_2900], %get3A_2904 : memref<4x8x129xf32, #tpu.memory_space<vmem>>[vector<16xi32>, vector<16xi32>, vector<16xi32>], vector<16xf32>,
      tpu.vector_store_idx %arg9[%select_n3A_79, %select_n3A_101, %broadcast_in_dim3A_2900], %get3A_2908 : memref<4x8x129xf32, #tpu.memory_space<vmem>>[vector<16xi32>, vector<16xi32>, vector<16xi32>], vector<16xf32>,
      %broadcast_in_dim3A_2909 = arith.constant 125 : i32
      %broadcast_in_dim3A_2910 = vector.broadcast %broadcast_in_dim3A_2909 : i32 to vector<16xi32>
      %get3A_2911 = arith.constant 125 : i32
      %get3A_2912 = arith.index_cast %get3A_2911 : i32 to index
      %get3A_2913 = arith.constant 0 : index
      %get3A_2914 = tpu.vector_load %arg7[%get3A_2912, %get3A_2913] {strides = array<i32>} : memref<128x32xf32, #tpu.memory_space<vmem>>, vector<16xf32>,
      %get3A_2915 = arith.constant 125 : i32
      %get3A_2916 = arith.index_cast %get3A_2915 : i32 to index
      %get3A_2917 = arith.constant 16 : index
      %get3A_2918 = tpu.vector_load %arg7[%get3A_2916, %get3A_2917] {strides = array<i32>} : memref<128x32xf32, #tpu.memory_space<vmem>>, vector<16xf32>,
      tpu.vector_store_idx %arg9[%select_n3A, %select_n3A_45, %broadcast_in_dim3A_2910], %get3A_2914 : memref<4x8x129xf32, #tpu.memory_space<vmem>>[vector<16xi32>, vector<16xi32>, vector<16xi32>], vector<16xf32>,
      tpu.vector_store_idx %arg9[%select_n3A_79, %select_n3A_101, %broadcast_in_dim3A_2910], %get3A_2918 : memref<4x8x129xf32, #tpu.memory_space<vmem>>[vector<16xi32>, vector<16xi32>, vector<16xi32>], vector<16xf32>,
      %broadcast_in_dim3A_2919 = arith.constant 126 : i32
      %broadcast_in_dim3A_2920 = vector.broadcast %broadcast_in_dim3A_2919 : i32 to vector<16xi32>
      %get3A_2921 = arith.constant 126 : i32
      %get3A_2922 = arith.index_cast %get3A_2921 : i32 to index
      %get3A_2923 = arith.constant 0 : index
      %get3A_2924 = tpu.vector_load %arg7[%get3A_2922, %get3A_2923] {strides = array<i32>} : memref<128x32xf32, #tpu.memory_space<vmem>>, vector<16xf32>,
      %get3A_2925 = arith.constant 126 : i32
      %get3A_2926 = arith.index_cast %get3A_2925 : i32 to index
      %get3A_2927 = arith.constant 16 : index
      %get3A_2928 = tpu.vector_load %arg7[%get3A_2926, %get3A_2927] {strides = array<i32>} : memref<128x32xf32, #tpu.memory_space<vmem>>, vector<16xf32>,
      tpu.vector_store_idx %arg9[%select_n3A, %select_n3A_45, %broadcast_in_dim3A_2920], %get3A_2924 : memref<4x8x129xf32, #tpu.memory_space<vmem>>[vector<16xi32>, vector<16xi32>, vector<16xi32>], vector<16xf32>,
      tpu.vector_store_idx %arg9[%select_n3A_79, %select_n3A_101, %broadcast_in_dim3A_2920], %get3A_2928 : memref<4x8x129xf32, #tpu.memory_space<vmem>>[vector<16xi32>, vector<16xi32>, vector<16xi32>], vector<16xf32>,
      %broadcast_in_dim3A_2929 = arith.constant 127 : i32
      %broadcast_in_dim3A_2930 = vector.broadcast %broadcast_in_dim3A_2929 : i32 to vector<16xi32>
      %get3A_2931 = arith.constant 127 : i32
      %get3A_2932 = arith.index_cast %get3A_2931 : i32 to index
      %get3A_2933 = arith.constant 0 : index
      %get3A_2934 = tpu.vector_load %arg7[%get3A_2932, %get3A_2933] {strides = array<i32>} : memref<128x32xf32, #tpu.memory_space<vmem>>, vector<16xf32>,
      %get3A_2935 = arith.constant 127 : i32
      %get3A_2936 = arith.index_cast %get3A_2935 : i32 to index
      %get3A_2937 = arith.constant 16 : index
      %get3A_2938 = tpu.vector_load %arg7[%get3A_2936, %get3A_2937] {strides = array<i32>} : memref<128x32xf32, #tpu.memory_space<vmem>>, vector<16xf32>,
      tpu.vector_store_idx %arg9[%select_n3A, %select_n3A_45, %broadcast_in_dim3A_2930], %get3A_2934 : memref<4x8x129xf32, #tpu.memory_space<vmem>>[vector<16xi32>, vector<16xi32>, vector<16xi32>], vector<16xf32>,
      tpu.vector_store_idx %arg9[%select_n3A_79, %select_n3A_101, %broadcast_in_dim3A_2930], %get3A_2938 : memref<4x8x129xf32, #tpu.memory_space<vmem>>[vector<16xi32>, vector<16xi32>, vector<16xi32>], vector<16xf32>,
      %add3A_2939 = arith.constant 1 : i32
      %add3A_2940 = arith.addi %mul3A_160, %add3A_2939 : i32
      %jit3A_2941 = arith.constant 4 : i32
      %div3A_2942 = arith.divsi %add3A_2940, %jit3A_2941 : i32
      %sign3A_2943 = arith.constant 0 : i32
      %sign3A_2944 = arith.cmpi sgt, %add3A_2940, %sign3A_2943 : i32
      %sign3A_2945 = arith.extui %sign3A_2944 : i1 to i32
      %sign3A_2946 = arith.constant 0 : i32
      %sign3A_2947 = arith.cmpi slt, %add3A_2940, %sign3A_2946 : i32
      %sign3A_2948 = arith.extui %sign3A_2947 : i1 to i32
      %sign3A_2949 = arith.subi %sign3A_2945, %sign3A_2948 : i32
      %sign3A_2950 = arith.constant 0 : i32
      %sign3A_2951 = arith.cmpi sgt, %jit3A_2941, %sign3A_2950 : i32
      %sign3A_2952 = arith.extui %sign3A_2951 : i1 to i32
      %sign3A_2953 = arith.constant 0 : i32
      %sign3A_2954 = arith.cmpi slt, %jit3A_2941, %sign3A_2953 : i32
      %sign3A_2955 = arith.extui %sign3A_2954 : i1 to i32
      %sign3A_2956 = arith.subi %sign3A_2952, %sign3A_2955 : i32
      %ne3A_2957 = arith.cmpi ne, %sign3A_2949, %sign3A_2956 : i32
      %rem3A_2958 = arith.remsi %add3A_2940, %jit3A_2941 : i32
      %ne3A_2959 = arith.constant 0 : i32
      %ne3A_2960 = arith.cmpi ne, %rem3A_2958, %ne3A_2959 : i32
      %and3A_2961 = arith.andi %ne3A_2957, %ne3A_2960 : i1
      %sub3A_2962 = arith.constant 1 : i32
      %sub3A_2963 = arith.subi %div3A_2942, %sub3A_2962 : i32
      %select_n3A_2964 = arith.select %and3A_2961, %sub3A_2963, %div3A_2942 : i32
      %mul3A_2965 = arith.constant 4 : i32
      %mul3A_2966 = arith.muli %add3A, %mul3A_2965 : i32
      %jit3A_2967 = arith.constant 4 : i32
      %eq3A_2968 = arith.constant 0 : i32
      %eq3A_2969 = arith.cmpi eq, %jit3A_2967, %eq3A_2968 : i32
      %jit3A_2970 = arith.constant 1 : i32
      %select_n3A_2971 = arith.select %eq3A_2969, %jit3A_2970, %jit3A_2967 : i32
      %rem3A_2972 = arith.remsi %add3A_2940, %select_n3A_2971 : i32
      %ne3A_2973 = arith.constant 0 : i32
      %ne3A_2974 = arith.cmpi ne, %rem3A_2972, %ne3A_2973 : i32
      %lt3A_2975 = arith.constant 0 : i32
      %lt3A_2976 = arith.cmpi slt, %rem3A_2972, %lt3A_2975 : i32
      %lt3A_2977 = arith.constant 0 : i32
      %lt3A_2978 = arith.cmpi slt, %select_n3A_2971, %lt3A_2977 : i32
      %ne3A_2979 = arith.xori %lt3A_2976, %lt3A_2978 : i1
      %and3A_2980 = arith.andi %ne3A_2979, %ne3A_2974 : i1
      %add3A_2981 = arith.addi %rem3A_2972, %select_n3A_2971 : i32
      %select_n3A_2982 = arith.select %and3A_2980, %add3A_2981, %rem3A_2972 : i32
      %add3A_2983 = arith.addi %mul3A_2966, %select_n3A_2982 : i32
      %dma_start3A_2984 = arith.constant 0 : i32
      %dma_start3A_2985 = arith.constant 0 : i32
      %dma_start3A_2986 = arith.constant 0 : i32
      %dma_start3A_2987 = tpu.memref_slice %arg9[%dma_start3A_2984, %dma_start3A_2985, %dma_start3A_2986] : memref<4x8x129xf32, #tpu.memory_space<vmem>> -> memref<4x8x128xf32, #tpu.memory_space<vmem>>
      %dma_start3A_2988 = arith.constant 0 : i32
      %dma_start3A_2989 = arith.constant 0 : i32
      %dma_start3A_2990 = arith.constant 0 : i32
      %dma_start3A_2991 = tpu.memref_slice %arg4[%select_n3A_2964, %dma_start3A_2988, %add3A_2983, %dma_start3A_2989, %dma_start3A_2990] : memref<26x4x128x8x128xf32, #tpu.memory_space<hbm>> -> memref<1x4x1x8x128xf32, #tpu.memory_space<hbm>>
      %dma_start3A_2992 = tpu.memref_squeeze %dma_start3A_2991 : memref<1x4x1x8x128xf32, #tpu.memory_space<hbm>> -> memref<4x8x128xf32, #tpu.memory_space<hbm>>
      %dma_start3A_2993 = arith.constant 0 : i32
      %dma_start3A_2994 = arith.constant 0 : i32
      %dma_start3A_2995 = arith.constant 0 : i32
      %dma_start3A_2996 = tpu.memref_slice %arg4[%select_n3A_2964, %dma_start3A_2993, %add3A_2983, %dma_start3A_2994, %dma_start3A_2995] : memref<26x4x128x8x128xf32, #tpu.memory_space<hbm>> -> memref<1x4x1x8x128xf32, #tpu.memory_space<hbm>>
      %dma_start3A_2997 = tpu.memref_squeeze %dma_start3A_2996 : memref<1x4x1x8x128xf32, #tpu.memory_space<hbm>> -> memref<4x8x128xf32, #tpu.memory_space<hbm>>
      %dma_start3A_2998 = arith.constant 0 : i32
      %dma_start3A_2999 = arith.constant 0 : i32
      %dma_start3A_3000 = arith.constant 0 : i32
      %dma_start3A_3001 = tpu.memref_slice %arg9[%dma_start3A_2998, %dma_start3A_2999, %dma_start3A_3000] : memref<4x8x129xf32, #tpu.memory_space<vmem>> -> memref<4x8x128xf32, #tpu.memory_space<vmem>>
      tpu.enqueue_dma source(%dma_start3A_3001 : memref<4x8x128xf32, #tpu.memory_space<vmem>>) target(%dma_start3A_2997 : memref<4x8x128xf32, #tpu.memory_space<hbm>>) target_semaphore(%arg13 : memref<!tpu.dma_semaphore, #tpu.memory_space<semaphore_mem>>)
    }
    %scan3A_112 = arith.constant 52 : i32
    %mul3A_113 = arith.constant 4 : i32
    %mul3A_114 = arith.muli %add3A, %mul3A_113 : i32
    %add3A_115 = arith.constant 2 : i32
    %add3A_116 = arith.addi %mul3A_114, %add3A_115 : i32
    %dma_wait3A = arith.constant 25 : i32
    %dma_wait3A_117 = arith.constant 0 : i32
    %dma_wait3A_118 = arith.constant 0 : i32
    %dma_wait3A_119 = arith.constant 0 : i32
    %dma_wait3A_120 = tpu.memref_slice %arg8[%dma_wait3A_117, %dma_wait3A_118, %dma_wait3A_119] : memref<4x8x129xf32, #tpu.memory_space<vmem>> -> memref<4x8x128xf32, #tpu.memory_space<vmem>>
    %dma_wait3A_121 = arith.constant 0 : i32
    %dma_wait3A_122 = arith.constant 0 : i32
    %dma_wait3A_123 = arith.constant 0 : i32
    %dma_wait3A_124 = tpu.memref_slice %arg4[%dma_wait3A, %dma_wait3A_121, %add3A_116, %dma_wait3A_122, %dma_wait3A_123] : memref<26x4x128x8x128xf32, #tpu.memory_space<hbm>> -> memref<1x4x1x8x128xf32, #tpu.memory_space<hbm>>
    %dma_wait3A_125 = tpu.memref_squeeze %dma_wait3A_124 : memref<1x4x1x8x128xf32, #tpu.memory_space<hbm>> -> memref<4x8x128xf32, #tpu.memory_space<hbm>>
    %dma_wait3A_126 = arith.constant 0 : i32
    %dma_wait3A_127 = arith.constant 0 : i32
    %dma_wait3A_128 = arith.constant 0 : i32
    %dma_wait3A_129 = tpu.memref_slice %arg4[%dma_wait3A, %dma_wait3A_126, %add3A_116, %dma_wait3A_127, %dma_wait3A_128] : memref<26x4x128x8x128xf32, #tpu.memory_space<hbm>> -> memref<1x4x1x8x128xf32, #tpu.memory_space<hbm>>
    %dma_wait3A_130 = tpu.memref_squeeze %dma_wait3A_129 : memref<1x4x1x8x128xf32, #tpu.memory_space<hbm>> -> memref<4x8x128xf32, #tpu.memory_space<hbm>>
    %dma_wait3A_131 = arith.constant 0 : i32
    %dma_wait3A_132 = arith.constant 0 : i32
    %dma_wait3A_133 = arith.constant 0 : i32
    %dma_wait3A_134 = tpu.memref_slice %arg8[%dma_wait3A_131, %dma_wait3A_132, %dma_wait3A_133] : memref<4x8x129xf32, #tpu.memory_space<vmem>> -> memref<4x8x128xf32, #tpu.memory_space<vmem>>
    tpu.wait_dma2 semaphore(%arg12 : memref<!tpu.dma_semaphore, #tpu.memory_space<semaphore_mem>>) src(%dma_wait3A_134 : memref<4x8x128xf32, #tpu.memory_space<vmem>>) dst(%dma_wait3A_130 : memref<4x8x128xf32, #tpu.memory_space<hbm>>)
    %mul3A_135 = arith.constant 4 : i32
    %mul3A_136 = arith.muli %add3A, %mul3A_135 : i32
    %add3A_137 = arith.constant 3 : i32
    %add3A_138 = arith.addi %mul3A_136, %add3A_137 : i32
    %dma_wait3A_139 = arith.constant 25 : i32
    %dma_wait3A_140 = arith.constant 0 : i32
    %dma_wait3A_141 = arith.constant 0 : i32
    %dma_wait3A_142 = arith.constant 0 : i32
    %dma_wait3A_143 = tpu.memref_slice %arg9[%dma_wait3A_140, %dma_wait3A_141, %dma_wait3A_142] : memref<4x8x129xf32, #tpu.memory_space<vmem>> -> memref<4x8x128xf32, #tpu.memory_space<vmem>>
    %dma_wait3A_144 = arith.constant 0 : i32
    %dma_wait3A_145 = arith.constant 0 : i32
    %dma_wait3A_146 = arith.constant 0 : i32
    %dma_wait3A_147 = tpu.memref_slice %arg4[%dma_wait3A_139, %dma_wait3A_144, %add3A_138, %dma_wait3A_145, %dma_wait3A_146] : memref<26x4x128x8x128xf32, #tpu.memory_space<hbm>> -> memref<1x4x1x8x128xf32, #tpu.memory_space<hbm>>
    %dma_wait3A_148 = tpu.memref_squeeze %dma_wait3A_147 : memref<1x4x1x8x128xf32, #tpu.memory_space<hbm>> -> memref<4x8x128xf32, #tpu.memory_space<hbm>>
    %dma_wait3A_149 = arith.constant 0 : i32
    %dma_wait3A_150 = arith.constant 0 : i32
    %dma_wait3A_151 = arith.constant 0 : i32
    %dma_wait3A_152 = tpu.memref_slice %arg4[%dma_wait3A_139, %dma_wait3A_149, %add3A_138, %dma_wait3A_150, %dma_wait3A_151] : memref<26x4x128x8x128xf32, #tpu.memory_space<hbm>> -> memref<1x4x1x8x128xf32, #tpu.memory_space<hbm>>
    %dma_wait3A_153 = tpu.memref_squeeze %dma_wait3A_152 : memref<1x4x1x8x128xf32, #tpu.memory_space<hbm>> -> memref<4x8x128xf32, #tpu.memory_space<hbm>>
    %dma_wait3A_154 = arith.constant 0 : i32
    %dma_wait3A_155 = arith.constant 0 : i32
    %dma_wait3A_156 = arith.constant 0 : i32
    %dma_wait3A_157 = tpu.memref_slice %arg9[%dma_wait3A_154, %dma_wait3A_155, %dma_wait3A_156] : memref<4x8x129xf32, #tpu.memory_space<vmem>> -> memref<4x8x128xf32, #tpu.memory_space<vmem>>
    tpu.wait_dma2 semaphore(%arg13 : memref<!tpu.dma_semaphore, #tpu.memory_space<semaphore_mem>>) src(%dma_wait3A_157 : memref<4x8x128xf32, #tpu.memory_space<vmem>>) dst(%dma_wait3A_153 : memref<4x8x128xf32, #tpu.memory_space<hbm>>)
    return
  }
}

</mosaic_0001>

<sc_bundles>
// kernel: kernel.3.cloned.1.call-start
scs
__scs_entry_jumppad:
0x0: {  	(pc) =	sbr.rel $0x88, $3  }
0x1: {  	(tag) =	ssettag $0x0;
	lr =	simm.s32 $0x1  }
0x2: {  	[smem:$0x3F9F] =	sst lr;
	_ =	strace $0xD0000000  }
0x3: {  	_ = 	snop  }
0x4: {  	_ = 	snop  }
0x5: {  	_ = 	snop  }
0x6: {  	_ = 	snop  }
0x7: {  	_ = 	snop  }
__scs_overlays_trampoline_lowered:
0x8: {  	[smem:$0x3FAE] =	sst s0  }
0x9: {  	[smem:$0x3FAF] =	sst s1  }
0xa: {  	[smem:$0x3FB0] =	sst s2  }
0xb: {  	[smem:$0x3FB1] =	sst s3  }
0xc: {  	[smem:$0x3FB2] =	sst s4  }
0xd: {  	[smem:$0x3FB3] =	sst s5  }
0xe: {  	[smem:$0x3FB4] =	sst s6  }
0xf: {  	[smem:$0x3FB5] =	sst s7  }
0x10: {  	[smem:$0x3FB6] =	sst s8  }
0x11: {  	[smem:$0x3FB7] =	sst s9;
	s0 =	simm.s32 @!p0 $0x0  }
0x12: {  	s1 =	sld [smem:$0x3F9D];
	s0 =	simm.s32 @p0 $0x1  }
0x13: {  	[smem:$0x3FB8] =	sst s0;
	s0 =	simm.s32 @!p1 $0x0  }
0x14: {  	s2 =	sld [smem:$0x3F9C];
	s0 =	simm.s32 @p1 $0x1  }
0x15: {  	[smem:$0x3FB9] =	sst s0;
	s0 =	simm.s32 @!p2 $0x0  }
0x16: {  	s3 =	sld [smem:$0x3FDB];
	s0 =	simm.s32 @p2 $0x1  }
0x17: {  	s4 =	simm.s32 $0x1BF5;
	[smem:$0x3FBB] =	sst s0  }
0x18: {  	s0 =	sld [smem:$0x3F9E];
	_ =	swait.ge [sflag:s4], $0x0  }
0x19: {  	s7 =	sld [smem:$0x3F9F]  }
0x1a: {  	s8 =	sadd.s32 $0xFFFFE003, lr  }
0x1b: {  	s9 =	sadd.s32 $0xFFFFFEF7, lr;
	s5 =	simm.s32 $0xFFFFFFFF;
	p2 =	slt.u32 s8, $0xFFFFF086  }
0x1c: {  	p1 =	slt.u32 s9, $0xF7A;
	s5 =	simm.s32 @!p2 $0x0  }
0x1d: {  	s5 =	simm.s32 @p1 $0x1;
	p0 =	seq.s32 s7, s2  }
0x1e: {  	s7 =	smul.u32 @!p0 $0xF7A, s2;
	p2 =	seq.s32 @!p0 s5, $0x0  }
0x1f: {  	s9 =	smul.u32 $0xF7A, s1;
	s8 =	simm.s32 @!p0 $0x1BF5;
	p2 =	por !p2, p0  }
0x20: {  	[sflag:s8] =	ssyncset.s32 @!p0 $0xFFFFF086;
	s6 =	sadd.s32 @!p0 s3, s7;
	s7 =	simm.s32 @!p0 $0x108  }
0x21: {  	s3 =	sadd.s32 s3, s9;
	s6 =	sadd.s32 @!p0 $0x88, s6;
	s7 =	simm.s32 @p2 $0x1082  }
0x22: {  	[simem:s7], [sflag:s8] =	dma.local @!p0 [hbm:s6], $0xF7A  }
0x23: {  	s9 =	sor.u32 $0xD0000000, s2;
	s6 =	simm.s32 $0x108;
	_ =	swait.ge @!p0 [sflag:s8], $0x0  }
0x24: {  	s3 =	sadd.s32 $0x88, s3;
	s6 =	simm.s32 @!p1 $0x1082;
	[sflag:s4] =	ssyncset.s32 $0xFFFFF086  }
0x25: {  	[simem:s6], [sflag:s4] =	dma.local [hbm:s3], $0xF7A  }
0x26: {  	[smem:$0x3F9F] =	sst s1;
	(tag) =	ssettag s2;
	_ =	strace s9  }
0x27: {  	s1 =	sld [smem:$0x3FAF]  }
0x28: {  	s2 =	sld [smem:$0x3FB0]  }
0x29: {  	s4 =	sld [smem:$0x3FB2]  }
0x2a: {  	p0 =	seq.s32 s5, $0x0;
	s5 =	sld [smem:$0x3FB3]  }
0x2b: {  	s6 =	sld [smem:$0x3FB4]  }
0x2c: {  	s7 =	sld [smem:$0x3FB5]  }
0x2d: {  	s3 =	simm.s32 $0x108;
	s8 =	sld [smem:$0x3FB6]  }
0x2e: {  	s3 =	simm.s32 @!p0 $0x1082;
	s9 =	sld [smem:$0x3FB7]  }
0x2f: {  	lr =	sadd.s32 s0, s3;
	s0 =	sld [smem:$0x3FAE]  }
0x30: {  	s3 =	sld [smem:$0x3FB1]  }
0x31: {  	[smem:$0x3FBA] =	sst s10  }
0x32: {  	s10 =	sld [smem:$0x3FB8];
	_ =	sdelay $0x3  }
0x33: {  	p0 =	seq.s32 s10, $0x1;
	s10 =	sld [smem:$0x3FBA];
	_ =	sdelay $0x3  }
0x34: {  	[smem:$0x3FBA] =	sst s10  }
0x35: {  	s10 =	sld [smem:$0x3FB9];
	_ =	sdelay $0x3  }
0x36: {  	p1 =	seq.s32 s10, $0x1;
	s10 =	sld [smem:$0x3FBA];
	_ =	sdelay $0x3  }
0x37: {  	[smem:$0x3FBA] =	sst s10  }
0x38: {  	s10 =	sld [smem:$0x3FBB]  }
0x39: {  	_ = 	snop;
	(pc) =	sbr.ind lr, $3  }
0x3a: {  	_ = 	snop  }
0x3b: {  	_ = 	snop  }
0x3c: {  	p2 =	seq.s32 s10, $0x1;
	s10 =	sld [smem:$0x3FBA]  }
0x3d: {  	_ =	shalt  }
0x3e: {  	_ =	shalt  }
0x3f: {  	_ =	shalt  }
0x40: {  	_ =	shalt  }
0x41: {  	_ =	shalt  }
0x42: {  	_ =	shalt  }
0x43: {  	_ =	shalt  }
0x44: {  	_ =	shalt  }
0x45: {  	_ =	shalt  }
0x46: {  	_ =	shalt  }
0x47: {  	_ =	shalt  }
0x48: {  	_ =	shalt  }
0x49: {  	_ =	shalt  }
0x4a: {  	_ =	shalt  }
0x4b: {  	_ =	shalt  }
0x4c: {  	_ =	shalt  }
0x4d: {  	_ =	shalt  }
0x4e: {  	_ =	shalt  }
0x4f: {  	_ =	shalt  }
0x50: {  	_ =	shalt  }
0x51: {  	_ =	shalt  }
0x52: {  	_ =	shalt  }
0x53: {  	_ =	shalt  }
0x54: {  	_ =	shalt  }
0x55: {  	_ =	shalt  }
0x56: {  	_ =	shalt  }
0x57: {  	_ =	shalt  }
0x58: {  	_ =	shalt  }
0x59: {  	_ =	shalt  }
0x5a: {  	_ =	shalt  }
0x5b: {  	_ =	shalt  }
0x5c: {  	_ =	shalt  }
0x5d: {  	_ =	shalt  }
0x5e: {  	_ =	shalt  }
0x5f: {  	_ =	shalt  }
0x60: {  	_ =	shalt  }
0x61: {  	_ =	shalt  }
0x62: {  	_ =	shalt  }
0x63: {  	_ =	shalt  }
0x64: {  	_ =	shalt  }
0x65: {  	_ =	shalt  }
0x66: {  	_ =	shalt  }
0x67: {  	_ =	shalt  }
0x68: {  	_ =	shalt  }
0x69: {  	_ =	shalt  }
0x6a: {  	_ =	shalt  }
0x6b: {  	_ =	shalt  }
0x6c: {  	_ =	shalt  }
0x6d: {  	_ =	shalt  }
0x6e: {  	_ =	shalt  }
0x6f: {  	_ =	shalt  }
0x70: {  	_ =	shalt  }
0x71: {  	_ =	shalt  }
0x72: {  	_ =	shalt  }
0x73: {  	_ =	shalt  }
0x74: {  	_ =	shalt  }
0x75: {  	_ =	shalt  }
0x76: {  	_ =	shalt  }
0x77: {  	_ =	shalt  }
0x78: {  	_ =	shalt  }
0x79: {  	_ =	shalt  }
0x7a: {  	_ =	shalt  }
0x7b: {  	_ =	shalt  }
0x7c: {  	_ =	shalt  }
0x7d: {  	_ =	shalt  }
0x7e: {  	_ =	shalt  }
0x7f: {  	_ =	shalt  }
0x80: {  	_ =	shalt  }
0x81: {  	_ =	shalt  }
0x82: {  	_ =	shalt  }
0x83: {  	_ =	shalt  }
0x84: {  	_ =	shalt  }
0x85: {  	_ =	shalt  }
0x86: {  	_ =	shalt  }
0x87: {  	_ =	shalt  }
.Lfunc_end0:
.L_simem_size_0:
called_computation_lowered:
.L_overlay_start_0:
0x88: {  	s2 =	sld [smem:$0x3FD9]  }
0x89: {  	s3 =	sld [smem:$0x3FFE];
	_ =	sdelay $0x1  }
0x8a: {  	s1 =	srdreg.scid  }
0x8b: {  	s0 =	sand.u32 $0x1, s1  }
0x8c: {  	s17 =	sshll.u32 s0, $0xA;
	s2 =	sadd.s32 s3, s2  }
0x8d: {  	s2 =	sadd.s32 s2, s17  }
0x8e: {  	[smem:$0x3FC6] =	sst s2  }
0x8f: {  	_ = 	snop  }
0x90: {  	s2 =	sld [smem:$0x3FD0];
	(tm) =	ssettm $0x1  }
0x91: {  	s18 =	sld [smem:$0x3FFB];
	_ =	sdelay $0x3  }
0x92: {  	_ =	strace s18  }
0x93: {  	s3 =	sld [smem:$0x3FFC];
	_ =	sdelay $0x3  }
0x94: {  	_ =	strace s3  }
0x95: {  	s3 =	sld [smem:$0x3FFD];
	_ =	sdelay $0x3  }
0x96: {  	_ =	strace s3  }
0x97: {  	_ =	strace $0x8FFFFFFF  }
0x98: {  	s19 =	sld [smem:$0x3FDB];
	_ =	sdelay $0x1  }
0x99: {  	s4 =	simm.s32 $_scs_section_size  }
0x9a: {  	s5 =	simm.s32 $_size__tile_overlayer_lowered;
	s6 =	simm.s32 $_tile_overlayer_lowered  }
0x9b: {  	s22 =	simm.s32 $0x1BFF;
	s21 =	sshll.u32 s6, $0x1;
	s3 =	sadd.s32 s4, s19  }
0x9c: {  	s7 =	simm.s32 $0x0;
	s20 =	sshll.u32 s5, $0x1;
	s5 =	sadd.s32 s21, s3  }
0x9d: {  	[timem:s7], [sflag:s22] =	dma.local [hbm:s5], s20  }
0x9e: {  	_ =	swait.ge [sflag:s22], s20  }
0x9f: {  	s4 =	ssub.s32 $0x0, s20;
	[sflag:s22] =	ssyncset.done $0x0  }
0xa0: {  	[sflag:s22] =	ssyncadd.s32 s4;
	_ =	sdelay $0x1  }
0xa1: {  	s23 =	simm.s32 $0x1B8B  }
0xa2: {  	_ =	swait.ge [sflag:s23], $0x1  }
0xa3: {  	[sflag:s23] =	ssyncset.done $0x0  }
0xa4: {  	s25 =	simm.s32 $0x1B8E;
	s24 =	sld [smem:$0x3FFE];
	[sflag:s23] =	ssyncadd.s32 $0xFFFFFFFF  }
0xa5: {  	s26 =	simm.s32 $execute0_lowered;
	[smem:$0x3FD2] =	sst s25  }
0xa6: {  	s5 =	sshll.u32 s26, $0x1;
	_ =	strace $0x80000046;
	[dreg:$0x1] =	wrdreg $0xFFFFFFFF  }
0xa7: {  	s28 =	simm.s32 $_size_execute0_lowered;
	s3 =	sadd.s32 s3, s5;
	[dreg:$0x0] =	wrdreg $0x0  }
0xa8: {  	s5 =	sshll.u32 s28, $0x1;
	[dreg:$0x2] =	wrdreg s3  }
0xa9: {  	[dreg:$0x3] =	wrdreg s5  }
0xaa: {  	[dreg:$0x4] =	wrdreg $0xC0  }
0xab: {  	_ =	task [dreg:s7], $0x5FFFF  }
0xac: {  	[dreg:$0x1] =	wrdreg $0xFFFFFFFF  }
0xad: {  	[dreg:$0x0] =	wrdreg $0x60  }
0xae: {  	[dreg:$0x2] =	wrdreg s24  }
0xaf: {  	[dreg:$0x3] =	wrdreg s2  }
0xb0: {  	[dreg:$0x4] =	wrdreg $0x9  }
0xb1: {  	_ =	task.clear_ibuf [dreg:s7], $0x5FFFF;
	_ =	strace $0x90000046  }
0xb2: {  	s29 =	simm.s32 $0x9;
	_ =	strace $0x80000048  }
0xb3: {  	_ =	swait.ge [sflag:s29], $0x1  }
0xb4: {  	[sflag:s29] =	ssyncadd.s32 $0xFFFFFFFF  }
0xb5: {  	_ =	strace $0x90000048  }
0xb6: {  	_ =	sfence  }
0xb7: {  	s30 =	sld [smem:$0x0];
	_ =	sdelay $0x2  }
0xb8: {  	s31 =	sshll.u32 s1, $0xD;
	s1 =	sshrl.u32 s1, $0x2  }
0xb9: {  	s3 =	sand.u32 $0x4000, s31;
	s1 =	sadd.s32 s1, s30  }
0xba: {  	s0 =	sor.u32 s3, s0;
	s1 =	sshll.u32 s1, $0x11  }
0xbb: {  	s0 =	sor.u32 s1, s0  }
0xbc: {  	s0 =	sadd.s32 $0x8F2B, s0  }
0xbd: {  	[sflag:s0] =	ssyncadd.remote.s32 $0x1  }
0xbe: {  	_ =	sfence.sel $0xFFFF  }
0xbf: {  	[dreg:$0x0] =	wrdreg $0xFFFFFFFF;
	(pc) =	sbr.abs _section_cstart, $3  }
0xc0: {  	[dreg:$0x1] =	wrdreg $0xFFFFFFFF  }
0xc1: {  	_ =	task.clear_ibuf [dreg:s7], $0x2FFFF;
	_ =	strace $0x9FFFFFFF  }
0xc2: {  	(tm) =	ssettm $0x7FFFFFFF  }
0xc3: {  	_ =	shalt  }
tec
execute0_lowered:
.L_overlay_start_1:
0x0: {  	(tag) =	ssettag $0x1  }
0x1: {  	v0 =	vlaneseq.u32  }
0x2: {  	v0 =	vmul.u32 $0x88, v0  }
0x3: {  	s0 =	rddreg [dreg:$0x0];
	s3 =	simm.s32 $0x0  }
0x4: {  	[smem:$0x7FF] =	sst s3;
	v1 =	vadd.s32 $0x1F, v0  }
0x5: {  	s2 =	rddreg [dreg:$0x1];
	_ =	strace $0x80000047;
	v6 =	vadd.s32 $0x880, v0;
	[tilespmem:$0x1FC10] =	vst v1  }
0x6: {  	v7 =	vor.u32 $0x1, v0;
	[tilespmem:$0x1FC30] =	vst v6  }
0x7: {  	v8 =	vadd.s32 $0x881, v0;
	[tilespmem:$0x1FC40] =	vst v7  }
0x8: {  	v9 =	vor.u32 $0x2, v0;
	[tilespmem:$0x1FC50] =	vst v8  }
0x9: {  	v10 =	vadd.s32 $0x882, v0;
	[tilespmem:$0x1FC60] =	vst v9  }
0xa: {  	v11 =	vor.u32 $0x3, v0;
	[tilespmem:$0x1FC70] =	vst v10  }
0xb: {  	v12 =	vadd.s32 $0x883, v0;
	[tilespmem:$0x1FC80] =	vst v11  }
0xc: {  	v13 =	vor.u32 $0x4, v0;
	[tilespmem:$0x1FC90] =	vst v12  }
0xd: {  	v14 =	vadd.s32 $0x884, v0;
	[tilespmem:$0x1FCA0] =	vst v13  }
0xe: {  	v15 =	vor.u32 $0x5, v0;
	[tilespmem:$0x1FCB0] =	vst v14  }
0xf: {  	v16 =	vadd.s32 $0x885, v0;
	[tilespmem:$0x1FCC0] =	vst v15  }
0x10: {  	v17 =	vor.u32 $0x6, v0;
	[tilespmem:$0x1FCD0] =	vst v16  }
0x11: {  	v18 =	vadd.s32 $0x886, v0;
	[tilespmem:$0x1FCE0] =	vst v17  }
0x12: {  	v19 =	vor.u32 $0x7, v0;
	[tilespmem:$0x1FCF0] =	vst v18  }
0x13: {  	v20 =	vadd.s32 $0x887, v0;
	[tilespmem:$0x1FD00] =	vst v19  }
0x14: {  	v21 =	vadd.s32 $0x8, v0;
	[tilespmem:$0x1FD10] =	vst v20  }
0x15: {  	v22 =	vadd.s32 $0x888, v0;
	[tilespmem:$0x1FD20] =	vst v21  }
0x16: {  	v23 =	vadd.s32 $0x9, v0;
	[tilespmem:$0x1FD30] =	vst v22  }
0x17: {  	v24 =	vadd.s32 $0x889, v0;
	[tilespmem:$0x1FD40] =	vst v23  }
0x18: {  	v25 =	vadd.s32 $0xA, v0;
	[tilespmem:$0x1FD50] =	vst v24  }
0x19: {  	v26 =	vadd.s32 $0x88A, v0;
	[tilespmem:$0x1FD60] =	vst v25  }
0x1a: {  	v27 =	vadd.s32 $0xB, v0;
	[tilespmem:$0x1FD70] =	vst v26  }
0x1b: {  	v28 =	vadd.s32 $0x88B, v0;
	[tilespmem:$0x1FD80] =	vst v27  }
0x1c: {  	v29 =	vadd.s32 $0xC, v0;
	[tilespmem:$0x1FD90] =	vst v28  }
0x1d: {  	v30 =	vadd.s32 $0x88C, v0;
	[tilespmem:$0x1FDA0] =	vst v29  }
0x1e: {  	v31 =	vadd.s32 $0xD, v0;
	[tilespmem:$0x1FDB0] =	vst v30  }
0x1f: {  	v32 =	vadd.s32 $0x88D, v0;
	[tilespmem:$0x1FDC0] =	vst v31  }
0x20: {  	v33 =	vadd.s32 $0xE, v0;
	[tilespmem:$0x1FDD0] =	vst v32  }
0x21: {  	v34 =	vadd.s32 $0x88E, v0;
	[tilespmem:$0x1FDE0] =	vst v33  }
0x22: {  	v35 =	vadd.s32 $0xF, v0;
	[tilespmem:$0x1FDF0] =	vst v34  }
0x23: {  	v36 =	vadd.s32 $0x88F, v0;
	[tilespmem:$0x1FE00] =	vst v35  }
0x24: {  	v37 =	vadd.s32 $0x10, v0;
	[tilespmem:$0x1FE10] =	vst v36  }
0x25: {  	v38 =	vadd.s32 $0x890, v0;
	[tilespmem:$0x1FE20] =	vst v37  }
0x26: {  	v39 =	vadd.s32 $0x11, v0;
	[tilespmem:$0x1FE30] =	vst v38  }
0x27: {  	v40 =	vadd.s32 $0x891, v0;
	[tilespmem:$0x1FE40] =	vst v39  }
0x28: {  	v41 =	vadd.s32 $0x12, v0;
	[tilespmem:$0x1FE50] =	vst v40  }
0x29: {  	v42 =	vadd.s32 $0x892, v0;
	[tilespmem:$0x1FE60] =	vst v41  }
0x2a: {  	v43 =	vadd.s32 $0x13, v0;
	[tilespmem:$0x1FE70] =	vst v42  }
0x2b: {  	v44 =	vadd.s32 $0x893, v0;
	[tilespmem:$0x1FE80] =	vst v43  }
0x2c: {  	v45 =	vadd.s32 $0x14, v0;
	[tilespmem:$0x1FE90] =	vst v44  }
0x2d: {  	v46 =	vadd.s32 $0x894, v0;
	[tilespmem:$0x1FEA0] =	vst v45  }
0x2e: {  	v47 =	vadd.s32 $0x15, v0;
	[tilespmem:$0x1FEB0] =	vst v46  }
0x2f: {  	v48 =	vadd.s32 $0x895, v0;
	[tilespmem:$0x1FEC0] =	vst v47  }
0x30: {  	v49 =	vadd.s32 $0x16, v0;
	[tilespmem:$0x1FED0] =	vst v48  }
0x31: {  	v50 =	vadd.s32 $0x896, v0;
	[tilespmem:$0x1FEE0] =	vst v49  }
0x32: {  	v51 =	vadd.s32 $0x17, v0;
	[tilespmem:$0x1FEF0] =	vst v50  }
0x33: {  	v52 =	vadd.s32 $0x897, v0;
	[tilespmem:$0x1FF00] =	vst v51  }
0x34: {  	v53 =	vadd.s32 $0x18, v0;
	[tilespmem:$0x1FF10] =	vst v52  }
0x35: {  	v54 =	vadd.s32 $0x898, v0;
	[tilespmem:$0x1FF20] =	vst v53  }
0x36: {  	v55 =	vadd.s32 $0x19, v0;
	[tilespmem:$0x1FF30] =	vst v54  }
0x37: {  	v56 =	vadd.s32 $0x899, v0;
	[tilespmem:$0x1FF40] =	vst v55  }
0x38: {  	s1 =	srdreg.scid;
	s4 =	stileid.u32;
	s11 =	simm.s32 $0x80;
	v57 =	vadd.s32 $0x1A, v0;
	[tilespmem:$0x1FF50] =	vst v56  }
0x39: {  	s14 =	simm.s32 $0x1;
	s15 =	simm.s32 $0x5400;
	s23 =	simm.s32 $0x2;
	v58 =	vadd.s32 $0x89A, v0;
	[tilespmem:$0x1FF60] =	vst v57  }
0x3a: {  	s24 =	simm.s32 $0x4;
	s21 =	simm.s32 $0x6FA0;
	s22 =	simm.s32 $0x7028;
	v59 =	vadd.s32 $0x1B, v0;
	[tilespmem:$0x1FF70] =	vst v58  }
0x3b: {  	s28 =	simm.s32 $0x7138;
	s29 =	simm.s32 $0x71C0;
	s30 =	simm.s32 $0x7248;
	v60 =	vadd.s32 $0x89B, v0;
	[tilespmem:$0x1FF80] =	vst v59  }
0x3c: {  	s31 =	simm.s32 $0x72D0;
	s1 =	sand.u32 $0x1, s1;
	s4 =	sshll.u32 s4, $0x1;
	v61 =	vadd.s32 $0x1C, v0;
	[tilespmem:$0x1FF90] =	vst v60  }
0x3d: {  	s8 =	simm.s32 $0x7468;
	s9 =	simm.s32 $0x74F0;
	s5 =	sor.u32 s1, s4;
	v62 =	vadd.s32 $0x89C, v0;
	[tilespmem:$0x1FFA0] =	vst v61  }
0x3e: {  	s10 =	simm.s32 $0x0;
	s1 =	ssub.s32 $0x2, s1;
	s4 =	sshll.u32 s5, $0x6;
	v3 =	vadd.s32 $0x1D, v0;
	[tilespmem:$0x1FFB0] =	vst v62  }
.Ltmp0:
0x3f: {  	s6 =	sshrl.u32 s1, $0x1;
	v63 =	vadd.s32 $0x89D, v0;
	s7 =	sadd.s32 s4, s0;
	[tilespmem:$0x1FFC0] =	vst v3;
	(pc) =	sbr.rel .LBB2_1-.Ltmp0, $4  }
0x40: {  	v4 =	vadd.s32 $0x1E, v0;
	s4 =	sadd.s32 $0xF42A00, s0;
	s25 =	ssub.s32 s1, s6;
	s6 =	sshll.u32 s5, $0x2;
	[tilespmem:$0x1FFD0] =	vst v63  }
0x41: {  	v5 =	vadd.s32 $0x89E, v0;
	s1 =	simm.s32 $0x73E0;
	s5 =	simm.s32 $0x7578;
	[tilespmem:$0x1FFE0] =	vst v4;
	s26 =	sadd.s32 $0x600, s7  }
0x42: {  	v1 =	vadd.s32 $0x89F, v0;
	[tilespmem:$0x1FFF0] =	vst v5;
	s0 =	smax.u32 s25, $0x1;
	s25 =	simm.s32 $0x6500;
	[dreg:$0x3] =	wrdreg s26  }
0x43: {  	[tilespmem:$0x1FC20] =	vst v1;
	[dreg:$0x4] =	wrdreg s0;
	s26 =	simm.s32 $0x70B0;
	s0 =	simm.s32 $0x7358  }
.LBB2_7:
0x44: {  	s7 =	simm.s32 $0x3  }
0x45: {  	_ =	swait.ge [sflag:s7], $0x1000  }
0x46: {  	[sflag:s7] =	ssyncset.done $0x0  }
0x47: {  	[sflag:s7] =	ssyncadd.s32 $0xFFFFF000  }
0x48: {  	_ =	swait.ge [sflag:s24], $0x1000  }
0x49: {  	s10 =	rddreg [dreg:$0x5]  }
0x4a: {  	s20 =	rddreg [dreg:$0x4];
	s10 =	sadd.s32 $0x1, s10  }
0x4b: {  	p0 =	sne.s32 s10, s20  }
.Ltmp1:
0x4c: {  	_ = 	snop;
	(pc) =	sbr.rel @!p0 .LBB2_8-.Ltmp1, $3  }
0x4d: {  	_ =	sdelay $0x1  }
0x4e: {  	[sflag:s24] =	ssyncset.done $0x0  }
0x4f: {  	[sflag:s24] =	ssyncadd.s32 $0xFFFFF000  }
.LBB2_1:
0x50: {  	s7 =	rddreg [dreg:$0x3];
	s18 =	simm.s32 $0x200;
	s12 =	simm.s32 $0x4000  }
0x51: {  	[tilespmem:s3], [sflag:$0x5] =	stream.strided.gather [hbm4b:s7+s18], $0x3400, s12, s18, $0x38;
	[tilespmem:$0x7600] =	vst v63  }
.Ltmp2:
0x52: {  	[dreg:$0x5] =	wrdreg s10;
	s19 =	simm.s32 $0x5;
	(pc) =	sbr.rel .LBB2_2-.Ltmp2, $4  }
0x53: {  	s20 =	simm.s32 $0x3400;
	s10 =	simm.s32 $0x100;
	_ =	swait.ge [sflag:s19], $0x3400  }
0x54: {  	s13 =	simm.s32 $0x0;
	s16 =	simm.s32 $0x0;
	[sflag:s19] =	ssyncset.done $0x0  }
0x55: {  	s7 =	simm.s32 $0x400;
	s12 =	simm.s32 $0x0;
	[sflag:s19] =	ssyncadd.s32 $0xFFFFCC00  }
0x56: {  	[tilespmem:s20], [sflag:$0x1] =	stream.indirect.gather [hbm4b:s4+s11], $0x20, s3, s11, $0xb8;
	[tilespmem:$0x7600] =	vst v63  }
.LBB2_3:
0x57: {  	_ =	swait.ge [sflag:s23], $0x1000  }
0x58: {  	[sflag:s23] =	ssyncset.done $0x0  }
0x59: {  	[sflag:s23] =	ssyncadd.s32 $0xFFFFF000  }
.LBB2_5:
0x5a: {  	_ =	swait.ge [sflag:s24], $0x1000  }
0x5b: {  	[sflag:s24] =	ssyncset.done $0x0  }
0x5c: {  	[sflag:s24] =	ssyncadd.s32 $0xFFFFF000  }
.LBB2_6:
0x5d: {  	v1 =	vld [tilespmem:$0x1FC30];
	_ =	sdelay $0x1  }
0x5e: {  	v4 =	vld [tilespmem:$0x4400]  }
0x5f: {  	v5 =	vld [tilespmem:$0x4410];
	_ =	sdelay $0x2  }
0x60: {  	v7 =	vld [tilespmem:$0x1FC40]  }
0x61: {  	v8 =	vld [tilespmem:$0x1FC50];
	[tilespmem:v0+s25+$0x0] =	vst.idx.msk $0xffff, v4  }
0x62: {  	[tilespmem:v1+s25+$0x0] =	vst.idx.msk $0xffff, v5  }
0x63: {  	v4 =	vld [tilespmem:$0x4420]  }
0x64: {  	v5 =	vld [tilespmem:$0x4430];
	_ =	sdelay $0x2  }
0x65: {  	v9 =	vld [tilespmem:$0x1FC60]  }
0x66: {  	v10 =	vld [tilespmem:$0x1FC70];
	[tilespmem:v7+s25+$0x0] =	vst.idx.msk $0xffff, v4  }
0x67: {  	[tilespmem:v8+s25+$0x0] =	vst.idx.msk $0xffff, v5  }
0x68: {  	v4 =	vld [tilespmem:$0x4440]  }
0x69: {  	v5 =	vld [tilespmem:$0x4450];
	_ =	sdelay $0x2  }
0x6a: {  	v11 =	vld [tilespmem:$0x1FC80]  }
0x6b: {  	v12 =	vld [tilespmem:$0x1FC90];
	[tilespmem:v9+s25+$0x0] =	vst.idx.msk $0xffff, v4  }
0x6c: {  	[tilespmem:v10+s25+$0x0] =	vst.idx.msk $0xffff, v5  }
0x6d: {  	v4 =	vld [tilespmem:$0x4460]  }
0x6e: {  	v5 =	vld [tilespmem:$0x4470];
	_ =	sdelay $0x2  }
0x6f: {  	v13 =	vld [tilespmem:$0x1FCA0]  }
0x70: {  	v14 =	vld [tilespmem:$0x1FCB0];
	[tilespmem:v11+s25+$0x0] =	vst.idx.msk $0xffff, v4  }
0x71: {  	[tilespmem:v12+s25+$0x0] =	vst.idx.msk $0xffff, v5  }
0x72: {  	v4 =	vld [tilespmem:$0x4480]  }
0x73: {  	v5 =	vld [tilespmem:$0x4490];
	_ =	sdelay $0x2  }
0x74: {  	v15 =	vld [tilespmem:$0x1FCC0]  }
0x75: {  	v16 =	vld [tilespmem:$0x1FCD0];
	[tilespmem:v13+s25+$0x0] =	vst.idx.msk $0xffff, v4  }
0x76: {  	[tilespmem:v14+s25+$0x0] =	vst.idx.msk $0xffff, v5  }
0x77: {  	v4 =	vld [tilespmem:$0x44A0]  }
0x78: {  	v5 =	vld [tilespmem:$0x44B0];
	_ =	sdelay $0x2  }
0x79: {  	v17 =	vld [tilespmem:$0x1FCE0]  }
0x7a: {  	v18 =	vld [tilespmem:$0x1FCF0];
	[tilespmem:v15+s25+$0x0] =	vst.idx.msk $0xffff, v4  }
0x7b: {  	[tilespmem:v16+s25+$0x0] =	vst.idx.msk $0xffff, v5  }
0x7c: {  	v4 =	vld [tilespmem:$0x44C0]  }
0x7d: {  	v5 =	vld [tilespmem:$0x44D0];
	_ =	sdelay $0x2  }
0x7e: {  	v19 =	vld [tilespmem:$0x1FD00]  }
0x7f: {  	v20 =	vld [tilespmem:$0x1FD10];
	[tilespmem:v17+s25+$0x0] =	vst.idx.msk $0xffff, v4  }
0x80: {  	[tilespmem:v18+s25+$0x0] =	vst.idx.msk $0xffff, v5  }
0x81: {  	v4 =	vld [tilespmem:$0x44E0]  }
0x82: {  	v5 =	vld [tilespmem:$0x44F0];
	_ =	sdelay $0x2  }
0x83: {  	v21 =	vld [tilespmem:$0x1FD20]  }
0x84: {  	v22 =	vld [tilespmem:$0x1FD30];
	[tilespmem:v19+s25+$0x0] =	vst.idx.msk $0xffff, v4  }
0x85: {  	[tilespmem:v20+s25+$0x0] =	vst.idx.msk $0xffff, v5  }
0x86: {  	v4 =	vld [tilespmem:$0x4500]  }
0x87: {  	v5 =	vld [tilespmem:$0x4510];
	_ =	sdelay $0x2  }
0x88: {  	v23 =	vld [tilespmem:$0x1FD40]  }
0x89: {  	v24 =	vld [tilespmem:$0x1FD50];
	[tilespmem:v21+s25+$0x0] =	vst.idx.msk $0xffff, v4  }
0x8a: {  	[tilespmem:v22+s25+$0x0] =	vst.idx.msk $0xffff, v5  }
0x8b: {  	v4 =	vld [tilespmem:$0x4520]  }
0x8c: {  	v5 =	vld [tilespmem:$0x4530];
	_ =	sdelay $0x2  }
0x8d: {  	v25 =	vld [tilespmem:$0x1FD60]  }
0x8e: {  	v26 =	vld [tilespmem:$0x1FD70];
	[tilespmem:v23+s25+$0x0] =	vst.idx.msk $0xffff, v4  }
0x8f: {  	[tilespmem:v24+s25+$0x0] =	vst.idx.msk $0xffff, v5  }
0x90: {  	v4 =	vld [tilespmem:$0x4540]  }
0x91: {  	v5 =	vld [tilespmem:$0x4550];
	_ =	sdelay $0x2  }
0x92: {  	v27 =	vld [tilespmem:$0x1FD80]  }
0x93: {  	v28 =	vld [tilespmem:$0x1FD90];
	[tilespmem:v25+s25+$0x0] =	vst.idx.msk $0xffff, v4  }
0x94: {  	[tilespmem:v26+s25+$0x0] =	vst.idx.msk $0xffff, v5  }
0x95: {  	v4 =	vld [tilespmem:$0x4560]  }
0x96: {  	v5 =	vld [tilespmem:$0x4570];
	_ =	sdelay $0x2  }
0x97: {  	v29 =	vld [tilespmem:$0x1FDA0]  }
0x98: {  	v30 =	vld [tilespmem:$0x1FDB0];
	[tilespmem:v27+s25+$0x0] =	vst.idx.msk $0xffff, v4  }
0x99: {  	[tilespmem:v28+s25+$0x0] =	vst.idx.msk $0xffff, v5  }
0x9a: {  	v4 =	vld [tilespmem:$0x4580]  }
0x9b: {  	v5 =	vld [tilespmem:$0x4590];
	_ =	sdelay $0x2  }
0x9c: {  	v31 =	vld [tilespmem:$0x1FDC0]  }
0x9d: {  	v32 =	vld [tilespmem:$0x1FDD0];
	[tilespmem:v29+s25+$0x0] =	vst.idx.msk $0xffff, v4  }
0x9e: {  	[tilespmem:v30+s25+$0x0] =	vst.idx.msk $0xffff, v5  }
0x9f: {  	v4 =	vld [tilespmem:$0x45A0]  }
0xa0: {  	v5 =	vld [tilespmem:$0x45B0];
	_ =	sdelay $0x2  }
0xa1: {  	v33 =	vld [tilespmem:$0x1FDE0]  }
0xa2: {  	v34 =	vld [tilespmem:$0x1FDF0];
	[tilespmem:v31+s25+$0x0] =	vst.idx.msk $0xffff, v4  }
0xa3: {  	[tilespmem:v32+s25+$0x0] =	vst.idx.msk $0xffff, v5  }
0xa4: {  	v4 =	vld [tilespmem:$0x45C0]  }
0xa5: {  	v5 =	vld [tilespmem:$0x45D0];
	_ =	sdelay $0x2  }
0xa6: {  	v35 =	vld [tilespmem:$0x1FE00]  }
0xa7: {  	v36 =	vld [tilespmem:$0x1FE10];
	[tilespmem:v33+s25+$0x0] =	vst.idx.msk $0xffff, v4  }
0xa8: {  	[tilespmem:v34+s25+$0x0] =	vst.idx.msk $0xffff, v5  }
0xa9: {  	v4 =	vld [tilespmem:$0x45E0]  }
0xaa: {  	v5 =	vld [tilespmem:$0x45F0];
	_ =	sdelay $0x2  }
0xab: {  	v37 =	vld [tilespmem:$0x1FE20]  }
0xac: {  	v38 =	vld [tilespmem:$0x1FE30];
	[tilespmem:v35+s25+$0x0] =	vst.idx.msk $0xffff, v4  }
0xad: {  	[tilespmem:v36+s25+$0x0] =	vst.idx.msk $0xffff, v5  }
0xae: {  	v4 =	vld [tilespmem:$0x4600]  }
0xaf: {  	v5 =	vld [tilespmem:$0x4610];
	_ =	sdelay $0x2  }
0xb0: {  	v39 =	vld [tilespmem:$0x1FE40]  }
0xb1: {  	v40 =	vld [tilespmem:$0x1FE50];
	[tilespmem:v37+s25+$0x0] =	vst.idx.msk $0xffff, v4  }
0xb2: {  	[tilespmem:v38+s25+$0x0] =	vst.idx.msk $0xffff, v5  }
0xb3: {  	v4 =	vld [tilespmem:$0x4620]  }
0xb4: {  	v5 =	vld [tilespmem:$0x4630];
	_ =	sdelay $0x2  }
0xb5: {  	v41 =	vld [tilespmem:$0x1FE60]  }
0xb6: {  	v42 =	vld [tilespmem:$0x1FE70];
	[tilespmem:v39+s25+$0x0] =	vst.idx.msk $0xffff, v4  }
0xb7: {  	[tilespmem:v40+s25+$0x0] =	vst.idx.msk $0xffff, v5  }
0xb8: {  	v4 =	vld [tilespmem:$0x4640]  }
0xb9: {  	v5 =	vld [tilespmem:$0x4650];
	_ =	sdelay $0x2  }
0xba: {  	v43 =	vld [tilespmem:$0x1FE80]  }
0xbb: {  	v44 =	vld [tilespmem:$0x1FE90];
	[tilespmem:v41+s25+$0x0] =	vst.idx.msk $0xffff, v4  }
0xbc: {  	[tilespmem:v42+s25+$0x0] =	vst.idx.msk $0xffff, v5  }
0xbd: {  	v4 =	vld [tilespmem:$0x4660]  }
0xbe: {  	v5 =	vld [tilespmem:$0x4670];
	_ =	sdelay $0x2  }
0xbf: {  	v45 =	vld [tilespmem:$0x1FEA0]  }
0xc0: {  	v46 =	vld [tilespmem:$0x1FEB0];
	[tilespmem:v43+s25+$0x0] =	vst.idx.msk $0xffff, v4  }
0xc1: {  	[tilespmem:v44+s25+$0x0] =	vst.idx.msk $0xffff, v5  }
0xc2: {  	v4 =	vld [tilespmem:$0x4680]  }
0xc3: {  	v5 =	vld [tilespmem:$0x4690];
	_ =	sdelay $0x2  }
0xc4: {  	v47 =	vld [tilespmem:$0x1FEC0]  }
0xc5: {  	v48 =	vld [tilespmem:$0x1FED0];
	[tilespmem:v45+s25+$0x0] =	vst.idx.msk $0xffff, v4  }
0xc6: {  	[tilespmem:v46+s25+$0x0] =	vst.idx.msk $0xffff, v5  }
0xc7: {  	v4 =	vld [tilespmem:$0x46A0]  }
0xc8: {  	v5 =	vld [tilespmem:$0x46B0];
	_ =	sdelay $0x2  }
0xc9: {  	v49 =	vld [tilespmem:$0x1FEE0]  }
0xca: {  	v50 =	vld [tilespmem:$0x1FEF0];
	[tilespmem:v47+s25+$0x0] =	vst.idx.msk $0xffff, v4  }
0xcb: {  	[tilespmem:v48+s25+$0x0] =	vst.idx.msk $0xffff, v5  }
0xcc: {  	v4 =	vld [tilespmem:$0x46C0]  }
0xcd: {  	v5 =	vld [tilespmem:$0x46D0];
	_ =	sdelay $0x2  }
0xce: {  	v51 =	vld [tilespmem:$0x1FF00]  }
0xcf: {  	v52 =	vld [tilespmem:$0x1FF10];
	[tilespmem:v49+s25+$0x0] =	vst.idx.msk $0xffff, v4  }
0xd0: {  	[tilespmem:v50+s25+$0x0] =	vst.idx.msk $0xffff, v5  }
0xd1: {  	v4 =	vld [tilespmem:$0x46E0]  }
0xd2: {  	v5 =	vld [tilespmem:$0x46F0];
	_ =	sdelay $0x2  }
0xd3: {  	v53 =	vld [tilespmem:$0x1FF20]  }
0xd4: {  	v54 =	vld [tilespmem:$0x1FF30];
	[tilespmem:v51+s25+$0x0] =	vst.idx.msk $0xffff, v4  }
0xd5: {  	[tilespmem:v52+s25+$0x0] =	vst.idx.msk $0xffff, v5  }
0xd6: {  	v4 =	vld [tilespmem:$0x4700]  }
0xd7: {  	v5 =	vld [tilespmem:$0x4710];
	_ =	sdelay $0x2  }
0xd8: {  	v55 =	vld [tilespmem:$0x1FF40]  }
0xd9: {  	v56 =	vld [tilespmem:$0x1FF50];
	[tilespmem:v53+s25+$0x0] =	vst.idx.msk $0xffff, v4  }
0xda: {  	[tilespmem:v54+s25+$0x0] =	vst.idx.msk $0xffff, v5  }
0xdb: {  	v4 =	vld [tilespmem:$0x4720]  }
0xdc: {  	v5 =	vld [tilespmem:$0x4730];
	_ =	sdelay $0x2  }
0xdd: {  	v57 =	vld [tilespmem:$0x1FF60]  }
0xde: {  	v58 =	vld [tilespmem:$0x1FF70];
	[tilespmem:v55+s25+$0x0] =	vst.idx.msk $0xffff, v4  }
0xdf: {  	[tilespmem:v56+s25+$0x0] =	vst.idx.msk $0xffff, v5  }
0xe0: {  	v4 =	vld [tilespmem:$0x4740]  }
0xe1: {  	v5 =	vld [tilespmem:$0x4750];
	_ =	sdelay $0x2  }
0xe2: {  	v59 =	vld [tilespmem:$0x1FF80]  }
0xe3: {  	v60 =	vld [tilespmem:$0x1FF90];
	[tilespmem:v57+s25+$0x0] =	vst.idx.msk $0xffff, v4  }
0xe4: {  	[tilespmem:v58+s25+$0x0] =	vst.idx.msk $0xffff, v5  }
0xe5: {  	v4 =	vld [tilespmem:$0x4760]  }
0xe6: {  	v5 =	vld [tilespmem:$0x4770];
	_ =	sdelay $0x2  }
0xe7: {  	v61 =	vld [tilespmem:$0x1FFA0]  }
0xe8: {  	v62 =	vld [tilespmem:$0x1FFB0];
	[tilespmem:v59+s25+$0x0] =	vst.idx.msk $0xffff, v4  }
0xe9: {  	[tilespmem:v60+s25+$0x0] =	vst.idx.msk $0xffff, v5  }
0xea: {  	v4 =	vld [tilespmem:$0x4780]  }
0xeb: {  	v5 =	vld [tilespmem:$0x4790];
	_ =	sdelay $0x2  }
0xec: {  	v1 =	vld [tilespmem:$0x1FFC0]  }
0xed: {  	v63 =	vld [tilespmem:$0x1FFD0];
	[tilespmem:v61+s25+$0x0] =	vst.idx.msk $0xffff, v4  }
0xee: {  	[tilespmem:v62+s25+$0x0] =	vst.idx.msk $0xffff, v5  }
0xef: {  	v4 =	vld [tilespmem:$0x47A0]  }
0xf0: {  	v5 =	vld [tilespmem:$0x47B0];
	_ =	sdelay $0x2  }
0xf1: {  	v2 =	vld [tilespmem:$0x1FFE0]  }
0xf2: {  	v3 =	vld [tilespmem:$0x1FFF0];
	[tilespmem:v1+s25+$0x0] =	vst.idx.msk $0xffff, v4  }
0xf3: {  	[tilespmem:v63+s25+$0x0] =	vst.idx.msk $0xffff, v5  }
0xf4: {  	v4 =	vld [tilespmem:$0x47C0]  }
0xf5: {  	v5 =	vld [tilespmem:$0x47D0];
	_ =	sdelay $0x2  }
0xf6: {  	v6 =	vld [tilespmem:$0x1FC10]  }
0xf7: {  	[tilespmem:v2+s25+$0x0] =	vst.idx.msk $0xffff, v4  }
0xf8: {  	[tilespmem:v3+s25+$0x0] =	vst.idx.msk $0xffff, v5  }
0xf9: {  	v4 =	vld [tilespmem:$0x47E0];
	_ =	sdelay $0x3  }
0xfa: {  	v5 =	vld [tilespmem:$0x47F0]  }
0xfb: {  	[tilespmem:v6+s25+$0x0] =	vst.idx.msk $0xffff, v4;
	v4 =	vld [tilespmem:$0x1FC20];
	_ =	sdelay $0x5  }
0xfc: {  	v6 =	vld [tilespmem:$0x1F010];
	_ =	sdelay $0x1  }
0xfd: {  	[tilespmem:v4+s25+$0x0] =	vst.idx.msk $0xffff, v5  }
0xfe: {  	v4 =	vld [tilespmem:$0x4800];
	_ =	sdelay $0x3  }
0xff: {  	v5 =	vld [tilespmem:$0x4810]  }
0x100: {  	[tilespmem:v6+s25+$0x0] =	vst.idx.msk $0xffff, v4;
	v4 =	vld [tilespmem:$0x1F020];
	_ =	sdelay $0x5  }
0x101: {  	v6 =	vld [tilespmem:$0x1F030];
	_ =	sdelay $0x1  }
0x102: {  	[tilespmem:v4+s25+$0x0] =	vst.idx.msk $0xffff, v5  }
0x103: {  	v4 =	vld [tilespmem:$0x4820];
	_ =	sdelay $0x3  }
0x104: {  	v5 =	vld [tilespmem:$0x4830]  }
0x105: {  	[tilespmem:v6+s25+$0x0] =	vst.idx.msk $0xffff, v4;
	v4 =	vld [tilespmem:$0x1F040];
	_ =	sdelay $0x5  }
0x106: {  	v6 =	vld [tilespmem:$0x1F050];
	_ =	sdelay $0x1  }
0x107: {  	[tilespmem:v4+s25+$0x0] =	vst.idx.msk $0xffff, v5  }
0x108: {  	v4 =	vld [tilespmem:$0x4840];
	_ =	sdelay $0x3  }
0x109: {  	v5 =	vld [tilespmem:$0x4850]  }
0x10a: {  	[tilespmem:v6+s25+$0x0] =	vst.idx.msk $0xffff, v4;
	v4 =	vld [tilespmem:$0x1F060];
	_ =	sdelay $0x5  }
0x10b: {  	v6 =	vld [tilespmem:$0x1F070];
	_ =	sdelay $0x1  }
0x10c: {  	[tilespmem:v4+s25+$0x0] =	vst.idx.msk $0xffff, v5  }
0x10d: {  	v4 =	vld [tilespmem:$0x4860];
	_ =	sdelay $0x3  }
0x10e: {  	v5 =	vld [tilespmem:$0x4870]  }
0x10f: {  	[tilespmem:v6+s25+$0x0] =	vst.idx.msk $0xffff, v4;
	v4 =	vld [tilespmem:$0x1F080];
	_ =	sdelay $0x5  }
0x110: {  	v6 =	vld [tilespmem:$0x1F090];
	_ =	sdelay $0x1  }
0x111: {  	[tilespmem:v4+s25+$0x0] =	vst.idx.msk $0xffff, v5  }
0x112: {  	v4 =	vld [tilespmem:$0x4880];
	_ =	sdelay $0x3  }
0x113: {  	v5 =	vld [tilespmem:$0x4890]  }
0x114: {  	[tilespmem:v6+s25+$0x0] =	vst.idx.msk $0xffff, v4;
	v4 =	vld [tilespmem:$0x1F0A0];
	_ =	sdelay $0x5  }
0x115: {  	v6 =	vld [tilespmem:$0x1F0B0];
	_ =	sdelay $0x1  }
0x116: {  	[tilespmem:v4+s25+$0x0] =	vst.idx.msk $0xffff, v5  }
0x117: {  	v4 =	vld [tilespmem:$0x48A0];
	_ =	sdelay $0x3  }
0x118: {  	v5 =	vld [tilespmem:$0x48B0]  }
0x119: {  	[tilespmem:v6+s25+$0x0] =	vst.idx.msk $0xffff, v4;
	v4 =	vld [tilespmem:$0x1F0C0];
	_ =	sdelay $0x5  }
0x11a: {  	v6 =	vld [tilespmem:$0x1F0D0];
	_ =	sdelay $0x1  }
0x11b: {  	[tilespmem:v4+s25+$0x0] =	vst.idx.msk $0xffff, v5  }
0x11c: {  	v4 =	vld [tilespmem:$0x48C0];
	_ =	sdelay $0x3  }
0x11d: {  	v5 =	vld [tilespmem:$0x48D0]  }
0x11e: {  	[tilespmem:v6+s25+$0x0] =	vst.idx.msk $0xffff, v4;
	v4 =	vld [tilespmem:$0x1F0E0];
	_ =	sdelay $0x5  }
0x11f: {  	v6 =	vld [tilespmem:$0x1F0F0];
	_ =	sdelay $0x1  }
0x120: {  	[tilespmem:v4+s25+$0x0] =	vst.idx.msk $0xffff, v5  }
0x121: {  	v4 =	vld [tilespmem:$0x48E0];
	_ =	sdelay $0x3  }
0x122: {  	v5 =	vld [tilespmem:$0x48F0]  }
0x123: {  	[tilespmem:v6+s25+$0x0] =	vst.idx.msk $0xffff, v4;
	v4 =	vld [tilespmem:$0x1F100];
	_ =	sdelay $0x5  }
0x124: {  	v6 =	vld [tilespmem:$0x1F110];
	_ =	sdelay $0x1  }
0x125: {  	[tilespmem:v4+s25+$0x0] =	vst.idx.msk $0xffff, v5  }
0x126: {  	v4 =	vld [tilespmem:$0x4900];
	_ =	sdelay $0x3  }
0x127: {  	v5 =	vld [tilespmem:$0x4910]  }
0x128: {  	[tilespmem:v6+s25+$0x0] =	vst.idx.msk $0xffff, v4;
	v4 =	vld [tilespmem:$0x1F120];
	_ =	sdelay $0x5  }
0x129: {  	v6 =	vld [tilespmem:$0x1F130];
	_ =	sdelay $0x1  }
0x12a: {  	[tilespmem:v4+s25+$0x0] =	vst.idx.msk $0xffff, v5  }
0x12b: {  	v4 =	vld [tilespmem:$0x4920];
	_ =	sdelay $0x3  }
0x12c: {  	v5 =	vld [tilespmem:$0x4930]  }
0x12d: {  	[tilespmem:v6+s25+$0x0] =	vst.idx.msk $0xffff, v4;
	v4 =	vld [tilespmem:$0x1F140];
	_ =	sdelay $0x5  }
0x12e: {  	v6 =	vld [tilespmem:$0x1F150];
	_ =	sdelay $0x1  }
0x12f: {  	[tilespmem:v4+s25+$0x0] =	vst.idx.msk $0xffff, v5  }
0x130: {  	v4 =	vld [tilespmem:$0x4940];
	_ =	sdelay $0x3  }
0x131: {  	v5 =	vld [tilespmem:$0x4950]  }
0x132: {  	[tilespmem:v6+s25+$0x0] =	vst.idx.msk $0xffff, v4;
	v4 =	vld [tilespmem:$0x1F160];
	_ =	sdelay $0x5  }
0x133: {  	v6 =	vld [tilespmem:$0x1F170];
	_ =	sdelay $0x1  }
0x134: {  	[tilespmem:v4+s25+$0x0] =	vst.idx.msk $0xffff, v5  }
0x135: {  	v4 =	vld [tilespmem:$0x4960];
	_ =	sdelay $0x3  }
0x136: {  	v5 =	vld [tilespmem:$0x4970]  }
0x137: {  	[tilespmem:v6+s25+$0x0] =	vst.idx.msk $0xffff, v4;
	v4 =	vld [tilespmem:$0x1F180];
	_ =	sdelay $0x5  }
0x138: {  	v6 =	vld [tilespmem:$0x1F190];
	_ =	sdelay $0x1  }
0x139: {  	[tilespmem:v4+s25+$0x0] =	vst.idx.msk $0xffff, v5  }
0x13a: {  	v4 =	vld [tilespmem:$0x4980];
	_ =	sdelay $0x3  }
0x13b: {  	v5 =	vld [tilespmem:$0x4990]  }
0x13c: {  	[tilespmem:v6+s25+$0x0] =	vst.idx.msk $0xffff, v4;
	v4 =	vld [tilespmem:$0x1F1A0];
	_ =	sdelay $0x5  }
0x13d: {  	v6 =	vld [tilespmem:$0x1F1B0];
	_ =	sdelay $0x1  }
0x13e: {  	[tilespmem:v4+s25+$0x0] =	vst.idx.msk $0xffff, v5  }
0x13f: {  	v4 =	vld [tilespmem:$0x49A0];
	_ =	sdelay $0x3  }
0x140: {  	v5 =	vld [tilespmem:$0x49B0]  }
0x141: {  	[tilespmem:v6+s25+$0x0] =	vst.idx.msk $0xffff, v4;
	v4 =	vld [tilespmem:$0x1F1C0];
	_ =	sdelay $0x5  }
0x142: {  	v6 =	vld [tilespmem:$0x1F1D0];
	_ =	sdelay $0x1  }
0x143: {  	[tilespmem:v4+s25+$0x0] =	vst.idx.msk $0xffff, v5  }
0x144: {  	v4 =	vld [tilespmem:$0x49C0];
	_ =	sdelay $0x3  }
0x145: {  	v5 =	vld [tilespmem:$0x49D0]  }
0x146: {  	[tilespmem:v6+s25+$0x0] =	vst.idx.msk $0xffff, v4;
	v4 =	vld [tilespmem:$0x1F1E0];
	_ =	sdelay $0x5  }
0x147: {  	v6 =	vld [tilespmem:$0x1F1F0];
	_ =	sdelay $0x1  }
0x148: {  	[tilespmem:v4+s25+$0x0] =	vst.idx.msk $0xffff, v5  }
0x149: {  	v4 =	vld [tilespmem:$0x49E0];
	_ =	sdelay $0x3  }
0x14a: {  	v5 =	vld [tilespmem:$0x49F0]  }
0x14b: {  	[tilespmem:v6+s25+$0x0] =	vst.idx.msk $0xffff, v4;
	v4 =	vld [tilespmem:$0x1F200];
	_ =	sdelay $0x5  }
0x14c: {  	v6 =	vld [tilespmem:$0x1F210];
	_ =	sdelay $0x1  }
0x14d: {  	[tilespmem:v4+s25+$0x0] =	vst.idx.msk $0xffff, v5  }
0x14e: {  	v4 =	vld [tilespmem:$0x4A00];
	_ =	sdelay $0x3  }
0x14f: {  	v5 =	vld [tilespmem:$0x4A10]  }
0x150: {  	[tilespmem:v6+s25+$0x0] =	vst.idx.msk $0xffff, v4;
	v4 =	vld [tilespmem:$0x1F220];
	_ =	sdelay $0x5  }
0x151: {  	v6 =	vld [tilespmem:$0x1F230];
	_ =	sdelay $0x1  }
0x152: {  	[tilespmem:v4+s25+$0x0] =	vst.idx.msk $0xffff, v5  }
0x153: {  	v4 =	vld [tilespmem:$0x4A20];
	_ =	sdelay $0x3  }
0x154: {  	v5 =	vld [tilespmem:$0x4A30]  }
0x155: {  	[tilespmem:v6+s25+$0x0] =	vst.idx.msk $0xffff, v4;
	v4 =	vld [tilespmem:$0x1F240];
	_ =	sdelay $0x7  }
0x156: {  	[tilespmem:v4+s25+$0x0] =	vst.idx.msk $0xffff, v5  }
0x157: {  	v4 =	vld [tilespmem:$0x4A40]  }
0x158: {  	v5 =	vld [tilespmem:$0x4A50]  }
0x159: {  	v6 =	vld [tilespmem:$0x1F250];
	_ =	sdelay $0x7  }
0x15a: {  	[tilespmem:v6+s25+$0x0] =	vst.idx.msk $0xffff, v4;
	v4 =	vld [tilespmem:$0x1F260];
	_ =	sdelay $0x5  }
0x15b: {  	v6 =	vld [tilespmem:$0x1F270];
	_ =	sdelay $0x1  }
0x15c: {  	[tilespmem:v4+s25+$0x0] =	vst.idx.msk $0xffff, v5  }
0x15d: {  	v4 =	vld [tilespmem:$0x4A60];
	_ =	sdelay $0x3  }
0x15e: {  	v5 =	vld [tilespmem:$0x4A70]  }
0x15f: {  	[tilespmem:v6+s25+$0x0] =	vst.idx.msk $0xffff, v4;
	v4 =	vld [tilespmem:$0x1F280];
	_ =	sdelay $0x5  }
0x160: {  	v6 =	vld [tilespmem:$0x1F290];
	_ =	sdelay $0x1  }
0x161: {  	[tilespmem:v4+s25+$0x0] =	vst.idx.msk $0xffff, v5  }
0x162: {  	v4 =	vld [tilespmem:$0x4A80];
	_ =	sdelay $0x3  }
0x163: {  	v5 =	vld [tilespmem:$0x4A90]  }
0x164: {  	[tilespmem:v6+s25+$0x0] =	vst.idx.msk $0xffff, v4;
	v4 =	vld [tilespmem:$0x1F2A0];
	_ =	sdelay $0x5  }
0x165: {  	v6 =	vld [tilespmem:$0x1F2B0];
	_ =	sdelay $0x1  }
0x166: {  	[tilespmem:v4+s25+$0x0] =	vst.idx.msk $0xffff, v5  }
0x167: {  	v4 =	vld [tilespmem:$0x4AA0];
	_ =	sdelay $0x3  }
0x168: {  	v5 =	vld [tilespmem:$0x4AB0]  }
0x169: {  	[tilespmem:v6+s25+$0x0] =	vst.idx.msk $0xffff, v4;
	v4 =	vld [tilespmem:$0x1F2C0];
	_ =	sdelay $0x5  }
0x16a: {  	v6 =	vld [tilespmem:$0x1F2D0];
	_ =	sdelay $0x1  }
0x16b: {  	[tilespmem:v4+s25+$0x0] =	vst.idx.msk $0xffff, v5  }
0x16c: {  	v4 =	vld [tilespmem:$0x4AC0];
	_ =	sdelay $0x3  }
0x16d: {  	v5 =	vld [tilespmem:$0x4AD0]  }
0x16e: {  	[tilespmem:v6+s25+$0x0] =	vst.idx.msk $0xffff, v4;
	v4 =	vld [tilespmem:$0x1F2E0];
	_ =	sdelay $0x5  }
0x16f: {  	v6 =	vld [tilespmem:$0x1F2F0];
	_ =	sdelay $0x1  }
0x170: {  	[tilespmem:v4+s25+$0x0] =	vst.idx.msk $0xffff, v5  }
0x171: {  	v4 =	vld [tilespmem:$0x4AE0];
	_ =	sdelay $0x3  }
0x172: {  	v5 =	vld [tilespmem:$0x4AF0]  }
0x173: {  	[tilespmem:v6+s25+$0x0] =	vst.idx.msk $0xffff, v4;
	v4 =	vld [tilespmem:$0x1F300];
	_ =	sdelay $0x5  }
0x174: {  	v6 =	vld [tilespmem:$0x1F310];
	_ =	sdelay $0x1  }
0x175: {  	[tilespmem:v4+s25+$0x0] =	vst.idx.msk $0xffff, v5  }
0x176: {  	v4 =	vld [tilespmem:$0x4B00];
	_ =	sdelay $0x3  }
0x177: {  	v5 =	vld [tilespmem:$0x4B10]  }
0x178: {  	[tilespmem:v6+s25+$0x0] =	vst.idx.msk $0xffff, v4;
	v4 =	vld [tilespmem:$0x1F320];
	_ =	sdelay $0x5  }
0x179: {  	v6 =	vld [tilespmem:$0x1F330];
	_ =	sdelay $0x1  }
0x17a: {  	[tilespmem:v4+s25+$0x0] =	vst.idx.msk $0xffff, v5  }
0x17b: {  	v4 =	vld [tilespmem:$0x4B20];
	_ =	sdelay $0x3  }
0x17c: {  	v5 =	vld [tilespmem:$0x4B30]  }
0x17d: {  	[tilespmem:v6+s25+$0x0] =	vst.idx.msk $0xffff, v4;
	v4 =	vld [tilespmem:$0x1F340];
	_ =	sdelay $0x5  }
0x17e: {  	v6 =	vld [tilespmem:$0x1F350];
	_ =	sdelay $0x1  }
0x17f: {  	[tilespmem:v4+s25+$0x0] =	vst.idx.msk $0xffff, v5  }
0x180: {  	v4 =	vld [tilespmem:$0x4B40];
	_ =	sdelay $0x3  }
0x181: {  	v5 =	vld [tilespmem:$0x4B50]  }
0x182: {  	[tilespmem:v6+s25+$0x0] =	vst.idx.msk $0xffff, v4;
	v4 =	vld [tilespmem:$0x1F360];
	_ =	sdelay $0x5  }
0x183: {  	v6 =	vld [tilespmem:$0x1F370];
	_ =	sdelay $0x1  }
0x184: {  	[tilespmem:v4+s25+$0x0] =	vst.idx.msk $0xffff, v5  }
0x185: {  	v4 =	vld [tilespmem:$0x4B60];
	_ =	sdelay $0x3  }
0x186: {  	v5 =	vld [tilespmem:$0x4B70]  }
0x187: {  	[tilespmem:v6+s25+$0x0] =	vst.idx.msk $0xffff, v4;
	v4 =	vld [tilespmem:$0x1F380];
	_ =	sdelay $0x5  }
0x188: {  	v6 =	vld [tilespmem:$0x1F390];
	_ =	sdelay $0x1  }
0x189: {  	[tilespmem:v4+s25+$0x0] =	vst.idx.msk $0xffff, v5  }
0x18a: {  	v4 =	vld [tilespmem:$0x4B80];
	_ =	sdelay $0x3  }
0x18b: {  	v5 =	vld [tilespmem:$0x4B90]  }
0x18c: {  	[tilespmem:v6+s25+$0x0] =	vst.idx.msk $0xffff, v4;
	v4 =	vld [tilespmem:$0x1F3A0];
	_ =	sdelay $0x5  }
0x18d: {  	v6 =	vld [tilespmem:$0x1F3B0];
	_ =	sdelay $0x1  }
0x18e: {  	[tilespmem:v4+s25+$0x0] =	vst.idx.msk $0xffff, v5  }
0x18f: {  	v4 =	vld [tilespmem:$0x4BA0];
	_ =	sdelay $0x3  }
0x190: {  	v5 =	vld [tilespmem:$0x4BB0]  }
0x191: {  	[tilespmem:v6+s25+$0x0] =	vst.idx.msk $0xffff, v4;
	v4 =	vld [tilespmem:$0x1F3C0];
	_ =	sdelay $0x5  }
0x192: {  	v6 =	vld [tilespmem:$0x1F3D0];
	_ =	sdelay $0x1  }
0x193: {  	[tilespmem:v4+s25+$0x0] =	vst.idx.msk $0xffff, v5  }
0x194: {  	v4 =	vld [tilespmem:$0x4BC0];
	_ =	sdelay $0x3  }
0x195: {  	v5 =	vld [tilespmem:$0x4BD0]  }
0x196: {  	[tilespmem:v6+s25+$0x0] =	vst.idx.msk $0xffff, v4;
	v4 =	vld [tilespmem:$0x1F3E0];
	_ =	sdelay $0x5  }
0x197: {  	v6 =	vld [tilespmem:$0x1F3F0];
	_ =	sdelay $0x1  }
0x198: {  	[tilespmem:v4+s25+$0x0] =	vst.idx.msk $0xffff, v5  }
0x199: {  	v4 =	vld [tilespmem:$0x4BE0];
	_ =	sdelay $0x3  }
0x19a: {  	v5 =	vld [tilespmem:$0x4BF0]  }
0x19b: {  	[tilespmem:v6+s25+$0x0] =	vst.idx.msk $0xffff, v4;
	v4 =	vld [tilespmem:$0x1F400];
	_ =	sdelay $0x5  }
0x19c: {  	v6 =	vld [tilespmem:$0x1F410];
	_ =	sdelay $0x1  }
0x19d: {  	[tilespmem:v4+s25+$0x0] =	vst.idx.msk $0xffff, v5  }
0x19e: {  	v4 =	vld [tilespmem:$0x4C00];
	_ =	sdelay $0x3  }
0x19f: {  	v5 =	vld [tilespmem:$0x4C10]  }
0x1a0: {  	[tilespmem:v6+s25+$0x0] =	vst.idx.msk $0xffff, v4;
	v4 =	vld [tilespmem:$0x1F420];
	_ =	sdelay $0x5  }
0x1a1: {  	v6 =	vld [tilespmem:$0x1F430];
	_ =	sdelay $0x1  }
0x1a2: {  	[tilespmem:v4+s25+$0x0] =	vst.idx.msk $0xffff, v5  }
0x1a3: {  	v4 =	vld [tilespmem:$0x4C20];
	_ =	sdelay $0x3  }
0x1a4: {  	v5 =	vld [tilespmem:$0x4C30]  }
0x1a5: {  	[tilespmem:v6+s25+$0x0] =	vst.idx.msk $0xffff, v4;
	v4 =	vld [tilespmem:$0x1F440];
	_ =	sdelay $0x5  }
0x1a6: {  	v6 =	vld [tilespmem:$0x1F450];
	_ =	sdelay $0x1  }
0x1a7: {  	[tilespmem:v4+s25+$0x0] =	vst.idx.msk $0xffff, v5  }
0x1a8: {  	v4 =	vld [tilespmem:$0x4C40];
	_ =	sdelay $0x3  }
0x1a9: {  	v5 =	vld [tilespmem:$0x4C50]  }
0x1aa: {  	[tilespmem:v6+s25+$0x0] =	vst.idx.msk $0xffff, v4;
	v4 =	vld [tilespmem:$0x1F460];
	_ =	sdelay $0x5  }
0x1ab: {  	v6 =	vld [tilespmem:$0x1F470];
	_ =	sdelay $0x1  }
0x1ac: {  	[tilespmem:v4+s25+$0x0] =	vst.idx.msk $0xffff, v5  }
0x1ad: {  	v4 =	vld [tilespmem:$0x4C60];
	_ =	sdelay $0x3  }
0x1ae: {  	v5 =	vld [tilespmem:$0x4C70]  }
0x1af: {  	[tilespmem:v6+s25+$0x0] =	vst.idx.msk $0xffff, v4;
	v4 =	vld [tilespmem:$0x1F480];
	_ =	sdelay $0x5  }
0x1b0: {  	v6 =	vld [tilespmem:$0x1F490];
	_ =	sdelay $0x1  }
0x1b1: {  	[tilespmem:v4+s25+$0x0] =	vst.idx.msk $0xffff, v5  }
0x1b2: {  	v4 =	vld [tilespmem:$0x4C80];
	_ =	sdelay $0x3  }
0x1b3: {  	v5 =	vld [tilespmem:$0x4C90]  }
0x1b4: {  	[tilespmem:v6+s25+$0x0] =	vst.idx.msk $0xffff, v4;
	v4 =	vld [tilespmem:$0x1F4A0];
	_ =	sdelay $0x5  }
0x1b5: {  	v6 =	vld [tilespmem:$0x1F4B0];
	_ =	sdelay $0x1  }
0x1b6: {  	[tilespmem:v4+s25+$0x0] =	vst.idx.msk $0xffff, v5  }
0x1b7: {  	v4 =	vld [tilespmem:$0x4CA0];
	_ =	sdelay $0x3  }
0x1b8: {  	v5 =	vld [tilespmem:$0x4CB0]  }
0x1b9: {  	[tilespmem:v6+s25+$0x0] =	vst.idx.msk $0xffff, v4;
	v4 =	vld [tilespmem:$0x1F4C0];
	_ =	sdelay $0x5  }
0x1ba: {  	v6 =	vld [tilespmem:$0x1F4D0];
	_ =	sdelay $0x1  }
0x1bb: {  	[tilespmem:v4+s25+$0x0] =	vst.idx.msk $0xffff, v5  }
0x1bc: {  	v4 =	vld [tilespmem:$0x4CC0];
	_ =	sdelay $0x3  }
0x1bd: {  	v5 =	vld [tilespmem:$0x4CD0]  }
0x1be: {  	[tilespmem:v6+s25+$0x0] =	vst.idx.msk $0xffff, v4;
	v4 =	vld [tilespmem:$0x1F4E0];
	_ =	sdelay $0x5  }
0x1bf: {  	v6 =	vld [tilespmem:$0x1F4F0];
	_ =	sdelay $0x1  }
0x1c0: {  	[tilespmem:v4+s25+$0x0] =	vst.idx.msk $0xffff, v5  }
0x1c1: {  	v4 =	vld [tilespmem:$0x4CE0];
	_ =	sdelay $0x3  }
0x1c2: {  	v5 =	vld [tilespmem:$0x4CF0]  }
0x1c3: {  	[tilespmem:v6+s25+$0x0] =	vst.idx.msk $0xffff, v4;
	v4 =	vld [tilespmem:$0x1F500];
	_ =	sdelay $0x5  }
0x1c4: {  	v6 =	vld [tilespmem:$0x1F510];
	_ =	sdelay $0x1  }
0x1c5: {  	[tilespmem:v4+s25+$0x0] =	vst.idx.msk $0xffff, v5  }
0x1c6: {  	v4 =	vld [tilespmem:$0x4D00];
	_ =	sdelay $0x3  }
0x1c7: {  	v5 =	vld [tilespmem:$0x4D10]  }
0x1c8: {  	[tilespmem:v6+s25+$0x0] =	vst.idx.msk $0xffff, v4;
	v4 =	vld [tilespmem:$0x1F520];
	_ =	sdelay $0x5  }
0x1c9: {  	v6 =	vld [tilespmem:$0x1F530];
	_ =	sdelay $0x1  }
0x1ca: {  	[tilespmem:v4+s25+$0x0] =	vst.idx.msk $0xffff, v5  }
0x1cb: {  	v4 =	vld [tilespmem:$0x4D20];
	_ =	sdelay $0x3  }
0x1cc: {  	v5 =	vld [tilespmem:$0x4D30]  }
0x1cd: {  	[tilespmem:v6+s25+$0x0] =	vst.idx.msk $0xffff, v4;
	v4 =	vld [tilespmem:$0x1F540];
	_ =	sdelay $0x5  }
0x1ce: {  	v6 =	vld [tilespmem:$0x1F550];
	_ =	sdelay $0x1  }
0x1cf: {  	[tilespmem:v4+s25+$0x0] =	vst.idx.msk $0xffff, v5  }
0x1d0: {  	v4 =	vld [tilespmem:$0x4D40];
	_ =	sdelay $0x3  }
0x1d1: {  	v5 =	vld [tilespmem:$0x4D50]  }
0x1d2: {  	[tilespmem:v6+s25+$0x0] =	vst.idx.msk $0xffff, v4;
	v4 =	vld [tilespmem:$0x1F560];
	_ =	sdelay $0x5  }
0x1d3: {  	v6 =	vld [tilespmem:$0x1F570];
	_ =	sdelay $0x1  }
0x1d4: {  	[tilespmem:v4+s25+$0x0] =	vst.idx.msk $0xffff, v5  }
0x1d5: {  	v4 =	vld [tilespmem:$0x4D60];
	_ =	sdelay $0x3  }
0x1d6: {  	v5 =	vld [tilespmem:$0x4D70]  }
0x1d7: {  	[tilespmem:v6+s25+$0x0] =	vst.idx.msk $0xffff, v4;
	v4 =	vld [tilespmem:$0x1F580];
	_ =	sdelay $0x5  }
0x1d8: {  	v6 =	vld [tilespmem:$0x1F590];
	_ =	sdelay $0x1  }
0x1d9: {  	[tilespmem:v4+s25+$0x0] =	vst.idx.msk $0xffff, v5  }
0x1da: {  	v4 =	vld [tilespmem:$0x4D80];
	_ =	sdelay $0x3  }
0x1db: {  	v5 =	vld [tilespmem:$0x4D90]  }
0x1dc: {  	[tilespmem:v6+s25+$0x0] =	vst.idx.msk $0xffff, v4;
	v4 =	vld [tilespmem:$0x1F5A0];
	_ =	sdelay $0x5  }
0x1dd: {  	v6 =	vld [tilespmem:$0x1F5B0];
	_ =	sdelay $0x1  }
0x1de: {  	[tilespmem:v4+s25+$0x0] =	vst.idx.msk $0xffff, v5  }
0x1df: {  	v4 =	vld [tilespmem:$0x4DA0];
	_ =	sdelay $0x3  }
0x1e0: {  	v5 =	vld [tilespmem:$0x4DB0]  }
0x1e1: {  	[tilespmem:v6+s25+$0x0] =	vst.idx.msk $0xffff, v4;
	v4 =	vld [tilespmem:$0x1F5C0];
	_ =	sdelay $0x5  }
0x1e2: {  	v6 =	vld [tilespmem:$0x1F5D0];
	_ =	sdelay $0x1  }
0x1e3: {  	[tilespmem:v4+s25+$0x0] =	vst.idx.msk $0xffff, v5  }
0x1e4: {  	v4 =	vld [tilespmem:$0x4DC0];
	_ =	sdelay $0x3  }
0x1e5: {  	v5 =	vld [tilespmem:$0x4DD0]  }
0x1e6: {  	[tilespmem:v6+s25+$0x0] =	vst.idx.msk $0xffff, v4;
	v4 =	vld [tilespmem:$0x1F5E0];
	_ =	sdelay $0x5  }
0x1e7: {  	v6 =	vld [tilespmem:$0x1F5F0];
	_ =	sdelay $0x1  }
0x1e8: {  	[tilespmem:v4+s25+$0x0] =	vst.idx.msk $0xffff, v5  }
0x1e9: {  	v4 =	vld [tilespmem:$0x4DE0];
	_ =	sdelay $0x3  }
0x1ea: {  	v5 =	vld [tilespmem:$0x4DF0]  }
0x1eb: {  	[tilespmem:v6+s25+$0x0] =	vst.idx.msk $0xffff, v4;
	v4 =	vld [tilespmem:$0x1F600];
	_ =	sdelay $0x5  }
0x1ec: {  	v6 =	vld [tilespmem:$0x1F610];
	_ =	sdelay $0x1  }
0x1ed: {  	[tilespmem:v4+s25+$0x0] =	vst.idx.msk $0xffff, v5  }
0x1ee: {  	v4 =	vld [tilespmem:$0x4E00];
	_ =	sdelay $0x3  }
0x1ef: {  	v5 =	vld [tilespmem:$0x4E10]  }
0x1f0: {  	[tilespmem:v6+s25+$0x0] =	vst.idx.msk $0xffff, v4;
	v4 =	vld [tilespmem:$0x1F620];
	_ =	sdelay $0x5  }
0x1f1: {  	v6 =	vld [tilespmem:$0x1F630];
	_ =	sdelay $0x1  }
0x1f2: {  	[tilespmem:v4+s25+$0x0] =	vst.idx.msk $0xffff, v5  }
0x1f3: {  	v4 =	vld [tilespmem:$0x4E20];
	_ =	sdelay $0x3  }
0x1f4: {  	v5 =	vld [tilespmem:$0x4E30]  }
0x1f5: {  	[tilespmem:v6+s25+$0x0] =	vst.idx.msk $0xffff, v4;
	v4 =	vld [tilespmem:$0x1F640];
	_ =	sdelay $0x5  }
0x1f6: {  	v6 =	vld [tilespmem:$0x1F650];
	_ =	sdelay $0x1  }
0x1f7: {  	[tilespmem:v4+s25+$0x0] =	vst.idx.msk $0xffff, v5  }
0x1f8: {  	v4 =	vld [tilespmem:$0x4E40];
	_ =	sdelay $0x3  }
0x1f9: {  	v5 =	vld [tilespmem:$0x4E50]  }
0x1fa: {  	[tilespmem:v6+s25+$0x0] =	vst.idx.msk $0xffff, v4;
	v4 =	vld [tilespmem:$0x1F660];
	_ =	sdelay $0x5  }
0x1fb: {  	v6 =	vld [tilespmem:$0x1F670];
	_ =	sdelay $0x1  }
0x1fc: {  	[tilespmem:v4+s25+$0x0] =	vst.idx.msk $0xffff, v5  }
0x1fd: {  	v4 =	vld [tilespmem:$0x4E60];
	_ =	sdelay $0x3  }
0x1fe: {  	v5 =	vld [tilespmem:$0x4E70]  }
0x1ff: {  	[tilespmem:v6+s25+$0x0] =	vst.idx.msk $0xffff, v4;
	v4 =	vld [tilespmem:$0x1F680];
	_ =	sdelay $0x5  }
0x200: {  	v6 =	vld [tilespmem:$0x1F690];
	_ =	sdelay $0x1  }
0x201: {  	[tilespmem:v4+s25+$0x0] =	vst.idx.msk $0xffff, v5  }
0x202: {  	v4 =	vld [tilespmem:$0x4E80];
	_ =	sdelay $0x3  }
0x203: {  	v5 =	vld [tilespmem:$0x4E90]  }
0x204: {  	[tilespmem:v6+s25+$0x0] =	vst.idx.msk $0xffff, v4;
	v4 =	vld [tilespmem:$0x1F6A0];
	_ =	sdelay $0x5  }
0x205: {  	v6 =	vld [tilespmem:$0x1F6B0];
	_ =	sdelay $0x1  }
0x206: {  	[tilespmem:v4+s25+$0x0] =	vst.idx.msk $0xffff, v5  }
0x207: {  	v4 =	vld [tilespmem:$0x4EA0];
	_ =	sdelay $0x3  }
0x208: {  	v5 =	vld [tilespmem:$0x4EB0]  }
0x209: {  	[tilespmem:v6+s25+$0x0] =	vst.idx.msk $0xffff, v4;
	v4 =	vld [tilespmem:$0x1F6C0];
	_ =	sdelay $0x5  }
0x20a: {  	v6 =	vld [tilespmem:$0x1F6D0];
	_ =	sdelay $0x1  }
0x20b: {  	[tilespmem:v4+s25+$0x0] =	vst.idx.msk $0xffff, v5  }
0x20c: {  	v4 =	vld [tilespmem:$0x4EC0];
	_ =	sdelay $0x3  }
0x20d: {  	v5 =	vld [tilespmem:$0x4ED0]  }
0x20e: {  	[tilespmem:v6+s25+$0x0] =	vst.idx.msk $0xffff, v4;
	v4 =	vld [tilespmem:$0x1F6E0];
	_ =	sdelay $0x5  }
0x20f: {  	v6 =	vld [tilespmem:$0x1F6F0];
	_ =	sdelay $0x1  }
0x210: {  	[tilespmem:v4+s25+$0x0] =	vst.idx.msk $0xffff, v5  }
0x211: {  	v4 =	vld [tilespmem:$0x4EE0];
	_ =	sdelay $0x3  }
0x212: {  	v5 =	vld [tilespmem:$0x4EF0]  }
0x213: {  	[tilespmem:v6+s25+$0x0] =	vst.idx.msk $0xffff, v4;
	v4 =	vld [tilespmem:$0x1F700];
	_ =	sdelay $0x5  }
0x214: {  	v6 =	vld [tilespmem:$0x1F710];
	_ =	sdelay $0x1  }
0x215: {  	[tilespmem:v4+s25+$0x0] =	vst.idx.msk $0xffff, v5  }
0x216: {  	v4 =	vld [tilespmem:$0x4F00];
	_ =	sdelay $0x3  }
0x217: {  	v5 =	vld [tilespmem:$0x4F10]  }
0x218: {  	[tilespmem:v6+s25+$0x0] =	vst.idx.msk $0xffff, v4;
	v4 =	vld [tilespmem:$0x1F720];
	_ =	sdelay $0x5  }
0x219: {  	v6 =	vld [tilespmem:$0x1F730];
	_ =	sdelay $0x1  }
0x21a: {  	[tilespmem:v4+s25+$0x0] =	vst.idx.msk $0xffff, v5  }
0x21b: {  	v4 =	vld [tilespmem:$0x4F20];
	_ =	sdelay $0x3  }
0x21c: {  	v5 =	vld [tilespmem:$0x4F30]  }
0x21d: {  	[tilespmem:v6+s25+$0x0] =	vst.idx.msk $0xffff, v4;
	v4 =	vld [tilespmem:$0x1F740];
	_ =	sdelay $0x5  }
0x21e: {  	v6 =	vld [tilespmem:$0x1F750];
	_ =	sdelay $0x1  }
0x21f: {  	[tilespmem:v4+s25+$0x0] =	vst.idx.msk $0xffff, v5  }
0x220: {  	v4 =	vld [tilespmem:$0x4F40];
	_ =	sdelay $0x3  }
0x221: {  	v5 =	vld [tilespmem:$0x4F50]  }
0x222: {  	[tilespmem:v6+s25+$0x0] =	vst.idx.msk $0xffff, v4;
	v4 =	vld [tilespmem:$0x1F760];
	_ =	sdelay $0x5  }
0x223: {  	v6 =	vld [tilespmem:$0x1F770];
	_ =	sdelay $0x1  }
0x224: {  	[tilespmem:v4+s25+$0x0] =	vst.idx.msk $0xffff, v5  }
0x225: {  	v4 =	vld [tilespmem:$0x4F60];
	_ =	sdelay $0x3  }
0x226: {  	v5 =	vld [tilespmem:$0x4F70]  }
0x227: {  	[tilespmem:v6+s25+$0x0] =	vst.idx.msk $0xffff, v4;
	v4 =	vld [tilespmem:$0x1F780];
	_ =	sdelay $0x5  }
0x228: {  	v6 =	vld [tilespmem:$0x1F790];
	_ =	sdelay $0x1  }
0x229: {  	[tilespmem:v4+s25+$0x0] =	vst.idx.msk $0xffff, v5  }
0x22a: {  	v4 =	vld [tilespmem:$0x4F80];
	_ =	sdelay $0x3  }
0x22b: {  	v5 =	vld [tilespmem:$0x4F90]  }
0x22c: {  	[tilespmem:v6+s25+$0x0] =	vst.idx.msk $0xffff, v4;
	v4 =	vld [tilespmem:$0x1F7A0];
	_ =	sdelay $0x5  }
0x22d: {  	v6 =	vld [tilespmem:$0x1F7B0];
	_ =	sdelay $0x1  }
0x22e: {  	[tilespmem:v4+s25+$0x0] =	vst.idx.msk $0xffff, v5  }
0x22f: {  	v4 =	vld [tilespmem:$0x4FA0];
	_ =	sdelay $0x3  }
0x230: {  	v5 =	vld [tilespmem:$0x4FB0]  }
0x231: {  	[tilespmem:v6+s25+$0x0] =	vst.idx.msk $0xffff, v4;
	v4 =	vld [tilespmem:$0x1F7C0];
	_ =	sdelay $0x5  }
0x232: {  	v6 =	vld [tilespmem:$0x1F7D0];
	_ =	sdelay $0x1  }
0x233: {  	[tilespmem:v4+s25+$0x0] =	vst.idx.msk $0xffff, v5  }
0x234: {  	v4 =	vld [tilespmem:$0x4FC0];
	_ =	sdelay $0x3  }
0x235: {  	v5 =	vld [tilespmem:$0x4FD0]  }
0x236: {  	[tilespmem:v6+s25+$0x0] =	vst.idx.msk $0xffff, v4;
	v4 =	vld [tilespmem:$0x1F7E0];
	_ =	sdelay $0x5  }
0x237: {  	v6 =	vld [tilespmem:$0x1F7F0];
	_ =	sdelay $0x1  }
0x238: {  	[tilespmem:v4+s25+$0x0] =	vst.idx.msk $0xffff, v5  }
0x239: {  	v4 =	vld [tilespmem:$0x4FE0];
	_ =	sdelay $0x3  }
0x23a: {  	v5 =	vld [tilespmem:$0x4FF0]  }
0x23b: {  	[tilespmem:v6+s25+$0x0] =	vst.idx.msk $0xffff, v4;
	v4 =	vld [tilespmem:$0x1F800];
	_ =	sdelay $0x5  }
0x23c: {  	v6 =	vld [tilespmem:$0x1F810];
	_ =	sdelay $0x1  }
0x23d: {  	[tilespmem:v4+s25+$0x0] =	vst.idx.msk $0xffff, v5  }
0x23e: {  	v4 =	vld [tilespmem:$0x5000];
	_ =	sdelay $0x3  }
0x23f: {  	v5 =	vld [tilespmem:$0x5010]  }
0x240: {  	[tilespmem:v6+s25+$0x0] =	vst.idx.msk $0xffff, v4;
	v4 =	vld [tilespmem:$0x1F820];
	_ =	sdelay $0x5  }
0x241: {  	v6 =	vld [tilespmem:$0x1F830];
	_ =	sdelay $0x1  }
0x242: {  	[tilespmem:v4+s25+$0x0] =	vst.idx.msk $0xffff, v5  }
0x243: {  	v4 =	vld [tilespmem:$0x5020];
	_ =	sdelay $0x3  }
0x244: {  	v5 =	vld [tilespmem:$0x5030]  }
0x245: {  	[tilespmem:v6+s25+$0x0] =	vst.idx.msk $0xffff, v4;
	v4 =	vld [tilespmem:$0x1F840];
	_ =	sdelay $0x5  }
0x246: {  	v6 =	vld [tilespmem:$0x1F850];
	_ =	sdelay $0x1  }
0x247: {  	[tilespmem:v4+s25+$0x0] =	vst.idx.msk $0xffff, v5  }
0x248: {  	v4 =	vld [tilespmem:$0x5040];
	_ =	sdelay $0x3  }
0x249: {  	v5 =	vld [tilespmem:$0x5050]  }
0x24a: {  	[tilespmem:v6+s25+$0x0] =	vst.idx.msk $0xffff, v4;
	v4 =	vld [tilespmem:$0x1F860];
	_ =	sdelay $0x5  }
0x24b: {  	v6 =	vld [tilespmem:$0x1F870];
	_ =	sdelay $0x1  }
0x24c: {  	[tilespmem:v4+s25+$0x0] =	vst.idx.msk $0xffff, v5  }
0x24d: {  	v4 =	vld [tilespmem:$0x5060];
	_ =	sdelay $0x3  }
0x24e: {  	v5 =	vld [tilespmem:$0x5070]  }
0x24f: {  	[tilespmem:v6+s25+$0x0] =	vst.idx.msk $0xffff, v4;
	v4 =	vld [tilespmem:$0x1F880];
	_ =	sdelay $0x5  }
0x250: {  	v6 =	vld [tilespmem:$0x1F890];
	_ =	sdelay $0x1  }
0x251: {  	[tilespmem:v4+s25+$0x0] =	vst.idx.msk $0xffff, v5  }
0x252: {  	v4 =	vld [tilespmem:$0x5080];
	_ =	sdelay $0x3  }
0x253: {  	v5 =	vld [tilespmem:$0x5090]  }
0x254: {  	[tilespmem:v6+s25+$0x0] =	vst.idx.msk $0xffff, v4;
	v4 =	vld [tilespmem:$0x1F8A0];
	_ =	sdelay $0x5  }
0x255: {  	v6 =	vld [tilespmem:$0x1F8B0];
	_ =	sdelay $0x1  }
0x256: {  	[tilespmem:v4+s25+$0x0] =	vst.idx.msk $0xffff, v5  }
0x257: {  	v4 =	vld [tilespmem:$0x50A0];
	_ =	sdelay $0x3  }
0x258: {  	v5 =	vld [tilespmem:$0x50B0]  }
0x259: {  	[tilespmem:v6+s25+$0x0] =	vst.idx.msk $0xffff, v4;
	v4 =	vld [tilespmem:$0x1F8C0];
	_ =	sdelay $0x5  }
0x25a: {  	v6 =	vld [tilespmem:$0x1F8D0];
	_ =	sdelay $0x1  }
0x25b: {  	[tilespmem:v4+s25+$0x0] =	vst.idx.msk $0xffff, v5  }
0x25c: {  	v4 =	vld [tilespmem:$0x50C0];
	_ =	sdelay $0x3  }
0x25d: {  	v5 =	vld [tilespmem:$0x50D0]  }
0x25e: {  	[tilespmem:v6+s25+$0x0] =	vst.idx.msk $0xffff, v4;
	v4 =	vld [tilespmem:$0x1F8E0];
	_ =	sdelay $0x5  }
0x25f: {  	v6 =	vld [tilespmem:$0x1F8F0];
	_ =	sdelay $0x1  }
0x260: {  	[tilespmem:v4+s25+$0x0] =	vst.idx.msk $0xffff, v5  }
0x261: {  	v4 =	vld [tilespmem:$0x50E0];
	_ =	sdelay $0x3  }
0x262: {  	v5 =	vld [tilespmem:$0x50F0]  }
0x263: {  	[tilespmem:v6+s25+$0x0] =	vst.idx.msk $0xffff, v4;
	v4 =	vld [tilespmem:$0x1F900];
	_ =	sdelay $0x5  }
0x264: {  	v6 =	vld [tilespmem:$0x1F910];
	_ =	sdelay $0x1  }
0x265: {  	[tilespmem:v4+s25+$0x0] =	vst.idx.msk $0xffff, v5  }
0x266: {  	v4 =	vld [tilespmem:$0x5100];
	_ =	sdelay $0x3  }
0x267: {  	v5 =	vld [tilespmem:$0x5110]  }
0x268: {  	[tilespmem:v6+s25+$0x0] =	vst.idx.msk $0xffff, v4;
	v4 =	vld [tilespmem:$0x1F920];
	_ =	sdelay $0x5  }
0x269: {  	v6 =	vld [tilespmem:$0x1F930];
	_ =	sdelay $0x1  }
0x26a: {  	[tilespmem:v4+s25+$0x0] =	vst.idx.msk $0xffff, v5  }
0x26b: {  	v4 =	vld [tilespmem:$0x5120];
	_ =	sdelay $0x3  }
0x26c: {  	v5 =	vld [tilespmem:$0x5130]  }
0x26d: {  	[tilespmem:v6+s25+$0x0] =	vst.idx.msk $0xffff, v4;
	v4 =	vld [tilespmem:$0x1F940];
	_ =	sdelay $0x5  }
0x26e: {  	v6 =	vld [tilespmem:$0x1F950];
	_ =	sdelay $0x1  }
0x26f: {  	[tilespmem:v4+s25+$0x0] =	vst.idx.msk $0xffff, v5  }
0x270: {  	v4 =	vld [tilespmem:$0x5140];
	_ =	sdelay $0x3  }
0x271: {  	v5 =	vld [tilespmem:$0x5150]  }
0x272: {  	[tilespmem:v6+s25+$0x0] =	vst.idx.msk $0xffff, v4;
	v4 =	vld [tilespmem:$0x1F960];
	_ =	sdelay $0x5  }
0x273: {  	v6 =	vld [tilespmem:$0x1F970];
	_ =	sdelay $0x1  }
0x274: {  	[tilespmem:v4+s25+$0x0] =	vst.idx.msk $0xffff, v5  }
0x275: {  	v4 =	vld [tilespmem:$0x5160];
	_ =	sdelay $0x3  }
0x276: {  	v5 =	vld [tilespmem:$0x5170]  }
0x277: {  	[tilespmem:v6+s25+$0x0] =	vst.idx.msk $0xffff, v4;
	v4 =	vld [tilespmem:$0x1F980];
	_ =	sdelay $0x5  }
0x278: {  	v6 =	vld [tilespmem:$0x1F990];
	_ =	sdelay $0x1  }
0x279: {  	[tilespmem:v4+s25+$0x0] =	vst.idx.msk $0xffff, v5  }
0x27a: {  	v4 =	vld [tilespmem:$0x5180];
	_ =	sdelay $0x3  }
0x27b: {  	v5 =	vld [tilespmem:$0x5190]  }
0x27c: {  	[tilespmem:v6+s25+$0x0] =	vst.idx.msk $0xffff, v4;
	v4 =	vld [tilespmem:$0x1F9A0];
	_ =	sdelay $0x5  }
0x27d: {  	v6 =	vld [tilespmem:$0x1F9B0];
	_ =	sdelay $0x1  }
0x27e: {  	[tilespmem:v4+s25+$0x0] =	vst.idx.msk $0xffff, v5  }
0x27f: {  	v4 =	vld [tilespmem:$0x51A0];
	_ =	sdelay $0x3  }
0x280: {  	v5 =	vld [tilespmem:$0x51B0]  }
0x281: {  	[tilespmem:v6+s25+$0x0] =	vst.idx.msk $0xffff, v4;
	v4 =	vld [tilespmem:$0x1F9C0];
	_ =	sdelay $0x5  }
0x282: {  	v6 =	vld [tilespmem:$0x1F9D0];
	_ =	sdelay $0x1  }
0x283: {  	[tilespmem:v4+s25+$0x0] =	vst.idx.msk $0xffff, v5  }
0x284: {  	v4 =	vld [tilespmem:$0x51C0];
	_ =	sdelay $0x3  }
0x285: {  	v5 =	vld [tilespmem:$0x51D0]  }
0x286: {  	[tilespmem:v6+s25+$0x0] =	vst.idx.msk $0xffff, v4;
	v4 =	vld [tilespmem:$0x1F9E0];
	_ =	sdelay $0x5  }
0x287: {  	v6 =	vld [tilespmem:$0x1F9F0];
	_ =	sdelay $0x1  }
0x288: {  	[tilespmem:v4+s25+$0x0] =	vst.idx.msk $0xffff, v5  }
0x289: {  	v4 =	vld [tilespmem:$0x51E0];
	_ =	sdelay $0x3  }
0x28a: {  	v5 =	vld [tilespmem:$0x51F0]  }
0x28b: {  	[tilespmem:v6+s25+$0x0] =	vst.idx.msk $0xffff, v4;
	v4 =	vld [tilespmem:$0x1FA00];
	_ =	sdelay $0x5  }
0x28c: {  	v6 =	vld [tilespmem:$0x1FA10];
	_ =	sdelay $0x1  }
0x28d: {  	[tilespmem:v4+s25+$0x0] =	vst.idx.msk $0xffff, v5  }
0x28e: {  	v4 =	vld [tilespmem:$0x5200];
	_ =	sdelay $0x3  }
0x28f: {  	v5 =	vld [tilespmem:$0x5210]  }
0x290: {  	[tilespmem:v6+s25+$0x0] =	vst.idx.msk $0xffff, v4;
	v4 =	vld [tilespmem:$0x1FA20];
	_ =	sdelay $0x5  }
0x291: {  	v6 =	vld [tilespmem:$0x1FA30];
	_ =	sdelay $0x1  }
0x292: {  	[tilespmem:v4+s25+$0x0] =	vst.idx.msk $0xffff, v5  }
0x293: {  	v4 =	vld [tilespmem:$0x5220];
	_ =	sdelay $0x3  }
0x294: {  	v5 =	vld [tilespmem:$0x5230]  }
0x295: {  	[tilespmem:v6+s25+$0x0] =	vst.idx.msk $0xffff, v4;
	v4 =	vld [tilespmem:$0x1FA40];
	_ =	sdelay $0x5  }
0x296: {  	v6 =	vld [tilespmem:$0x1FA50];
	_ =	sdelay $0x1  }
0x297: {  	[tilespmem:v4+s25+$0x0] =	vst.idx.msk $0xffff, v5  }
0x298: {  	v4 =	vld [tilespmem:$0x5240];
	_ =	sdelay $0x3  }
0x299: {  	v5 =	vld [tilespmem:$0x5250]  }
0x29a: {  	[tilespmem:v6+s25+$0x0] =	vst.idx.msk $0xffff, v4;
	v4 =	vld [tilespmem:$0x1FA60];
	_ =	sdelay $0x5  }
0x29b: {  	v6 =	vld [tilespmem:$0x1FA70];
	_ =	sdelay $0x1  }
0x29c: {  	[tilespmem:v4+s25+$0x0] =	vst.idx.msk $0xffff, v5  }
0x29d: {  	v4 =	vld [tilespmem:$0x5260];
	_ =	sdelay $0x3  }
0x29e: {  	v5 =	vld [tilespmem:$0x5270]  }
0x29f: {  	[tilespmem:v6+s25+$0x0] =	vst.idx.msk $0xffff, v4;
	v4 =	vld [tilespmem:$0x1FA80];
	_ =	sdelay $0x5  }
0x2a0: {  	v6 =	vld [tilespmem:$0x1FA90];
	_ =	sdelay $0x1  }
0x2a1: {  	[tilespmem:v4+s25+$0x0] =	vst.idx.msk $0xffff, v5  }
0x2a2: {  	v4 =	vld [tilespmem:$0x5280];
	_ =	sdelay $0x3  }
0x2a3: {  	v5 =	vld [tilespmem:$0x5290]  }
0x2a4: {  	[tilespmem:v6+s25+$0x0] =	vst.idx.msk $0xffff, v4;
	v4 =	vld [tilespmem:$0x1FAA0];
	_ =	sdelay $0x5  }
0x2a5: {  	v6 =	vld [tilespmem:$0x1FAB0];
	_ =	sdelay $0x1  }
0x2a6: {  	[tilespmem:v4+s25+$0x0] =	vst.idx.msk $0xffff, v5  }
0x2a7: {  	v4 =	vld [tilespmem:$0x52A0];
	_ =	sdelay $0x3  }
0x2a8: {  	v5 =	vld [tilespmem:$0x52B0]  }
0x2a9: {  	[tilespmem:v6+s25+$0x0] =	vst.idx.msk $0xffff, v4;
	v4 =	vld [tilespmem:$0x1FAC0];
	_ =	sdelay $0x5  }
0x2aa: {  	v6 =	vld [tilespmem:$0x1FAD0];
	_ =	sdelay $0x1  }
0x2ab: {  	[tilespmem:v4+s25+$0x0] =	vst.idx.msk $0xffff, v5  }
0x2ac: {  	v4 =	vld [tilespmem:$0x52C0];
	_ =	sdelay $0x3  }
0x2ad: {  	v5 =	vld [tilespmem:$0x52D0]  }
0x2ae: {  	[tilespmem:v6+s25+$0x0] =	vst.idx.msk $0xffff, v4;
	v4 =	vld [tilespmem:$0x1FAE0];
	_ =	sdelay $0x5  }
0x2af: {  	v6 =	vld [tilespmem:$0x1FAF0];
	_ =	sdelay $0x1  }
0x2b0: {  	[tilespmem:v4+s25+$0x0] =	vst.idx.msk $0xffff, v5  }
0x2b1: {  	v4 =	vld [tilespmem:$0x52E0];
	_ =	sdelay $0x3  }
0x2b2: {  	v5 =	vld [tilespmem:$0x52F0]  }
0x2b3: {  	[tilespmem:v6+s25+$0x0] =	vst.idx.msk $0xffff, v4;
	v4 =	vld [tilespmem:$0x1FB00];
	_ =	sdelay $0x5  }
0x2b4: {  	v6 =	vld [tilespmem:$0x1FB10];
	_ =	sdelay $0x1  }
0x2b5: {  	[tilespmem:v4+s25+$0x0] =	vst.idx.msk $0xffff, v5  }
0x2b6: {  	v4 =	vld [tilespmem:$0x5300];
	_ =	sdelay $0x3  }
0x2b7: {  	v5 =	vld [tilespmem:$0x5310]  }
0x2b8: {  	[tilespmem:v6+s25+$0x0] =	vst.idx.msk $0xffff, v4;
	v4 =	vld [tilespmem:$0x1FB20];
	_ =	sdelay $0x5  }
0x2b9: {  	v6 =	vld [tilespmem:$0x1FB30];
	_ =	sdelay $0x1  }
0x2ba: {  	[tilespmem:v4+s25+$0x0] =	vst.idx.msk $0xffff, v5  }
0x2bb: {  	v4 =	vld [tilespmem:$0x5320];
	_ =	sdelay $0x3  }
0x2bc: {  	v5 =	vld [tilespmem:$0x5330]  }
0x2bd: {  	[tilespmem:v6+s25+$0x0] =	vst.idx.msk $0xffff, v4;
	v4 =	vld [tilespmem:$0x1FB40];
	_ =	sdelay $0x5  }
0x2be: {  	v6 =	vld [tilespmem:$0x1FB50];
	_ =	sdelay $0x1  }
0x2bf: {  	[tilespmem:v4+s25+$0x0] =	vst.idx.msk $0xffff, v5  }
0x2c0: {  	v4 =	vld [tilespmem:$0x5340];
	_ =	sdelay $0x3  }
0x2c1: {  	v5 =	vld [tilespmem:$0x5350]  }
0x2c2: {  	[tilespmem:v6+s25+$0x0] =	vst.idx.msk $0xffff, v4;
	v4 =	vld [tilespmem:$0x1FB60];
	_ =	sdelay $0x5  }
0x2c3: {  	v6 =	vld [tilespmem:$0x1FB70];
	_ =	sdelay $0x1  }
0x2c4: {  	[tilespmem:v4+s25+$0x0] =	vst.idx.msk $0xffff, v5  }
0x2c5: {  	v4 =	vld [tilespmem:$0x5360];
	_ =	sdelay $0x3  }
0x2c6: {  	v5 =	vld [tilespmem:$0x5370]  }
0x2c7: {  	[tilespmem:v6+s25+$0x0] =	vst.idx.msk $0xffff, v4;
	v4 =	vld [tilespmem:$0x1FB80];
	_ =	sdelay $0x5  }
0x2c8: {  	v6 =	vld [tilespmem:$0x1FB90];
	_ =	sdelay $0x1  }
0x2c9: {  	[tilespmem:v4+s25+$0x0] =	vst.idx.msk $0xffff, v5  }
0x2ca: {  	v4 =	vld [tilespmem:$0x5380];
	_ =	sdelay $0x3  }
0x2cb: {  	v5 =	vld [tilespmem:$0x5390]  }
0x2cc: {  	[tilespmem:v6+s25+$0x0] =	vst.idx.msk $0xffff, v4;
	v4 =	vld [tilespmem:$0x1FBA0];
	_ =	sdelay $0x5  }
0x2cd: {  	v6 =	vld [tilespmem:$0x1FBB0];
	_ =	sdelay $0x1  }
0x2ce: {  	[tilespmem:v4+s25+$0x0] =	vst.idx.msk $0xffff, v5  }
0x2cf: {  	v4 =	vld [tilespmem:$0x53A0];
	_ =	sdelay $0x3  }
0x2d0: {  	v5 =	vld [tilespmem:$0x53B0]  }
0x2d1: {  	[tilespmem:v6+s25+$0x0] =	vst.idx.msk $0xffff, v4;
	v4 =	vld [tilespmem:$0x1FBC0];
	_ =	sdelay $0x5  }
0x2d2: {  	v6 =	vld [tilespmem:$0x1FBD0];
	_ =	sdelay $0x1  }
0x2d3: {  	[tilespmem:v4+s25+$0x0] =	vst.idx.msk $0xffff, v5  }
0x2d4: {  	v4 =	vld [tilespmem:$0x53C0];
	_ =	sdelay $0x3  }
0x2d5: {  	v5 =	vld [tilespmem:$0x53D0]  }
0x2d6: {  	[tilespmem:v6+s25+$0x0] =	vst.idx.msk $0xffff, v4;
	v4 =	vmov v2;
	v2 =	vld [tilespmem:$0x1FBE0];
	_ =	sdelay $0x5  }
0x2d7: {  	v6 =	vld [tilespmem:$0x1FBF0];
	_ =	sdelay $0x1  }
0x2d8: {  	[tilespmem:v2+s25+$0x0] =	vst.idx.msk $0xffff, v5  }
0x2d9: {  	v2 =	vld [tilespmem:$0x53E0];
	_ =	sdelay $0x3  }
0x2da: {  	v5 =	vmov v3;
	v3 =	vld [tilespmem:$0x53F0]  }
0x2db: {  	[tilespmem:v6+s25+$0x0] =	vst.idx.msk $0xffff, v2;
	v2 =	vld [tilespmem:$0x1FC00];
	_ =	sdelay $0x4  }
0x2dc: {  	s18 =	sshrl.u32 s16, $0x1  }
0x2dd: {  	s17 =	sor.u32 s6, s17;
	s18 =	sshll.u32 s18, $0x10  }
0x2de: {  	s17 =	sshll.u32 s17, $0x7;
	s18 =	sadd.s32 s2, s18  }
0x2df: {  	s17 =	sadd.s32 s17, s18;
	[tilespmem:v2+s25+$0x0] =	vst.idx.msk $0xffff, v3  }
0x2e0: {  	[hbm4b:s17+s3] =	stream.linear.scatter [tilespmem:s25], [sflag:$0x4], $0x80, $0x38;
	[tilespmem:$0x7600] =	vst v63  }
0x2e1: {  	s19 =	simm.s32 $0x6588;
	s18 =	sadd.s32 $0x10, s17  }
0x2e2: {  	[hbm4b:s18+s3] =	stream.linear.scatter [tilespmem:s19], [sflag:$0x4], $0x80, $0x38;
	[tilespmem:$0x7600] =	vst v63  }
0x2e3: {  	s20 =	simm.s32 $0x6610;
	s19 =	sadd.s32 $0x20, s17  }
0x2e4: {  	[hbm4b:s19+s3] =	stream.linear.scatter [tilespmem:s20], [sflag:$0x4], $0x80, $0x38;
	[tilespmem:$0x7600] =	vst v63  }
0x2e5: {  	s19 =	sadd.s32 $0x30, s17;
	s20 =	simm.s32 $0x6698  }
0x2e6: {  	[hbm4b:s19+s3] =	stream.linear.scatter [tilespmem:s20], [sflag:$0x4], $0x80, $0x38;
	[tilespmem:$0x7600] =	vst v63  }
0x2e7: {  	s19 =	sadd.s32 $0x40, s17;
	s20 =	simm.s32 $0x6720  }
0x2e8: {  	[hbm4b:s19+s3] =	stream.linear.scatter [tilespmem:s20], [sflag:$0x4], $0x80, $0x38;
	[tilespmem:$0x7600] =	vst v63  }
0x2e9: {  	s19 =	sadd.s32 $0x50, s17;
	s20 =	simm.s32 $0x67A8  }
0x2ea: {  	[hbm4b:s19+s3] =	stream.linear.scatter [tilespmem:s20], [sflag:$0x4], $0x80, $0x38;
	[tilespmem:$0x7600] =	vst v63  }
0x2eb: {  	s19 =	sadd.s32 $0x60, s17;
	s20 =	simm.s32 $0x6830  }
0x2ec: {  	[hbm4b:s19+s3] =	stream.linear.scatter [tilespmem:s20], [sflag:$0x4], $0x80, $0x38;
	[tilespmem:$0x7600] =	vst v63  }
0x2ed: {  	s19 =	sadd.s32 $0x70, s17;
	s20 =	simm.s32 $0x68B8  }
0x2ee: {  	[hbm4b:s19+s3] =	stream.linear.scatter [tilespmem:s20], [sflag:$0x4], $0x80, $0x38;
	[tilespmem:$0x7600] =	vst v63  }
0x2ef: {  	s19 =	sadd.s32 $0x4000, s17;
	s20 =	simm.s32 $0x6940  }
0x2f0: {  	[hbm4b:s19+s3] =	stream.linear.scatter [tilespmem:s20], [sflag:$0x4], $0x80, $0x38;
	[tilespmem:$0x7600] =	vst v63  }
0x2f1: {  	s19 =	sadd.s32 $0x4010, s17;
	s20 =	simm.s32 $0x69C8  }
0x2f2: {  	[hbm4b:s19+s3] =	stream.linear.scatter [tilespmem:s20], [sflag:$0x4], $0x80, $0x38;
	[tilespmem:$0x7600] =	vst v63  }
0x2f3: {  	s19 =	sadd.s32 $0x4020, s17;
	s20 =	simm.s32 $0x6A50  }
0x2f4: {  	[hbm4b:s19+s3] =	stream.linear.scatter [tilespmem:s20], [sflag:$0x4], $0x80, $0x38;
	[tilespmem:$0x7600] =	vst v63  }
0x2f5: {  	s19 =	sadd.s32 $0x4030, s17;
	s20 =	simm.s32 $0x6AD8  }
0x2f6: {  	[hbm4b:s19+s3] =	stream.linear.scatter [tilespmem:s20], [sflag:$0x4], $0x80, $0x38;
	[tilespmem:$0x7600] =	vst v63  }
0x2f7: {  	s19 =	sadd.s32 $0x4040, s17;
	s20 =	simm.s32 $0x6B60  }
0x2f8: {  	[hbm4b:s19+s3] =	stream.linear.scatter [tilespmem:s20], [sflag:$0x4], $0x80, $0x38;
	[tilespmem:$0x7600] =	vst v63  }
0x2f9: {  	s19 =	sadd.s32 $0x4050, s17;
	s20 =	simm.s32 $0x6BE8  }
0x2fa: {  	[hbm4b:s19+s3] =	stream.linear.scatter [tilespmem:s20], [sflag:$0x4], $0x80, $0x38;
	[tilespmem:$0x7600] =	vst v63  }
0x2fb: {  	s19 =	sadd.s32 $0x4060, s17;
	s20 =	simm.s32 $0x6C70  }
0x2fc: {  	[hbm4b:s19+s3] =	stream.linear.scatter [tilespmem:s20], [sflag:$0x4], $0x80, $0x38;
	[tilespmem:$0x7600] =	vst v63  }
0x2fd: {  	s19 =	sadd.s32 $0x4070, s17;
	s20 =	simm.s32 $0x6CF8  }
0x2fe: {  	[hbm4b:s19+s3] =	stream.linear.scatter [tilespmem:s20], [sflag:$0x4], $0x80, $0x38;
	[tilespmem:$0x7600] =	vst v63  }
0x2ff: {  	s19 =	sadd.s32 $0x8000, s17;
	s20 =	simm.s32 $0x6D80  }
0x300: {  	[hbm4b:s19+s3] =	stream.linear.scatter [tilespmem:s20], [sflag:$0x4], $0x80, $0x38;
	[tilespmem:$0x7600] =	vst v63  }
0x301: {  	s19 =	sadd.s32 $0x8010, s17;
	s20 =	simm.s32 $0x6E08  }
0x302: {  	[hbm4b:s19+s3] =	stream.linear.scatter [tilespmem:s20], [sflag:$0x4], $0x80, $0x38;
	[tilespmem:$0x7600] =	vst v63  }
0x303: {  	s19 =	sadd.s32 $0x8020, s17;
	s20 =	simm.s32 $0x6E90  }
0x304: {  	[hbm4b:s19+s3] =	stream.linear.scatter [tilespmem:s20], [sflag:$0x4], $0x80, $0x38;
	[tilespmem:$0x7600] =	vst v63  }
0x305: {  	s19 =	sadd.s32 $0x8030, s17;
	s20 =	simm.s32 $0x6F18  }
0x306: {  	[hbm4b:s19+s3] =	stream.linear.scatter [tilespmem:s20], [sflag:$0x4], $0x80, $0x38;
	[tilespmem:$0x7600] =	vst v63  }
0x307: {  	s20 =	sadd.s32 $0x8040, s17  }
0x308: {  	[hbm4b:s20+s3] =	stream.linear.scatter [tilespmem:s21], [sflag:$0x4], $0x80, $0x38;
	[tilespmem:$0x7600] =	vst v63  }
0x309: {  	s19 =	sadd.s32 $0x8050, s17  }
0x30a: {  	[hbm4b:s19+s3] =	stream.linear.scatter [tilespmem:s22], [sflag:$0x4], $0x80, $0x38;
	[tilespmem:$0x7600] =	vst v63  }
0x30b: {  	s20 =	sadd.s32 $0x8060, s17  }
0x30c: {  	[hbm4b:s20+s3] =	stream.linear.scatter [tilespmem:s26], [sflag:$0x4], $0x80, $0x38;
	[tilespmem:$0x7600] =	vst v63  }
0x30d: {  	s19 =	sadd.s32 $0x8070, s17  }
0x30e: {  	[hbm4b:s19+s3] =	stream.linear.scatter [tilespmem:s28], [sflag:$0x4], $0x80, $0x38;
	[tilespmem:$0x7600] =	vst v63  }
0x30f: {  	s20 =	sadd.s32 $0xC000, s17  }
0x310: {  	[hbm4b:s20+s3] =	stream.linear.scatter [tilespmem:s29], [sflag:$0x4], $0x80, $0x38;
	[tilespmem:$0x7600] =	vst v63  }
0x311: {  	s19 =	sadd.s32 $0xC010, s17  }
0x312: {  	[hbm4b:s19+s3] =	stream.linear.scatter [tilespmem:s30], [sflag:$0x4], $0x80, $0x38;
	[tilespmem:$0x7600] =	vst v63  }
0x313: {  	s20 =	sadd.s32 $0xC020, s17  }
0x314: {  	[hbm4b:s20+s3] =	stream.linear.scatter [tilespmem:s31], [sflag:$0x4], $0x80, $0x38;
	[tilespmem:$0x7600] =	vst v63  }
0x315: {  	s19 =	sadd.s32 $0xC030, s17  }
0x316: {  	[hbm4b:s19+s3] =	stream.linear.scatter [tilespmem:s0], [sflag:$0x4], $0x80, $0x38;
	[tilespmem:$0x7600] =	vst v63  }
0x317: {  	s13 =	sadd.s32 $0x2, s13;
	s20 =	sadd.s32 $0xC040, s17  }
0x318: {  	[hbm4b:s20+s3] =	stream.linear.scatter [tilespmem:s1], [sflag:$0x4], $0x80, $0x38;
	[tilespmem:$0x7600] =	vst v63  }
0x319: {  	p0 =	sne.s32 s13, $0x68;
	s19 =	sadd.s32 $0xC050, s17  }
0x31a: {  	[hbm4b:s19+s3] =	stream.linear.scatter [tilespmem:s8], [sflag:$0x4], $0x80, $0x38;
	[tilespmem:$0x7600] =	vst v63  }
.Ltmp3:
0x31b: {  	_ = 	snop;
	(pc) =	sbr.rel @!p0 .LBB2_7-.Ltmp3, $4  }
0x31c: {  	s16 =	sadd.s32 $0x1, s16;
	s7 =	sadd.s32 $0x400, s7;
	s20 =	sadd.s32 $0xC060, s17  }
0x31d: {  	[hbm4b:s20+s3] =	stream.linear.scatter [tilespmem:s9], [sflag:$0x4], $0x80, $0x38;
	[tilespmem:$0x7600] =	vst v63  }
0x31e: {  	s10 =	sadd.s32 $0x100, s10;
	s12 =	sadd.s32 $0x8000, s12;
	s17 =	sadd.s32 $0xC070, s17  }
0x31f: {  	v6 =	vld [tilespmem:$0x1FC30];
	v3 =	vmov v1;
	[hbm4b:s17+s3] =	stream.linear.scatter [tilespmem:s5], [sflag:$0x4], $0x80, $0x38  }
.LBB2_2:
0x320: {  	s18 =	sand.u32 $0x2, s13  }
0x321: {  	s19 =	sshll.u32 s16, $0x8;
	s17 =	sor.u32 $0x1, s18  }
0x322: {  	s19 =	sand.u32 $0x3FFFFE00, s19;
	s20 =	sshll.u32 s17, $0x7  }
0x323: {  	s19 =	sor.u32 s20, s19;
	s20 =	simm.s32 $0x4400  }
0x324: {  	[tilespmem:s20], [sflag:$0x2] =	stream.indirect.gather [hbm4b:s4+s11], $0x20, s19, s11, $0xb8;
	[tilespmem:$0x7600] =	vst v63  }
0x325: {  	_ =	swait.ge [sflag:s14], $0x1000  }
0x326: {  	p0 =	seq.s32 s13, $0x0;
	[sflag:s14] =	ssyncset.done $0x0  }
0x327: {  	s19 =	simm.s32 @!p0 $0x3;
	[sflag:s14] =	ssyncadd.s32 $0xFFFFF000  }
0x328: {  	_ =	swait.ge @!p0 [sflag:s19], $0x1000  }
0x329: {  	[sflag:s19] =	ssyncset.done @!p0 $0x0  }
0x32a: {  	[sflag:s19] =	ssyncadd.s32 @!p0 $0xFFFFF000  }
0x32b: {  	v1 =	vld [tilespmem:$0x3400]  }
0x32c: {  	v2 =	vld [tilespmem:$0x3410];
	_ =	sdelay $0x3  }
0x32d: {  	[tilespmem:v0+s15+$0x0] =	vst.idx.msk $0xffff, v1  }
0x32e: {  	[tilespmem:v6+s15+$0x0] =	vst.idx.msk $0xffff, v2  }
0x32f: {  	v1 =	vld [tilespmem:$0x3420]  }
0x330: {  	v2 =	vld [tilespmem:$0x3430];
	_ =	sdelay $0x3  }
0x331: {  	[tilespmem:v7+s15+$0x0] =	vst.idx.msk $0xffff, v1  }
0x332: {  	[tilespmem:v8+s15+$0x0] =	vst.idx.msk $0xffff, v2  }
0x333: {  	v1 =	vld [tilespmem:$0x3440]  }
0x334: {  	v2 =	vld [tilespmem:$0x3450];
	_ =	sdelay $0x3  }
0x335: {  	[tilespmem:v9+s15+$0x0] =	vst.idx.msk $0xffff, v1  }
0x336: {  	[tilespmem:v10+s15+$0x0] =	vst.idx.msk $0xffff, v2  }
0x337: {  	v1 =	vld [tilespmem:$0x3460]  }
0x338: {  	v2 =	vld [tilespmem:$0x3470];
	_ =	sdelay $0x3  }
0x339: {  	[tilespmem:v11+s15+$0x0] =	vst.idx.msk $0xffff, v1  }
0x33a: {  	[tilespmem:v12+s15+$0x0] =	vst.idx.msk $0xffff, v2  }
0x33b: {  	v1 =	vld [tilespmem:$0x3480]  }
0x33c: {  	v2 =	vld [tilespmem:$0x3490];
	_ =	sdelay $0x3  }
0x33d: {  	[tilespmem:v13+s15+$0x0] =	vst.idx.msk $0xffff, v1  }
0x33e: {  	[tilespmem:v14+s15+$0x0] =	vst.idx.msk $0xffff, v2  }
0x33f: {  	v1 =	vld [tilespmem:$0x34A0]  }
0x340: {  	v2 =	vld [tilespmem:$0x34B0];
	_ =	sdelay $0x3  }
0x341: {  	[tilespmem:v15+s15+$0x0] =	vst.idx.msk $0xffff, v1  }
0x342: {  	[tilespmem:v16+s15+$0x0] =	vst.idx.msk $0xffff, v2  }
0x343: {  	v1 =	vld [tilespmem:$0x34C0]  }
0x344: {  	v2 =	vld [tilespmem:$0x34D0];
	_ =	sdelay $0x3  }
0x345: {  	[tilespmem:v17+s15+$0x0] =	vst.idx.msk $0xffff, v1  }
0x346: {  	[tilespmem:v18+s15+$0x0] =	vst.idx.msk $0xffff, v2  }
0x347: {  	v1 =	vld [tilespmem:$0x34E0]  }
0x348: {  	v2 =	vld [tilespmem:$0x34F0];
	_ =	sdelay $0x3  }
0x349: {  	[tilespmem:v19+s15+$0x0] =	vst.idx.msk $0xffff, v1  }
0x34a: {  	[tilespmem:v20+s15+$0x0] =	vst.idx.msk $0xffff, v2  }
0x34b: {  	v1 =	vld [tilespmem:$0x3500]  }
0x34c: {  	v2 =	vld [tilespmem:$0x3510];
	_ =	sdelay $0x3  }
0x34d: {  	[tilespmem:v21+s15+$0x0] =	vst.idx.msk $0xffff, v1  }
0x34e: {  	[tilespmem:v22+s15+$0x0] =	vst.idx.msk $0xffff, v2  }
0x34f: {  	v1 =	vld [tilespmem:$0x3520]  }
0x350: {  	v2 =	vld [tilespmem:$0x3530];
	_ =	sdelay $0x3  }
0x351: {  	[tilespmem:v23+s15+$0x0] =	vst.idx.msk $0xffff, v1  }
0x352: {  	[tilespmem:v24+s15+$0x0] =	vst.idx.msk $0xffff, v2  }
0x353: {  	v1 =	vld [tilespmem:$0x3540]  }
0x354: {  	v2 =	vld [tilespmem:$0x3550];
	_ =	sdelay $0x3  }
0x355: {  	[tilespmem:v25+s15+$0x0] =	vst.idx.msk $0xffff, v1  }
0x356: {  	[tilespmem:v26+s15+$0x0] =	vst.idx.msk $0xffff, v2  }
0x357: {  	v1 =	vld [tilespmem:$0x3560]  }
0x358: {  	v2 =	vld [tilespmem:$0x3570];
	_ =	sdelay $0x3  }
0x359: {  	[tilespmem:v27+s15+$0x0] =	vst.idx.msk $0xffff, v1  }
0x35a: {  	[tilespmem:v28+s15+$0x0] =	vst.idx.msk $0xffff, v2  }
0x35b: {  	v1 =	vld [tilespmem:$0x3580]  }
0x35c: {  	v2 =	vld [tilespmem:$0x3590];
	_ =	sdelay $0x3  }
0x35d: {  	[tilespmem:v29+s15+$0x0] =	vst.idx.msk $0xffff, v1  }
0x35e: {  	[tilespmem:v30+s15+$0x0] =	vst.idx.msk $0xffff, v2  }
0x35f: {  	v1 =	vld [tilespmem:$0x35A0]  }
0x360: {  	v2 =	vld [tilespmem:$0x35B0];
	_ =	sdelay $0x3  }
0x361: {  	[tilespmem:v31+s15+$0x0] =	vst.idx.msk $0xffff, v1  }
0x362: {  	[tilespmem:v32+s15+$0x0] =	vst.idx.msk $0xffff, v2  }
0x363: {  	v1 =	vld [tilespmem:$0x35C0]  }
0x364: {  	v2 =	vld [tilespmem:$0x35D0];
	_ =	sdelay $0x3  }
0x365: {  	[tilespmem:v33+s15+$0x0] =	vst.idx.msk $0xffff, v1  }
0x366: {  	[tilespmem:v34+s15+$0x0] =	vst.idx.msk $0xffff, v2  }
0x367: {  	v1 =	vld [tilespmem:$0x35E0]  }
0x368: {  	v2 =	vld [tilespmem:$0x35F0];
	_ =	sdelay $0x3  }
0x369: {  	[tilespmem:v35+s15+$0x0] =	vst.idx.msk $0xffff, v1  }
0x36a: {  	[tilespmem:v36+s15+$0x0] =	vst.idx.msk $0xffff, v2  }
0x36b: {  	v1 =	vld [tilespmem:$0x3600]  }
0x36c: {  	v2 =	vld [tilespmem:$0x3610];
	_ =	sdelay $0x3  }
0x36d: {  	[tilespmem:v37+s15+$0x0] =	vst.idx.msk $0xffff, v1  }
0x36e: {  	[tilespmem:v38+s15+$0x0] =	vst.idx.msk $0xffff, v2  }
0x36f: {  	v1 =	vld [tilespmem:$0x3620]  }
0x370: {  	v2 =	vld [tilespmem:$0x3630];
	_ =	sdelay $0x3  }
0x371: {  	[tilespmem:v39+s15+$0x0] =	vst.idx.msk $0xffff, v1  }
0x372: {  	[tilespmem:v40+s15+$0x0] =	vst.idx.msk $0xffff, v2  }
0x373: {  	v1 =	vld [tilespmem:$0x3640]  }
0x374: {  	v2 =	vld [tilespmem:$0x3650];
	_ =	sdelay $0x3  }
0x375: {  	[tilespmem:v41+s15+$0x0] =	vst.idx.msk $0xffff, v1  }
0x376: {  	[tilespmem:v42+s15+$0x0] =	vst.idx.msk $0xffff, v2  }
0x377: {  	v1 =	vld [tilespmem:$0x3660]  }
0x378: {  	v2 =	vld [tilespmem:$0x3670];
	_ =	sdelay $0x3  }
0x379: {  	[tilespmem:v43+s15+$0x0] =	vst.idx.msk $0xffff, v1  }
0x37a: {  	[tilespmem:v44+s15+$0x0] =	vst.idx.msk $0xffff, v2  }
0x37b: {  	v1 =	vld [tilespmem:$0x3680]  }
0x37c: {  	v2 =	vld [tilespmem:$0x3690];
	_ =	sdelay $0x3  }
0x37d: {  	[tilespmem:v45+s15+$0x0] =	vst.idx.msk $0xffff, v1  }
0x37e: {  	[tilespmem:v46+s15+$0x0] =	vst.idx.msk $0xffff, v2  }
0x37f: {  	v1 =	vld [tilespmem:$0x36A0]  }
0x380: {  	v2 =	vld [tilespmem:$0x36B0];
	_ =	sdelay $0x3  }
0x381: {  	[tilespmem:v47+s15+$0x0] =	vst.idx.msk $0xffff, v1  }
0x382: {  	[tilespmem:v48+s15+$0x0] =	vst.idx.msk $0xffff, v2  }
0x383: {  	v1 =	vld [tilespmem:$0x36C0]  }
0x384: {  	v2 =	vld [tilespmem:$0x36D0];
	_ =	sdelay $0x3  }
0x385: {  	[tilespmem:v49+s15+$0x0] =	vst.idx.msk $0xffff, v1  }
0x386: {  	[tilespmem:v50+s15+$0x0] =	vst.idx.msk $0xffff, v2  }
0x387: {  	v1 =	vld [tilespmem:$0x36E0]  }
0x388: {  	v2 =	vld [tilespmem:$0x36F0];
	_ =	sdelay $0x3  }
0x389: {  	[tilespmem:v51+s15+$0x0] =	vst.idx.msk $0xffff, v1  }
0x38a: {  	[tilespmem:v52+s15+$0x0] =	vst.idx.msk $0xffff, v2  }
0x38b: {  	v1 =	vld [tilespmem:$0x3700]  }
0x38c: {  	v2 =	vld [tilespmem:$0x3710];
	_ =	sdelay $0x3  }
0x38d: {  	[tilespmem:v53+s15+$0x0] =	vst.idx.msk $0xffff, v1  }
0x38e: {  	[tilespmem:v54+s15+$0x0] =	vst.idx.msk $0xffff, v2  }
0x38f: {  	v1 =	vld [tilespmem:$0x3720]  }
0x390: {  	v2 =	vld [tilespmem:$0x3730];
	_ =	sdelay $0x3  }
0x391: {  	[tilespmem:v55+s15+$0x0] =	vst.idx.msk $0xffff, v1  }
0x392: {  	[tilespmem:v56+s15+$0x0] =	vst.idx.msk $0xffff, v2  }
0x393: {  	v1 =	vld [tilespmem:$0x3740]  }
0x394: {  	v2 =	vld [tilespmem:$0x3750];
	_ =	sdelay $0x3  }
0x395: {  	[tilespmem:v57+s15+$0x0] =	vst.idx.msk $0xffff, v1  }
0x396: {  	[tilespmem:v58+s15+$0x0] =	vst.idx.msk $0xffff, v2  }
0x397: {  	v1 =	vld [tilespmem:$0x3760]  }
0x398: {  	v2 =	vld [tilespmem:$0x3770];
	_ =	sdelay $0x3  }
0x399: {  	[tilespmem:v59+s15+$0x0] =	vst.idx.msk $0xffff, v1  }
0x39a: {  	[tilespmem:v60+s15+$0x0] =	vst.idx.msk $0xffff, v2  }
0x39b: {  	v1 =	vld [tilespmem:$0x3780]  }
0x39c: {  	v2 =	vld [tilespmem:$0x3790];
	_ =	sdelay $0x3  }
0x39d: {  	[tilespmem:v61+s15+$0x0] =	vst.idx.msk $0xffff, v1  }
0x39e: {  	[tilespmem:v62+s15+$0x0] =	vst.idx.msk $0xffff, v2  }
0x39f: {  	v1 =	vld [tilespmem:$0x37A0]  }
0x3a0: {  	v2 =	vld [tilespmem:$0x37B0];
	_ =	sdelay $0x3  }
0x3a1: {  	[tilespmem:v3+s15+$0x0] =	vst.idx.msk $0xffff, v1  }
0x3a2: {  	[tilespmem:v63+s15+$0x0] =	vst.idx.msk $0xffff, v2  }
0x3a3: {  	v1 =	vld [tilespmem:$0x37C0]  }
0x3a4: {  	v2 =	vld [tilespmem:$0x37D0];
	_ =	sdelay $0x2  }
0x3a5: {  	v3 =	vld [tilespmem:$0x1FC10]  }
0x3a6: {  	[tilespmem:v4+s15+$0x0] =	vst.idx.msk $0xffff, v1  }
0x3a7: {  	[tilespmem:v5+s15+$0x0] =	vst.idx.msk $0xffff, v2  }
0x3a8: {  	v1 =	vld [tilespmem:$0x37E0];
	_ =	sdelay $0x3  }
0x3a9: {  	v2 =	vld [tilespmem:$0x37F0]  }
0x3aa: {  	[tilespmem:v3+s15+$0x0] =	vst.idx.msk $0xffff, v1;
	v1 =	vld [tilespmem:$0x1FC20];
	_ =	sdelay $0x7  }
0x3ab: {  	[tilespmem:v1+s15+$0x0] =	vst.idx.msk $0xffff, v2  }
0x3ac: {  	v3 =	vadd.s32 $0x20, v0;
	v1 =	vld [tilespmem:$0x3800]  }
0x3ad: {  	v21 =	vadd.s32 $0x8A0, v0;
	v2 =	vld [tilespmem:$0x3810];
	_ =	sdelay $0x3  }
0x3ae: {  	[tilespmem:v3+s15+$0x0] =	vst.idx.msk $0xffff, v1  }
0x3af: {  	[tilespmem:v21+s15+$0x0] =	vst.idx.msk $0xffff, v2  }
0x3b0: {  	[tilespmem:$0x1F010] =	vst v3;
	v3 =	vadd.s32 $0x21, v0;
	v1 =	vld [tilespmem:$0x3820]  }
0x3b1: {  	v22 =	vadd.s32 $0x8A1, v0;
	v2 =	vld [tilespmem:$0x3830];
	_ =	sdelay $0x3  }
0x3b2: {  	[tilespmem:v3+s15+$0x0] =	vst.idx.msk $0xffff, v1  }
0x3b3: {  	[tilespmem:v22+s15+$0x0] =	vst.idx.msk $0xffff, v2  }
0x3b4: {  	[tilespmem:$0x1F030] =	vst v3;
	v3 =	vadd.s32 $0x22, v0;
	v1 =	vld [tilespmem:$0x3840]  }
0x3b5: {  	v23 =	vadd.s32 $0x8A2, v0;
	v2 =	vld [tilespmem:$0x3850];
	_ =	sdelay $0x3  }
0x3b6: {  	[tilespmem:v3+s15+$0x0] =	vst.idx.msk $0xffff, v1  }
0x3b7: {  	[tilespmem:v23+s15+$0x0] =	vst.idx.msk $0xffff, v2  }
0x3b8: {  	[tilespmem:$0x1F050] =	vst v3;
	v3 =	vadd.s32 $0x23, v0;
	v1 =	vld [tilespmem:$0x3860]  }
0x3b9: {  	v24 =	vadd.s32 $0x8A3, v0;
	v2 =	vld [tilespmem:$0x3870];
	_ =	sdelay $0x3  }
0x3ba: {  	[tilespmem:v3+s15+$0x0] =	vst.idx.msk $0xffff, v1  }
0x3bb: {  	[tilespmem:v24+s15+$0x0] =	vst.idx.msk $0xffff, v2  }
0x3bc: {  	[tilespmem:$0x1F070] =	vst v3;
	v3 =	vadd.s32 $0x24, v0;
	v1 =	vld [tilespmem:$0x3880]  }
0x3bd: {  	v25 =	vadd.s32 $0x8A4, v0;
	v2 =	vld [tilespmem:$0x3890];
	_ =	sdelay $0x3  }
0x3be: {  	[tilespmem:v3+s15+$0x0] =	vst.idx.msk $0xffff, v1  }
0x3bf: {  	[tilespmem:v25+s15+$0x0] =	vst.idx.msk $0xffff, v2  }
0x3c0: {  	[tilespmem:$0x1F090] =	vst v3;
	v3 =	vadd.s32 $0x25, v0;
	v1 =	vld [tilespmem:$0x38A0]  }
0x3c1: {  	v26 =	vadd.s32 $0x8A5, v0;
	v2 =	vld [tilespmem:$0x38B0];
	_ =	sdelay $0x3  }
0x3c2: {  	[tilespmem:v3+s15+$0x0] =	vst.idx.msk $0xffff, v1  }
0x3c3: {  	[tilespmem:v26+s15+$0x0] =	vst.idx.msk $0xffff, v2  }
0x3c4: {  	[tilespmem:$0x1F0B0] =	vst v3;
	v3 =	vadd.s32 $0x26, v0;
	v1 =	vld [tilespmem:$0x38C0]  }
0x3c5: {  	v27 =	vadd.s32 $0x8A6, v0;
	v2 =	vld [tilespmem:$0x38D0];
	_ =	sdelay $0x3  }
0x3c6: {  	[tilespmem:v3+s15+$0x0] =	vst.idx.msk $0xffff, v1  }
0x3c7: {  	[tilespmem:v27+s15+$0x0] =	vst.idx.msk $0xffff, v2  }
0x3c8: {  	[tilespmem:$0x1F0D0] =	vst v3;
	v3 =	vadd.s32 $0x27, v0;
	v1 =	vld [tilespmem:$0x38E0]  }
0x3c9: {  	v28 =	vadd.s32 $0x8A7, v0;
	v2 =	vld [tilespmem:$0x38F0];
	_ =	sdelay $0x3  }
0x3ca: {  	[tilespmem:v3+s15+$0x0] =	vst.idx.msk $0xffff, v1  }
0x3cb: {  	[tilespmem:v28+s15+$0x0] =	vst.idx.msk $0xffff, v2  }
0x3cc: {  	[tilespmem:$0x1F0F0] =	vst v3;
	v3 =	vadd.s32 $0x28, v0;
	v1 =	vld [tilespmem:$0x3900]  }
0x3cd: {  	v29 =	vadd.s32 $0x8A8, v0;
	v2 =	vld [tilespmem:$0x3910];
	_ =	sdelay $0x3  }
0x3ce: {  	[tilespmem:v3+s15+$0x0] =	vst.idx.msk $0xffff, v1  }
0x3cf: {  	[tilespmem:v29+s15+$0x0] =	vst.idx.msk $0xffff, v2  }
0x3d0: {  	[tilespmem:$0x1F110] =	vst v3;
	v3 =	vadd.s32 $0x29, v0;
	v1 =	vld [tilespmem:$0x3920]  }
0x3d1: {  	v30 =	vadd.s32 $0x8A9, v0;
	v2 =	vld [tilespmem:$0x3930];
	_ =	sdelay $0x3  }
0x3d2: {  	[tilespmem:v3+s15+$0x0] =	vst.idx.msk $0xffff, v1  }
0x3d3: {  	[tilespmem:v30+s15+$0x0] =	vst.idx.msk $0xffff, v2  }
0x3d4: {  	[tilespmem:$0x1F130] =	vst v3;
	v3 =	vadd.s32 $0x2A, v0;
	v1 =	vld [tilespmem:$0x3940]  }
0x3d5: {  	v31 =	vadd.s32 $0x8AA, v0;
	v2 =	vld [tilespmem:$0x3950];
	_ =	sdelay $0x3  }
0x3d6: {  	[tilespmem:v3+s15+$0x0] =	vst.idx.msk $0xffff, v1  }
0x3d7: {  	[tilespmem:v31+s15+$0x0] =	vst.idx.msk $0xffff, v2  }
0x3d8: {  	[tilespmem:$0x1F150] =	vst v3;
	v3 =	vadd.s32 $0x2B, v0;
	v1 =	vld [tilespmem:$0x3960]  }
0x3d9: {  	v32 =	vadd.s32 $0x8AB, v0;
	v2 =	vld [tilespmem:$0x3970];
	_ =	sdelay $0x3  }
0x3da: {  	[tilespmem:v3+s15+$0x0] =	vst.idx.msk $0xffff, v1  }
0x3db: {  	[tilespmem:v32+s15+$0x0] =	vst.idx.msk $0xffff, v2  }
0x3dc: {  	[tilespmem:$0x1F170] =	vst v3;
	v3 =	vadd.s32 $0x2C, v0;
	v1 =	vld [tilespmem:$0x3980]  }
0x3dd: {  	v33 =	vadd.s32 $0x8AC, v0;
	v2 =	vld [tilespmem:$0x3990];
	_ =	sdelay $0x3  }
0x3de: {  	[tilespmem:v3+s15+$0x0] =	vst.idx.msk $0xffff, v1  }
0x3df: {  	[tilespmem:v33+s15+$0x0] =	vst.idx.msk $0xffff, v2  }
0x3e0: {  	[tilespmem:$0x1F190] =	vst v3;
	v3 =	vadd.s32 $0x2D, v0;
	v1 =	vld [tilespmem:$0x39A0]  }
0x3e1: {  	v34 =	vadd.s32 $0x8AD, v0;
	v2 =	vld [tilespmem:$0x39B0]  }
0x3e2: {  	[tilespmem:$0x1F020] =	vst v21  }
0x3e3: {  	[tilespmem:$0x1F040] =	vst v22  }
0x3e4: {  	[tilespmem:$0x1F060] =	vst v23  }
0x3e5: {  	[tilespmem:v3+s15+$0x0] =	vst.idx.msk $0xffff, v1  }
0x3e6: {  	[tilespmem:v34+s15+$0x0] =	vst.idx.msk $0xffff, v2  }
0x3e7: {  	[tilespmem:$0x1F1B0] =	vst v3;
	v3 =	vadd.s32 $0x2E, v0;
	v1 =	vld [tilespmem:$0x39C0]  }
0x3e8: {  	[tilespmem:$0x1F080] =	vst v24;
	v35 =	vadd.s32 $0x8AE, v0;
	v2 =	vld [tilespmem:$0x39D0]  }
0x3e9: {  	[tilespmem:$0x1F0A0] =	vst v25  }
0x3ea: {  	[tilespmem:$0x1F0C0] =	vst v26  }
0x3eb: {  	[tilespmem:$0x1F0E0] =	vst v27  }
0x3ec: {  	[tilespmem:v3+s15+$0x0] =	vst.idx.msk $0xffff, v1  }
0x3ed: {  	[tilespmem:v35+s15+$0x0] =	vst.idx.msk $0xffff, v2  }
0x3ee: {  	[tilespmem:$0x1F1D0] =	vst v3;
	v3 =	vadd.s32 $0x2F, v0;
	v1 =	vld [tilespmem:$0x39E0]  }
0x3ef: {  	[tilespmem:$0x1F100] =	vst v28;
	v36 =	vadd.s32 $0x8AF, v0;
	v2 =	vld [tilespmem:$0x39F0]  }
0x3f0: {  	[tilespmem:$0x1F120] =	vst v29  }
0x3f1: {  	[tilespmem:$0x1F140] =	vst v30  }
0x3f2: {  	[tilespmem:$0x1F160] =	vst v31  }
0x3f3: {  	[tilespmem:v3+s15+$0x0] =	vst.idx.msk $0xffff, v1  }
0x3f4: {  	[tilespmem:v36+s15+$0x0] =	vst.idx.msk $0xffff, v2  }
0x3f5: {  	[tilespmem:$0x1F1F0] =	vst v3;
	v3 =	vadd.s32 $0x30, v0;
	v1 =	vld [tilespmem:$0x3A00]  }
0x3f6: {  	[tilespmem:$0x1F180] =	vst v32;
	v37 =	vadd.s32 $0x8B0, v0;
	v2 =	vld [tilespmem:$0x3A10]  }
0x3f7: {  	[tilespmem:$0x1F1A0] =	vst v33  }
0x3f8: {  	[tilespmem:$0x1F1C0] =	vst v34  }
0x3f9: {  	[tilespmem:$0x1F1E0] =	vst v35  }
0x3fa: {  	[tilespmem:v3+s15+$0x0] =	vst.idx.msk $0xffff, v1  }
0x3fb: {  	[tilespmem:v37+s15+$0x0] =	vst.idx.msk $0xffff, v2  }
0x3fc: {  	[tilespmem:$0x1F210] =	vst v3;
	v3 =	vadd.s32 $0x31, v0;
	v1 =	vld [tilespmem:$0x3A20]  }
0x3fd: {  	[tilespmem:$0x1F200] =	vst v36;
	v38 =	vadd.s32 $0x8B1, v0;
	v2 =	vld [tilespmem:$0x3A30]  }
0x3fe: {  	[tilespmem:$0x1F220] =	vst v37  }
0x3ff: {  	[tilespmem:$0x1F240] =	vst v38  }
0x400: {  	[tilespmem:$0x1F230] =	vst v3  }
0x401: {  	[tilespmem:v3+s15+$0x0] =	vst.idx.msk $0xffff, v1  }
0x402: {  	[tilespmem:v38+s15+$0x0] =	vst.idx.msk $0xffff, v2  }
0x403: {  	v3 =	vadd.s32 $0x32, v0;
	v1 =	vld [tilespmem:$0x3A40]  }
0x404: {  	v39 =	vadd.s32 $0x8B2, v0;
	v2 =	vld [tilespmem:$0x3A50];
	_ =	sdelay $0x3  }
0x405: {  	[tilespmem:v3+s15+$0x0] =	vst.idx.msk $0xffff, v1  }
0x406: {  	[tilespmem:v39+s15+$0x0] =	vst.idx.msk $0xffff, v2  }
0x407: {  	[tilespmem:$0x1F250] =	vst v3;
	v3 =	vadd.s32 $0x33, v0;
	v1 =	vld [tilespmem:$0x3A60]  }
0x408: {  	v40 =	vadd.s32 $0x8B3, v0;
	v2 =	vld [tilespmem:$0x3A70];
	_ =	sdelay $0x3  }
0x409: {  	[tilespmem:v3+s15+$0x0] =	vst.idx.msk $0xffff, v1  }
0x40a: {  	[tilespmem:v40+s15+$0x0] =	vst.idx.msk $0xffff, v2  }
0x40b: {  	[tilespmem:$0x1F270] =	vst v3;
	v3 =	vadd.s32 $0x34, v0;
	v1 =	vld [tilespmem:$0x3A80]  }
0x40c: {  	v41 =	vadd.s32 $0x8B4, v0;
	v2 =	vld [tilespmem:$0x3A90];
	_ =	sdelay $0x3  }
0x40d: {  	[tilespmem:v3+s15+$0x0] =	vst.idx.msk $0xffff, v1  }
0x40e: {  	[tilespmem:v41+s15+$0x0] =	vst.idx.msk $0xffff, v2  }
0x40f: {  	[tilespmem:$0x1F290] =	vst v3;
	v3 =	vadd.s32 $0x35, v0;
	v1 =	vld [tilespmem:$0x3AA0]  }
0x410: {  	v42 =	vadd.s32 $0x8B5, v0;
	v2 =	vld [tilespmem:$0x3AB0];
	_ =	sdelay $0x3  }
0x411: {  	[tilespmem:v3+s15+$0x0] =	vst.idx.msk $0xffff, v1  }
0x412: {  	[tilespmem:v42+s15+$0x0] =	vst.idx.msk $0xffff, v2  }
0x413: {  	[tilespmem:$0x1F2B0] =	vst v3;
	v3 =	vadd.s32 $0x36, v0;
	v1 =	vld [tilespmem:$0x3AC0]  }
0x414: {  	v43 =	vadd.s32 $0x8B6, v0;
	v2 =	vld [tilespmem:$0x3AD0];
	_ =	sdelay $0x3  }
0x415: {  	[tilespmem:v3+s15+$0x0] =	vst.idx.msk $0xffff, v1  }
0x416: {  	[tilespmem:v43+s15+$0x0] =	vst.idx.msk $0xffff, v2  }
0x417: {  	[tilespmem:$0x1F2D0] =	vst v3;
	v3 =	vadd.s32 $0x37, v0;
	v1 =	vld [tilespmem:$0x3AE0]  }
0x418: {  	v44 =	vadd.s32 $0x8B7, v0;
	v2 =	vld [tilespmem:$0x3AF0];
	_ =	sdelay $0x3  }
0x419: {  	[tilespmem:v3+s15+$0x0] =	vst.idx.msk $0xffff, v1  }
0x41a: {  	[tilespmem:v44+s15+$0x0] =	vst.idx.msk $0xffff, v2  }
0x41b: {  	[tilespmem:$0x1F2F0] =	vst v3;
	v3 =	vadd.s32 $0x38, v0;
	v1 =	vld [tilespmem:$0x3B00]  }
0x41c: {  	v45 =	vadd.s32 $0x8B8, v0;
	v2 =	vld [tilespmem:$0x3B10];
	_ =	sdelay $0x3  }
0x41d: {  	[tilespmem:v3+s15+$0x0] =	vst.idx.msk $0xffff, v1  }
0x41e: {  	[tilespmem:v45+s15+$0x0] =	vst.idx.msk $0xffff, v2  }
0x41f: {  	[tilespmem:$0x1F310] =	vst v3;
	v3 =	vadd.s32 $0x39, v0;
	v1 =	vld [tilespmem:$0x3B20]  }
0x420: {  	v46 =	vadd.s32 $0x8B9, v0;
	v2 =	vld [tilespmem:$0x3B30];
	_ =	sdelay $0x3  }
0x421: {  	[tilespmem:v3+s15+$0x0] =	vst.idx.msk $0xffff, v1  }
0x422: {  	[tilespmem:v46+s15+$0x0] =	vst.idx.msk $0xffff, v2  }
0x423: {  	[tilespmem:$0x1F330] =	vst v3;
	v3 =	vadd.s32 $0x3A, v0;
	v1 =	vld [tilespmem:$0x3B40]  }
0x424: {  	v47 =	vadd.s32 $0x8BA, v0;
	v2 =	vld [tilespmem:$0x3B50];
	_ =	sdelay $0x3  }
0x425: {  	[tilespmem:v3+s15+$0x0] =	vst.idx.msk $0xffff, v1  }
0x426: {  	[tilespmem:v47+s15+$0x0] =	vst.idx.msk $0xffff, v2  }
0x427: {  	[tilespmem:$0x1F350] =	vst v3;
	v3 =	vadd.s32 $0x3B, v0;
	v1 =	vld [tilespmem:$0x3B60]  }
0x428: {  	v48 =	vadd.s32 $0x8BB, v0;
	v2 =	vld [tilespmem:$0x3B70];
	_ =	sdelay $0x3  }
0x429: {  	[tilespmem:v3+s15+$0x0] =	vst.idx.msk $0xffff, v1  }
0x42a: {  	[tilespmem:v48+s15+$0x0] =	vst.idx.msk $0xffff, v2  }
0x42b: {  	[tilespmem:$0x1F370] =	vst v3;
	v3 =	vadd.s32 $0x3C, v0;
	v1 =	vld [tilespmem:$0x3B80]  }
0x42c: {  	v49 =	vadd.s32 $0x8BC, v0;
	v2 =	vld [tilespmem:$0x3B90];
	_ =	sdelay $0x3  }
0x42d: {  	[tilespmem:v3+s15+$0x0] =	vst.idx.msk $0xffff, v1  }
0x42e: {  	[tilespmem:v49+s15+$0x0] =	vst.idx.msk $0xffff, v2  }
0x42f: {  	[tilespmem:$0x1F390] =	vst v3;
	v3 =	vadd.s32 $0x3D, v0;
	v1 =	vld [tilespmem:$0x3BA0]  }
0x430: {  	v50 =	vadd.s32 $0x8BD, v0;
	v2 =	vld [tilespmem:$0x3BB0];
	_ =	sdelay $0x3  }
0x431: {  	[tilespmem:v3+s15+$0x0] =	vst.idx.msk $0xffff, v1  }
0x432: {  	[tilespmem:v50+s15+$0x0] =	vst.idx.msk $0xffff, v2  }
0x433: {  	[tilespmem:$0x1F3B0] =	vst v3;
	v3 =	vadd.s32 $0x3E, v0;
	v1 =	vld [tilespmem:$0x3BC0]  }
0x434: {  	v51 =	vadd.s32 $0x8BE, v0;
	v2 =	vld [tilespmem:$0x3BD0];
	_ =	sdelay $0x3  }
0x435: {  	[tilespmem:v3+s15+$0x0] =	vst.idx.msk $0xffff, v1  }
0x436: {  	[tilespmem:v51+s15+$0x0] =	vst.idx.msk $0xffff, v2  }
0x437: {  	[tilespmem:$0x1F3D0] =	vst v3;
	v3 =	vadd.s32 $0x3F, v0;
	v1 =	vld [tilespmem:$0x3BE0]  }
0x438: {  	v52 =	vadd.s32 $0x8BF, v0;
	v2 =	vld [tilespmem:$0x3BF0];
	_ =	sdelay $0x3  }
0x439: {  	[tilespmem:v3+s15+$0x0] =	vst.idx.msk $0xffff, v1  }
0x43a: {  	[tilespmem:v52+s15+$0x0] =	vst.idx.msk $0xffff, v2  }
0x43b: {  	[tilespmem:$0x1F3F0] =	vst v3;
	v3 =	vadd.s32 $0x40, v0;
	v1 =	vld [tilespmem:$0x3C00]  }
0x43c: {  	v53 =	vadd.s32 $0x8C0, v0;
	v2 =	vld [tilespmem:$0x3C10];
	_ =	sdelay $0x3  }
0x43d: {  	[tilespmem:v3+s15+$0x0] =	vst.idx.msk $0xffff, v1  }
0x43e: {  	[tilespmem:v53+s15+$0x0] =	vst.idx.msk $0xffff, v2  }
0x43f: {  	[tilespmem:$0x1F410] =	vst v3;
	v3 =	vadd.s32 $0x41, v0;
	v1 =	vld [tilespmem:$0x3C20]  }
0x440: {  	v54 =	vadd.s32 $0x8C1, v0;
	v2 =	vld [tilespmem:$0x3C30];
	_ =	sdelay $0x3  }
0x441: {  	[tilespmem:v3+s15+$0x0] =	vst.idx.msk $0xffff, v1  }
0x442: {  	[tilespmem:v54+s15+$0x0] =	vst.idx.msk $0xffff, v2  }
0x443: {  	[tilespmem:$0x1F430] =	vst v3;
	v3 =	vadd.s32 $0x42, v0;
	v1 =	vld [tilespmem:$0x3C40]  }
0x444: {  	v55 =	vadd.s32 $0x8C2, v0;
	v2 =	vld [tilespmem:$0x3C50];
	_ =	sdelay $0x3  }
0x445: {  	[tilespmem:v3+s15+$0x0] =	vst.idx.msk $0xffff, v1  }
0x446: {  	[tilespmem:v55+s15+$0x0] =	vst.idx.msk $0xffff, v2  }
0x447: {  	[tilespmem:$0x1F450] =	vst v3;
	v3 =	vadd.s32 $0x43, v0;
	v1 =	vld [tilespmem:$0x3C60]  }
0x448: {  	v56 =	vadd.s32 $0x8C3, v0;
	v2 =	vld [tilespmem:$0x3C70];
	_ =	sdelay $0x3  }
0x449: {  	[tilespmem:v3+s15+$0x0] =	vst.idx.msk $0xffff, v1  }
0x44a: {  	[tilespmem:v56+s15+$0x0] =	vst.idx.msk $0xffff, v2  }
0x44b: {  	[tilespmem:$0x1F470] =	vst v3;
	v3 =	vadd.s32 $0x44, v0;
	v1 =	vld [tilespmem:$0x3C80]  }
0x44c: {  	v57 =	vadd.s32 $0x8C4, v0;
	v2 =	vld [tilespmem:$0x3C90];
	_ =	sdelay $0x3  }
0x44d: {  	[tilespmem:v3+s15+$0x0] =	vst.idx.msk $0xffff, v1  }
0x44e: {  	[tilespmem:v57+s15+$0x0] =	vst.idx.msk $0xffff, v2  }
0x44f: {  	[tilespmem:$0x1F490] =	vst v3;
	v3 =	vadd.s32 $0x45, v0;
	v1 =	vld [tilespmem:$0x3CA0]  }
0x450: {  	v58 =	vadd.s32 $0x8C5, v0;
	v2 =	vld [tilespmem:$0x3CB0];
	_ =	sdelay $0x3  }
0x451: {  	[tilespmem:v3+s15+$0x0] =	vst.idx.msk $0xffff, v1  }
0x452: {  	[tilespmem:v58+s15+$0x0] =	vst.idx.msk $0xffff, v2  }
0x453: {  	[tilespmem:$0x1F4B0] =	vst v3;
	v3 =	vadd.s32 $0x46, v0;
	v1 =	vld [tilespmem:$0x3CC0]  }
0x454: {  	v59 =	vadd.s32 $0x8C6, v0;
	v2 =	vld [tilespmem:$0x3CD0];
	_ =	sdelay $0x3  }
0x455: {  	[tilespmem:v3+s15+$0x0] =	vst.idx.msk $0xffff, v1  }
0x456: {  	[tilespmem:v59+s15+$0x0] =	vst.idx.msk $0xffff, v2  }
0x457: {  	[tilespmem:$0x1F4D0] =	vst v3;
	v3 =	vadd.s32 $0x47, v0;
	v1 =	vld [tilespmem:$0x3CE0]  }
0x458: {  	v60 =	vadd.s32 $0x8C7, v0;
	v2 =	vld [tilespmem:$0x3CF0];
	_ =	sdelay $0x3  }
0x459: {  	[tilespmem:v3+s15+$0x0] =	vst.idx.msk $0xffff, v1  }
0x45a: {  	[tilespmem:v60+s15+$0x0] =	vst.idx.msk $0xffff, v2  }
0x45b: {  	[tilespmem:$0x1F4F0] =	vst v3;
	v3 =	vadd.s32 $0x48, v0;
	v1 =	vld [tilespmem:$0x3D00]  }
0x45c: {  	v61 =	vadd.s32 $0x8C8, v0;
	v2 =	vld [tilespmem:$0x3D10];
	_ =	sdelay $0x3  }
0x45d: {  	[tilespmem:v3+s15+$0x0] =	vst.idx.msk $0xffff, v1  }
0x45e: {  	[tilespmem:v61+s15+$0x0] =	vst.idx.msk $0xffff, v2  }
0x45f: {  	[tilespmem:$0x1F510] =	vst v3;
	v3 =	vadd.s32 $0x49, v0;
	v1 =	vld [tilespmem:$0x3D20]  }
0x460: {  	v62 =	vadd.s32 $0x8C9, v0;
	v2 =	vld [tilespmem:$0x3D30];
	_ =	sdelay $0x3  }
0x461: {  	[tilespmem:v3+s15+$0x0] =	vst.idx.msk $0xffff, v1  }
0x462: {  	[tilespmem:v62+s15+$0x0] =	vst.idx.msk $0xffff, v2  }
0x463: {  	[tilespmem:$0x1F530] =	vst v3;
	v3 =	vadd.s32 $0x4A, v0;
	v1 =	vld [tilespmem:$0x3D40]  }
0x464: {  	v63 =	vadd.s32 $0x8CA, v0;
	v2 =	vld [tilespmem:$0x3D50];
	_ =	sdelay $0x3  }
0x465: {  	[tilespmem:v3+s15+$0x0] =	vst.idx.msk $0xffff, v1  }
0x466: {  	[tilespmem:v63+s15+$0x0] =	vst.idx.msk $0xffff, v2  }
0x467: {  	[tilespmem:$0x1F550] =	vst v3;
	v3 =	vadd.s32 $0x4B, v0;
	v1 =	vld [tilespmem:$0x3D60]  }
0x468: {  	v8 =	vadd.s32 $0x8CB, v0;
	v2 =	vld [tilespmem:$0x3D70];
	_ =	sdelay $0x3  }
0x469: {  	[tilespmem:v3+s15+$0x0] =	vst.idx.msk $0xffff, v1  }
0x46a: {  	[tilespmem:v8+s15+$0x0] =	vst.idx.msk $0xffff, v2  }
0x46b: {  	[tilespmem:$0x1F570] =	vst v3;
	v3 =	vadd.s32 $0x4C, v0;
	v1 =	vld [tilespmem:$0x3D80]  }
0x46c: {  	v9 =	vadd.s32 $0x8CC, v0;
	v2 =	vld [tilespmem:$0x3D90];
	_ =	sdelay $0x3  }
0x46d: {  	[tilespmem:v3+s15+$0x0] =	vst.idx.msk $0xffff, v1  }
0x46e: {  	[tilespmem:v9+s15+$0x0] =	vst.idx.msk $0xffff, v2  }
0x46f: {  	[tilespmem:$0x1F590] =	vst v3;
	v3 =	vadd.s32 $0x4D, v0;
	v1 =	vld [tilespmem:$0x3DA0]  }
0x470: {  	v10 =	vadd.s32 $0x8CD, v0;
	v2 =	vld [tilespmem:$0x3DB0];
	_ =	sdelay $0x3  }
0x471: {  	[tilespmem:v3+s15+$0x0] =	vst.idx.msk $0xffff, v1  }
0x472: {  	[tilespmem:v10+s15+$0x0] =	vst.idx.msk $0xffff, v2  }
0x473: {  	[tilespmem:$0x1F5B0] =	vst v3;
	v3 =	vadd.s32 $0x4E, v0;
	v1 =	vld [tilespmem:$0x3DC0]  }
0x474: {  	v11 =	vadd.s32 $0x8CE, v0;
	v2 =	vld [tilespmem:$0x3DD0];
	_ =	sdelay $0x3  }
0x475: {  	[tilespmem:v3+s15+$0x0] =	vst.idx.msk $0xffff, v1  }
0x476: {  	[tilespmem:v11+s15+$0x0] =	vst.idx.msk $0xffff, v2  }
0x477: {  	[tilespmem:$0x1F5D0] =	vst v3;
	v3 =	vadd.s32 $0x4F, v0;
	v1 =	vld [tilespmem:$0x3DE0]  }
0x478: {  	v12 =	vadd.s32 $0x8CF, v0;
	v2 =	vld [tilespmem:$0x3DF0];
	_ =	sdelay $0x3  }
0x479: {  	[tilespmem:v3+s15+$0x0] =	vst.idx.msk $0xffff, v1  }
0x47a: {  	[tilespmem:v12+s15+$0x0] =	vst.idx.msk $0xffff, v2  }
0x47b: {  	[tilespmem:$0x1F5F0] =	vst v3;
	v3 =	vadd.s32 $0x50, v0;
	v1 =	vld [tilespmem:$0x3E00]  }
0x47c: {  	v13 =	vadd.s32 $0x8D0, v0;
	v2 =	vld [tilespmem:$0x3E10];
	_ =	sdelay $0x3  }
0x47d: {  	[tilespmem:v3+s15+$0x0] =	vst.idx.msk $0xffff, v1  }
0x47e: {  	[tilespmem:v13+s15+$0x0] =	vst.idx.msk $0xffff, v2  }
0x47f: {  	[tilespmem:$0x1F610] =	vst v3;
	v3 =	vadd.s32 $0x51, v0;
	v1 =	vld [tilespmem:$0x3E20]  }
0x480: {  	v14 =	vadd.s32 $0x8D1, v0;
	v2 =	vld [tilespmem:$0x3E30];
	_ =	sdelay $0x3  }
0x481: {  	[tilespmem:v3+s15+$0x0] =	vst.idx.msk $0xffff, v1  }
0x482: {  	[tilespmem:v14+s15+$0x0] =	vst.idx.msk $0xffff, v2  }
0x483: {  	[tilespmem:$0x1F630] =	vst v3;
	v3 =	vadd.s32 $0x52, v0;
	v1 =	vld [tilespmem:$0x3E40]  }
0x484: {  	v15 =	vadd.s32 $0x8D2, v0;
	v2 =	vld [tilespmem:$0x3E50];
	_ =	sdelay $0x3  }
0x485: {  	[tilespmem:v3+s15+$0x0] =	vst.idx.msk $0xffff, v1  }
0x486: {  	[tilespmem:v15+s15+$0x0] =	vst.idx.msk $0xffff, v2  }
0x487: {  	[tilespmem:$0x1F650] =	vst v3;
	v3 =	vadd.s32 $0x53, v0;
	v1 =	vld [tilespmem:$0x3E60]  }
0x488: {  	v16 =	vadd.s32 $0x8D3, v0;
	v2 =	vld [tilespmem:$0x3E70];
	_ =	sdelay $0x3  }
0x489: {  	[tilespmem:v3+s15+$0x0] =	vst.idx.msk $0xffff, v1  }
0x48a: {  	[tilespmem:v16+s15+$0x0] =	vst.idx.msk $0xffff, v2  }
0x48b: {  	[tilespmem:$0x1F670] =	vst v3;
	v3 =	vadd.s32 $0x54, v0;
	v1 =	vld [tilespmem:$0x3E80]  }
0x48c: {  	v17 =	vadd.s32 $0x8D4, v0;
	v2 =	vld [tilespmem:$0x3E90];
	_ =	sdelay $0x3  }
0x48d: {  	[tilespmem:v3+s15+$0x0] =	vst.idx.msk $0xffff, v1  }
0x48e: {  	[tilespmem:v17+s15+$0x0] =	vst.idx.msk $0xffff, v2  }
0x48f: {  	[tilespmem:$0x1F690] =	vst v3;
	v3 =	vadd.s32 $0x55, v0;
	v1 =	vld [tilespmem:$0x3EA0]  }
0x490: {  	v18 =	vadd.s32 $0x8D5, v0;
	v2 =	vld [tilespmem:$0x3EB0];
	_ =	sdelay $0x3  }
0x491: {  	[tilespmem:v3+s15+$0x0] =	vst.idx.msk $0xffff, v1  }
0x492: {  	[tilespmem:v18+s15+$0x0] =	vst.idx.msk $0xffff, v2  }
0x493: {  	[tilespmem:$0x1F6B0] =	vst v3;
	v3 =	vadd.s32 $0x56, v0;
	v1 =	vld [tilespmem:$0x3EC0]  }
0x494: {  	v19 =	vadd.s32 $0x8D6, v0;
	v2 =	vld [tilespmem:$0x3ED0];
	_ =	sdelay $0x3  }
0x495: {  	[tilespmem:v3+s15+$0x0] =	vst.idx.msk $0xffff, v1  }
0x496: {  	[tilespmem:v19+s15+$0x0] =	vst.idx.msk $0xffff, v2  }
0x497: {  	[tilespmem:$0x1F6D0] =	vst v3;
	v3 =	vadd.s32 $0x57, v0;
	v1 =	vld [tilespmem:$0x3EE0]  }
0x498: {  	v20 =	vadd.s32 $0x8D7, v0;
	v2 =	vld [tilespmem:$0x3EF0];
	_ =	sdelay $0x3  }
0x499: {  	[tilespmem:v3+s15+$0x0] =	vst.idx.msk $0xffff, v1  }
0x49a: {  	[tilespmem:v20+s15+$0x0] =	vst.idx.msk $0xffff, v2  }
0x49b: {  	[tilespmem:$0x1F6F0] =	vst v3;
	v3 =	vadd.s32 $0x58, v0;
	v1 =	vld [tilespmem:$0x3F00]  }
0x49c: {  	v21 =	vadd.s32 $0x8D8, v0;
	v2 =	vld [tilespmem:$0x3F10];
	_ =	sdelay $0x3  }
0x49d: {  	[tilespmem:v3+s15+$0x0] =	vst.idx.msk $0xffff, v1  }
0x49e: {  	[tilespmem:v21+s15+$0x0] =	vst.idx.msk $0xffff, v2  }
0x49f: {  	[tilespmem:$0x1F710] =	vst v3;
	v3 =	vadd.s32 $0x59, v0;
	v1 =	vld [tilespmem:$0x3F20]  }
0x4a0: {  	v22 =	vadd.s32 $0x8D9, v0;
	v2 =	vld [tilespmem:$0x3F30];
	_ =	sdelay $0x3  }
0x4a1: {  	[tilespmem:v3+s15+$0x0] =	vst.idx.msk $0xffff, v1  }
0x4a2: {  	[tilespmem:v22+s15+$0x0] =	vst.idx.msk $0xffff, v2  }
0x4a3: {  	[tilespmem:$0x1F730] =	vst v3;
	v3 =	vadd.s32 $0x5A, v0;
	v1 =	vld [tilespmem:$0x3F40]  }
0x4a4: {  	v23 =	vadd.s32 $0x8DA, v0;
	v2 =	vld [tilespmem:$0x3F50];
	_ =	sdelay $0x3  }
0x4a5: {  	[tilespmem:v3+s15+$0x0] =	vst.idx.msk $0xffff, v1  }
0x4a6: {  	[tilespmem:v23+s15+$0x0] =	vst.idx.msk $0xffff, v2  }
0x4a7: {  	[tilespmem:$0x1F750] =	vst v3;
	v3 =	vadd.s32 $0x5B, v0;
	v1 =	vld [tilespmem:$0x3F60]  }
0x4a8: {  	v24 =	vadd.s32 $0x8DB, v0;
	v2 =	vld [tilespmem:$0x3F70];
	_ =	sdelay $0x3  }
0x4a9: {  	[tilespmem:v3+s15+$0x0] =	vst.idx.msk $0xffff, v1  }
0x4aa: {  	[tilespmem:v24+s15+$0x0] =	vst.idx.msk $0xffff, v2  }
0x4ab: {  	[tilespmem:$0x1F770] =	vst v3;
	v3 =	vadd.s32 $0x5C, v0;
	v1 =	vld [tilespmem:$0x3F80]  }
0x4ac: {  	v25 =	vadd.s32 $0x8DC, v0;
	v2 =	vld [tilespmem:$0x3F90];
	_ =	sdelay $0x3  }
0x4ad: {  	[tilespmem:v3+s15+$0x0] =	vst.idx.msk $0xffff, v1  }
0x4ae: {  	[tilespmem:v25+s15+$0x0] =	vst.idx.msk $0xffff, v2  }
0x4af: {  	[tilespmem:$0x1F790] =	vst v3;
	v3 =	vadd.s32 $0x5D, v0;
	v1 =	vld [tilespmem:$0x3FA0]  }
0x4b0: {  	v26 =	vadd.s32 $0x8DD, v0;
	v2 =	vld [tilespmem:$0x3FB0];
	_ =	sdelay $0x3  }
0x4b1: {  	[tilespmem:v3+s15+$0x0] =	vst.idx.msk $0xffff, v1  }
0x4b2: {  	[tilespmem:v26+s15+$0x0] =	vst.idx.msk $0xffff, v2  }
0x4b3: {  	[tilespmem:$0x1F7B0] =	vst v3;
	v3 =	vadd.s32 $0x5E, v0;
	v1 =	vld [tilespmem:$0x3FC0]  }
0x4b4: {  	v27 =	vadd.s32 $0x8DE, v0;
	v2 =	vld [tilespmem:$0x3FD0];
	_ =	sdelay $0x3  }
0x4b5: {  	[tilespmem:v3+s15+$0x0] =	vst.idx.msk $0xffff, v1  }
0x4b6: {  	[tilespmem:v27+s15+$0x0] =	vst.idx.msk $0xffff, v2  }
0x4b7: {  	[tilespmem:$0x1F7D0] =	vst v3;
	v3 =	vadd.s32 $0x5F, v0;
	v1 =	vld [tilespmem:$0x3FE0]  }
0x4b8: {  	v28 =	vadd.s32 $0x8DF, v0;
	v2 =	vld [tilespmem:$0x3FF0];
	_ =	sdelay $0x3  }
0x4b9: {  	[tilespmem:v3+s15+$0x0] =	vst.idx.msk $0xffff, v1  }
0x4ba: {  	[tilespmem:v28+s15+$0x0] =	vst.idx.msk $0xffff, v2  }
0x4bb: {  	[tilespmem:$0x1F7F0] =	vst v3;
	v3 =	vadd.s32 $0x60, v0;
	v1 =	vld [tilespmem:$0x4000]  }
0x4bc: {  	v29 =	vadd.s32 $0x8E0, v0;
	v2 =	vld [tilespmem:$0x4010];
	_ =	sdelay $0x3  }
0x4bd: {  	[tilespmem:v3+s15+$0x0] =	vst.idx.msk $0xffff, v1  }
0x4be: {  	[tilespmem:v29+s15+$0x0] =	vst.idx.msk $0xffff, v2  }
0x4bf: {  	[tilespmem:$0x1F810] =	vst v3;
	v3 =	vadd.s32 $0x61, v0;
	v1 =	vld [tilespmem:$0x4020]  }
0x4c0: {  	v30 =	vadd.s32 $0x8E1, v0;
	v2 =	vld [tilespmem:$0x4030];
	_ =	sdelay $0x3  }
0x4c1: {  	[tilespmem:v3+s15+$0x0] =	vst.idx.msk $0xffff, v1  }
0x4c2: {  	[tilespmem:v30+s15+$0x0] =	vst.idx.msk $0xffff, v2  }
0x4c3: {  	[tilespmem:$0x1F830] =	vst v3;
	v3 =	vadd.s32 $0x62, v0;
	v1 =	vld [tilespmem:$0x4040]  }
0x4c4: {  	v31 =	vadd.s32 $0x8E2, v0;
	v2 =	vld [tilespmem:$0x4050];
	_ =	sdelay $0x3  }
0x4c5: {  	[tilespmem:v3+s15+$0x0] =	vst.idx.msk $0xffff, v1  }
0x4c6: {  	[tilespmem:v31+s15+$0x0] =	vst.idx.msk $0xffff, v2  }
0x4c7: {  	[tilespmem:$0x1F850] =	vst v3;
	v3 =	vadd.s32 $0x63, v0;
	v1 =	vld [tilespmem:$0x4060]  }
0x4c8: {  	v32 =	vadd.s32 $0x8E3, v0;
	v2 =	vld [tilespmem:$0x4070];
	_ =	sdelay $0x3  }
0x4c9: {  	[tilespmem:v3+s15+$0x0] =	vst.idx.msk $0xffff, v1  }
0x4ca: {  	[tilespmem:v32+s15+$0x0] =	vst.idx.msk $0xffff, v2  }
0x4cb: {  	[tilespmem:$0x1F870] =	vst v3;
	v3 =	vadd.s32 $0x64, v0;
	v1 =	vld [tilespmem:$0x4080]  }
0x4cc: {  	v33 =	vadd.s32 $0x8E4, v0;
	v2 =	vld [tilespmem:$0x4090];
	_ =	sdelay $0x3  }
0x4cd: {  	[tilespmem:v3+s15+$0x0] =	vst.idx.msk $0xffff, v1  }
0x4ce: {  	[tilespmem:v33+s15+$0x0] =	vst.idx.msk $0xffff, v2  }
0x4cf: {  	[tilespmem:$0x1F890] =	vst v3;
	v3 =	vadd.s32 $0x65, v0;
	v1 =	vld [tilespmem:$0x40A0]  }
0x4d0: {  	v34 =	vadd.s32 $0x8E5, v0;
	v2 =	vld [tilespmem:$0x40B0];
	_ =	sdelay $0x3  }
0x4d1: {  	[tilespmem:v3+s15+$0x0] =	vst.idx.msk $0xffff, v1  }
0x4d2: {  	[tilespmem:v34+s15+$0x0] =	vst.idx.msk $0xffff, v2  }
0x4d3: {  	[tilespmem:$0x1F8B0] =	vst v3;
	v3 =	vadd.s32 $0x66, v0;
	v1 =	vld [tilespmem:$0x40C0]  }
0x4d4: {  	v35 =	vadd.s32 $0x8E6, v0;
	v2 =	vld [tilespmem:$0x40D0];
	_ =	sdelay $0x3  }
0x4d5: {  	[tilespmem:v3+s15+$0x0] =	vst.idx.msk $0xffff, v1  }
0x4d6: {  	[tilespmem:v35+s15+$0x0] =	vst.idx.msk $0xffff, v2  }
0x4d7: {  	[tilespmem:$0x1F8D0] =	vst v3;
	v3 =	vadd.s32 $0x67, v0;
	v1 =	vld [tilespmem:$0x40E0]  }
0x4d8: {  	v36 =	vadd.s32 $0x8E7, v0;
	v2 =	vld [tilespmem:$0x40F0];
	_ =	sdelay $0x3  }
0x4d9: {  	[tilespmem:v3+s15+$0x0] =	vst.idx.msk $0xffff, v1  }
0x4da: {  	[tilespmem:v36+s15+$0x0] =	vst.idx.msk $0xffff, v2  }
0x4db: {  	[tilespmem:$0x1F8F0] =	vst v3;
	v3 =	vadd.s32 $0x68, v0;
	v1 =	vld [tilespmem:$0x4100]  }
0x4dc: {  	v37 =	vadd.s32 $0x8E8, v0;
	v2 =	vld [tilespmem:$0x4110];
	_ =	sdelay $0x3  }
0x4dd: {  	[tilespmem:v3+s15+$0x0] =	vst.idx.msk $0xffff, v1  }
0x4de: {  	[tilespmem:v37+s15+$0x0] =	vst.idx.msk $0xffff, v2  }
0x4df: {  	[tilespmem:$0x1F910] =	vst v3;
	v3 =	vadd.s32 $0x69, v0;
	v1 =	vld [tilespmem:$0x4120]  }
0x4e0: {  	v38 =	vadd.s32 $0x8E9, v0;
	v2 =	vld [tilespmem:$0x4130];
	_ =	sdelay $0x3  }
0x4e1: {  	[tilespmem:v3+s15+$0x0] =	vst.idx.msk $0xffff, v1  }
0x4e2: {  	[tilespmem:v38+s15+$0x0] =	vst.idx.msk $0xffff, v2  }
0x4e3: {  	[tilespmem:$0x1F930] =	vst v3;
	v3 =	vadd.s32 $0x6A, v0;
	v1 =	vld [tilespmem:$0x4140]  }
0x4e4: {  	[tilespmem:$0x1F260] =	vst v39;
	v39 =	vadd.s32 $0x8EA, v0;
	v2 =	vld [tilespmem:$0x4150];
	_ =	sdelay $0x3  }
0x4e5: {  	[tilespmem:v3+s15+$0x0] =	vst.idx.msk $0xffff, v1  }
0x4e6: {  	[tilespmem:v39+s15+$0x0] =	vst.idx.msk $0xffff, v2  }
0x4e7: {  	[tilespmem:$0x1F950] =	vst v3;
	v3 =	vadd.s32 $0x6B, v0;
	v1 =	vld [tilespmem:$0x4160]  }
0x4e8: {  	[tilespmem:$0x1F280] =	vst v40;
	v40 =	vadd.s32 $0x8EB, v0;
	v2 =	vld [tilespmem:$0x4170];
	_ =	sdelay $0x3  }
0x4e9: {  	[tilespmem:v3+s15+$0x0] =	vst.idx.msk $0xffff, v1  }
0x4ea: {  	[tilespmem:v40+s15+$0x0] =	vst.idx.msk $0xffff, v2  }
0x4eb: {  	[tilespmem:$0x1F970] =	vst v3;
	v3 =	vadd.s32 $0x6C, v0;
	v1 =	vld [tilespmem:$0x4180]  }
0x4ec: {  	[tilespmem:$0x1F2A0] =	vst v41;
	v41 =	vadd.s32 $0x8EC, v0;
	v2 =	vld [tilespmem:$0x4190];
	_ =	sdelay $0x3  }
0x4ed: {  	[tilespmem:v3+s15+$0x0] =	vst.idx.msk $0xffff, v1  }
0x4ee: {  	[tilespmem:v41+s15+$0x0] =	vst.idx.msk $0xffff, v2  }
0x4ef: {  	[tilespmem:$0x1F990] =	vst v3;
	v3 =	vadd.s32 $0x6D, v0;
	v1 =	vld [tilespmem:$0x41A0]  }
0x4f0: {  	[tilespmem:$0x1F2C0] =	vst v42;
	v42 =	vadd.s32 $0x8ED, v0;
	v2 =	vld [tilespmem:$0x41B0];
	_ =	sdelay $0x3  }
0x4f1: {  	[tilespmem:v3+s15+$0x0] =	vst.idx.msk $0xffff, v1  }
0x4f2: {  	[tilespmem:v42+s15+$0x0] =	vst.idx.msk $0xffff, v2  }
0x4f3: {  	[tilespmem:$0x1F9B0] =	vst v3;
	v3 =	vadd.s32 $0x6E, v0;
	v1 =	vld [tilespmem:$0x41C0]  }
0x4f4: {  	[tilespmem:$0x1F2E0] =	vst v43;
	v43 =	vadd.s32 $0x8EE, v0;
	v2 =	vld [tilespmem:$0x41D0];
	_ =	sdelay $0x3  }
0x4f5: {  	[tilespmem:v3+s15+$0x0] =	vst.idx.msk $0xffff, v1  }
0x4f6: {  	[tilespmem:v43+s15+$0x0] =	vst.idx.msk $0xffff, v2  }
0x4f7: {  	[tilespmem:$0x1F9D0] =	vst v3;
	v3 =	vadd.s32 $0x6F, v0;
	v1 =	vld [tilespmem:$0x41E0]  }
0x4f8: {  	[tilespmem:$0x1F300] =	vst v44;
	v44 =	vadd.s32 $0x8EF, v0;
	v2 =	vld [tilespmem:$0x41F0];
	_ =	sdelay $0x3  }
0x4f9: {  	[tilespmem:v3+s15+$0x0] =	vst.idx.msk $0xffff, v1  }
0x4fa: {  	[tilespmem:v44+s15+$0x0] =	vst.idx.msk $0xffff, v2  }
0x4fb: {  	[tilespmem:$0x1F9F0] =	vst v3;
	v3 =	vadd.s32 $0x70, v0;
	v1 =	vld [tilespmem:$0x4200]  }
0x4fc: {  	[tilespmem:$0x1F320] =	vst v45;
	v45 =	vadd.s32 $0x8F0, v0;
	v2 =	vld [tilespmem:$0x4210];
	_ =	sdelay $0x3  }
0x4fd: {  	[tilespmem:v3+s15+$0x0] =	vst.idx.msk $0xffff, v1  }
0x4fe: {  	[tilespmem:v45+s15+$0x0] =	vst.idx.msk $0xffff, v2  }
0x4ff: {  	[tilespmem:$0x1FA10] =	vst v3;
	v3 =	vadd.s32 $0x71, v0;
	v1 =	vld [tilespmem:$0x4220]  }
0x500: {  	[tilespmem:$0x1F340] =	vst v46;
	v46 =	vadd.s32 $0x8F1, v0;
	v2 =	vld [tilespmem:$0x4230];
	_ =	sdelay $0x3  }
0x501: {  	[tilespmem:v3+s15+$0x0] =	vst.idx.msk $0xffff, v1  }
0x502: {  	[tilespmem:v46+s15+$0x0] =	vst.idx.msk $0xffff, v2  }
0x503: {  	[tilespmem:$0x1FA30] =	vst v3;
	v3 =	vadd.s32 $0x72, v0;
	v1 =	vld [tilespmem:$0x4240]  }
0x504: {  	[tilespmem:$0x1F360] =	vst v47;
	v47 =	vadd.s32 $0x8F2, v0;
	v2 =	vld [tilespmem:$0x4250];
	_ =	sdelay $0x3  }
0x505: {  	[tilespmem:v3+s15+$0x0] =	vst.idx.msk $0xffff, v1  }
0x506: {  	[tilespmem:v47+s15+$0x0] =	vst.idx.msk $0xffff, v2  }
0x507: {  	[tilespmem:$0x1FA50] =	vst v3;
	v3 =	vadd.s32 $0x73, v0;
	v1 =	vld [tilespmem:$0x4260]  }
0x508: {  	[tilespmem:$0x1F380] =	vst v48;
	v48 =	vadd.s32 $0x8F3, v0;
	v2 =	vld [tilespmem:$0x4270];
	_ =	sdelay $0x3  }
0x509: {  	[tilespmem:v3+s15+$0x0] =	vst.idx.msk $0xffff, v1  }
0x50a: {  	[tilespmem:v48+s15+$0x0] =	vst.idx.msk $0xffff, v2  }
0x50b: {  	[tilespmem:$0x1FA70] =	vst v3;
	v3 =	vadd.s32 $0x74, v0;
	v1 =	vld [tilespmem:$0x4280]  }
0x50c: {  	[tilespmem:$0x1F3A0] =	vst v49;
	v49 =	vadd.s32 $0x8F4, v0;
	v2 =	vld [tilespmem:$0x4290];
	_ =	sdelay $0x3  }
0x50d: {  	[tilespmem:v3+s15+$0x0] =	vst.idx.msk $0xffff, v1  }
0x50e: {  	[tilespmem:v49+s15+$0x0] =	vst.idx.msk $0xffff, v2  }
0x50f: {  	[tilespmem:$0x1FA90] =	vst v3;
	v3 =	vadd.s32 $0x75, v0;
	v1 =	vld [tilespmem:$0x42A0]  }
0x510: {  	[tilespmem:$0x1F3C0] =	vst v50;
	v50 =	vadd.s32 $0x8F5, v0;
	v2 =	vld [tilespmem:$0x42B0];
	_ =	sdelay $0x3  }
0x511: {  	[tilespmem:v3+s15+$0x0] =	vst.idx.msk $0xffff, v1  }
0x512: {  	[tilespmem:v50+s15+$0x0] =	vst.idx.msk $0xffff, v2  }
0x513: {  	[tilespmem:$0x1FAB0] =	vst v3;
	v3 =	vadd.s32 $0x76, v0;
	v1 =	vld [tilespmem:$0x42C0]  }
0x514: {  	[tilespmem:$0x1F3E0] =	vst v51;
	v51 =	vadd.s32 $0x8F6, v0;
	v2 =	vld [tilespmem:$0x42D0];
	_ =	sdelay $0x3  }
0x515: {  	[tilespmem:v3+s15+$0x0] =	vst.idx.msk $0xffff, v1  }
0x516: {  	[tilespmem:v51+s15+$0x0] =	vst.idx.msk $0xffff, v2  }
0x517: {  	[tilespmem:$0x1FAD0] =	vst v3;
	v3 =	vadd.s32 $0x77, v0;
	v1 =	vld [tilespmem:$0x42E0]  }
0x518: {  	[tilespmem:$0x1F400] =	vst v52;
	v52 =	vadd.s32 $0x8F7, v0;
	v2 =	vld [tilespmem:$0x42F0];
	_ =	sdelay $0x2  }
0x519: {  	[tilespmem:$0x1F420] =	vst v53  }
0x51a: {  	[tilespmem:v3+s15+$0x0] =	vst.idx.msk $0xffff, v1  }
0x51b: {  	[tilespmem:v52+s15+$0x0] =	vst.idx.msk $0xffff, v2  }
0x51c: {  	[tilespmem:$0x1FAF0] =	vst v3;
	v3 =	vadd.s32 $0x78, v0;
	v1 =	vld [tilespmem:$0x4300]  }
0x51d: {  	[tilespmem:$0x1F440] =	vst v54;
	v53 =	vadd.s32 $0x8F8, v0;
	v2 =	vld [tilespmem:$0x4310]  }
0x51e: {  	[tilespmem:$0x1F460] =	vst v55  }
0x51f: {  	[tilespmem:$0x1F480] =	vst v56  }
0x520: {  	[tilespmem:$0x1F4A0] =	vst v57  }
0x521: {  	[tilespmem:v3+s15+$0x0] =	vst.idx.msk $0xffff, v1  }
0x522: {  	[tilespmem:v53+s15+$0x0] =	vst.idx.msk $0xffff, v2  }
0x523: {  	[tilespmem:$0x1FB10] =	vst v3;
	v3 =	vadd.s32 $0x79, v0;
	v1 =	vld [tilespmem:$0x4320]  }
0x524: {  	[tilespmem:$0x1F4C0] =	vst v58;
	v54 =	vadd.s32 $0x8F9, v0;
	v2 =	vld [tilespmem:$0x4330]  }
0x525: {  	[tilespmem:$0x1F4E0] =	vst v59  }
0x526: {  	[tilespmem:$0x1F500] =	vst v60  }
0x527: {  	[tilespmem:$0x1F520] =	vst v61  }
0x528: {  	[tilespmem:v3+s15+$0x0] =	vst.idx.msk $0xffff, v1  }
0x529: {  	[tilespmem:v54+s15+$0x0] =	vst.idx.msk $0xffff, v2  }
0x52a: {  	[tilespmem:$0x1FB30] =	vst v3;
	v3 =	vadd.s32 $0x7A, v0;
	v1 =	vld [tilespmem:$0x4340]  }
0x52b: {  	[tilespmem:$0x1F540] =	vst v62;
	v55 =	vadd.s32 $0x8FA, v0;
	v2 =	vld [tilespmem:$0x4350]  }
0x52c: {  	[tilespmem:$0x1F560] =	vst v63  }
0x52d: {  	[tilespmem:$0x1F580] =	vst v8  }
0x52e: {  	[tilespmem:$0x1F5A0] =	vst v9  }
0x52f: {  	[tilespmem:v3+s15+$0x0] =	vst.idx.msk $0xffff, v1  }
0x530: {  	[tilespmem:v55+s15+$0x0] =	vst.idx.msk $0xffff, v2  }
0x531: {  	[tilespmem:$0x1FB50] =	vst v3;
	v3 =	vadd.s32 $0x7B, v0;
	v1 =	vld [tilespmem:$0x4360]  }
0x532: {  	[tilespmem:$0x1F5C0] =	vst v10;
	v56 =	vadd.s32 $0x8FB, v0;
	v2 =	vld [tilespmem:$0x4370]  }
0x533: {  	[tilespmem:$0x1F5E0] =	vst v11  }
0x534: {  	[tilespmem:$0x1F600] =	vst v12  }
0x535: {  	[tilespmem:$0x1F620] =	vst v13  }
0x536: {  	[tilespmem:v3+s15+$0x0] =	vst.idx.msk $0xffff, v1  }
0x537: {  	[tilespmem:v56+s15+$0x0] =	vst.idx.msk $0xffff, v2  }
0x538: {  	[tilespmem:$0x1FB70] =	vst v3;
	v3 =	vadd.s32 $0x7C, v0;
	v1 =	vld [tilespmem:$0x4380]  }
0x539: {  	[tilespmem:$0x1F640] =	vst v14;
	v57 =	vadd.s32 $0x8FC, v0;
	v2 =	vld [tilespmem:$0x4390]  }
0x53a: {  	[tilespmem:$0x1F660] =	vst v15  }
0x53b: {  	[tilespmem:$0x1F680] =	vst v16  }
0x53c: {  	[tilespmem:$0x1F6A0] =	vst v17  }
0x53d: {  	[tilespmem:v3+s15+$0x0] =	vst.idx.msk $0xffff, v1  }
0x53e: {  	[tilespmem:v57+s15+$0x0] =	vst.idx.msk $0xffff, v2  }
0x53f: {  	[tilespmem:$0x1FB90] =	vst v3;
	v3 =	vadd.s32 $0x7D, v0;
	v1 =	vld [tilespmem:$0x43A0]  }
0x540: {  	[tilespmem:$0x1F6C0] =	vst v18;
	v58 =	vadd.s32 $0x8FD, v0;
	v2 =	vld [tilespmem:$0x43B0]  }
0x541: {  	[tilespmem:$0x1F6E0] =	vst v19  }
0x542: {  	[tilespmem:$0x1F700] =	vst v20  }
0x543: {  	[tilespmem:$0x1F720] =	vst v21  }
0x544: {  	[tilespmem:v3+s15+$0x0] =	vst.idx.msk $0xffff, v1  }
0x545: {  	[tilespmem:v58+s15+$0x0] =	vst.idx.msk $0xffff, v2  }
0x546: {  	[tilespmem:$0x1F740] =	vst v22;
	v2 =	vadd.s32 $0x7E, v0;
	v1 =	vld [tilespmem:$0x43C0]  }
0x547: {  	[tilespmem:$0x1FBB0] =	vst v3;
	v3 =	vadd.s32 $0x8FE, v0;
	v59 =	vld [tilespmem:$0x43D0]  }
0x548: {  	[tilespmem:$0x1F760] =	vst v23  }
0x549: {  	[tilespmem:$0x1F780] =	vst v24  }
0x54a: {  	[tilespmem:$0x1F7A0] =	vst v25  }
0x54b: {  	[tilespmem:v2+s15+$0x0] =	vst.idx.msk $0xffff, v1  }
0x54c: {  	[tilespmem:v3+s15+$0x0] =	vst.idx.msk $0xffff, v59  }
0x54d: {  	[tilespmem:$0x1FBD0] =	vst v2;
	v2 =	vadd.s32 $0x7F, v0;
	v4 =	vld [tilespmem:$0x43E0]  }
0x54e: {  	[tilespmem:$0x1F7C0] =	vst v26;
	v1 =	vadd.s32 $0x8FF, v0;
	v63 =	vld [tilespmem:$0x43F0]  }
0x54f: {  	[tilespmem:$0x1F7E0] =	vst v27  }
0x550: {  	[tilespmem:$0x1F800] =	vst v28  }
0x551: {  	s18 =	sor.u32 s6, s18;
	s20 =	sand.u32 $0x1F0000, s12;
	[tilespmem:$0x1F820] =	vst v29  }
0x552: {  	s18 =	sshll.u32 s18, $0x7;
	s19 =	sadd.s32 s2, s20;
	[tilespmem:v2+s15+$0x0] =	vst.idx.msk $0xffff, v4  }
0x553: {  	s18 =	sadd.s32 s18, s19;
	[tilespmem:v1+s15+$0x0] =	vst.idx.msk $0xffff, v63  }
0x554: {  	[hbm4b:s18+s3] =	stream.linear.scatter [tilespmem:s15], [sflag:$0x3], $0x80, $0x38;
	[tilespmem:$0x7600] =	vst v63  }
0x555: {  	s20 =	simm.s32 $0x5488;
	s19 =	sadd.s32 $0x10, s18;
	[tilespmem:$0x1F840] =	vst v30  }
0x556: {  	[hbm4b:s19+s3] =	stream.linear.scatter [tilespmem:s20], [sflag:$0x3], $0x80, $0x38;
	[tilespmem:$0x7600] =	vst v63  }
0x557: {  	[tilespmem:$0x1F860] =	vst v31;
	s19 =	sadd.s32 $0x20, s18;
	s20 =	simm.s32 $0x5510  }
0x558: {  	[hbm4b:s19+s3] =	stream.linear.scatter [tilespmem:s20], [sflag:$0x3], $0x80, $0x38;
	[tilespmem:$0x7600] =	vst v63  }
0x559: {  	[tilespmem:$0x1F880] =	vst v32;
	s19 =	sadd.s32 $0x30, s18;
	s20 =	simm.s32 $0x5598  }
0x55a: {  	[hbm4b:s19+s3] =	stream.linear.scatter [tilespmem:s20], [sflag:$0x3], $0x80, $0x38;
	[tilespmem:$0x7600] =	vst v63  }
0x55b: {  	[tilespmem:$0x1F8A0] =	vst v33;
	s19 =	sadd.s32 $0x40, s18;
	s20 =	simm.s32 $0x5620  }
0x55c: {  	[hbm4b:s19+s3] =	stream.linear.scatter [tilespmem:s20], [sflag:$0x3], $0x80, $0x38;
	[tilespmem:$0x7600] =	vst v63  }
0x55d: {  	[tilespmem:$0x1F8C0] =	vst v34;
	s19 =	sadd.s32 $0x50, s18;
	s20 =	simm.s32 $0x56A8  }
0x55e: {  	[hbm4b:s19+s3] =	stream.linear.scatter [tilespmem:s20], [sflag:$0x3], $0x80, $0x38;
	[tilespmem:$0x7600] =	vst v63  }
0x55f: {  	[tilespmem:$0x1F8E0] =	vst v35;
	s19 =	sadd.s32 $0x60, s18;
	s20 =	simm.s32 $0x5730  }
0x560: {  	[hbm4b:s19+s3] =	stream.linear.scatter [tilespmem:s20], [sflag:$0x3], $0x80, $0x38;
	[tilespmem:$0x7600] =	vst v63  }
0x561: {  	[tilespmem:$0x1F900] =	vst v36;
	s19 =	sadd.s32 $0x70, s18;
	s20 =	simm.s32 $0x57B8  }
0x562: {  	[hbm4b:s19+s3] =	stream.linear.scatter [tilespmem:s20], [sflag:$0x3], $0x80, $0x38;
	[tilespmem:$0x7600] =	vst v63  }
0x563: {  	[tilespmem:$0x1F920] =	vst v37;
	s19 =	sadd.s32 $0x4000, s18;
	s20 =	simm.s32 $0x5840  }
0x564: {  	[hbm4b:s19+s3] =	stream.linear.scatter [tilespmem:s20], [sflag:$0x3], $0x80, $0x38;
	[tilespmem:$0x7600] =	vst v63  }
0x565: {  	[tilespmem:$0x1F940] =	vst v38;
	s19 =	sadd.s32 $0x4010, s18;
	s20 =	simm.s32 $0x58C8  }
0x566: {  	[hbm4b:s19+s3] =	stream.linear.scatter [tilespmem:s20], [sflag:$0x3], $0x80, $0x38;
	[tilespmem:$0x7600] =	vst v63  }
0x567: {  	[tilespmem:$0x1F960] =	vst v39;
	s19 =	sadd.s32 $0x4020, s18;
	s20 =	simm.s32 $0x5950  }
0x568: {  	[hbm4b:s19+s3] =	stream.linear.scatter [tilespmem:s20], [sflag:$0x3], $0x80, $0x38;
	[tilespmem:$0x7600] =	vst v63  }
0x569: {  	[tilespmem:$0x1F980] =	vst v40;
	s19 =	sadd.s32 $0x4030, s18;
	s20 =	simm.s32 $0x59D8  }
0x56a: {  	[hbm4b:s19+s3] =	stream.linear.scatter [tilespmem:s20], [sflag:$0x3], $0x80, $0x38;
	[tilespmem:$0x7600] =	vst v63  }
0x56b: {  	[tilespmem:$0x1F9A0] =	vst v41;
	s19 =	sadd.s32 $0x4040, s18;
	s20 =	simm.s32 $0x5A60  }
0x56c: {  	[hbm4b:s19+s3] =	stream.linear.scatter [tilespmem:s20], [sflag:$0x3], $0x80, $0x38;
	[tilespmem:$0x7600] =	vst v63  }
0x56d: {  	[tilespmem:$0x1F9C0] =	vst v42;
	s19 =	sadd.s32 $0x4050, s18;
	s20 =	simm.s32 $0x5AE8  }
0x56e: {  	[hbm4b:s19+s3] =	stream.linear.scatter [tilespmem:s20], [sflag:$0x3], $0x80, $0x38;
	[tilespmem:$0x7600] =	vst v63  }
0x56f: {  	[tilespmem:$0x1F9E0] =	vst v43;
	s19 =	sadd.s32 $0x4060, s18;
	s20 =	simm.s32 $0x5B70  }
0x570: {  	[hbm4b:s19+s3] =	stream.linear.scatter [tilespmem:s20], [sflag:$0x3], $0x80, $0x38;
	[tilespmem:$0x7600] =	vst v63  }
0x571: {  	[tilespmem:$0x1FA00] =	vst v44;
	s19 =	sadd.s32 $0x4070, s18;
	s20 =	simm.s32 $0x5BF8  }
0x572: {  	[hbm4b:s19+s3] =	stream.linear.scatter [tilespmem:s20], [sflag:$0x3], $0x80, $0x38;
	[tilespmem:$0x7600] =	vst v63  }
0x573: {  	[tilespmem:$0x1FA20] =	vst v45;
	s19 =	sadd.s32 $0x8000, s18;
	s20 =	simm.s32 $0x5C80  }
0x574: {  	[hbm4b:s19+s3] =	stream.linear.scatter [tilespmem:s20], [sflag:$0x3], $0x80, $0x38;
	[tilespmem:$0x7600] =	vst v63  }
0x575: {  	[tilespmem:$0x1FA40] =	vst v46;
	s19 =	sadd.s32 $0x8010, s18;
	s20 =	simm.s32 $0x5D08  }
0x576: {  	[hbm4b:s19+s3] =	stream.linear.scatter [tilespmem:s20], [sflag:$0x3], $0x80, $0x38;
	[tilespmem:$0x7600] =	vst v63  }
0x577: {  	[tilespmem:$0x1FA60] =	vst v47;
	s19 =	sadd.s32 $0x8020, s18;
	s20 =	simm.s32 $0x5D90  }
0x578: {  	[hbm4b:s19+s3] =	stream.linear.scatter [tilespmem:s20], [sflag:$0x3], $0x80, $0x38;
	[tilespmem:$0x7600] =	vst v63  }
0x579: {  	[tilespmem:$0x1FA80] =	vst v48;
	s19 =	sadd.s32 $0x8030, s18;
	s20 =	simm.s32 $0x5E18  }
0x57a: {  	[hbm4b:s19+s3] =	stream.linear.scatter [tilespmem:s20], [sflag:$0x3], $0x80, $0x38;
	[tilespmem:$0x7600] =	vst v63  }
0x57b: {  	[tilespmem:$0x1FAA0] =	vst v49;
	s19 =	sadd.s32 $0x8040, s18;
	s20 =	simm.s32 $0x5EA0  }
0x57c: {  	[hbm4b:s19+s3] =	stream.linear.scatter [tilespmem:s20], [sflag:$0x3], $0x80, $0x38;
	[tilespmem:$0x7600] =	vst v63  }
0x57d: {  	[tilespmem:$0x1FAC0] =	vst v50;
	s19 =	sadd.s32 $0x8050, s18;
	s20 =	simm.s32 $0x5F28  }
0x57e: {  	[hbm4b:s19+s3] =	stream.linear.scatter [tilespmem:s20], [sflag:$0x3], $0x80, $0x38;
	[tilespmem:$0x7600] =	vst v63  }
0x57f: {  	[tilespmem:$0x1FAE0] =	vst v51;
	s19 =	sadd.s32 $0x8060, s18;
	s20 =	simm.s32 $0x5FB0  }
0x580: {  	[hbm4b:s19+s3] =	stream.linear.scatter [tilespmem:s20], [sflag:$0x3], $0x80, $0x38;
	[tilespmem:$0x7600] =	vst v63  }
0x581: {  	[tilespmem:$0x1FB00] =	vst v52;
	s19 =	sadd.s32 $0x8070, s18;
	s20 =	simm.s32 $0x6038  }
0x582: {  	[hbm4b:s19+s3] =	stream.linear.scatter [tilespmem:s20], [sflag:$0x3], $0x80, $0x38;
	[tilespmem:$0x7600] =	vst v63  }
0x583: {  	[tilespmem:$0x1FB20] =	vst v53;
	s19 =	sadd.s32 $0xC000, s18;
	s20 =	simm.s32 $0x60C0  }
0x584: {  	[hbm4b:s19+s3] =	stream.linear.scatter [tilespmem:s20], [sflag:$0x3], $0x80, $0x38;
	[tilespmem:$0x7600] =	vst v63  }
0x585: {  	[tilespmem:$0x1FB40] =	vst v54;
	s19 =	sadd.s32 $0xC010, s18;
	s20 =	simm.s32 $0x6148  }
0x586: {  	[hbm4b:s19+s3] =	stream.linear.scatter [tilespmem:s20], [sflag:$0x3], $0x80, $0x38;
	[tilespmem:$0x7600] =	vst v63  }
0x587: {  	[tilespmem:$0x1FB60] =	vst v55;
	s19 =	sadd.s32 $0xC020, s18;
	s20 =	simm.s32 $0x61D0  }
0x588: {  	[hbm4b:s19+s3] =	stream.linear.scatter [tilespmem:s20], [sflag:$0x3], $0x80, $0x38;
	[tilespmem:$0x7600] =	vst v63  }
0x589: {  	[tilespmem:$0x1FB80] =	vst v56;
	s19 =	sadd.s32 $0xC030, s18;
	s20 =	simm.s32 $0x6258  }
0x58a: {  	[hbm4b:s19+s3] =	stream.linear.scatter [tilespmem:s20], [sflag:$0x3], $0x80, $0x38;
	[tilespmem:$0x7600] =	vst v63  }
0x58b: {  	[tilespmem:$0x1FBA0] =	vst v57;
	s19 =	sadd.s32 $0xC040, s18;
	s20 =	simm.s32 $0x62E0  }
0x58c: {  	[hbm4b:s19+s3] =	stream.linear.scatter [tilespmem:s20], [sflag:$0x3], $0x80, $0x38;
	[tilespmem:$0x7600] =	vst v63  }
0x58d: {  	p1 =	sne.s32 s13, $0x66;
	[tilespmem:$0x1FBC0] =	vst v58;
	s19 =	sadd.s32 $0xC050, s18;
	s20 =	simm.s32 $0x6368  }
0x58e: {  	[hbm4b:s19+s3] =	stream.linear.scatter [tilespmem:s20], [sflag:$0x3], $0x80, $0x38;
	[tilespmem:$0x7600] =	vst v63  }
.Ltmp4:
0x58f: {  	[tilespmem:$0x1FBE0] =	vst v3;
	(pc) =	sbr.rel @!p1 .LBB2_3-.Ltmp4, $4  }
0x590: {  	[tilespmem:$0x1FBF0] =	vst v2;
	s19 =	sadd.s32 $0xC060, s18;
	s20 =	simm.s32 $0x63F0  }
0x591: {  	[hbm4b:s19+s3] =	stream.linear.scatter [tilespmem:s20], [sflag:$0x3], $0x80, $0x38;
	[tilespmem:$0x7600] =	vst v63  }
0x592: {  	[tilespmem:$0x1FC00] =	vst v1;
	s18 =	sadd.s32 $0xC070, s18;
	s20 =	simm.s32 $0x6478  }
0x593: {  	[hbm4b:s18+s3] =	stream.linear.scatter [tilespmem:s20], [sflag:$0x3], $0x80, $0x38;
	[tilespmem:$0x7600] =	vst v63  }
0x594: {  	s18 =	sand.u32 $0x1F800, s7  }
0x595: {  	s19 =	sand.u32 $0x100, s10;
	s18 =	sshrl.u32 s18, $0x2  }
0x596: {  	s20 =	simm.s32 $0x3400;
	s18 =	sor.u32 s19, s18  }
0x597: {  	[tilespmem:s20], [sflag:$0x1] =	stream.indirect.gather [hbm4b:s4+s11], $0x20, s18, s11, $0xb8;
	[tilespmem:$0x7600] =	vst v63  }
.Ltmp5:
0x598: {  	_ = 	snop;
	(pc) =	sbr.rel @!p0 .LBB2_5-.Ltmp5, $4  }
.Ltmp6:
0x599: {  	_ = 	snop;
	(pc) =	sbr.rel @p0 .LBB2_6-.Ltmp6, $4  }
0x59a: {  	_ =	swait.ge [sflag:s23], $0x1000  }
0x59b: {  	[sflag:s23] =	ssyncset.done $0x0  }
0x59c: {  	[sflag:s23] =	ssyncadd.s32 $0xFFFFF000  }
0x59d: {  	_ = 	snop  }
.LBB2_8:
0x59e: {  	_ =	sfence.sel $0x180000  }
0x59f: {  	[bflag:$0x0] =	sbarrier.arrive $0xFFFF  }
0x5a0: {  	_ =	strace $0x90000047  }
0x5a1: {  	s0 =	stileid.u32;
	[bflag:$0x2] =	sbarrier.arrive $0xFFFF  }
0x5a2: {  	p0 =	sne.s32 s0, $0x0;
	s0 =	rddreg [dreg:$0x2]  }
0x5a3: {  	s0 =	sadd.s32 @!p0 $0x100000, s0  }
0x5a4: {  	[sflag:s0] =	ssyncadd.tile.s32 @!p0 $0x1;
	_ =	shalt  }
.Lfunc_end2:
_tile_overlayer_lowered:
.L_overlay_start_2:
0x5a5: {  	(tag) =	ssettag $0x2  }
0x5a6: {  	s0 =	rddreg [dreg:$0x0];
	s2 =	stileid.u32  }
0x5a7: {  	s1 =	rddreg [dreg:$0x1];
	p0 =	sne.s32 s2, $0x0  }
0x5a8: {  	s3 =	rddreg [dreg:$0x2];
	[bflag:$0x3] =	sbarrier.arrive $0xFFFF;
	s2 =	simm.s32 @!p0 $0x1C05  }
0x5a9: {  	[timem:s3], [sflag:s2] =	dma.local @!p0 [hbm:s0], s1  }
0x5aa: {  	s0 =	simm.s32 @!p0 $0x5  }
0x5ab: {  	_ =	swait.ge @!p0 [sflag:s0], s1  }
0x5ac: {  	s1 =	ssub.s32 @!p0 $0x0, s1;
	[sflag:s0] =	ssyncset.done @!p0 $0x0  }
0x5ad: {  	[sflag:s0] =	ssyncadd.s32 @!p0 s1  }
0x5ae: {  	[bflag:$0x3] =	sbarrier.arrive $0xFFFF  }
0x5af: {  	_ =	shalt  }

</sc_bundles>
